<compile_context>
chip_gen: v7x
topology: tpu7x:2x2x1
jax: 0.10.2.dev20260603
libtpu: 0.0.44.dev20260713+nightly
codegen_flags: <defaults>
</compile_context>

<pallas_src>
import functools

import jax
import jax.numpy as jnp
from jax import lax
from jax.experimental import pallas as pl
from jax.experimental.pallas import tpu as pltpu
from jax.experimental.pallas import tpu_sc as plsc

N = 10000
C = 128
E = 320000
NCORES = 2
NSUB = 16
NW = NCORES * NSUB
CHUNK = 128
NCHUNKS = 2560
EPAD = NCHUNKS * CHUNK
CPT0, CB0 = 144, 24
CPT1, CB1 = 16, 8
SLAB = 632
SROWS = SLAB * NSUB
ROWBLK = 1000
SIM_T = 0.3
DEG_T = 20.0



def _prep_body(x_ref, o_ref):
    xb = x_ref[...]
    nrm = jnp.sqrt(jnp.sum(xb * xb, axis=1, keepdims=True))
    o_ref[...] = xb / nrm


_prep = pl.pallas_call(
    _prep_body,
    grid=(N // ROWBLK,),
    in_specs=[pl.BlockSpec((ROWBLK, C), lambda i: (i, 0))],
    out_specs=pl.BlockSpec((ROWBLK, C), lambda i: (i, 0)),
    out_shape=jax.ShapeDtypeStruct((N, C), jnp.float32),
)



_mesh = plsc.VectorSubcoreMesh(core_axis_name="c", subcore_axis_name="s")


@functools.partial(
    pl.kernel,
    out_type=[
        jax.ShapeDtypeStruct((NCORES, SROWS, C), jnp.float32),
        jax.ShapeDtypeStruct((NCORES, NSUB, SROWS), jnp.int32),
    ],
    mesh=_mesh,
    compiler_params=pltpu.CompilerParams(needs_layout_passes=False),
    scratch_types=[
        pltpu.VMEM_SHARED((SROWS, C), jnp.float32),
        pltpu.VMEM((SROWS,), jnp.int32),
        pltpu.VMEM((CB0, CHUNK), jnp.int32),
        pltpu.VMEM((CB0, CHUNK), jnp.int32),
        pltpu.VMEM((CHUNK, C), jnp.float32),
        pltpu.VMEM((CHUNK, C), jnp.float32),
        pltpu.SemaphoreType.DMA,
        pltpu.SemaphoreType.DMA,
        pltpu.SemaphoreType.DMA,
        pltpu.SemaphoreType.DMA,
    ],
)
def _sc_scatter(table, rowi, coli, zrows, zhist, s_out, d_out,
                acc, hist, ridx_b, cidx_b,
                rows0, rows1, gsem0, gsem1, ssem0, ssem1):
    cid = lax.axis_index("c")
    sid = lax.axis_index("s")
    slab = pl.ds(sid * SLAB, SLAB)

    pltpu.sync_copy(zrows, acc.at[slab])
    pltpu.sync_copy(zhist, hist)
    plsc.subcore_barrier()

    def gather_start(j, rows, sem):
        pltpu.make_async_copy(table.at[ridx_b.at[j]], rows, sem).start()

    def gather_wait(j, rows, sem):
        pltpu.make_async_copy(table.at[ridx_b.at[j]], rows, sem).wait()

    def scat_start(rows, j, sem):
        pltpu.make_async_copy(rows, acc.at[cidx_b.at[j]], sem).start(add=True)

    def scat_wait(rows, j, sem):
        pltpu.make_async_copy(rows, acc.at[cidx_b.at[j]], sem).wait()

    def count_degrees(j):
        for g in range(CHUNK // 16):
            ix = cidx_b[j, pl.ds(g * 16, 16)]
            cnt, last = plsc.scan_count(ix)
            plsc.addupdate_scatter(hist, [ix], cnt, mask=last)

    def pipe(first_chunk, cpt, cb):
        for b in range(cpt // cb):
            off = first_chunk + b * cb
            pltpu.sync_copy(rowi.at[pl.ds(off, cb)], ridx_b.at[pl.ds(0, cb)])
            pltpu.sync_copy(coli.at[pl.ds(off, cb)], cidx_b.at[pl.ds(0, cb)])
            gather_start(0, rows0, gsem0)
            gather_start(1, rows1, gsem1)

            def body(i, carry):
                k = 2 * i
                gather_wait(k, rows0, gsem0)
                count_degrees(k)
                scat_start(rows0, k, ssem0)
                gather_wait(k + 1, rows1, gsem1)
                count_degrees(k + 1)
                scat_start(rows1, k + 1, ssem1)
                scat_wait(rows0, k, ssem0)
                gather_start(k + 2, rows0, gsem0)
                scat_wait(rows1, k + 1, ssem1)
                gather_start(k + 3, rows1, gsem1)
                return carry

            lax.fori_loop(0, cb // 2 - 1, body, 0)

            k = cb - 2
            gather_wait(k, rows0, gsem0)
            count_degrees(k)
            scat_start(rows0, k, ssem0)
            gather_wait(k + 1, rows1, gsem1)
            count_degrees(k + 1)
            scat_start(rows1, k + 1, ssem1)
            scat_wait(rows0, k, ssem0)
            scat_wait(rows1, k + 1, ssem1)

    @pl.when(cid == 0)
    def _():
        pipe(sid * CPT0, CPT0, CB0)

    @pl.when(cid == 1)
    def _():
        pipe(NSUB * CPT0 + sid * CPT1, CPT1, CB1)

    plsc.subcore_barrier()
    pltpu.sync_copy(acc.at[slab], s_out.at[cid, slab])
    pltpu.sync_copy(hist, d_out.at[cid, sid])



def _fin_body(x_ref, s_ref, d_ref, ps_ref, pd_ref, o_ref):
    xb = x_ref[...]
    sv = s_ref[0] + s_ref[1]
    deg = jnp.sum(d_ref[...], axis=1).astype(jnp.float32)
    nrm = jnp.sqrt(jnp.sum(xb * xb, axis=1, keepdims=True))
    xn = xb / nrm
    cdot = jnp.sum(xn * sv, axis=1)
    csim = cdot / jnp.maximum(deg, 1.0)
    sim_m = (csim <= SIM_T) & (deg > 0.0)
    deg_m = deg <= DEG_T
    ps = ps_ref[...]
    pd = pd_ref[...]
    a_ok = jnp.all(ps != 0.0)
    b_ok = jnp.all(pd != 0.0)
    plen = (jnp.where(sim_m & a_ok, 1.0, 0.0)
            + jnp.where(deg_m & b_ok, 1.0, 0.0))
    summed = (jnp.where(sim_m, 1.0, 0.0)[:, None] * ps
              + jnp.where(deg_m, 1.0, 0.0)[:, None] * pd)
    final = jnp.where(plen[:, None] != 0.0,
                      summed / jnp.maximum(plen, 1.0)[:, None], 0.0)
    o_ref[...] = xb + final


_fin = pl.pallas_call(
    _fin_body,
    grid=(N // ROWBLK,),
    in_specs=[
        pl.BlockSpec((ROWBLK, C), lambda i: (i, 0)),
        pl.BlockSpec((NCORES, ROWBLK, C), lambda i: (0, i, 0)),
        pl.BlockSpec((ROWBLK, NW), lambda i: (i, 0)),
        pl.BlockSpec((1, C), lambda i: (0, 0)),
        pl.BlockSpec((1, C), lambda i: (0, 0)),
    ],
    out_specs=pl.BlockSpec((ROWBLK, C), lambda i: (i, 0)),
    out_shape=jax.ShapeDtypeStruct((N, C), jnp.float32),
)


def kernel(x, edge_index, prompt_sim_pt, prompt_degree_pt):
    row = edge_index[0].astype(jnp.int32)
    col = edge_index[1].astype(jnp.int32)
    pad = EPAD - E
    rowp = jnp.concatenate([row, jnp.zeros((pad,), jnp.int32)])
    colp = jnp.concatenate([col, jnp.full((pad,), N, jnp.int32)])
    zrows = jnp.zeros((SLAB, C), jnp.float32)
    zhist = jnp.zeros((SROWS,), jnp.int32)
    table = _prep(x)
    s, d = _sc_scatter(table, rowp.reshape(EPAD // CHUNK, CHUNK),
                       colp.reshape(EPAD // CHUNK, CHUNK), zrows, zhist)
    return _fin(x, s, d.reshape(NW, SROWS).T, prompt_sim_pt, prompt_degree_pt)

# --- scband reference (transcript-rebuilt; emitter-appended) ---
"""Pipeline reference for scband-robust-prompt-t-16372415333022 (READ-ONLY COPY).

The authoritative reference and input builder live on the scoring server;
editing this copy changes nothing except your own understanding.
"""

import jax, jax.numpy as jnp
import numpy as np

N_NODES = 10000
N_EDGES = 320000
IN_CHANNELS = 128
SIM_THRESH = 0.3
DEG_THRESH = 20.0


def setup_inputs(seed: int = 0) -> dict:
    key = jax.random.key(seed)
    k1, k2, k3, k4 = jax.random.split(key, 4)
    x = jax.random.normal(k1, (N_NODES, IN_CHANNELS), dtype=jnp.float32)
    edge_index = jax.random.randint(k2, (2, N_EDGES), 0, N_NODES)
    # learned prompt parameters (glorot-style init on [1, C])
    g = float(np.sqrt(6.0 / (1 + IN_CHANNELS)))
    prompt_sim_pt = jax.random.uniform(k3, (1, IN_CHANNELS), dtype=jnp.float32, minval=-g, maxval=g)
    prompt_degree_pt = jax.random.uniform(k4, (1, IN_CHANNELS), dtype=jnp.float32, minval=-g, maxval=g)
    return {"x": x, "edge_index": edge_index, "prompt_sim_pt": prompt_sim_pt, "prompt_degree_pt": prompt_degree_pt}


def reference(x, edge_index, prompt_sim_pt, prompt_degree_pt):
    # Faithful translation of RobustPrompt_T.add_muti_pt with
    # pt_dict = {'sim_pt': 0.3, 'degree_pt': 20.0} and use_attention=False.
    # Data-dependent nonzero()-indexing is replaced by equivalent dense masks.
    N, C = x.shape
    row = edge_index[0]
    col = edge_index[1]

    # --- sim_pt: per-edge cosine similarity, scatter-add to dst nodes ---
    x_norm = x / jnp.sqrt(jnp.sum(x * x, axis=1))[:, None]
    e = jnp.sum(x_norm[row] * x_norm[col], axis=1)              # [E]
    c = jnp.zeros((N,), dtype=x.dtype).at[col].add(e)            # scatter-add
    deg = jnp.zeros((N,), dtype=x.dtype).at[col].add(jnp.ones_like(e))  # degree via scatter-add
    csim = c / jnp.maximum(deg, 1.0)
    # torch: c/deg with deg==0 gives nan, which fails csim<=thresh -> exclude deg==0
    sim_mask = (csim <= SIM_THRESH) & (deg > 0)                  # [N]

    # --- degree_pt: low-degree nodes ---
    deg_mask = deg <= DEG_THRESH                                 # [N]

    # scatter-overwrite of prompt rows into the per-node record (mask form)
    rec_sim = jnp.where(sim_mask[:, None], prompt_sim_pt, 0.0)   # [N, C]
    rec_deg = jnp.where(deg_mask[:, None], prompt_degree_pt, 0.0)  # [N, C]
    record = jnp.stack([rec_sim, rec_deg], axis=1)               # [N, 2, C]

    # use_attention=False branch: masked mean over non-padding prompt slots
    wo_pad = jnp.all(record != 0.0, axis=-1, keepdims=True)      # [N, 2, 1]
    plen = jnp.sum(wo_pad.astype(x.dtype), axis=1)               # [N, 1]
    summed = jnp.sum(record, axis=1)                             # [N, C]
    final = jnp.where(plen != 0, summed / jnp.maximum(plen, 1.0), 0.0)

    return x + final

if __name__ == "__main__":
    import jax
    _d = setup_inputs()
    print(jax.jit(kernel)(*tuple(_d.values())))

</pallas_src>

<mosaic_0001>
#map = affine_map<(d0, d1) -> (0, 0)>
#map1 = affine_map<(d0, d1) -> (0)>
#map2 = affine_map<(d0, d1) -> (0, 0, 0)>
module attributes {stable_mosaic.version = 14 : i64} {
  func.func @_sc_scatter(%arg0: i32, %arg1: i32, %arg2: memref<10000x128xf32, #tpu.memory_space<hbm>>, %arg3: memref<2560x128xi32, #tpu.memory_space<hbm>>, %arg4: memref<2560x128xi32, #tpu.memory_space<hbm>>, %arg5: memref<632x128xf32, #tpu.memory_space<hbm>>, %arg6: memref<10112xi32, #tpu.memory_space<hbm>>, %arg7: memref<2x10112x128xf32, #tpu.memory_space<hbm>>, %arg8: memref<2x16x10112xi32, #tpu.memory_space<hbm>>, %arg9: memref<10112x128xf32, #tpu.memory_space<vmem_shared>>, %arg10: memref<10112xi32, #tpu.memory_space<vmem>>, %arg11: memref<24x128xi32, #tpu.memory_space<vmem>>, %arg12: memref<24x128xi32, #tpu.memory_space<vmem>>, %arg13: memref<128x128xf32, #tpu.memory_space<vmem>>, %arg14: memref<128x128xf32, #tpu.memory_space<vmem>>, %arg15: memref<!tpu.dma_semaphore, #tpu.memory_space<semaphore_mem>>, %arg16: memref<!tpu.dma_semaphore, #tpu.memory_space<semaphore_mem>>, %arg17: memref<!tpu.dma_semaphore, #tpu.memory_space<semaphore_mem>>, %arg18: memref<!tpu.dma_semaphore, #tpu.memory_space<semaphore_mem>>) attributes {dimension_semantics = [#tpu.dimension_semantics<core_parallel>, #tpu.dimension_semantics<subcore_parallel>], iteration_bounds = array<i64: 2, 16>, scalar_prefetch = 0 : i64, scratch_operands = 10 : i64, tpu.core_type = #tpu.core_type<sc_vector_subcore>, window_params = [{transform_indices = #map}, {transform_indices = #map}, {transform_indices = #map}, {transform_indices = #map}, {transform_indices = #map1}, {transform_indices = #map2}, {transform_indices = #map2}]} {
    %mul3A = arith.constant 632 : i32
    %mul3A_0 = arith.muli %arg1, %mul3A : i32
    "tpu.region"() ({
      %run_scoped3A = tpu.sem_alloc : memref<!tpu.dma_semaphore, #tpu.memory_space<semaphore_mem>>
      %dma_start3A = arith.constant 0 : i32
      %dma_start3A_9 = tpu.memref_slice %arg9[%mul3A_0, %dma_start3A] : memref<10112x128xf32, #tpu.memory_space<vmem_shared>> -> memref<632x128xf32, #tpu.memory_space<vmem_shared>>
      tpu.enqueue_dma source(%arg5 : memref<632x128xf32, #tpu.memory_space<hbm>>) target(%dma_start3A_9 : memref<632x128xf32, #tpu.memory_space<vmem_shared>>) target_semaphore(%run_scoped3A : memref<!tpu.dma_semaphore, #tpu.memory_space<semaphore_mem>>)
      %dma_wait3A = arith.constant 0 : i32
      %dma_wait3A_10 = tpu.memref_slice %arg9[%mul3A_0, %dma_wait3A] : memref<10112x128xf32, #tpu.memory_space<vmem_shared>> -> memref<632x128xf32, #tpu.memory_space<vmem_shared>>
      tpu.wait_dma2 semaphore(%run_scoped3A : memref<!tpu.dma_semaphore, #tpu.memory_space<semaphore_mem>>) src(%arg5 : memref<632x128xf32, #tpu.memory_space<hbm>>) dst(%dma_wait3A_10 : memref<632x128xf32, #tpu.memory_space<vmem_shared>>)
      tpu.yield
    }) : () -> ()
    "tpu.region"() ({
      %run_scoped3A = tpu.sem_alloc : memref<!tpu.dma_semaphore, #tpu.memory_space<semaphore_mem>>
      tpu.enqueue_dma source(%arg6 : memref<10112xi32, #tpu.memory_space<hbm>>) target(%arg10 : memref<10112xi32, #tpu.memory_space<vmem>>) target_semaphore(%run_scoped3A : memref<!tpu.dma_semaphore, #tpu.memory_space<semaphore_mem>>)
      tpu.wait_dma2 semaphore(%run_scoped3A : memref<!tpu.dma_semaphore, #tpu.memory_space<semaphore_mem>>) src(%arg6 : memref<10112xi32, #tpu.memory_space<hbm>>) dst(%arg10 : memref<10112xi32, #tpu.memory_space<vmem>>)
      tpu.yield
    }) : () -> ()
    %barrier3A = arith.constant 0 : index
    tpu.barrier barrier_id(%barrier3A)
    %eq3A = arith.constant 0 : i32
    %eq3A_1 = arith.cmpi eq, %arg0, %eq3A : i32
    %convert_element_type3A = arith.extui %eq3A_1 : i1 to i32
    %cond3A = arith.constant 0 : i32
    %cond3A_2 = arith.cmpi ne, %convert_element_type3A, %cond3A : i32
    scf.if %cond3A_2 {
      %mul3A_9 = arith.constant 144 : i32
      %mul3A_10 = arith.muli %arg1, %mul3A_9 : i32
      %add3A = arith.constant 0 : i32
      %add3A_11 = arith.addi %mul3A_10, %add3A : i32
      "tpu.region"() ({
        %run_scoped3A = tpu.sem_alloc : memref<!tpu.dma_semaphore, #tpu.memory_space<semaphore_mem>>
        %dma_start3A_1156 = arith.constant 0 : i32
        %dma_start3A_1157 = arith.constant 0 : i32
        %dma_start3A_1158 = tpu.memref_slice %arg11[%dma_start3A_1156, %dma_start3A_1157] : memref<24x128xi32, #tpu.memory_space<vmem>> -> memref<24x128xi32, #tpu.memory_space<vmem>>
        %dma_start3A_1159 = arith.constant 0 : i32
        %dma_start3A_1160 = tpu.memref_slice %arg3[%add3A_11, %dma_start3A_1159] : memref<2560x128xi32, #tpu.memory_space<hbm>> -> memref<24x128xi32, #tpu.memory_space<hbm>>
        %dma_start3A_1161 = arith.constant 0 : i32
        %dma_start3A_1162 = arith.constant 0 : i32
        %dma_start3A_1163 = tpu.memref_slice %arg11[%dma_start3A_1161, %dma_start3A_1162] : memref<24x128xi32, #tpu.memory_space<vmem>> -> memref<24x128xi32, #tpu.memory_space<vmem>>
        %dma_start3A_1164 = arith.constant 0 : i32
        %dma_start3A_1165 = tpu.memref_slice %arg3[%add3A_11, %dma_start3A_1164] : memref<2560x128xi32, #tpu.memory_space<hbm>> -> memref<24x128xi32, #tpu.memory_space<hbm>>
        tpu.enqueue_dma source(%dma_start3A_1165 : memref<24x128xi32, #tpu.memory_space<hbm>>) target(%dma_start3A_1163 : memref<24x128xi32, #tpu.memory_space<vmem>>) target_semaphore(%run_scoped3A : memref<!tpu.dma_semaphore, #tpu.memory_space<semaphore_mem>>)
        %dma_wait3A_1166 = arith.constant 0 : i32
        %dma_wait3A_1167 = arith.constant 0 : i32
        %dma_wait3A_1168 = tpu.memref_slice %arg11[%dma_wait3A_1166, %dma_wait3A_1167] : memref<24x128xi32, #tpu.memory_space<vmem>> -> memref<24x128xi32, #tpu.memory_space<vmem>>
        %dma_wait3A_1169 = arith.constant 0 : i32
        %dma_wait3A_1170 = tpu.memref_slice %arg3[%add3A_11, %dma_wait3A_1169] : memref<2560x128xi32, #tpu.memory_space<hbm>> -> memref<24x128xi32, #tpu.memory_space<hbm>>
        %dma_wait3A_1171 = arith.constant 0 : i32
        %dma_wait3A_1172 = arith.constant 0 : i32
        %dma_wait3A_1173 = tpu.memref_slice %arg11[%dma_wait3A_1171, %dma_wait3A_1172] : memref<24x128xi32, #tpu.memory_space<vmem>> -> memref<24x128xi32, #tpu.memory_space<vmem>>
        %dma_wait3A_1174 = arith.constant 0 : i32
        %dma_wait3A_1175 = tpu.memref_slice %arg3[%add3A_11, %dma_wait3A_1174] : memref<2560x128xi32, #tpu.memory_space<hbm>> -> memref<24x128xi32, #tpu.memory_space<hbm>>
        tpu.wait_dma2 semaphore(%run_scoped3A : memref<!tpu.dma_semaphore, #tpu.memory_space<semaphore_mem>>) src(%dma_wait3A_1175 : memref<24x128xi32, #tpu.memory_space<hbm>>) dst(%dma_wait3A_1173 : memref<24x128xi32, #tpu.memory_space<vmem>>)
        tpu.yield
      }) : () -> ()
      "tpu.region"() ({
        %run_scoped3A = tpu.sem_alloc : memref<!tpu.dma_semaphore, #tpu.memory_space<semaphore_mem>>
        %dma_start3A_1156 = arith.constant 0 : i32
        %dma_start3A_1157 = arith.constant 0 : i32
        %dma_start3A_1158 = tpu.memref_slice %arg12[%dma_start3A_1156, %dma_start3A_1157] : memref<24x128xi32, #tpu.memory_space<vmem>> -> memref<24x128xi32, #tpu.memory_space<vmem>>
        %dma_start3A_1159 = arith.constant 0 : i32
        %dma_start3A_1160 = tpu.memref_slice %arg4[%add3A_11, %dma_start3A_1159] : memref<2560x128xi32, #tpu.memory_space<hbm>> -> memref<24x128xi32, #tpu.memory_space<hbm>>
        %dma_start3A_1161 = arith.constant 0 : i32
        %dma_start3A_1162 = arith.constant 0 : i32
        %dma_start3A_1163 = tpu.memref_slice %arg12[%dma_start3A_1161, %dma_start3A_1162] : memref<24x128xi32, #tpu.memory_space<vmem>> -> memref<24x128xi32, #tpu.memory_space<vmem>>
        %dma_start3A_1164 = arith.constant 0 : i32
        %dma_start3A_1165 = tpu.memref_slice %arg4[%add3A_11, %dma_start3A_1164] : memref<2560x128xi32, #tpu.memory_space<hbm>> -> memref<24x128xi32, #tpu.memory_space<hbm>>
        tpu.enqueue_dma source(%dma_start3A_1165 : memref<24x128xi32, #tpu.memory_space<hbm>>) target(%dma_start3A_1163 : memref<24x128xi32, #tpu.memory_space<vmem>>) target_semaphore(%run_scoped3A : memref<!tpu.dma_semaphore, #tpu.memory_space<semaphore_mem>>)
        %dma_wait3A_1166 = arith.constant 0 : i32
        %dma_wait3A_1167 = arith.constant 0 : i32
        %dma_wait3A_1168 = tpu.memref_slice %arg12[%dma_wait3A_1166, %dma_wait3A_1167] : memref<24x128xi32, #tpu.memory_space<vmem>> -> memref<24x128xi32, #tpu.memory_space<vmem>>
        %dma_wait3A_1169 = arith.constant 0 : i32
        %dma_wait3A_1170 = tpu.memref_slice %arg4[%add3A_11, %dma_wait3A_1169] : memref<2560x128xi32, #tpu.memory_space<hbm>> -> memref<24x128xi32, #tpu.memory_space<hbm>>
        %dma_wait3A_1171 = arith.constant 0 : i32
        %dma_wait3A_1172 = arith.constant 0 : i32
        %dma_wait3A_1173 = tpu.memref_slice %arg12[%dma_wait3A_1171, %dma_wait3A_1172] : memref<24x128xi32, #tpu.memory_space<vmem>> -> memref<24x128xi32, #tpu.memory_space<vmem>>
        %dma_wait3A_1174 = arith.constant 0 : i32
        %dma_wait3A_1175 = tpu.memref_slice %arg4[%add3A_11, %dma_wait3A_1174] : memref<2560x128xi32, #tpu.memory_space<hbm>> -> memref<24x128xi32, #tpu.memory_space<hbm>>
        tpu.wait_dma2 semaphore(%run_scoped3A : memref<!tpu.dma_semaphore, #tpu.memory_space<semaphore_mem>>) src(%dma_wait3A_1175 : memref<24x128xi32, #tpu.memory_space<hbm>>) dst(%dma_wait3A_1173 : memref<24x128xi32, #tpu.memory_space<vmem>>)
        tpu.yield
      }) : () -> ()
      %dma_start3A = arith.constant 0 : i32
      %dma_start3A_12 = arith.constant 0 : i32
      %dma_start3A_13 = tpu.memref_slice %arg11[%dma_start3A, %dma_start3A_12] : memref<24x128xi32, #tpu.memory_space<vmem>> -> memref<1x128xi32, #tpu.memory_space<vmem>>
      %dma_start3A_14 = tpu.memref_squeeze %dma_start3A_13 : memref<1x128xi32, #tpu.memory_space<vmem>> -> memref<128xi32, #tpu.memory_space<vmem>>
      %dma_start3A_15 = arith.constant 0 : i32
      %dma_start3A_16 = arith.constant 0 : i32
      %dma_start3A_17 = tpu.memref_slice %arg2[%dma_start3A_15, %dma_start3A_16] : memref<10000x128xf32, #tpu.memory_space<hbm>> -> memref<10000x128xf32, #tpu.memory_space<hbm>>
      tpu.enqueue_indirect_dma source(%dma_start3A_17 : memref<10000x128xf32, #tpu.memory_space<hbm>>) target(%arg13 : memref<128x128xf32, #tpu.memory_space<vmem>>) offsets(%dma_start3A_14 : memref<128xi32, #tpu.memory_space<vmem>>) semaphore(%arg15 : memref<!tpu.dma_semaphore, #tpu.memory_space<semaphore_mem>>)
      %dma_start3A_18 = arith.constant 1 : i32
      %dma_start3A_19 = arith.constant 0 : i32
      %dma_start3A_20 = tpu.memref_slice %arg11[%dma_start3A_18, %dma_start3A_19] : memref<24x128xi32, #tpu.memory_space<vmem>> -> memref<1x128xi32, #tpu.memory_space<vmem>>
      %dma_start3A_21 = tpu.memref_squeeze %dma_start3A_20 : memref<1x128xi32, #tpu.memory_space<vmem>> -> memref<128xi32, #tpu.memory_space<vmem>>
      %dma_start3A_22 = arith.constant 0 : i32
      %dma_start3A_23 = arith.constant 0 : i32
      %dma_start3A_24 = tpu.memref_slice %arg2[%dma_start3A_22, %dma_start3A_23] : memref<10000x128xf32, #tpu.memory_space<hbm>> -> memref<10000x128xf32, #tpu.memory_space<hbm>>
      tpu.enqueue_indirect_dma source(%dma_start3A_24 : memref<10000x128xf32, #tpu.memory_space<hbm>>) target(%arg14 : memref<128x128xf32, #tpu.memory_space<vmem>>) offsets(%dma_start3A_21 : memref<128xi32, #tpu.memory_space<vmem>>) semaphore(%arg16 : memref<!tpu.dma_semaphore, #tpu.memory_space<semaphore_mem>>)
      %scan3A = arith.constant 0 : i32
      %scan3A_25 = arith.constant 0 : i32
      %scan3A_26 = arith.constant 11 : i32
      %scan3A_27 = arith.addi %scan3A_25, %scan3A_26 : i32
      %scan3A_28 = arith.constant 1 : i32
      scf.for %scan3A_1156 = %scan3A_25 to %scan3A_27 step %scan3A_28  : i32 {
        %mul3A_1157 = arith.constant 2 : i32
        %mul3A_1158 = arith.muli %mul3A_1157, %scan3A_1156 : i32
        %dma_wait3A_1159 = arith.constant 0 : i32
        %dma_wait3A_1160 = tpu.memref_slice %arg11[%mul3A_1158, %dma_wait3A_1159] : memref<24x128xi32, #tpu.memory_space<vmem>> -> memref<1x128xi32, #tpu.memory_space<vmem>>
        %dma_wait3A_1161 = tpu.memref_squeeze %dma_wait3A_1160 : memref<1x128xi32, #tpu.memory_space<vmem>> -> memref<128xi32, #tpu.memory_space<vmem>>
        %dma_wait3A_1162 = arith.constant 0 : i32
        %dma_wait3A_1163 = arith.constant 0 : i32
        %dma_wait3A_1164 = tpu.memref_slice %arg2[%dma_wait3A_1162, %dma_wait3A_1163] : memref<10000x128xf32, #tpu.memory_space<hbm>> -> memref<10000x128xf32, #tpu.memory_space<hbm>>
        tpu.wait_indirect_dma semaphore(%arg15 : memref<!tpu.dma_semaphore, #tpu.memory_space<semaphore_mem>>) src(%dma_wait3A_1164 : memref<10000x128xf32, #tpu.memory_space<hbm>>) dst(%arg13 : memref<128x128xf32, #tpu.memory_space<vmem>>)
        %get3A_1165 = arith.index_cast %mul3A_1158 : i32 to index
        %get3A_1166 = arith.constant 0 : index
        %get3A_1167 = tpu.vector_load %arg12[%get3A_1165, %get3A_1166] {strides = array<i32>} : memref<24x128xi32, #tpu.memory_space<vmem>>, vector<16xi32>,
        %broadcast_in_dim3A_1168 = arith.constant true
        %broadcast_in_dim3A_1169 = vector.broadcast %broadcast_in_dim3A_1168 : i1 to vector<16xi1>
        %unique3A_1170, %unique3A_1171 = tpu.scan_count mask(%broadcast_in_dim3A_1169 : vector<16xi1>) value(%get3A_1167 : vector<16xi32>) : vector<16xi1>, vector<16xi32>
        tpu.vector_store_idx %arg10[%get3A_1167], %unique3A_1171 masked %unique3A_1170 {add = true} : memref<10112xi32, #tpu.memory_space<vmem>>[vector<16xi32>], vector<16xi32>, vector<16xi1>
        %get3A_1172 = arith.index_cast %mul3A_1158 : i32 to index
        %get3A_1173 = arith.constant 16 : index
        %get3A_1174 = tpu.vector_load %arg12[%get3A_1172, %get3A_1173] {strides = array<i32>} : memref<24x128xi32, #tpu.memory_space<vmem>>, vector<16xi32>,
        %broadcast_in_dim3A_1175 = arith.constant true
        %broadcast_in_dim3A_1176 = vector.broadcast %broadcast_in_dim3A_1175 : i1 to vector<16xi1>
        %unique3A_1177, %unique3A_1178 = tpu.scan_count mask(%broadcast_in_dim3A_1176 : vector<16xi1>) value(%get3A_1174 : vector<16xi32>) : vector<16xi1>, vector<16xi32>
        tpu.vector_store_idx %arg10[%get3A_1174], %unique3A_1178 masked %unique3A_1177 {add = true} : memref<10112xi32, #tpu.memory_space<vmem>>[vector<16xi32>], vector<16xi32>, vector<16xi1>
        %get3A_1179 = arith.index_cast %mul3A_1158 : i32 to index
        %get3A_1180 = arith.constant 32 : index
        %get3A_1181 = tpu.vector_load %arg12[%get3A_1179, %get3A_1180] {strides = array<i32>} : memref<24x128xi32, #tpu.memory_space<vmem>>, vector<16xi32>,
        %broadcast_in_dim3A_1182 = arith.constant true
        %broadcast_in_dim3A_1183 = vector.broadcast %broadcast_in_dim3A_1182 : i1 to vector<16xi1>
        %unique3A_1184, %unique3A_1185 = tpu.scan_count mask(%broadcast_in_dim3A_1183 : vector<16xi1>) value(%get3A_1181 : vector<16xi32>) : vector<16xi1>, vector<16xi32>
        tpu.vector_store_idx %arg10[%get3A_1181], %unique3A_1185 masked %unique3A_1184 {add = true} : memref<10112xi32, #tpu.memory_space<vmem>>[vector<16xi32>], vector<16xi32>, vector<16xi1>
        %get3A_1186 = arith.index_cast %mul3A_1158 : i32 to index
        %get3A_1187 = arith.constant 48 : index
        %get3A_1188 = tpu.vector_load %arg12[%get3A_1186, %get3A_1187] {strides = array<i32>} : memref<24x128xi32, #tpu.memory_space<vmem>>, vector<16xi32>,
        %broadcast_in_dim3A_1189 = arith.constant true
        %broadcast_in_dim3A_1190 = vector.broadcast %broadcast_in_dim3A_1189 : i1 to vector<16xi1>
        %unique3A_1191, %unique3A_1192 = tpu.scan_count mask(%broadcast_in_dim3A_1190 : vector<16xi1>) value(%get3A_1188 : vector<16xi32>) : vector<16xi1>, vector<16xi32>
        tpu.vector_store_idx %arg10[%get3A_1188], %unique3A_1192 masked %unique3A_1191 {add = true} : memref<10112xi32, #tpu.memory_space<vmem>>[vector<16xi32>], vector<16xi32>, vector<16xi1>
        %get3A_1193 = arith.index_cast %mul3A_1158 : i32 to index
        %get3A_1194 = arith.constant 64 : index
        %get3A_1195 = tpu.vector_load %arg12[%get3A_1193, %get3A_1194] {strides = array<i32>} : memref<24x128xi32, #tpu.memory_space<vmem>>, vector<16xi32>,
        %broadcast_in_dim3A_1196 = arith.constant true
        %broadcast_in_dim3A_1197 = vector.broadcast %broadcast_in_dim3A_1196 : i1 to vector<16xi1>
        %unique3A_1198, %unique3A_1199 = tpu.scan_count mask(%broadcast_in_dim3A_1197 : vector<16xi1>) value(%get3A_1195 : vector<16xi32>) : vector<16xi1>, vector<16xi32>
        tpu.vector_store_idx %arg10[%get3A_1195], %unique3A_1199 masked %unique3A_1198 {add = true} : memref<10112xi32, #tpu.memory_space<vmem>>[vector<16xi32>], vector<16xi32>, vector<16xi1>
        %get3A_1200 = arith.index_cast %mul3A_1158 : i32 to index
        %get3A_1201 = arith.constant 80 : index
        %get3A_1202 = tpu.vector_load %arg12[%get3A_1200, %get3A_1201] {strides = array<i32>} : memref<24x128xi32, #tpu.memory_space<vmem>>, vector<16xi32>,
        %broadcast_in_dim3A_1203 = arith.constant true
        %broadcast_in_dim3A_1204 = vector.broadcast %broadcast_in_dim3A_1203 : i1 to vector<16xi1>
        %unique3A_1205, %unique3A_1206 = tpu.scan_count mask(%broadcast_in_dim3A_1204 : vector<16xi1>) value(%get3A_1202 : vector<16xi32>) : vector<16xi1>, vector<16xi32>
        tpu.vector_store_idx %arg10[%get3A_1202], %unique3A_1206 masked %unique3A_1205 {add = true} : memref<10112xi32, #tpu.memory_space<vmem>>[vector<16xi32>], vector<16xi32>, vector<16xi1>
        %get3A_1207 = arith.index_cast %mul3A_1158 : i32 to index
        %get3A_1208 = arith.constant 96 : index
        %get3A_1209 = tpu.vector_load %arg12[%get3A_1207, %get3A_1208] {strides = array<i32>} : memref<24x128xi32, #tpu.memory_space<vmem>>, vector<16xi32>,
        %broadcast_in_dim3A_1210 = arith.constant true
        %broadcast_in_dim3A_1211 = vector.broadcast %broadcast_in_dim3A_1210 : i1 to vector<16xi1>
        %unique3A_1212, %unique3A_1213 = tpu.scan_count mask(%broadcast_in_dim3A_1211 : vector<16xi1>) value(%get3A_1209 : vector<16xi32>) : vector<16xi1>, vector<16xi32>
        tpu.vector_store_idx %arg10[%get3A_1209], %unique3A_1213 masked %unique3A_1212 {add = true} : memref<10112xi32, #tpu.memory_space<vmem>>[vector<16xi32>], vector<16xi32>, vector<16xi1>
        %get3A_1214 = arith.index_cast %mul3A_1158 : i32 to index
        %get3A_1215 = arith.constant 112 : index
        %get3A_1216 = tpu.vector_load %arg12[%get3A_1214, %get3A_1215] {strides = array<i32>} : memref<24x128xi32, #tpu.memory_space<vmem>>, vector<16xi32>,
        %broadcast_in_dim3A_1217 = arith.constant true
        %broadcast_in_dim3A_1218 = vector.broadcast %broadcast_in_dim3A_1217 : i1 to vector<16xi1>
        %unique3A_1219, %unique3A_1220 = tpu.scan_count mask(%broadcast_in_dim3A_1218 : vector<16xi1>) value(%get3A_1216 : vector<16xi32>) : vector<16xi1>, vector<16xi32>
        tpu.vector_store_idx %arg10[%get3A_1216], %unique3A_1220 masked %unique3A_1219 {add = true} : memref<10112xi32, #tpu.memory_space<vmem>>[vector<16xi32>], vector<16xi32>, vector<16xi1>
        %dma_start3A_1221 = arith.constant 0 : i32
        %dma_start3A_1222 = tpu.memref_slice %arg12[%mul3A_1158, %dma_start3A_1221] : memref<24x128xi32, #tpu.memory_space<vmem>> -> memref<1x128xi32, #tpu.memory_space<vmem>>
        %dma_start3A_1223 = tpu.memref_squeeze %dma_start3A_1222 : memref<1x128xi32, #tpu.memory_space<vmem>> -> memref<128xi32, #tpu.memory_space<vmem>>
        %dma_start3A_1224 = arith.constant 0 : i32
        %dma_start3A_1225 = arith.constant 0 : i32
        %dma_start3A_1226 = tpu.memref_slice %arg9[%dma_start3A_1224, %dma_start3A_1225] : memref<10112x128xf32, #tpu.memory_space<vmem_shared>> -> memref<10112x128xf32, #tpu.memory_space<vmem_shared>>
        tpu.enqueue_indirect_dma source(%arg13 : memref<128x128xf32, #tpu.memory_space<vmem>>) target(%dma_start3A_1226 : memref<10112x128xf32, #tpu.memory_space<vmem_shared>>) offsets(%dma_start3A_1223 : memref<128xi32, #tpu.memory_space<vmem>>) semaphore(%arg17 : memref<!tpu.dma_semaphore, #tpu.memory_space<semaphore_mem>>) {add = true}
        %add3A_1227 = arith.constant 1 : i32
        %add3A_1228 = arith.addi %mul3A_1158, %add3A_1227 : i32
        %dma_wait3A_1229 = arith.constant 0 : i32
        %dma_wait3A_1230 = tpu.memref_slice %arg11[%add3A_1228, %dma_wait3A_1229] : memref<24x128xi32, #tpu.memory_space<vmem>> -> memref<1x128xi32, #tpu.memory_space<vmem>>
        %dma_wait3A_1231 = tpu.memref_squeeze %dma_wait3A_1230 : memref<1x128xi32, #tpu.memory_space<vmem>> -> memref<128xi32, #tpu.memory_space<vmem>>
        %dma_wait3A_1232 = arith.constant 0 : i32
        %dma_wait3A_1233 = arith.constant 0 : i32
        %dma_wait3A_1234 = tpu.memref_slice %arg2[%dma_wait3A_1232, %dma_wait3A_1233] : memref<10000x128xf32, #tpu.memory_space<hbm>> -> memref<10000x128xf32, #tpu.memory_space<hbm>>
        tpu.wait_indirect_dma semaphore(%arg16 : memref<!tpu.dma_semaphore, #tpu.memory_space<semaphore_mem>>) src(%dma_wait3A_1234 : memref<10000x128xf32, #tpu.memory_space<hbm>>) dst(%arg14 : memref<128x128xf32, #tpu.memory_space<vmem>>)
        %add3A_1235 = arith.constant 1 : i32
        %add3A_1236 = arith.addi %mul3A_1158, %add3A_1235 : i32
        %get3A_1237 = arith.index_cast %add3A_1236 : i32 to index
        %get3A_1238 = arith.constant 0 : index
        %get3A_1239 = tpu.vector_load %arg12[%get3A_1237, %get3A_1238] {strides = array<i32>} : memref<24x128xi32, #tpu.memory_space<vmem>>, vector<16xi32>,
        %broadcast_in_dim3A_1240 = arith.constant true
        %broadcast_in_dim3A_1241 = vector.broadcast %broadcast_in_dim3A_1240 : i1 to vector<16xi1>
        %unique3A_1242, %unique3A_1243 = tpu.scan_count mask(%broadcast_in_dim3A_1241 : vector<16xi1>) value(%get3A_1239 : vector<16xi32>) : vector<16xi1>, vector<16xi32>
        tpu.vector_store_idx %arg10[%get3A_1239], %unique3A_1243 masked %unique3A_1242 {add = true} : memref<10112xi32, #tpu.memory_space<vmem>>[vector<16xi32>], vector<16xi32>, vector<16xi1>
        %get3A_1244 = arith.index_cast %add3A_1236 : i32 to index
        %get3A_1245 = arith.constant 16 : index
        %get3A_1246 = tpu.vector_load %arg12[%get3A_1244, %get3A_1245] {strides = array<i32>} : memref<24x128xi32, #tpu.memory_space<vmem>>, vector<16xi32>,
        %broadcast_in_dim3A_1247 = arith.constant true
        %broadcast_in_dim3A_1248 = vector.broadcast %broadcast_in_dim3A_1247 : i1 to vector<16xi1>
        %unique3A_1249, %unique3A_1250 = tpu.scan_count mask(%broadcast_in_dim3A_1248 : vector<16xi1>) value(%get3A_1246 : vector<16xi32>) : vector<16xi1>, vector<16xi32>
        tpu.vector_store_idx %arg10[%get3A_1246], %unique3A_1250 masked %unique3A_1249 {add = true} : memref<10112xi32, #tpu.memory_space<vmem>>[vector<16xi32>], vector<16xi32>, vector<16xi1>
        %get3A_1251 = arith.index_cast %add3A_1236 : i32 to index
        %get3A_1252 = arith.constant 32 : index
        %get3A_1253 = tpu.vector_load %arg12[%get3A_1251, %get3A_1252] {strides = array<i32>} : memref<24x128xi32, #tpu.memory_space<vmem>>, vector<16xi32>,
        %broadcast_in_dim3A_1254 = arith.constant true
        %broadcast_in_dim3A_1255 = vector.broadcast %broadcast_in_dim3A_1254 : i1 to vector<16xi1>
        %unique3A_1256, %unique3A_1257 = tpu.scan_count mask(%broadcast_in_dim3A_1255 : vector<16xi1>) value(%get3A_1253 : vector<16xi32>) : vector<16xi1>, vector<16xi32>
        tpu.vector_store_idx %arg10[%get3A_1253], %unique3A_1257 masked %unique3A_1256 {add = true} : memref<10112xi32, #tpu.memory_space<vmem>>[vector<16xi32>], vector<16xi32>, vector<16xi1>
        %get3A_1258 = arith.index_cast %add3A_1236 : i32 to index
        %get3A_1259 = arith.constant 48 : index
        %get3A_1260 = tpu.vector_load %arg12[%get3A_1258, %get3A_1259] {strides = array<i32>} : memref<24x128xi32, #tpu.memory_space<vmem>>, vector<16xi32>,
        %broadcast_in_dim3A_1261 = arith.constant true
        %broadcast_in_dim3A_1262 = vector.broadcast %broadcast_in_dim3A_1261 : i1 to vector<16xi1>
        %unique3A_1263, %unique3A_1264 = tpu.scan_count mask(%broadcast_in_dim3A_1262 : vector<16xi1>) value(%get3A_1260 : vector<16xi32>) : vector<16xi1>, vector<16xi32>
        tpu.vector_store_idx %arg10[%get3A_1260], %unique3A_1264 masked %unique3A_1263 {add = true} : memref<10112xi32, #tpu.memory_space<vmem>>[vector<16xi32>], vector<16xi32>, vector<16xi1>
        %get3A_1265 = arith.index_cast %add3A_1236 : i32 to index
        %get3A_1266 = arith.constant 64 : index
        %get3A_1267 = tpu.vector_load %arg12[%get3A_1265, %get3A_1266] {strides = array<i32>} : memref<24x128xi32, #tpu.memory_space<vmem>>, vector<16xi32>,
        %broadcast_in_dim3A_1268 = arith.constant true
        %broadcast_in_dim3A_1269 = vector.broadcast %broadcast_in_dim3A_1268 : i1 to vector<16xi1>
        %unique3A_1270, %unique3A_1271 = tpu.scan_count mask(%broadcast_in_dim3A_1269 : vector<16xi1>) value(%get3A_1267 : vector<16xi32>) : vector<16xi1>, vector<16xi32>
        tpu.vector_store_idx %arg10[%get3A_1267], %unique3A_1271 masked %unique3A_1270 {add = true} : memref<10112xi32, #tpu.memory_space<vmem>>[vector<16xi32>], vector<16xi32>, vector<16xi1>
        %get3A_1272 = arith.index_cast %add3A_1236 : i32 to index
        %get3A_1273 = arith.constant 80 : index
        %get3A_1274 = tpu.vector_load %arg12[%get3A_1272, %get3A_1273] {strides = array<i32>} : memref<24x128xi32, #tpu.memory_space<vmem>>, vector<16xi32>,
        %broadcast_in_dim3A_1275 = arith.constant true
        %broadcast_in_dim3A_1276 = vector.broadcast %broadcast_in_dim3A_1275 : i1 to vector<16xi1>
        %unique3A_1277, %unique3A_1278 = tpu.scan_count mask(%broadcast_in_dim3A_1276 : vector<16xi1>) value(%get3A_1274 : vector<16xi32>) : vector<16xi1>, vector<16xi32>
        tpu.vector_store_idx %arg10[%get3A_1274], %unique3A_1278 masked %unique3A_1277 {add = true} : memref<10112xi32, #tpu.memory_space<vmem>>[vector<16xi32>], vector<16xi32>, vector<16xi1>
        %get3A_1279 = arith.index_cast %add3A_1236 : i32 to index
        %get3A_1280 = arith.constant 96 : index
        %get3A_1281 = tpu.vector_load %arg12[%get3A_1279, %get3A_1280] {strides = array<i32>} : memref<24x128xi32, #tpu.memory_space<vmem>>, vector<16xi32>,
        %broadcast_in_dim3A_1282 = arith.constant true
        %broadcast_in_dim3A_1283 = vector.broadcast %broadcast_in_dim3A_1282 : i1 to vector<16xi1>
        %unique3A_1284, %unique3A_1285 = tpu.scan_count mask(%broadcast_in_dim3A_1283 : vector<16xi1>) value(%get3A_1281 : vector<16xi32>) : vector<16xi1>, vector<16xi32>
        tpu.vector_store_idx %arg10[%get3A_1281], %unique3A_1285 masked %unique3A_1284 {add = true} : memref<10112xi32, #tpu.memory_space<vmem>>[vector<16xi32>], vector<16xi32>, vector<16xi1>
        %get3A_1286 = arith.index_cast %add3A_1236 : i32 to index
        %get3A_1287 = arith.constant 112 : index
        %get3A_1288 = tpu.vector_load %arg12[%get3A_1286, %get3A_1287] {strides = array<i32>} : memref<24x128xi32, #tpu.memory_space<vmem>>, vector<16xi32>,
        %broadcast_in_dim3A_1289 = arith.constant true
        %broadcast_in_dim3A_1290 = vector.broadcast %broadcast_in_dim3A_1289 : i1 to vector<16xi1>
        %unique3A_1291, %unique3A_1292 = tpu.scan_count mask(%broadcast_in_dim3A_1290 : vector<16xi1>) value(%get3A_1288 : vector<16xi32>) : vector<16xi1>, vector<16xi32>
        tpu.vector_store_idx %arg10[%get3A_1288], %unique3A_1292 masked %unique3A_1291 {add = true} : memref<10112xi32, #tpu.memory_space<vmem>>[vector<16xi32>], vector<16xi32>, vector<16xi1>
        %add3A_1293 = arith.constant 1 : i32
        %add3A_1294 = arith.addi %mul3A_1158, %add3A_1293 : i32
        %dma_start3A_1295 = arith.constant 0 : i32
        %dma_start3A_1296 = tpu.memref_slice %arg12[%add3A_1294, %dma_start3A_1295] : memref<24x128xi32, #tpu.memory_space<vmem>> -> memref<1x128xi32, #tpu.memory_space<vmem>>
        %dma_start3A_1297 = tpu.memref_squeeze %dma_start3A_1296 : memref<1x128xi32, #tpu.memory_space<vmem>> -> memref<128xi32, #tpu.memory_space<vmem>>
        %dma_start3A_1298 = arith.constant 0 : i32
        %dma_start3A_1299 = arith.constant 0 : i32
        %dma_start3A_1300 = tpu.memref_slice %arg9[%dma_start3A_1298, %dma_start3A_1299] : memref<10112x128xf32, #tpu.memory_space<vmem_shared>> -> memref<10112x128xf32, #tpu.memory_space<vmem_shared>>
        tpu.enqueue_indirect_dma source(%arg14 : memref<128x128xf32, #tpu.memory_space<vmem>>) target(%dma_start3A_1300 : memref<10112x128xf32, #tpu.memory_space<vmem_shared>>) offsets(%dma_start3A_1297 : memref<128xi32, #tpu.memory_space<vmem>>) semaphore(%arg18 : memref<!tpu.dma_semaphore, #tpu.memory_space<semaphore_mem>>) {add = true}
        %dma_wait3A_1301 = arith.constant 0 : i32
        %dma_wait3A_1302 = tpu.memref_slice %arg12[%mul3A_1158, %dma_wait3A_1301] : memref<24x128xi32, #tpu.memory_space<vmem>> -> memref<1x128xi32, #tpu.memory_space<vmem>>
        %dma_wait3A_1303 = tpu.memref_squeeze %dma_wait3A_1302 : memref<1x128xi32, #tpu.memory_space<vmem>> -> memref<128xi32, #tpu.memory_space<vmem>>
        %dma_wait3A_1304 = arith.constant 0 : i32
        %dma_wait3A_1305 = arith.constant 0 : i32
        %dma_wait3A_1306 = tpu.memref_slice %arg9[%dma_wait3A_1304, %dma_wait3A_1305] : memref<10112x128xf32, #tpu.memory_space<vmem_shared>> -> memref<10112x128xf32, #tpu.memory_space<vmem_shared>>
        tpu.wait_indirect_dma semaphore(%arg17 : memref<!tpu.dma_semaphore, #tpu.memory_space<semaphore_mem>>) src(%arg13 : memref<128x128xf32, #tpu.memory_space<vmem>>) dst(%dma_wait3A_1306 : memref<10112x128xf32, #tpu.memory_space<vmem_shared>>)
        %add3A_1307 = arith.constant 2 : i32
        %add3A_1308 = arith.addi %mul3A_1158, %add3A_1307 : i32
        %dma_start3A_1309 = arith.constant 0 : i32
        %dma_start3A_1310 = tpu.memref_slice %arg11[%add3A_1308, %dma_start3A_1309] : memref<24x128xi32, #tpu.memory_space<vmem>> -> memref<1x128xi32, #tpu.memory_space<vmem>>
        %dma_start3A_1311 = tpu.memref_squeeze %dma_start3A_1310 : memref<1x128xi32, #tpu.memory_space<vmem>> -> memref<128xi32, #tpu.memory_space<vmem>>
        %dma_start3A_1312 = arith.constant 0 : i32
        %dma_start3A_1313 = arith.constant 0 : i32
        %dma_start3A_1314 = tpu.memref_slice %arg2[%dma_start3A_1312, %dma_start3A_1313] : memref<10000x128xf32, #tpu.memory_space<hbm>> -> memref<10000x128xf32, #tpu.memory_space<hbm>>
        tpu.enqueue_indirect_dma source(%dma_start3A_1314 : memref<10000x128xf32, #tpu.memory_space<hbm>>) target(%arg13 : memref<128x128xf32, #tpu.memory_space<vmem>>) offsets(%dma_start3A_1311 : memref<128xi32, #tpu.memory_space<vmem>>) semaphore(%arg15 : memref<!tpu.dma_semaphore, #tpu.memory_space<semaphore_mem>>)
        %add3A_1315 = arith.constant 1 : i32
        %add3A_1316 = arith.addi %mul3A_1158, %add3A_1315 : i32
        %dma_wait3A_1317 = arith.constant 0 : i32
        %dma_wait3A_1318 = tpu.memref_slice %arg12[%add3A_1316, %dma_wait3A_1317] : memref<24x128xi32, #tpu.memory_space<vmem>> -> memref<1x128xi32, #tpu.memory_space<vmem>>
        %dma_wait3A_1319 = tpu.memref_squeeze %dma_wait3A_1318 : memref<1x128xi32, #tpu.memory_space<vmem>> -> memref<128xi32, #tpu.memory_space<vmem>>
        %dma_wait3A_1320 = arith.constant 0 : i32
        %dma_wait3A_1321 = arith.constant 0 : i32
        %dma_wait3A_1322 = tpu.memref_slice %arg9[%dma_wait3A_1320, %dma_wait3A_1321] : memref<10112x128xf32, #tpu.memory_space<vmem_shared>> -> memref<10112x128xf32, #tpu.memory_space<vmem_shared>>
        tpu.wait_indirect_dma semaphore(%arg18 : memref<!tpu.dma_semaphore, #tpu.memory_space<semaphore_mem>>) src(%arg14 : memref<128x128xf32, #tpu.memory_space<vmem>>) dst(%dma_wait3A_1322 : memref<10112x128xf32, #tpu.memory_space<vmem_shared>>)
        %add3A_1323 = arith.constant 3 : i32
        %add3A_1324 = arith.addi %mul3A_1158, %add3A_1323 : i32
        %dma_start3A_1325 = arith.constant 0 : i32
        %dma_start3A_1326 = tpu.memref_slice %arg11[%add3A_1324, %dma_start3A_1325] : memref<24x128xi32, #tpu.memory_space<vmem>> -> memref<1x128xi32, #tpu.memory_space<vmem>>
        %dma_start3A_1327 = tpu.memref_squeeze %dma_start3A_1326 : memref<1x128xi32, #tpu.memory_space<vmem>> -> memref<128xi32, #tpu.memory_space<vmem>>
        %dma_start3A_1328 = arith.constant 0 : i32
        %dma_start3A_1329 = arith.constant 0 : i32
        %dma_start3A_1330 = tpu.memref_slice %arg2[%dma_start3A_1328, %dma_start3A_1329] : memref<10000x128xf32, #tpu.memory_space<hbm>> -> memref<10000x128xf32, #tpu.memory_space<hbm>>
        tpu.enqueue_indirect_dma source(%dma_start3A_1330 : memref<10000x128xf32, #tpu.memory_space<hbm>>) target(%arg14 : memref<128x128xf32, #tpu.memory_space<vmem>>) offsets(%dma_start3A_1327 : memref<128xi32, #tpu.memory_space<vmem>>) semaphore(%arg16 : memref<!tpu.dma_semaphore, #tpu.memory_space<semaphore_mem>>)
      }
      %scan3A_29 = arith.constant 11 : i32
      %dma_wait3A = arith.constant 22 : i32
      %dma_wait3A_30 = arith.constant 0 : i32
      %dma_wait3A_31 = tpu.memref_slice %arg11[%dma_wait3A, %dma_wait3A_30] : memref<24x128xi32, #tpu.memory_space<vmem>> -> memref<1x128xi32, #tpu.memory_space<vmem>>
      %dma_wait3A_32 = tpu.memref_squeeze %dma_wait3A_31 : memref<1x128xi32, #tpu.memory_space<vmem>> -> memref<128xi32, #tpu.memory_space<vmem>>
      %dma_wait3A_33 = arith.constant 0 : i32
      %dma_wait3A_34 = arith.constant 0 : i32
      %dma_wait3A_35 = tpu.memref_slice %arg2[%dma_wait3A_33, %dma_wait3A_34] : memref<10000x128xf32, #tpu.memory_space<hbm>> -> memref<10000x128xf32, #tpu.memory_space<hbm>>
      tpu.wait_indirect_dma semaphore(%arg15 : memref<!tpu.dma_semaphore, #tpu.memory_space<semaphore_mem>>) src(%dma_wait3A_35 : memref<10000x128xf32, #tpu.memory_space<hbm>>) dst(%arg13 : memref<128x128xf32, #tpu.memory_space<vmem>>)
      %get3A = arith.constant 22 : i32
      %get3A_36 = arith.index_cast %get3A : i32 to index
      %get3A_37 = arith.constant 0 : index
      %get3A_38 = tpu.vector_load %arg12[%get3A_36, %get3A_37] {strides = array<i32>} : memref<24x128xi32, #tpu.memory_space<vmem>>, vector<16xi32>,
      %broadcast_in_dim3A = arith.constant true
      %broadcast_in_dim3A_39 = vector.broadcast %broadcast_in_dim3A : i1 to vector<16xi1>
      %unique3A, %unique3A_40 = tpu.scan_count mask(%broadcast_in_dim3A_39 : vector<16xi1>) value(%get3A_38 : vector<16xi32>) : vector<16xi1>, vector<16xi32>
      tpu.vector_store_idx %arg10[%get3A_38], %unique3A_40 masked %unique3A {add = true} : memref<10112xi32, #tpu.memory_space<vmem>>[vector<16xi32>], vector<16xi32>, vector<16xi1>
      %get3A_41 = arith.constant 22 : i32
      %get3A_42 = arith.index_cast %get3A_41 : i32 to index
      %get3A_43 = arith.constant 16 : index
      %get3A_44 = tpu.vector_load %arg12[%get3A_42, %get3A_43] {strides = array<i32>} : memref<24x128xi32, #tpu.memory_space<vmem>>, vector<16xi32>,
      %broadcast_in_dim3A_45 = arith.constant true
      %broadcast_in_dim3A_46 = vector.broadcast %broadcast_in_dim3A_45 : i1 to vector<16xi1>
      %unique3A_47, %unique3A_48 = tpu.scan_count mask(%broadcast_in_dim3A_46 : vector<16xi1>) value(%get3A_44 : vector<16xi32>) : vector<16xi1>, vector<16xi32>
      tpu.vector_store_idx %arg10[%get3A_44], %unique3A_48 masked %unique3A_47 {add = true} : memref<10112xi32, #tpu.memory_space<vmem>>[vector<16xi32>], vector<16xi32>, vector<16xi1>
      %get3A_49 = arith.constant 22 : i32
      %get3A_50 = arith.index_cast %get3A_49 : i32 to index
      %get3A_51 = arith.constant 32 : index
      %get3A_52 = tpu.vector_load %arg12[%get3A_50, %get3A_51] {strides = array<i32>} : memref<24x128xi32, #tpu.memory_space<vmem>>, vector<16xi32>,
      %broadcast_in_dim3A_53 = arith.constant true
      %broadcast_in_dim3A_54 = vector.broadcast %broadcast_in_dim3A_53 : i1 to vector<16xi1>
      %unique3A_55, %unique3A_56 = tpu.scan_count mask(%broadcast_in_dim3A_54 : vector<16xi1>) value(%get3A_52 : vector<16xi32>) : vector<16xi1>, vector<16xi32>
      tpu.vector_store_idx %arg10[%get3A_52], %unique3A_56 masked %unique3A_55 {add = true} : memref<10112xi32, #tpu.memory_space<vmem>>[vector<16xi32>], vector<16xi32>, vector<16xi1>
      %get3A_57 = arith.constant 22 : i32
      %get3A_58 = arith.index_cast %get3A_57 : i32 to index
      %get3A_59 = arith.constant 48 : index
      %get3A_60 = tpu.vector_load %arg12[%get3A_58, %get3A_59] {strides = array<i32>} : memref<24x128xi32, #tpu.memory_space<vmem>>, vector<16xi32>,
      %broadcast_in_dim3A_61 = arith.constant true
      %broadcast_in_dim3A_62 = vector.broadcast %broadcast_in_dim3A_61 : i1 to vector<16xi1>
      %unique3A_63, %unique3A_64 = tpu.scan_count mask(%broadcast_in_dim3A_62 : vector<16xi1>) value(%get3A_60 : vector<16xi32>) : vector<16xi1>, vector<16xi32>
      tpu.vector_store_idx %arg10[%get3A_60], %unique3A_64 masked %unique3A_63 {add = true} : memref<10112xi32, #tpu.memory_space<vmem>>[vector<16xi32>], vector<16xi32>, vector<16xi1>
      %get3A_65 = arith.constant 22 : i32
      %get3A_66 = arith.index_cast %get3A_65 : i32 to index
      %get3A_67 = arith.constant 64 : index
      %get3A_68 = tpu.vector_load %arg12[%get3A_66, %get3A_67] {strides = array<i32>} : memref<24x128xi32, #tpu.memory_space<vmem>>, vector<16xi32>,
      %broadcast_in_dim3A_69 = arith.constant true
      %broadcast_in_dim3A_70 = vector.broadcast %broadcast_in_dim3A_69 : i1 to vector<16xi1>
      %unique3A_71, %unique3A_72 = tpu.scan_count mask(%broadcast_in_dim3A_70 : vector<16xi1>) value(%get3A_68 : vector<16xi32>) : vector<16xi1>, vector<16xi32>
      tpu.vector_store_idx %arg10[%get3A_68], %unique3A_72 masked %unique3A_71 {add = true} : memref<10112xi32, #tpu.memory_space<vmem>>[vector<16xi32>], vector<16xi32>, vector<16xi1>
      %get3A_73 = arith.constant 22 : i32
      %get3A_74 = arith.index_cast %get3A_73 : i32 to index
      %get3A_75 = arith.constant 80 : index
      %get3A_76 = tpu.vector_load %arg12[%get3A_74, %get3A_75] {strides = array<i32>} : memref<24x128xi32, #tpu.memory_space<vmem>>, vector<16xi32>,
      %broadcast_in_dim3A_77 = arith.constant true
      %broadcast_in_dim3A_78 = vector.broadcast %broadcast_in_dim3A_77 : i1 to vector<16xi1>
      %unique3A_79, %unique3A_80 = tpu.scan_count mask(%broadcast_in_dim3A_78 : vector<16xi1>) value(%get3A_76 : vector<16xi32>) : vector<16xi1>, vector<16xi32>
      tpu.vector_store_idx %arg10[%get3A_76], %unique3A_80 masked %unique3A_79 {add = true} : memref<10112xi32, #tpu.memory_space<vmem>>[vector<16xi32>], vector<16xi32>, vector<16xi1>
      %get3A_81 = arith.constant 22 : i32
      %get3A_82 = arith.index_cast %get3A_81 : i32 to index
      %get3A_83 = arith.constant 96 : index
      %get3A_84 = tpu.vector_load %arg12[%get3A_82, %get3A_83] {strides = array<i32>} : memref<24x128xi32, #tpu.memory_space<vmem>>, vector<16xi32>,
      %broadcast_in_dim3A_85 = arith.constant true
      %broadcast_in_dim3A_86 = vector.broadcast %broadcast_in_dim3A_85 : i1 to vector<16xi1>
      %unique3A_87, %unique3A_88 = tpu.scan_count mask(%broadcast_in_dim3A_86 : vector<16xi1>) value(%get3A_84 : vector<16xi32>) : vector<16xi1>, vector<16xi32>
      tpu.vector_store_idx %arg10[%get3A_84], %unique3A_88 masked %unique3A_87 {add = true} : memref<10112xi32, #tpu.memory_space<vmem>>[vector<16xi32>], vector<16xi32>, vector<16xi1>
      %get3A_89 = arith.constant 22 : i32
      %get3A_90 = arith.index_cast %get3A_89 : i32 to index
      %get3A_91 = arith.constant 112 : index
      %get3A_92 = tpu.vector_load %arg12[%get3A_90, %get3A_91] {strides = array<i32>} : memref<24x128xi32, #tpu.memory_space<vmem>>, vector<16xi32>,
      %broadcast_in_dim3A_93 = arith.constant true
      %broadcast_in_dim3A_94 = vector.broadcast %broadcast_in_dim3A_93 : i1 to vector<16xi1>
      %unique3A_95, %unique3A_96 = tpu.scan_count mask(%broadcast_in_dim3A_94 : vector<16xi1>) value(%get3A_92 : vector<16xi32>) : vector<16xi1>, vector<16xi32>
      tpu.vector_store_idx %arg10[%get3A_92], %unique3A_96 masked %unique3A_95 {add = true} : memref<10112xi32, #tpu.memory_space<vmem>>[vector<16xi32>], vector<16xi32>, vector<16xi1>
      %dma_start3A_97 = arith.constant 22 : i32
      %dma_start3A_98 = arith.constant 0 : i32
      %dma_start3A_99 = tpu.memref_slice %arg12[%dma_start3A_97, %dma_start3A_98] : memref<24x128xi32, #tpu.memory_space<vmem>> -> memref<1x128xi32, #tpu.memory_space<vmem>>
      %dma_start3A_100 = tpu.memref_squeeze %dma_start3A_99 : memref<1x128xi32, #tpu.memory_space<vmem>> -> memref<128xi32, #tpu.memory_space<vmem>>
      %dma_start3A_101 = arith.constant 0 : i32
      %dma_start3A_102 = arith.constant 0 : i32
      %dma_start3A_103 = tpu.memref_slice %arg9[%dma_start3A_101, %dma_start3A_102] : memref<10112x128xf32, #tpu.memory_space<vmem_shared>> -> memref<10112x128xf32, #tpu.memory_space<vmem_shared>>
      tpu.enqueue_indirect_dma source(%arg13 : memref<128x128xf32, #tpu.memory_space<vmem>>) target(%dma_start3A_103 : memref<10112x128xf32, #tpu.memory_space<vmem_shared>>) offsets(%dma_start3A_100 : memref<128xi32, #tpu.memory_space<vmem>>) semaphore(%arg17 : memref<!tpu.dma_semaphore, #tpu.memory_space<semaphore_mem>>) {add = true}
      %dma_wait3A_104 = arith.constant 23 : i32
      %dma_wait3A_105 = arith.constant 0 : i32
      %dma_wait3A_106 = tpu.memref_slice %arg11[%dma_wait3A_104, %dma_wait3A_105] : memref<24x128xi32, #tpu.memory_space<vmem>> -> memref<1x128xi32, #tpu.memory_space<vmem>>
      %dma_wait3A_107 = tpu.memref_squeeze %dma_wait3A_106 : memref<1x128xi32, #tpu.memory_space<vmem>> -> memref<128xi32, #tpu.memory_space<vmem>>
      %dma_wait3A_108 = arith.constant 0 : i32
      %dma_wait3A_109 = arith.constant 0 : i32
      %dma_wait3A_110 = tpu.memref_slice %arg2[%dma_wait3A_108, %dma_wait3A_109] : memref<10000x128xf32, #tpu.memory_space<hbm>> -> memref<10000x128xf32, #tpu.memory_space<hbm>>
      tpu.wait_indirect_dma semaphore(%arg16 : memref<!tpu.dma_semaphore, #tpu.memory_space<semaphore_mem>>) src(%dma_wait3A_110 : memref<10000x128xf32, #tpu.memory_space<hbm>>) dst(%arg14 : memref<128x128xf32, #tpu.memory_space<vmem>>)
      %get3A_111 = arith.constant 23 : i32
      %get3A_112 = arith.index_cast %get3A_111 : i32 to index
      %get3A_113 = arith.constant 0 : index
      %get3A_114 = tpu.vector_load %arg12[%get3A_112, %get3A_113] {strides = array<i32>} : memref<24x128xi32, #tpu.memory_space<vmem>>, vector<16xi32>,
      %broadcast_in_dim3A_115 = arith.constant true
      %broadcast_in_dim3A_116 = vector.broadcast %broadcast_in_dim3A_115 : i1 to vector<16xi1>
      %unique3A_117, %unique3A_118 = tpu.scan_count mask(%broadcast_in_dim3A_116 : vector<16xi1>) value(%get3A_114 : vector<16xi32>) : vector<16xi1>, vector<16xi32>
      tpu.vector_store_idx %arg10[%get3A_114], %unique3A_118 masked %unique3A_117 {add = true} : memref<10112xi32, #tpu.memory_space<vmem>>[vector<16xi32>], vector<16xi32>, vector<16xi1>
      %get3A_119 = arith.constant 23 : i32
      %get3A_120 = arith.index_cast %get3A_119 : i32 to index
      %get3A_121 = arith.constant 16 : index
      %get3A_122 = tpu.vector_load %arg12[%get3A_120, %get3A_121] {strides = array<i32>} : memref<24x128xi32, #tpu.memory_space<vmem>>, vector<16xi32>,
      %broadcast_in_dim3A_123 = arith.constant true
      %broadcast_in_dim3A_124 = vector.broadcast %broadcast_in_dim3A_123 : i1 to vector<16xi1>
      %unique3A_125, %unique3A_126 = tpu.scan_count mask(%broadcast_in_dim3A_124 : vector<16xi1>) value(%get3A_122 : vector<16xi32>) : vector<16xi1>, vector<16xi32>
      tpu.vector_store_idx %arg10[%get3A_122], %unique3A_126 masked %unique3A_125 {add = true} : memref<10112xi32, #tpu.memory_space<vmem>>[vector<16xi32>], vector<16xi32>, vector<16xi1>
      %get3A_127 = arith.constant 23 : i32
      %get3A_128 = arith.index_cast %get3A_127 : i32 to index
      %get3A_129 = arith.constant 32 : index
      %get3A_130 = tpu.vector_load %arg12[%get3A_128, %get3A_129] {strides = array<i32>} : memref<24x128xi32, #tpu.memory_space<vmem>>, vector<16xi32>,
      %broadcast_in_dim3A_131 = arith.constant true
      %broadcast_in_dim3A_132 = vector.broadcast %broadcast_in_dim3A_131 : i1 to vector<16xi1>
      %unique3A_133, %unique3A_134 = tpu.scan_count mask(%broadcast_in_dim3A_132 : vector<16xi1>) value(%get3A_130 : vector<16xi32>) : vector<16xi1>, vector<16xi32>
      tpu.vector_store_idx %arg10[%get3A_130], %unique3A_134 masked %unique3A_133 {add = true} : memref<10112xi32, #tpu.memory_space<vmem>>[vector<16xi32>], vector<16xi32>, vector<16xi1>
      %get3A_135 = arith.constant 23 : i32
      %get3A_136 = arith.index_cast %get3A_135 : i32 to index
      %get3A_137 = arith.constant 48 : index
      %get3A_138 = tpu.vector_load %arg12[%get3A_136, %get3A_137] {strides = array<i32>} : memref<24x128xi32, #tpu.memory_space<vmem>>, vector<16xi32>,
      %broadcast_in_dim3A_139 = arith.constant true
      %broadcast_in_dim3A_140 = vector.broadcast %broadcast_in_dim3A_139 : i1 to vector<16xi1>
      %unique3A_141, %unique3A_142 = tpu.scan_count mask(%broadcast_in_dim3A_140 : vector<16xi1>) value(%get3A_138 : vector<16xi32>) : vector<16xi1>, vector<16xi32>
      tpu.vector_store_idx %arg10[%get3A_138], %unique3A_142 masked %unique3A_141 {add = true} : memref<10112xi32, #tpu.memory_space<vmem>>[vector<16xi32>], vector<16xi32>, vector<16xi1>
      %get3A_143 = arith.constant 23 : i32
      %get3A_144 = arith.index_cast %get3A_143 : i32 to index
      %get3A_145 = arith.constant 64 : index
      %get3A_146 = tpu.vector_load %arg12[%get3A_144, %get3A_145] {strides = array<i32>} : memref<24x128xi32, #tpu.memory_space<vmem>>, vector<16xi32>,
      %broadcast_in_dim3A_147 = arith.constant true
      %broadcast_in_dim3A_148 = vector.broadcast %broadcast_in_dim3A_147 : i1 to vector<16xi1>
      %unique3A_149, %unique3A_150 = tpu.scan_count mask(%broadcast_in_dim3A_148 : vector<16xi1>) value(%get3A_146 : vector<16xi32>) : vector<16xi1>, vector<16xi32>
      tpu.vector_store_idx %arg10[%get3A_146], %unique3A_150 masked %unique3A_149 {add = true} : memref<10112xi32, #tpu.memory_space<vmem>>[vector<16xi32>], vector<16xi32>, vector<16xi1>
      %get3A_151 = arith.constant 23 : i32
      %get3A_152 = arith.index_cast %get3A_151 : i32 to index
      %get3A_153 = arith.constant 80 : index
      %get3A_154 = tpu.vector_load %arg12[%get3A_152, %get3A_153] {strides = array<i32>} : memref<24x128xi32, #tpu.memory_space<vmem>>, vector<16xi32>,
      %broadcast_in_dim3A_155 = arith.constant true
      %broadcast_in_dim3A_156 = vector.broadcast %broadcast_in_dim3A_155 : i1 to vector<16xi1>
      %unique3A_157, %unique3A_158 = tpu.scan_count mask(%broadcast_in_dim3A_156 : vector<16xi1>) value(%get3A_154 : vector<16xi32>) : vector<16xi1>, vector<16xi32>
      tpu.vector_store_idx %arg10[%get3A_154], %unique3A_158 masked %unique3A_157 {add = true} : memref<10112xi32, #tpu.memory_space<vmem>>[vector<16xi32>], vector<16xi32>, vector<16xi1>
      %get3A_159 = arith.constant 23 : i32
      %get3A_160 = arith.index_cast %get3A_159 : i32 to index
      %get3A_161 = arith.constant 96 : index
      %get3A_162 = tpu.vector_load %arg12[%get3A_160, %get3A_161] {strides = array<i32>} : memref<24x128xi32, #tpu.memory_space<vmem>>, vector<16xi32>,
      %broadcast_in_dim3A_163 = arith.constant true
      %broadcast_in_dim3A_164 = vector.broadcast %broadcast_in_dim3A_163 : i1 to vector<16xi1>
      %unique3A_165, %unique3A_166 = tpu.scan_count mask(%broadcast_in_dim3A_164 : vector<16xi1>) value(%get3A_162 : vector<16xi32>) : vector<16xi1>, vector<16xi32>
      tpu.vector_store_idx %arg10[%get3A_162], %unique3A_166 masked %unique3A_165 {add = true} : memref<10112xi32, #tpu.memory_space<vmem>>[vector<16xi32>], vector<16xi32>, vector<16xi1>
      %get3A_167 = arith.constant 23 : i32
      %get3A_168 = arith.index_cast %get3A_167 : i32 to index
      %get3A_169 = arith.constant 112 : index
      %get3A_170 = tpu.vector_load %arg12[%get3A_168, %get3A_169] {strides = array<i32>} : memref<24x128xi32, #tpu.memory_space<vmem>>, vector<16xi32>,
      %broadcast_in_dim3A_171 = arith.constant true
      %broadcast_in_dim3A_172 = vector.broadcast %broadcast_in_dim3A_171 : i1 to vector<16xi1>
      %unique3A_173, %unique3A_174 = tpu.scan_count mask(%broadcast_in_dim3A_172 : vector<16xi1>) value(%get3A_170 : vector<16xi32>) : vector<16xi1>, vector<16xi32>
      tpu.vector_store_idx %arg10[%get3A_170], %unique3A_174 masked %unique3A_173 {add = true} : memref<10112xi32, #tpu.memory_space<vmem>>[vector<16xi32>], vector<16xi32>, vector<16xi1>
      %dma_start3A_175 = arith.constant 23 : i32
      %dma_start3A_176 = arith.constant 0 : i32
      %dma_start3A_177 = tpu.memref_slice %arg12[%dma_start3A_175, %dma_start3A_176] : memref<24x128xi32, #tpu.memory_space<vmem>> -> memref<1x128xi32, #tpu.memory_space<vmem>>
      %dma_start3A_178 = tpu.memref_squeeze %dma_start3A_177 : memref<1x128xi32, #tpu.memory_space<vmem>> -> memref<128xi32, #tpu.memory_space<vmem>>
      %dma_start3A_179 = arith.constant 0 : i32
      %dma_start3A_180 = arith.constant 0 : i32
      %dma_start3A_181 = tpu.memref_slice %arg9[%dma_start3A_179, %dma_start3A_180] : memref<10112x128xf32, #tpu.memory_space<vmem_shared>> -> memref<10112x128xf32, #tpu.memory_space<vmem_shared>>
      tpu.enqueue_indirect_dma source(%arg14 : memref<128x128xf32, #tpu.memory_space<vmem>>) target(%dma_start3A_181 : memref<10112x128xf32, #tpu.memory_space<vmem_shared>>) offsets(%dma_start3A_178 : memref<128xi32, #tpu.memory_space<vmem>>) semaphore(%arg18 : memref<!tpu.dma_semaphore, #tpu.memory_space<semaphore_mem>>) {add = true}
      %dma_wait3A_182 = arith.constant 22 : i32
      %dma_wait3A_183 = arith.constant 0 : i32
      %dma_wait3A_184 = tpu.memref_slice %arg12[%dma_wait3A_182, %dma_wait3A_183] : memref<24x128xi32, #tpu.memory_space<vmem>> -> memref<1x128xi32, #tpu.memory_space<vmem>>
      %dma_wait3A_185 = tpu.memref_squeeze %dma_wait3A_184 : memref<1x128xi32, #tpu.memory_space<vmem>> -> memref<128xi32, #tpu.memory_space<vmem>>
      %dma_wait3A_186 = arith.constant 0 : i32
      %dma_wait3A_187 = arith.constant 0 : i32
      %dma_wait3A_188 = tpu.memref_slice %arg9[%dma_wait3A_186, %dma_wait3A_187] : memref<10112x128xf32, #tpu.memory_space<vmem_shared>> -> memref<10112x128xf32, #tpu.memory_space<vmem_shared>>
      tpu.wait_indirect_dma semaphore(%arg17 : memref<!tpu.dma_semaphore, #tpu.memory_space<semaphore_mem>>) src(%arg13 : memref<128x128xf32, #tpu.memory_space<vmem>>) dst(%dma_wait3A_188 : memref<10112x128xf32, #tpu.memory_space<vmem_shared>>)
      %dma_wait3A_189 = arith.constant 23 : i32
      %dma_wait3A_190 = arith.constant 0 : i32
      %dma_wait3A_191 = tpu.memref_slice %arg12[%dma_wait3A_189, %dma_wait3A_190] : memref<24x128xi32, #tpu.memory_space<vmem>> -> memref<1x128xi32, #tpu.memory_space<vmem>>
      %dma_wait3A_192 = tpu.memref_squeeze %dma_wait3A_191 : memref<1x128xi32, #tpu.memory_space<vmem>> -> memref<128xi32, #tpu.memory_space<vmem>>
      %dma_wait3A_193 = arith.constant 0 : i32
      %dma_wait3A_194 = arith.constant 0 : i32
      %dma_wait3A_195 = tpu.memref_slice %arg9[%dma_wait3A_193, %dma_wait3A_194] : memref<10112x128xf32, #tpu.memory_space<vmem_shared>> -> memref<10112x128xf32, #tpu.memory_space<vmem_shared>>
      tpu.wait_indirect_dma semaphore(%arg18 : memref<!tpu.dma_semaphore, #tpu.memory_space<semaphore_mem>>) src(%arg14 : memref<128x128xf32, #tpu.memory_space<vmem>>) dst(%dma_wait3A_195 : memref<10112x128xf32, #tpu.memory_space<vmem_shared>>)
      %add3A_196 = arith.constant 24 : i32
      %add3A_197 = arith.addi %mul3A_10, %add3A_196 : i32
      "tpu.region"() ({
        %run_scoped3A = tpu.sem_alloc : memref<!tpu.dma_semaphore, #tpu.memory_space<semaphore_mem>>
        %dma_start3A_1156 = arith.constant 0 : i32
        %dma_start3A_1157 = arith.constant 0 : i32
        %dma_start3A_1158 = tpu.memref_slice %arg11[%dma_start3A_1156, %dma_start3A_1157] : memref<24x128xi32, #tpu.memory_space<vmem>> -> memref<24x128xi32, #tpu.memory_space<vmem>>
        %dma_start3A_1159 = arith.constant 0 : i32
        %dma_start3A_1160 = tpu.memref_slice %arg3[%add3A_197, %dma_start3A_1159] : memref<2560x128xi32, #tpu.memory_space<hbm>> -> memref<24x128xi32, #tpu.memory_space<hbm>>
        %dma_start3A_1161 = arith.constant 0 : i32
        %dma_start3A_1162 = arith.constant 0 : i32
        %dma_start3A_1163 = tpu.memref_slice %arg11[%dma_start3A_1161, %dma_start3A_1162] : memref<24x128xi32, #tpu.memory_space<vmem>> -> memref<24x128xi32, #tpu.memory_space<vmem>>
        %dma_start3A_1164 = arith.constant 0 : i32
        %dma_start3A_1165 = tpu.memref_slice %arg3[%add3A_197, %dma_start3A_1164] : memref<2560x128xi32, #tpu.memory_space<hbm>> -> memref<24x128xi32, #tpu.memory_space<hbm>>
        tpu.enqueue_dma source(%dma_start3A_1165 : memref<24x128xi32, #tpu.memory_space<hbm>>) target(%dma_start3A_1163 : memref<24x128xi32, #tpu.memory_space<vmem>>) target_semaphore(%run_scoped3A : memref<!tpu.dma_semaphore, #tpu.memory_space<semaphore_mem>>)
        %dma_wait3A_1166 = arith.constant 0 : i32
        %dma_wait3A_1167 = arith.constant 0 : i32
        %dma_wait3A_1168 = tpu.memref_slice %arg11[%dma_wait3A_1166, %dma_wait3A_1167] : memref<24x128xi32, #tpu.memory_space<vmem>> -> memref<24x128xi32, #tpu.memory_space<vmem>>
        %dma_wait3A_1169 = arith.constant 0 : i32
        %dma_wait3A_1170 = tpu.memref_slice %arg3[%add3A_197, %dma_wait3A_1169] : memref<2560x128xi32, #tpu.memory_space<hbm>> -> memref<24x128xi32, #tpu.memory_space<hbm>>
        %dma_wait3A_1171 = arith.constant 0 : i32
        %dma_wait3A_1172 = arith.constant 0 : i32
        %dma_wait3A_1173 = tpu.memref_slice %arg11[%dma_wait3A_1171, %dma_wait3A_1172] : memref<24x128xi32, #tpu.memory_space<vmem>> -> memref<24x128xi32, #tpu.memory_space<vmem>>
        %dma_wait3A_1174 = arith.constant 0 : i32
        %dma_wait3A_1175 = tpu.memref_slice %arg3[%add3A_197, %dma_wait3A_1174] : memref<2560x128xi32, #tpu.memory_space<hbm>> -> memref<24x128xi32, #tpu.memory_space<hbm>>
        tpu.wait_dma2 semaphore(%run_scoped3A : memref<!tpu.dma_semaphore, #tpu.memory_space<semaphore_mem>>) src(%dma_wait3A_1175 : memref<24x128xi32, #tpu.memory_space<hbm>>) dst(%dma_wait3A_1173 : memref<24x128xi32, #tpu.memory_space<vmem>>)
        tpu.yield
      }) : () -> ()
      "tpu.region"() ({
        %run_scoped3A = tpu.sem_alloc : memref<!tpu.dma_semaphore, #tpu.memory_space<semaphore_mem>>
        %dma_start3A_1156 = arith.constant 0 : i32
        %dma_start3A_1157 = arith.constant 0 : i32
        %dma_start3A_1158 = tpu.memref_slice %arg12[%dma_start3A_1156, %dma_start3A_1157] : memref<24x128xi32, #tpu.memory_space<vmem>> -> memref<24x128xi32, #tpu.memory_space<vmem>>
        %dma_start3A_1159 = arith.constant 0 : i32
        %dma_start3A_1160 = tpu.memref_slice %arg4[%add3A_197, %dma_start3A_1159] : memref<2560x128xi32, #tpu.memory_space<hbm>> -> memref<24x128xi32, #tpu.memory_space<hbm>>
        %dma_start3A_1161 = arith.constant 0 : i32
        %dma_start3A_1162 = arith.constant 0 : i32
        %dma_start3A_1163 = tpu.memref_slice %arg12[%dma_start3A_1161, %dma_start3A_1162] : memref<24x128xi32, #tpu.memory_space<vmem>> -> memref<24x128xi32, #tpu.memory_space<vmem>>
        %dma_start3A_1164 = arith.constant 0 : i32
        %dma_start3A_1165 = tpu.memref_slice %arg4[%add3A_197, %dma_start3A_1164] : memref<2560x128xi32, #tpu.memory_space<hbm>> -> memref<24x128xi32, #tpu.memory_space<hbm>>
        tpu.enqueue_dma source(%dma_start3A_1165 : memref<24x128xi32, #tpu.memory_space<hbm>>) target(%dma_start3A_1163 : memref<24x128xi32, #tpu.memory_space<vmem>>) target_semaphore(%run_scoped3A : memref<!tpu.dma_semaphore, #tpu.memory_space<semaphore_mem>>)
        %dma_wait3A_1166 = arith.constant 0 : i32
        %dma_wait3A_1167 = arith.constant 0 : i32
        %dma_wait3A_1168 = tpu.memref_slice %arg12[%dma_wait3A_1166, %dma_wait3A_1167] : memref<24x128xi32, #tpu.memory_space<vmem>> -> memref<24x128xi32, #tpu.memory_space<vmem>>
        %dma_wait3A_1169 = arith.constant 0 : i32
        %dma_wait3A_1170 = tpu.memref_slice %arg4[%add3A_197, %dma_wait3A_1169] : memref<2560x128xi32, #tpu.memory_space<hbm>> -> memref<24x128xi32, #tpu.memory_space<hbm>>
        %dma_wait3A_1171 = arith.constant 0 : i32
        %dma_wait3A_1172 = arith.constant 0 : i32
        %dma_wait3A_1173 = tpu.memref_slice %arg12[%dma_wait3A_1171, %dma_wait3A_1172] : memref<24x128xi32, #tpu.memory_space<vmem>> -> memref<24x128xi32, #tpu.memory_space<vmem>>
        %dma_wait3A_1174 = arith.constant 0 : i32
        %dma_wait3A_1175 = tpu.memref_slice %arg4[%add3A_197, %dma_wait3A_1174] : memref<2560x128xi32, #tpu.memory_space<hbm>> -> memref<24x128xi32, #tpu.memory_space<hbm>>
        tpu.wait_dma2 semaphore(%run_scoped3A : memref<!tpu.dma_semaphore, #tpu.memory_space<semaphore_mem>>) src(%dma_wait3A_1175 : memref<24x128xi32, #tpu.memory_space<hbm>>) dst(%dma_wait3A_1173 : memref<24x128xi32, #tpu.memory_space<vmem>>)
        tpu.yield
      }) : () -> ()
      %dma_start3A_198 = arith.constant 0 : i32
      %dma_start3A_199 = arith.constant 0 : i32
      %dma_start3A_200 = tpu.memref_slice %arg11[%dma_start3A_198, %dma_start3A_199] : memref<24x128xi32, #tpu.memory_space<vmem>> -> memref<1x128xi32, #tpu.memory_space<vmem>>
      %dma_start3A_201 = tpu.memref_squeeze %dma_start3A_200 : memref<1x128xi32, #tpu.memory_space<vmem>> -> memref<128xi32, #tpu.memory_space<vmem>>
      %dma_start3A_202 = arith.constant 0 : i32
      %dma_start3A_203 = arith.constant 0 : i32
      %dma_start3A_204 = tpu.memref_slice %arg2[%dma_start3A_202, %dma_start3A_203] : memref<10000x128xf32, #tpu.memory_space<hbm>> -> memref<10000x128xf32, #tpu.memory_space<hbm>>
      tpu.enqueue_indirect_dma source(%dma_start3A_204 : memref<10000x128xf32, #tpu.memory_space<hbm>>) target(%arg13 : memref<128x128xf32, #tpu.memory_space<vmem>>) offsets(%dma_start3A_201 : memref<128xi32, #tpu.memory_space<vmem>>) semaphore(%arg15 : memref<!tpu.dma_semaphore, #tpu.memory_space<semaphore_mem>>)
      %dma_start3A_205 = arith.constant 1 : i32
      %dma_start3A_206 = arith.constant 0 : i32
      %dma_start3A_207 = tpu.memref_slice %arg11[%dma_start3A_205, %dma_start3A_206] : memref<24x128xi32, #tpu.memory_space<vmem>> -> memref<1x128xi32, #tpu.memory_space<vmem>>
      %dma_start3A_208 = tpu.memref_squeeze %dma_start3A_207 : memref<1x128xi32, #tpu.memory_space<vmem>> -> memref<128xi32, #tpu.memory_space<vmem>>
      %dma_start3A_209 = arith.constant 0 : i32
      %dma_start3A_210 = arith.constant 0 : i32
      %dma_start3A_211 = tpu.memref_slice %arg2[%dma_start3A_209, %dma_start3A_210] : memref<10000x128xf32, #tpu.memory_space<hbm>> -> memref<10000x128xf32, #tpu.memory_space<hbm>>
      tpu.enqueue_indirect_dma source(%dma_start3A_211 : memref<10000x128xf32, #tpu.memory_space<hbm>>) target(%arg14 : memref<128x128xf32, #tpu.memory_space<vmem>>) offsets(%dma_start3A_208 : memref<128xi32, #tpu.memory_space<vmem>>) semaphore(%arg16 : memref<!tpu.dma_semaphore, #tpu.memory_space<semaphore_mem>>)
      %scan3A_212 = arith.constant 0 : i32
      %scan3A_213 = arith.constant 0 : i32
      %scan3A_214 = arith.constant 11 : i32
      %scan3A_215 = arith.addi %scan3A_213, %scan3A_214 : i32
      %scan3A_216 = arith.constant 1 : i32
      scf.for %scan3A_1156 = %scan3A_213 to %scan3A_215 step %scan3A_216  : i32 {
        %mul3A_1157 = arith.constant 2 : i32
        %mul3A_1158 = arith.muli %mul3A_1157, %scan3A_1156 : i32
        %dma_wait3A_1159 = arith.constant 0 : i32
        %dma_wait3A_1160 = tpu.memref_slice %arg11[%mul3A_1158, %dma_wait3A_1159] : memref<24x128xi32, #tpu.memory_space<vmem>> -> memref<1x128xi32, #tpu.memory_space<vmem>>
        %dma_wait3A_1161 = tpu.memref_squeeze %dma_wait3A_1160 : memref<1x128xi32, #tpu.memory_space<vmem>> -> memref<128xi32, #tpu.memory_space<vmem>>
        %dma_wait3A_1162 = arith.constant 0 : i32
        %dma_wait3A_1163 = arith.constant 0 : i32
        %dma_wait3A_1164 = tpu.memref_slice %arg2[%dma_wait3A_1162, %dma_wait3A_1163] : memref<10000x128xf32, #tpu.memory_space<hbm>> -> memref<10000x128xf32, #tpu.memory_space<hbm>>
        tpu.wait_indirect_dma semaphore(%arg15 : memref<!tpu.dma_semaphore, #tpu.memory_space<semaphore_mem>>) src(%dma_wait3A_1164 : memref<10000x128xf32, #tpu.memory_space<hbm>>) dst(%arg13 : memref<128x128xf32, #tpu.memory_space<vmem>>)
        %get3A_1165 = arith.index_cast %mul3A_1158 : i32 to index
        %get3A_1166 = arith.constant 0 : index
        %get3A_1167 = tpu.vector_load %arg12[%get3A_1165, %get3A_1166] {strides = array<i32>} : memref<24x128xi32, #tpu.memory_space<vmem>>, vector<16xi32>,
        %broadcast_in_dim3A_1168 = arith.constant true
        %broadcast_in_dim3A_1169 = vector.broadcast %broadcast_in_dim3A_1168 : i1 to vector<16xi1>
        %unique3A_1170, %unique3A_1171 = tpu.scan_count mask(%broadcast_in_dim3A_1169 : vector<16xi1>) value(%get3A_1167 : vector<16xi32>) : vector<16xi1>, vector<16xi32>
        tpu.vector_store_idx %arg10[%get3A_1167], %unique3A_1171 masked %unique3A_1170 {add = true} : memref<10112xi32, #tpu.memory_space<vmem>>[vector<16xi32>], vector<16xi32>, vector<16xi1>
        %get3A_1172 = arith.index_cast %mul3A_1158 : i32 to index
        %get3A_1173 = arith.constant 16 : index
        %get3A_1174 = tpu.vector_load %arg12[%get3A_1172, %get3A_1173] {strides = array<i32>} : memref<24x128xi32, #tpu.memory_space<vmem>>, vector<16xi32>,
        %broadcast_in_dim3A_1175 = arith.constant true
        %broadcast_in_dim3A_1176 = vector.broadcast %broadcast_in_dim3A_1175 : i1 to vector<16xi1>
        %unique3A_1177, %unique3A_1178 = tpu.scan_count mask(%broadcast_in_dim3A_1176 : vector<16xi1>) value(%get3A_1174 : vector<16xi32>) : vector<16xi1>, vector<16xi32>
        tpu.vector_store_idx %arg10[%get3A_1174], %unique3A_1178 masked %unique3A_1177 {add = true} : memref<10112xi32, #tpu.memory_space<vmem>>[vector<16xi32>], vector<16xi32>, vector<16xi1>
        %get3A_1179 = arith.index_cast %mul3A_1158 : i32 to index
        %get3A_1180 = arith.constant 32 : index
        %get3A_1181 = tpu.vector_load %arg12[%get3A_1179, %get3A_1180] {strides = array<i32>} : memref<24x128xi32, #tpu.memory_space<vmem>>, vector<16xi32>,
        %broadcast_in_dim3A_1182 = arith.constant true
        %broadcast_in_dim3A_1183 = vector.broadcast %broadcast_in_dim3A_1182 : i1 to vector<16xi1>
        %unique3A_1184, %unique3A_1185 = tpu.scan_count mask(%broadcast_in_dim3A_1183 : vector<16xi1>) value(%get3A_1181 : vector<16xi32>) : vector<16xi1>, vector<16xi32>
        tpu.vector_store_idx %arg10[%get3A_1181], %unique3A_1185 masked %unique3A_1184 {add = true} : memref<10112xi32, #tpu.memory_space<vmem>>[vector<16xi32>], vector<16xi32>, vector<16xi1>
        %get3A_1186 = arith.index_cast %mul3A_1158 : i32 to index
        %get3A_1187 = arith.constant 48 : index
        %get3A_1188 = tpu.vector_load %arg12[%get3A_1186, %get3A_1187] {strides = array<i32>} : memref<24x128xi32, #tpu.memory_space<vmem>>, vector<16xi32>,
        %broadcast_in_dim3A_1189 = arith.constant true
        %broadcast_in_dim3A_1190 = vector.broadcast %broadcast_in_dim3A_1189 : i1 to vector<16xi1>
        %unique3A_1191, %unique3A_1192 = tpu.scan_count mask(%broadcast_in_dim3A_1190 : vector<16xi1>) value(%get3A_1188 : vector<16xi32>) : vector<16xi1>, vector<16xi32>
        tpu.vector_store_idx %arg10[%get3A_1188], %unique3A_1192 masked %unique3A_1191 {add = true} : memref<10112xi32, #tpu.memory_space<vmem>>[vector<16xi32>], vector<16xi32>, vector<16xi1>
        %get3A_1193 = arith.index_cast %mul3A_1158 : i32 to index
        %get3A_1194 = arith.constant 64 : index
        %get3A_1195 = tpu.vector_load %arg12[%get3A_1193, %get3A_1194] {strides = array<i32>} : memref<24x128xi32, #tpu.memory_space<vmem>>, vector<16xi32>,
        %broadcast_in_dim3A_1196 = arith.constant true
        %broadcast_in_dim3A_1197 = vector.broadcast %broadcast_in_dim3A_1196 : i1 to vector<16xi1>
        %unique3A_1198, %unique3A_1199 = tpu.scan_count mask(%broadcast_in_dim3A_1197 : vector<16xi1>) value(%get3A_1195 : vector<16xi32>) : vector<16xi1>, vector<16xi32>
        tpu.vector_store_idx %arg10[%get3A_1195], %unique3A_1199 masked %unique3A_1198 {add = true} : memref<10112xi32, #tpu.memory_space<vmem>>[vector<16xi32>], vector<16xi32>, vector<16xi1>
        %get3A_1200 = arith.index_cast %mul3A_1158 : i32 to index
        %get3A_1201 = arith.constant 80 : index
        %get3A_1202 = tpu.vector_load %arg12[%get3A_1200, %get3A_1201] {strides = array<i32>} : memref<24x128xi32, #tpu.memory_space<vmem>>, vector<16xi32>,
        %broadcast_in_dim3A_1203 = arith.constant true
        %broadcast_in_dim3A_1204 = vector.broadcast %broadcast_in_dim3A_1203 : i1 to vector<16xi1>
        %unique3A_1205, %unique3A_1206 = tpu.scan_count mask(%broadcast_in_dim3A_1204 : vector<16xi1>) value(%get3A_1202 : vector<16xi32>) : vector<16xi1>, vector<16xi32>
        tpu.vector_store_idx %arg10[%get3A_1202], %unique3A_1206 masked %unique3A_1205 {add = true} : memref<10112xi32, #tpu.memory_space<vmem>>[vector<16xi32>], vector<16xi32>, vector<16xi1>
        %get3A_1207 = arith.index_cast %mul3A_1158 : i32 to index
        %get3A_1208 = arith.constant 96 : index
        %get3A_1209 = tpu.vector_load %arg12[%get3A_1207, %get3A_1208] {strides = array<i32>} : memref<24x128xi32, #tpu.memory_space<vmem>>, vector<16xi32>,
        %broadcast_in_dim3A_1210 = arith.constant true
        %broadcast_in_dim3A_1211 = vector.broadcast %broadcast_in_dim3A_1210 : i1 to vector<16xi1>
        %unique3A_1212, %unique3A_1213 = tpu.scan_count mask(%broadcast_in_dim3A_1211 : vector<16xi1>) value(%get3A_1209 : vector<16xi32>) : vector<16xi1>, vector<16xi32>
        tpu.vector_store_idx %arg10[%get3A_1209], %unique3A_1213 masked %unique3A_1212 {add = true} : memref<10112xi32, #tpu.memory_space<vmem>>[vector<16xi32>], vector<16xi32>, vector<16xi1>
        %get3A_1214 = arith.index_cast %mul3A_1158 : i32 to index
        %get3A_1215 = arith.constant 112 : index
        %get3A_1216 = tpu.vector_load %arg12[%get3A_1214, %get3A_1215] {strides = array<i32>} : memref<24x128xi32, #tpu.memory_space<vmem>>, vector<16xi32>,
        %broadcast_in_dim3A_1217 = arith.constant true
        %broadcast_in_dim3A_1218 = vector.broadcast %broadcast_in_dim3A_1217 : i1 to vector<16xi1>
        %unique3A_1219, %unique3A_1220 = tpu.scan_count mask(%broadcast_in_dim3A_1218 : vector<16xi1>) value(%get3A_1216 : vector<16xi32>) : vector<16xi1>, vector<16xi32>
        tpu.vector_store_idx %arg10[%get3A_1216], %unique3A_1220 masked %unique3A_1219 {add = true} : memref<10112xi32, #tpu.memory_space<vmem>>[vector<16xi32>], vector<16xi32>, vector<16xi1>
        %dma_start3A_1221 = arith.constant 0 : i32
        %dma_start3A_1222 = tpu.memref_slice %arg12[%mul3A_1158, %dma_start3A_1221] : memref<24x128xi32, #tpu.memory_space<vmem>> -> memref<1x128xi32, #tpu.memory_space<vmem>>
        %dma_start3A_1223 = tpu.memref_squeeze %dma_start3A_1222 : memref<1x128xi32, #tpu.memory_space<vmem>> -> memref<128xi32, #tpu.memory_space<vmem>>
        %dma_start3A_1224 = arith.constant 0 : i32
        %dma_start3A_1225 = arith.constant 0 : i32
        %dma_start3A_1226 = tpu.memref_slice %arg9[%dma_start3A_1224, %dma_start3A_1225] : memref<10112x128xf32, #tpu.memory_space<vmem_shared>> -> memref<10112x128xf32, #tpu.memory_space<vmem_shared>>
        tpu.enqueue_indirect_dma source(%arg13 : memref<128x128xf32, #tpu.memory_space<vmem>>) target(%dma_start3A_1226 : memref<10112x128xf32, #tpu.memory_space<vmem_shared>>) offsets(%dma_start3A_1223 : memref<128xi32, #tpu.memory_space<vmem>>) semaphore(%arg17 : memref<!tpu.dma_semaphore, #tpu.memory_space<semaphore_mem>>) {add = true}
        %add3A_1227 = arith.constant 1 : i32
        %add3A_1228 = arith.addi %mul3A_1158, %add3A_1227 : i32
        %dma_wait3A_1229 = arith.constant 0 : i32
        %dma_wait3A_1230 = tpu.memref_slice %arg11[%add3A_1228, %dma_wait3A_1229] : memref<24x128xi32, #tpu.memory_space<vmem>> -> memref<1x128xi32, #tpu.memory_space<vmem>>
        %dma_wait3A_1231 = tpu.memref_squeeze %dma_wait3A_1230 : memref<1x128xi32, #tpu.memory_space<vmem>> -> memref<128xi32, #tpu.memory_space<vmem>>
        %dma_wait3A_1232 = arith.constant 0 : i32
        %dma_wait3A_1233 = arith.constant 0 : i32
        %dma_wait3A_1234 = tpu.memref_slice %arg2[%dma_wait3A_1232, %dma_wait3A_1233] : memref<10000x128xf32, #tpu.memory_space<hbm>> -> memref<10000x128xf32, #tpu.memory_space<hbm>>
        tpu.wait_indirect_dma semaphore(%arg16 : memref<!tpu.dma_semaphore, #tpu.memory_space<semaphore_mem>>) src(%dma_wait3A_1234 : memref<10000x128xf32, #tpu.memory_space<hbm>>) dst(%arg14 : memref<128x128xf32, #tpu.memory_space<vmem>>)
        %add3A_1235 = arith.constant 1 : i32
        %add3A_1236 = arith.addi %mul3A_1158, %add3A_1235 : i32
        %get3A_1237 = arith.index_cast %add3A_1236 : i32 to index
        %get3A_1238 = arith.constant 0 : index
        %get3A_1239 = tpu.vector_load %arg12[%get3A_1237, %get3A_1238] {strides = array<i32>} : memref<24x128xi32, #tpu.memory_space<vmem>>, vector<16xi32>,
        %broadcast_in_dim3A_1240 = arith.constant true
        %broadcast_in_dim3A_1241 = vector.broadcast %broadcast_in_dim3A_1240 : i1 to vector<16xi1>
        %unique3A_1242, %unique3A_1243 = tpu.scan_count mask(%broadcast_in_dim3A_1241 : vector<16xi1>) value(%get3A_1239 : vector<16xi32>) : vector<16xi1>, vector<16xi32>
        tpu.vector_store_idx %arg10[%get3A_1239], %unique3A_1243 masked %unique3A_1242 {add = true} : memref<10112xi32, #tpu.memory_space<vmem>>[vector<16xi32>], vector<16xi32>, vector<16xi1>
        %get3A_1244 = arith.index_cast %add3A_1236 : i32 to index
        %get3A_1245 = arith.constant 16 : index
        %get3A_1246 = tpu.vector_load %arg12[%get3A_1244, %get3A_1245] {strides = array<i32>} : memref<24x128xi32, #tpu.memory_space<vmem>>, vector<16xi32>,
        %broadcast_in_dim3A_1247 = arith.constant true
        %broadcast_in_dim3A_1248 = vector.broadcast %broadcast_in_dim3A_1247 : i1 to vector<16xi1>
        %unique3A_1249, %unique3A_1250 = tpu.scan_count mask(%broadcast_in_dim3A_1248 : vector<16xi1>) value(%get3A_1246 : vector<16xi32>) : vector<16xi1>, vector<16xi32>
        tpu.vector_store_idx %arg10[%get3A_1246], %unique3A_1250 masked %unique3A_1249 {add = true} : memref<10112xi32, #tpu.memory_space<vmem>>[vector<16xi32>], vector<16xi32>, vector<16xi1>
        %get3A_1251 = arith.index_cast %add3A_1236 : i32 to index
        %get3A_1252 = arith.constant 32 : index
        %get3A_1253 = tpu.vector_load %arg12[%get3A_1251, %get3A_1252] {strides = array<i32>} : memref<24x128xi32, #tpu.memory_space<vmem>>, vector<16xi32>,
        %broadcast_in_dim3A_1254 = arith.constant true
        %broadcast_in_dim3A_1255 = vector.broadcast %broadcast_in_dim3A_1254 : i1 to vector<16xi1>
        %unique3A_1256, %unique3A_1257 = tpu.scan_count mask(%broadcast_in_dim3A_1255 : vector<16xi1>) value(%get3A_1253 : vector<16xi32>) : vector<16xi1>, vector<16xi32>
        tpu.vector_store_idx %arg10[%get3A_1253], %unique3A_1257 masked %unique3A_1256 {add = true} : memref<10112xi32, #tpu.memory_space<vmem>>[vector<16xi32>], vector<16xi32>, vector<16xi1>
        %get3A_1258 = arith.index_cast %add3A_1236 : i32 to index
        %get3A_1259 = arith.constant 48 : index
        %get3A_1260 = tpu.vector_load %arg12[%get3A_1258, %get3A_1259] {strides = array<i32>} : memref<24x128xi32, #tpu.memory_space<vmem>>, vector<16xi32>,
        %broadcast_in_dim3A_1261 = arith.constant true
        %broadcast_in_dim3A_1262 = vector.broadcast %broadcast_in_dim3A_1261 : i1 to vector<16xi1>
        %unique3A_1263, %unique3A_1264 = tpu.scan_count mask(%broadcast_in_dim3A_1262 : vector<16xi1>) value(%get3A_1260 : vector<16xi32>) : vector<16xi1>, vector<16xi32>
        tpu.vector_store_idx %arg10[%get3A_1260], %unique3A_1264 masked %unique3A_1263 {add = true} : memref<10112xi32, #tpu.memory_space<vmem>>[vector<16xi32>], vector<16xi32>, vector<16xi1>
        %get3A_1265 = arith.index_cast %add3A_1236 : i32 to index
        %get3A_1266 = arith.constant 64 : index
        %get3A_1267 = tpu.vector_load %arg12[%get3A_1265, %get3A_1266] {strides = array<i32>} : memref<24x128xi32, #tpu.memory_space<vmem>>, vector<16xi32>,
        %broadcast_in_dim3A_1268 = arith.constant true
        %broadcast_in_dim3A_1269 = vector.broadcast %broadcast_in_dim3A_1268 : i1 to vector<16xi1>
        %unique3A_1270, %unique3A_1271 = tpu.scan_count mask(%broadcast_in_dim3A_1269 : vector<16xi1>) value(%get3A_1267 : vector<16xi32>) : vector<16xi1>, vector<16xi32>
        tpu.vector_store_idx %arg10[%get3A_1267], %unique3A_1271 masked %unique3A_1270 {add = true} : memref<10112xi32, #tpu.memory_space<vmem>>[vector<16xi32>], vector<16xi32>, vector<16xi1>
        %get3A_1272 = arith.index_cast %add3A_1236 : i32 to index
        %get3A_1273 = arith.constant 80 : index
        %get3A_1274 = tpu.vector_load %arg12[%get3A_1272, %get3A_1273] {strides = array<i32>} : memref<24x128xi32, #tpu.memory_space<vmem>>, vector<16xi32>,
        %broadcast_in_dim3A_1275 = arith.constant true
        %broadcast_in_dim3A_1276 = vector.broadcast %broadcast_in_dim3A_1275 : i1 to vector<16xi1>
        %unique3A_1277, %unique3A_1278 = tpu.scan_count mask(%broadcast_in_dim3A_1276 : vector<16xi1>) value(%get3A_1274 : vector<16xi32>) : vector<16xi1>, vector<16xi32>
        tpu.vector_store_idx %arg10[%get3A_1274], %unique3A_1278 masked %unique3A_1277 {add = true} : memref<10112xi32, #tpu.memory_space<vmem>>[vector<16xi32>], vector<16xi32>, vector<16xi1>
        %get3A_1279 = arith.index_cast %add3A_1236 : i32 to index
        %get3A_1280 = arith.constant 96 : index
        %get3A_1281 = tpu.vector_load %arg12[%get3A_1279, %get3A_1280] {strides = array<i32>} : memref<24x128xi32, #tpu.memory_space<vmem>>, vector<16xi32>,
        %broadcast_in_dim3A_1282 = arith.constant true
        %broadcast_in_dim3A_1283 = vector.broadcast %broadcast_in_dim3A_1282 : i1 to vector<16xi1>
        %unique3A_1284, %unique3A_1285 = tpu.scan_count mask(%broadcast_in_dim3A_1283 : vector<16xi1>) value(%get3A_1281 : vector<16xi32>) : vector<16xi1>, vector<16xi32>
        tpu.vector_store_idx %arg10[%get3A_1281], %unique3A_1285 masked %unique3A_1284 {add = true} : memref<10112xi32, #tpu.memory_space<vmem>>[vector<16xi32>], vector<16xi32>, vector<16xi1>
        %get3A_1286 = arith.index_cast %add3A_1236 : i32 to index
        %get3A_1287 = arith.constant 112 : index
        %get3A_1288 = tpu.vector_load %arg12[%get3A_1286, %get3A_1287] {strides = array<i32>} : memref<24x128xi32, #tpu.memory_space<vmem>>, vector<16xi32>,
        %broadcast_in_dim3A_1289 = arith.constant true
        %broadcast_in_dim3A_1290 = vector.broadcast %broadcast_in_dim3A_1289 : i1 to vector<16xi1>
        %unique3A_1291, %unique3A_1292 = tpu.scan_count mask(%broadcast_in_dim3A_1290 : vector<16xi1>) value(%get3A_1288 : vector<16xi32>) : vector<16xi1>, vector<16xi32>
        tpu.vector_store_idx %arg10[%get3A_1288], %unique3A_1292 masked %unique3A_1291 {add = true} : memref<10112xi32, #tpu.memory_space<vmem>>[vector<16xi32>], vector<16xi32>, vector<16xi1>
        %add3A_1293 = arith.constant 1 : i32
        %add3A_1294 = arith.addi %mul3A_1158, %add3A_1293 : i32
        %dma_start3A_1295 = arith.constant 0 : i32
        %dma_start3A_1296 = tpu.memref_slice %arg12[%add3A_1294, %dma_start3A_1295] : memref<24x128xi32, #tpu.memory_space<vmem>> -> memref<1x128xi32, #tpu.memory_space<vmem>>
        %dma_start3A_1297 = tpu.memref_squeeze %dma_start3A_1296 : memref<1x128xi32, #tpu.memory_space<vmem>> -> memref<128xi32, #tpu.memory_space<vmem>>
        %dma_start3A_1298 = arith.constant 0 : i32
        %dma_start3A_1299 = arith.constant 0 : i32
        %dma_start3A_1300 = tpu.memref_slice %arg9[%dma_start3A_1298, %dma_start3A_1299] : memref<10112x128xf32, #tpu.memory_space<vmem_shared>> -> memref<10112x128xf32, #tpu.memory_space<vmem_shared>>
        tpu.enqueue_indirect_dma source(%arg14 : memref<128x128xf32, #tpu.memory_space<vmem>>) target(%dma_start3A_1300 : memref<10112x128xf32, #tpu.memory_space<vmem_shared>>) offsets(%dma_start3A_1297 : memref<128xi32, #tpu.memory_space<vmem>>) semaphore(%arg18 : memref<!tpu.dma_semaphore, #tpu.memory_space<semaphore_mem>>) {add = true}
        %dma_wait3A_1301 = arith.constant 0 : i32
        %dma_wait3A_1302 = tpu.memref_slice %arg12[%mul3A_1158, %dma_wait3A_1301] : memref<24x128xi32, #tpu.memory_space<vmem>> -> memref<1x128xi32, #tpu.memory_space<vmem>>
        %dma_wait3A_1303 = tpu.memref_squeeze %dma_wait3A_1302 : memref<1x128xi32, #tpu.memory_space<vmem>> -> memref<128xi32, #tpu.memory_space<vmem>>
        %dma_wait3A_1304 = arith.constant 0 : i32
        %dma_wait3A_1305 = arith.constant 0 : i32
        %dma_wait3A_1306 = tpu.memref_slice %arg9[%dma_wait3A_1304, %dma_wait3A_1305] : memref<10112x128xf32, #tpu.memory_space<vmem_shared>> -> memref<10112x128xf32, #tpu.memory_space<vmem_shared>>
        tpu.wait_indirect_dma semaphore(%arg17 : memref<!tpu.dma_semaphore, #tpu.memory_space<semaphore_mem>>) src(%arg13 : memref<128x128xf32, #tpu.memory_space<vmem>>) dst(%dma_wait3A_1306 : memref<10112x128xf32, #tpu.memory_space<vmem_shared>>)
        %add3A_1307 = arith.constant 2 : i32
        %add3A_1308 = arith.addi %mul3A_1158, %add3A_1307 : i32
        %dma_start3A_1309 = arith.constant 0 : i32
        %dma_start3A_1310 = tpu.memref_slice %arg11[%add3A_1308, %dma_start3A_1309] : memref<24x128xi32, #tpu.memory_space<vmem>> -> memref<1x128xi32, #tpu.memory_space<vmem>>
        %dma_start3A_1311 = tpu.memref_squeeze %dma_start3A_1310 : memref<1x128xi32, #tpu.memory_space<vmem>> -> memref<128xi32, #tpu.memory_space<vmem>>
        %dma_start3A_1312 = arith.constant 0 : i32
        %dma_start3A_1313 = arith.constant 0 : i32
        %dma_start3A_1314 = tpu.memref_slice %arg2[%dma_start3A_1312, %dma_start3A_1313] : memref<10000x128xf32, #tpu.memory_space<hbm>> -> memref<10000x128xf32, #tpu.memory_space<hbm>>
        tpu.enqueue_indirect_dma source(%dma_start3A_1314 : memref<10000x128xf32, #tpu.memory_space<hbm>>) target(%arg13 : memref<128x128xf32, #tpu.memory_space<vmem>>) offsets(%dma_start3A_1311 : memref<128xi32, #tpu.memory_space<vmem>>) semaphore(%arg15 : memref<!tpu.dma_semaphore, #tpu.memory_space<semaphore_mem>>)
        %add3A_1315 = arith.constant 1 : i32
        %add3A_1316 = arith.addi %mul3A_1158, %add3A_1315 : i32
        %dma_wait3A_1317 = arith.constant 0 : i32
        %dma_wait3A_1318 = tpu.memref_slice %arg12[%add3A_1316, %dma_wait3A_1317] : memref<24x128xi32, #tpu.memory_space<vmem>> -> memref<1x128xi32, #tpu.memory_space<vmem>>
        %dma_wait3A_1319 = tpu.memref_squeeze %dma_wait3A_1318 : memref<1x128xi32, #tpu.memory_space<vmem>> -> memref<128xi32, #tpu.memory_space<vmem>>
        %dma_wait3A_1320 = arith.constant 0 : i32
        %dma_wait3A_1321 = arith.constant 0 : i32
        %dma_wait3A_1322 = tpu.memref_slice %arg9[%dma_wait3A_1320, %dma_wait3A_1321] : memref<10112x128xf32, #tpu.memory_space<vmem_shared>> -> memref<10112x128xf32, #tpu.memory_space<vmem_shared>>
        tpu.wait_indirect_dma semaphore(%arg18 : memref<!tpu.dma_semaphore, #tpu.memory_space<semaphore_mem>>) src(%arg14 : memref<128x128xf32, #tpu.memory_space<vmem>>) dst(%dma_wait3A_1322 : memref<10112x128xf32, #tpu.memory_space<vmem_shared>>)
        %add3A_1323 = arith.constant 3 : i32
        %add3A_1324 = arith.addi %mul3A_1158, %add3A_1323 : i32
        %dma_start3A_1325 = arith.constant 0 : i32
        %dma_start3A_1326 = tpu.memref_slice %arg11[%add3A_1324, %dma_start3A_1325] : memref<24x128xi32, #tpu.memory_space<vmem>> -> memref<1x128xi32, #tpu.memory_space<vmem>>
        %dma_start3A_1327 = tpu.memref_squeeze %dma_start3A_1326 : memref<1x128xi32, #tpu.memory_space<vmem>> -> memref<128xi32, #tpu.memory_space<vmem>>
        %dma_start3A_1328 = arith.constant 0 : i32
        %dma_start3A_1329 = arith.constant 0 : i32
        %dma_start3A_1330 = tpu.memref_slice %arg2[%dma_start3A_1328, %dma_start3A_1329] : memref<10000x128xf32, #tpu.memory_space<hbm>> -> memref<10000x128xf32, #tpu.memory_space<hbm>>
        tpu.enqueue_indirect_dma source(%dma_start3A_1330 : memref<10000x128xf32, #tpu.memory_space<hbm>>) target(%arg14 : memref<128x128xf32, #tpu.memory_space<vmem>>) offsets(%dma_start3A_1327 : memref<128xi32, #tpu.memory_space<vmem>>) semaphore(%arg16 : memref<!tpu.dma_semaphore, #tpu.memory_space<semaphore_mem>>)
      }
      %scan3A_217 = arith.constant 11 : i32
      %dma_wait3A_218 = arith.constant 22 : i32
      %dma_wait3A_219 = arith.constant 0 : i32
      %dma_wait3A_220 = tpu.memref_slice %arg11[%dma_wait3A_218, %dma_wait3A_219] : memref<24x128xi32, #tpu.memory_space<vmem>> -> memref<1x128xi32, #tpu.memory_space<vmem>>
      %dma_wait3A_221 = tpu.memref_squeeze %dma_wait3A_220 : memref<1x128xi32, #tpu.memory_space<vmem>> -> memref<128xi32, #tpu.memory_space<vmem>>
      %dma_wait3A_222 = arith.constant 0 : i32
      %dma_wait3A_223 = arith.constant 0 : i32
      %dma_wait3A_224 = tpu.memref_slice %arg2[%dma_wait3A_222, %dma_wait3A_223] : memref<10000x128xf32, #tpu.memory_space<hbm>> -> memref<10000x128xf32, #tpu.memory_space<hbm>>
      tpu.wait_indirect_dma semaphore(%arg15 : memref<!tpu.dma_semaphore, #tpu.memory_space<semaphore_mem>>) src(%dma_wait3A_224 : memref<10000x128xf32, #tpu.memory_space<hbm>>) dst(%arg13 : memref<128x128xf32, #tpu.memory_space<vmem>>)
      %get3A_225 = arith.constant 22 : i32
      %get3A_226 = arith.index_cast %get3A_225 : i32 to index
      %get3A_227 = arith.constant 0 : index
      %get3A_228 = tpu.vector_load %arg12[%get3A_226, %get3A_227] {strides = array<i32>} : memref<24x128xi32, #tpu.memory_space<vmem>>, vector<16xi32>,
      %broadcast_in_dim3A_229 = arith.constant true
      %broadcast_in_dim3A_230 = vector.broadcast %broadcast_in_dim3A_229 : i1 to vector<16xi1>
      %unique3A_231, %unique3A_232 = tpu.scan_count mask(%broadcast_in_dim3A_230 : vector<16xi1>) value(%get3A_228 : vector<16xi32>) : vector<16xi1>, vector<16xi32>
      tpu.vector_store_idx %arg10[%get3A_228], %unique3A_232 masked %unique3A_231 {add = true} : memref<10112xi32, #tpu.memory_space<vmem>>[vector<16xi32>], vector<16xi32>, vector<16xi1>
      %get3A_233 = arith.constant 22 : i32
      %get3A_234 = arith.index_cast %get3A_233 : i32 to index
      %get3A_235 = arith.constant 16 : index
      %get3A_236 = tpu.vector_load %arg12[%get3A_234, %get3A_235] {strides = array<i32>} : memref<24x128xi32, #tpu.memory_space<vmem>>, vector<16xi32>,
      %broadcast_in_dim3A_237 = arith.constant true
      %broadcast_in_dim3A_238 = vector.broadcast %broadcast_in_dim3A_237 : i1 to vector<16xi1>
      %unique3A_239, %unique3A_240 = tpu.scan_count mask(%broadcast_in_dim3A_238 : vector<16xi1>) value(%get3A_236 : vector<16xi32>) : vector<16xi1>, vector<16xi32>
      tpu.vector_store_idx %arg10[%get3A_236], %unique3A_240 masked %unique3A_239 {add = true} : memref<10112xi32, #tpu.memory_space<vmem>>[vector<16xi32>], vector<16xi32>, vector<16xi1>
      %get3A_241 = arith.constant 22 : i32
      %get3A_242 = arith.index_cast %get3A_241 : i32 to index
      %get3A_243 = arith.constant 32 : index
      %get3A_244 = tpu.vector_load %arg12[%get3A_242, %get3A_243] {strides = array<i32>} : memref<24x128xi32, #tpu.memory_space<vmem>>, vector<16xi32>,
      %broadcast_in_dim3A_245 = arith.constant true
      %broadcast_in_dim3A_246 = vector.broadcast %broadcast_in_dim3A_245 : i1 to vector<16xi1>
      %unique3A_247, %unique3A_248 = tpu.scan_count mask(%broadcast_in_dim3A_246 : vector<16xi1>) value(%get3A_244 : vector<16xi32>) : vector<16xi1>, vector<16xi32>
      tpu.vector_store_idx %arg10[%get3A_244], %unique3A_248 masked %unique3A_247 {add = true} : memref<10112xi32, #tpu.memory_space<vmem>>[vector<16xi32>], vector<16xi32>, vector<16xi1>
      %get3A_249 = arith.constant 22 : i32
      %get3A_250 = arith.index_cast %get3A_249 : i32 to index
      %get3A_251 = arith.constant 48 : index
      %get3A_252 = tpu.vector_load %arg12[%get3A_250, %get3A_251] {strides = array<i32>} : memref<24x128xi32, #tpu.memory_space<vmem>>, vector<16xi32>,
      %broadcast_in_dim3A_253 = arith.constant true
      %broadcast_in_dim3A_254 = vector.broadcast %broadcast_in_dim3A_253 : i1 to vector<16xi1>
      %unique3A_255, %unique3A_256 = tpu.scan_count mask(%broadcast_in_dim3A_254 : vector<16xi1>) value(%get3A_252 : vector<16xi32>) : vector<16xi1>, vector<16xi32>
      tpu.vector_store_idx %arg10[%get3A_252], %unique3A_256 masked %unique3A_255 {add = true} : memref<10112xi32, #tpu.memory_space<vmem>>[vector<16xi32>], vector<16xi32>, vector<16xi1>
      %get3A_257 = arith.constant 22 : i32
      %get3A_258 = arith.index_cast %get3A_257 : i32 to index
      %get3A_259 = arith.constant 64 : index
      %get3A_260 = tpu.vector_load %arg12[%get3A_258, %get3A_259] {strides = array<i32>} : memref<24x128xi32, #tpu.memory_space<vmem>>, vector<16xi32>,
      %broadcast_in_dim3A_261 = arith.constant true
      %broadcast_in_dim3A_262 = vector.broadcast %broadcast_in_dim3A_261 : i1 to vector<16xi1>
      %unique3A_263, %unique3A_264 = tpu.scan_count mask(%broadcast_in_dim3A_262 : vector<16xi1>) value(%get3A_260 : vector<16xi32>) : vector<16xi1>, vector<16xi32>
      tpu.vector_store_idx %arg10[%get3A_260], %unique3A_264 masked %unique3A_263 {add = true} : memref<10112xi32, #tpu.memory_space<vmem>>[vector<16xi32>], vector<16xi32>, vector<16xi1>
      %get3A_265 = arith.constant 22 : i32
      %get3A_266 = arith.index_cast %get3A_265 : i32 to index
      %get3A_267 = arith.constant 80 : index
      %get3A_268 = tpu.vector_load %arg12[%get3A_266, %get3A_267] {strides = array<i32>} : memref<24x128xi32, #tpu.memory_space<vmem>>, vector<16xi32>,
      %broadcast_in_dim3A_269 = arith.constant true
      %broadcast_in_dim3A_270 = vector.broadcast %broadcast_in_dim3A_269 : i1 to vector<16xi1>
      %unique3A_271, %unique3A_272 = tpu.scan_count mask(%broadcast_in_dim3A_270 : vector<16xi1>) value(%get3A_268 : vector<16xi32>) : vector<16xi1>, vector<16xi32>
      tpu.vector_store_idx %arg10[%get3A_268], %unique3A_272 masked %unique3A_271 {add = true} : memref<10112xi32, #tpu.memory_space<vmem>>[vector<16xi32>], vector<16xi32>, vector<16xi1>
      %get3A_273 = arith.constant 22 : i32
      %get3A_274 = arith.index_cast %get3A_273 : i32 to index
      %get3A_275 = arith.constant 96 : index
      %get3A_276 = tpu.vector_load %arg12[%get3A_274, %get3A_275] {strides = array<i32>} : memref<24x128xi32, #tpu.memory_space<vmem>>, vector<16xi32>,
      %broadcast_in_dim3A_277 = arith.constant true
      %broadcast_in_dim3A_278 = vector.broadcast %broadcast_in_dim3A_277 : i1 to vector<16xi1>
      %unique3A_279, %unique3A_280 = tpu.scan_count mask(%broadcast_in_dim3A_278 : vector<16xi1>) value(%get3A_276 : vector<16xi32>) : vector<16xi1>, vector<16xi32>
      tpu.vector_store_idx %arg10[%get3A_276], %unique3A_280 masked %unique3A_279 {add = true} : memref<10112xi32, #tpu.memory_space<vmem>>[vector<16xi32>], vector<16xi32>, vector<16xi1>
      %get3A_281 = arith.constant 22 : i32
      %get3A_282 = arith.index_cast %get3A_281 : i32 to index
      %get3A_283 = arith.constant 112 : index
      %get3A_284 = tpu.vector_load %arg12[%get3A_282, %get3A_283] {strides = array<i32>} : memref<24x128xi32, #tpu.memory_space<vmem>>, vector<16xi32>,
      %broadcast_in_dim3A_285 = arith.constant true
      %broadcast_in_dim3A_286 = vector.broadcast %broadcast_in_dim3A_285 : i1 to vector<16xi1>
      %unique3A_287, %unique3A_288 = tpu.scan_count mask(%broadcast_in_dim3A_286 : vector<16xi1>) value(%get3A_284 : vector<16xi32>) : vector<16xi1>, vector<16xi32>
      tpu.vector_store_idx %arg10[%get3A_284], %unique3A_288 masked %unique3A_287 {add = true} : memref<10112xi32, #tpu.memory_space<vmem>>[vector<16xi32>], vector<16xi32>, vector<16xi1>
      %dma_start3A_289 = arith.constant 22 : i32
      %dma_start3A_290 = arith.constant 0 : i32
      %dma_start3A_291 = tpu.memref_slice %arg12[%dma_start3A_289, %dma_start3A_290] : memref<24x128xi32, #tpu.memory_space<vmem>> -> memref<1x128xi32, #tpu.memory_space<vmem>>
      %dma_start3A_292 = tpu.memref_squeeze %dma_start3A_291 : memref<1x128xi32, #tpu.memory_space<vmem>> -> memref<128xi32, #tpu.memory_space<vmem>>
      %dma_start3A_293 = arith.constant 0 : i32
      %dma_start3A_294 = arith.constant 0 : i32
      %dma_start3A_295 = tpu.memref_slice %arg9[%dma_start3A_293, %dma_start3A_294] : memref<10112x128xf32, #tpu.memory_space<vmem_shared>> -> memref<10112x128xf32, #tpu.memory_space<vmem_shared>>
      tpu.enqueue_indirect_dma source(%arg13 : memref<128x128xf32, #tpu.memory_space<vmem>>) target(%dma_start3A_295 : memref<10112x128xf32, #tpu.memory_space<vmem_shared>>) offsets(%dma_start3A_292 : memref<128xi32, #tpu.memory_space<vmem>>) semaphore(%arg17 : memref<!tpu.dma_semaphore, #tpu.memory_space<semaphore_mem>>) {add = true}
      %dma_wait3A_296 = arith.constant 23 : i32
      %dma_wait3A_297 = arith.constant 0 : i32
      %dma_wait3A_298 = tpu.memref_slice %arg11[%dma_wait3A_296, %dma_wait3A_297] : memref<24x128xi32, #tpu.memory_space<vmem>> -> memref<1x128xi32, #tpu.memory_space<vmem>>
      %dma_wait3A_299 = tpu.memref_squeeze %dma_wait3A_298 : memref<1x128xi32, #tpu.memory_space<vmem>> -> memref<128xi32, #tpu.memory_space<vmem>>
      %dma_wait3A_300 = arith.constant 0 : i32
      %dma_wait3A_301 = arith.constant 0 : i32
      %dma_wait3A_302 = tpu.memref_slice %arg2[%dma_wait3A_300, %dma_wait3A_301] : memref<10000x128xf32, #tpu.memory_space<hbm>> -> memref<10000x128xf32, #tpu.memory_space<hbm>>
      tpu.wait_indirect_dma semaphore(%arg16 : memref<!tpu.dma_semaphore, #tpu.memory_space<semaphore_mem>>) src(%dma_wait3A_302 : memref<10000x128xf32, #tpu.memory_space<hbm>>) dst(%arg14 : memref<128x128xf32, #tpu.memory_space<vmem>>)
      %get3A_303 = arith.constant 23 : i32
      %get3A_304 = arith.index_cast %get3A_303 : i32 to index
      %get3A_305 = arith.constant 0 : index
      %get3A_306 = tpu.vector_load %arg12[%get3A_304, %get3A_305] {strides = array<i32>} : memref<24x128xi32, #tpu.memory_space<vmem>>, vector<16xi32>,
      %broadcast_in_dim3A_307 = arith.constant true
      %broadcast_in_dim3A_308 = vector.broadcast %broadcast_in_dim3A_307 : i1 to vector<16xi1>
      %unique3A_309, %unique3A_310 = tpu.scan_count mask(%broadcast_in_dim3A_308 : vector<16xi1>) value(%get3A_306 : vector<16xi32>) : vector<16xi1>, vector<16xi32>
      tpu.vector_store_idx %arg10[%get3A_306], %unique3A_310 masked %unique3A_309 {add = true} : memref<10112xi32, #tpu.memory_space<vmem>>[vector<16xi32>], vector<16xi32>, vector<16xi1>
      %get3A_311 = arith.constant 23 : i32
      %get3A_312 = arith.index_cast %get3A_311 : i32 to index
      %get3A_313 = arith.constant 16 : index
      %get3A_314 = tpu.vector_load %arg12[%get3A_312, %get3A_313] {strides = array<i32>} : memref<24x128xi32, #tpu.memory_space<vmem>>, vector<16xi32>,
      %broadcast_in_dim3A_315 = arith.constant true
      %broadcast_in_dim3A_316 = vector.broadcast %broadcast_in_dim3A_315 : i1 to vector<16xi1>
      %unique3A_317, %unique3A_318 = tpu.scan_count mask(%broadcast_in_dim3A_316 : vector<16xi1>) value(%get3A_314 : vector<16xi32>) : vector<16xi1>, vector<16xi32>
      tpu.vector_store_idx %arg10[%get3A_314], %unique3A_318 masked %unique3A_317 {add = true} : memref<10112xi32, #tpu.memory_space<vmem>>[vector<16xi32>], vector<16xi32>, vector<16xi1>
      %get3A_319 = arith.constant 23 : i32
      %get3A_320 = arith.index_cast %get3A_319 : i32 to index
      %get3A_321 = arith.constant 32 : index
      %get3A_322 = tpu.vector_load %arg12[%get3A_320, %get3A_321] {strides = array<i32>} : memref<24x128xi32, #tpu.memory_space<vmem>>, vector<16xi32>,
      %broadcast_in_dim3A_323 = arith.constant true
      %broadcast_in_dim3A_324 = vector.broadcast %broadcast_in_dim3A_323 : i1 to vector<16xi1>
      %unique3A_325, %unique3A_326 = tpu.scan_count mask(%broadcast_in_dim3A_324 : vector<16xi1>) value(%get3A_322 : vector<16xi32>) : vector<16xi1>, vector<16xi32>
      tpu.vector_store_idx %arg10[%get3A_322], %unique3A_326 masked %unique3A_325 {add = true} : memref<10112xi32, #tpu.memory_space<vmem>>[vector<16xi32>], vector<16xi32>, vector<16xi1>
      %get3A_327 = arith.constant 23 : i32
      %get3A_328 = arith.index_cast %get3A_327 : i32 to index
      %get3A_329 = arith.constant 48 : index
      %get3A_330 = tpu.vector_load %arg12[%get3A_328, %get3A_329] {strides = array<i32>} : memref<24x128xi32, #tpu.memory_space<vmem>>, vector<16xi32>,
      %broadcast_in_dim3A_331 = arith.constant true
      %broadcast_in_dim3A_332 = vector.broadcast %broadcast_in_dim3A_331 : i1 to vector<16xi1>
      %unique3A_333, %unique3A_334 = tpu.scan_count mask(%broadcast_in_dim3A_332 : vector<16xi1>) value(%get3A_330 : vector<16xi32>) : vector<16xi1>, vector<16xi32>
      tpu.vector_store_idx %arg10[%get3A_330], %unique3A_334 masked %unique3A_333 {add = true} : memref<10112xi32, #tpu.memory_space<vmem>>[vector<16xi32>], vector<16xi32>, vector<16xi1>
      %get3A_335 = arith.constant 23 : i32
      %get3A_336 = arith.index_cast %get3A_335 : i32 to index
      %get3A_337 = arith.constant 64 : index
      %get3A_338 = tpu.vector_load %arg12[%get3A_336, %get3A_337] {strides = array<i32>} : memref<24x128xi32, #tpu.memory_space<vmem>>, vector<16xi32>,
      %broadcast_in_dim3A_339 = arith.constant true
      %broadcast_in_dim3A_340 = vector.broadcast %broadcast_in_dim3A_339 : i1 to vector<16xi1>
      %unique3A_341, %unique3A_342 = tpu.scan_count mask(%broadcast_in_dim3A_340 : vector<16xi1>) value(%get3A_338 : vector<16xi32>) : vector<16xi1>, vector<16xi32>
      tpu.vector_store_idx %arg10[%get3A_338], %unique3A_342 masked %unique3A_341 {add = true} : memref<10112xi32, #tpu.memory_space<vmem>>[vector<16xi32>], vector<16xi32>, vector<16xi1>
      %get3A_343 = arith.constant 23 : i32
      %get3A_344 = arith.index_cast %get3A_343 : i32 to index
      %get3A_345 = arith.constant 80 : index
      %get3A_346 = tpu.vector_load %arg12[%get3A_344, %get3A_345] {strides = array<i32>} : memref<24x128xi32, #tpu.memory_space<vmem>>, vector<16xi32>,
      %broadcast_in_dim3A_347 = arith.constant true
      %broadcast_in_dim3A_348 = vector.broadcast %broadcast_in_dim3A_347 : i1 to vector<16xi1>
      %unique3A_349, %unique3A_350 = tpu.scan_count mask(%broadcast_in_dim3A_348 : vector<16xi1>) value(%get3A_346 : vector<16xi32>) : vector<16xi1>, vector<16xi32>
      tpu.vector_store_idx %arg10[%get3A_346], %unique3A_350 masked %unique3A_349 {add = true} : memref<10112xi32, #tpu.memory_space<vmem>>[vector<16xi32>], vector<16xi32>, vector<16xi1>
      %get3A_351 = arith.constant 23 : i32
      %get3A_352 = arith.index_cast %get3A_351 : i32 to index
      %get3A_353 = arith.constant 96 : index
      %get3A_354 = tpu.vector_load %arg12[%get3A_352, %get3A_353] {strides = array<i32>} : memref<24x128xi32, #tpu.memory_space<vmem>>, vector<16xi32>,
      %broadcast_in_dim3A_355 = arith.constant true
      %broadcast_in_dim3A_356 = vector.broadcast %broadcast_in_dim3A_355 : i1 to vector<16xi1>
      %unique3A_357, %unique3A_358 = tpu.scan_count mask(%broadcast_in_dim3A_356 : vector<16xi1>) value(%get3A_354 : vector<16xi32>) : vector<16xi1>, vector<16xi32>
      tpu.vector_store_idx %arg10[%get3A_354], %unique3A_358 masked %unique3A_357 {add = true} : memref<10112xi32, #tpu.memory_space<vmem>>[vector<16xi32>], vector<16xi32>, vector<16xi1>
      %get3A_359 = arith.constant 23 : i32
      %get3A_360 = arith.index_cast %get3A_359 : i32 to index
      %get3A_361 = arith.constant 112 : index
      %get3A_362 = tpu.vector_load %arg12[%get3A_360, %get3A_361] {strides = array<i32>} : memref<24x128xi32, #tpu.memory_space<vmem>>, vector<16xi32>,
      %broadcast_in_dim3A_363 = arith.constant true
      %broadcast_in_dim3A_364 = vector.broadcast %broadcast_in_dim3A_363 : i1 to vector<16xi1>
      %unique3A_365, %unique3A_366 = tpu.scan_count mask(%broadcast_in_dim3A_364 : vector<16xi1>) value(%get3A_362 : vector<16xi32>) : vector<16xi1>, vector<16xi32>
      tpu.vector_store_idx %arg10[%get3A_362], %unique3A_366 masked %unique3A_365 {add = true} : memref<10112xi32, #tpu.memory_space<vmem>>[vector<16xi32>], vector<16xi32>, vector<16xi1>
      %dma_start3A_367 = arith.constant 23 : i32
      %dma_start3A_368 = arith.constant 0 : i32
      %dma_start3A_369 = tpu.memref_slice %arg12[%dma_start3A_367, %dma_start3A_368] : memref<24x128xi32, #tpu.memory_space<vmem>> -> memref<1x128xi32, #tpu.memory_space<vmem>>
      %dma_start3A_370 = tpu.memref_squeeze %dma_start3A_369 : memref<1x128xi32, #tpu.memory_space<vmem>> -> memref<128xi32, #tpu.memory_space<vmem>>
      %dma_start3A_371 = arith.constant 0 : i32
      %dma_start3A_372 = arith.constant 0 : i32
      %dma_start3A_373 = tpu.memref_slice %arg9[%dma_start3A_371, %dma_start3A_372] : memref<10112x128xf32, #tpu.memory_space<vmem_shared>> -> memref<10112x128xf32, #tpu.memory_space<vmem_shared>>
      tpu.enqueue_indirect_dma source(%arg14 : memref<128x128xf32, #tpu.memory_space<vmem>>) target(%dma_start3A_373 : memref<10112x128xf32, #tpu.memory_space<vmem_shared>>) offsets(%dma_start3A_370 : memref<128xi32, #tpu.memory_space<vmem>>) semaphore(%arg18 : memref<!tpu.dma_semaphore, #tpu.memory_space<semaphore_mem>>) {add = true}
      %dma_wait3A_374 = arith.constant 22 : i32
      %dma_wait3A_375 = arith.constant 0 : i32
      %dma_wait3A_376 = tpu.memref_slice %arg12[%dma_wait3A_374, %dma_wait3A_375] : memref<24x128xi32, #tpu.memory_space<vmem>> -> memref<1x128xi32, #tpu.memory_space<vmem>>
      %dma_wait3A_377 = tpu.memref_squeeze %dma_wait3A_376 : memref<1x128xi32, #tpu.memory_space<vmem>> -> memref<128xi32, #tpu.memory_space<vmem>>
      %dma_wait3A_378 = arith.constant 0 : i32
      %dma_wait3A_379 = arith.constant 0 : i32
      %dma_wait3A_380 = tpu.memref_slice %arg9[%dma_wait3A_378, %dma_wait3A_379] : memref<10112x128xf32, #tpu.memory_space<vmem_shared>> -> memref<10112x128xf32, #tpu.memory_space<vmem_shared>>
      tpu.wait_indirect_dma semaphore(%arg17 : memref<!tpu.dma_semaphore, #tpu.memory_space<semaphore_mem>>) src(%arg13 : memref<128x128xf32, #tpu.memory_space<vmem>>) dst(%dma_wait3A_380 : memref<10112x128xf32, #tpu.memory_space<vmem_shared>>)
      %dma_wait3A_381 = arith.constant 23 : i32
      %dma_wait3A_382 = arith.constant 0 : i32
      %dma_wait3A_383 = tpu.memref_slice %arg12[%dma_wait3A_381, %dma_wait3A_382] : memref<24x128xi32, #tpu.memory_space<vmem>> -> memref<1x128xi32, #tpu.memory_space<vmem>>
      %dma_wait3A_384 = tpu.memref_squeeze %dma_wait3A_383 : memref<1x128xi32, #tpu.memory_space<vmem>> -> memref<128xi32, #tpu.memory_space<vmem>>
      %dma_wait3A_385 = arith.constant 0 : i32
      %dma_wait3A_386 = arith.constant 0 : i32
      %dma_wait3A_387 = tpu.memref_slice %arg9[%dma_wait3A_385, %dma_wait3A_386] : memref<10112x128xf32, #tpu.memory_space<vmem_shared>> -> memref<10112x128xf32, #tpu.memory_space<vmem_shared>>
      tpu.wait_indirect_dma semaphore(%arg18 : memref<!tpu.dma_semaphore, #tpu.memory_space<semaphore_mem>>) src(%arg14 : memref<128x128xf32, #tpu.memory_space<vmem>>) dst(%dma_wait3A_387 : memref<10112x128xf32, #tpu.memory_space<vmem_shared>>)
      %add3A_388 = arith.constant 48 : i32
      %add3A_389 = arith.addi %mul3A_10, %add3A_388 : i32
      "tpu.region"() ({
        %run_scoped3A = tpu.sem_alloc : memref<!tpu.dma_semaphore, #tpu.memory_space<semaphore_mem>>
        %dma_start3A_1156 = arith.constant 0 : i32
        %dma_start3A_1157 = arith.constant 0 : i32
        %dma_start3A_1158 = tpu.memref_slice %arg11[%dma_start3A_1156, %dma_start3A_1157] : memref<24x128xi32, #tpu.memory_space<vmem>> -> memref<24x128xi32, #tpu.memory_space<vmem>>
        %dma_start3A_1159 = arith.constant 0 : i32
        %dma_start3A_1160 = tpu.memref_slice %arg3[%add3A_389, %dma_start3A_1159] : memref<2560x128xi32, #tpu.memory_space<hbm>> -> memref<24x128xi32, #tpu.memory_space<hbm>>
        %dma_start3A_1161 = arith.constant 0 : i32
        %dma_start3A_1162 = arith.constant 0 : i32
        %dma_start3A_1163 = tpu.memref_slice %arg11[%dma_start3A_1161, %dma_start3A_1162] : memref<24x128xi32, #tpu.memory_space<vmem>> -> memref<24x128xi32, #tpu.memory_space<vmem>>
        %dma_start3A_1164 = arith.constant 0 : i32
        %dma_start3A_1165 = tpu.memref_slice %arg3[%add3A_389, %dma_start3A_1164] : memref<2560x128xi32, #tpu.memory_space<hbm>> -> memref<24x128xi32, #tpu.memory_space<hbm>>
        tpu.enqueue_dma source(%dma_start3A_1165 : memref<24x128xi32, #tpu.memory_space<hbm>>) target(%dma_start3A_1163 : memref<24x128xi32, #tpu.memory_space<vmem>>) target_semaphore(%run_scoped3A : memref<!tpu.dma_semaphore, #tpu.memory_space<semaphore_mem>>)
        %dma_wait3A_1166 = arith.constant 0 : i32
        %dma_wait3A_1167 = arith.constant 0 : i32
        %dma_wait3A_1168 = tpu.memref_slice %arg11[%dma_wait3A_1166, %dma_wait3A_1167] : memref<24x128xi32, #tpu.memory_space<vmem>> -> memref<24x128xi32, #tpu.memory_space<vmem>>
        %dma_wait3A_1169 = arith.constant 0 : i32
        %dma_wait3A_1170 = tpu.memref_slice %arg3[%add3A_389, %dma_wait3A_1169] : memref<2560x128xi32, #tpu.memory_space<hbm>> -> memref<24x128xi32, #tpu.memory_space<hbm>>
        %dma_wait3A_1171 = arith.constant 0 : i32
        %dma_wait3A_1172 = arith.constant 0 : i32
        %dma_wait3A_1173 = tpu.memref_slice %arg11[%dma_wait3A_1171, %dma_wait3A_1172] : memref<24x128xi32, #tpu.memory_space<vmem>> -> memref<24x128xi32, #tpu.memory_space<vmem>>
        %dma_wait3A_1174 = arith.constant 0 : i32
        %dma_wait3A_1175 = tpu.memref_slice %arg3[%add3A_389, %dma_wait3A_1174] : memref<2560x128xi32, #tpu.memory_space<hbm>> -> memref<24x128xi32, #tpu.memory_space<hbm>>
        tpu.wait_dma2 semaphore(%run_scoped3A : memref<!tpu.dma_semaphore, #tpu.memory_space<semaphore_mem>>) src(%dma_wait3A_1175 : memref<24x128xi32, #tpu.memory_space<hbm>>) dst(%dma_wait3A_1173 : memref<24x128xi32, #tpu.memory_space<vmem>>)
        tpu.yield
      }) : () -> ()
      "tpu.region"() ({
        %run_scoped3A = tpu.sem_alloc : memref<!tpu.dma_semaphore, #tpu.memory_space<semaphore_mem>>
        %dma_start3A_1156 = arith.constant 0 : i32
        %dma_start3A_1157 = arith.constant 0 : i32
        %dma_start3A_1158 = tpu.memref_slice %arg12[%dma_start3A_1156, %dma_start3A_1157] : memref<24x128xi32, #tpu.memory_space<vmem>> -> memref<24x128xi32, #tpu.memory_space<vmem>>
        %dma_start3A_1159 = arith.constant 0 : i32
        %dma_start3A_1160 = tpu.memref_slice %arg4[%add3A_389, %dma_start3A_1159] : memref<2560x128xi32, #tpu.memory_space<hbm>> -> memref<24x128xi32, #tpu.memory_space<hbm>>
        %dma_start3A_1161 = arith.constant 0 : i32
        %dma_start3A_1162 = arith.constant 0 : i32
        %dma_start3A_1163 = tpu.memref_slice %arg12[%dma_start3A_1161, %dma_start3A_1162] : memref<24x128xi32, #tpu.memory_space<vmem>> -> memref<24x128xi32, #tpu.memory_space<vmem>>
        %dma_start3A_1164 = arith.constant 0 : i32
        %dma_start3A_1165 = tpu.memref_slice %arg4[%add3A_389, %dma_start3A_1164] : memref<2560x128xi32, #tpu.memory_space<hbm>> -> memref<24x128xi32, #tpu.memory_space<hbm>>
        tpu.enqueue_dma source(%dma_start3A_1165 : memref<24x128xi32, #tpu.memory_space<hbm>>) target(%dma_start3A_1163 : memref<24x128xi32, #tpu.memory_space<vmem>>) target_semaphore(%run_scoped3A : memref<!tpu.dma_semaphore, #tpu.memory_space<semaphore_mem>>)
        %dma_wait3A_1166 = arith.constant 0 : i32
        %dma_wait3A_1167 = arith.constant 0 : i32
        %dma_wait3A_1168 = tpu.memref_slice %arg12[%dma_wait3A_1166, %dma_wait3A_1167] : memref<24x128xi32, #tpu.memory_space<vmem>> -> memref<24x128xi32, #tpu.memory_space<vmem>>
        %dma_wait3A_1169 = arith.constant 0 : i32
        %dma_wait3A_1170 = tpu.memref_slice %arg4[%add3A_389, %dma_wait3A_1169] : memref<2560x128xi32, #tpu.memory_space<hbm>> -> memref<24x128xi32, #tpu.memory_space<hbm>>
        %dma_wait3A_1171 = arith.constant 0 : i32
        %dma_wait3A_1172 = arith.constant 0 : i32
        %dma_wait3A_1173 = tpu.memref_slice %arg12[%dma_wait3A_1171, %dma_wait3A_1172] : memref<24x128xi32, #tpu.memory_space<vmem>> -> memref<24x128xi32, #tpu.memory_space<vmem>>
        %dma_wait3A_1174 = arith.constant 0 : i32
        %dma_wait3A_1175 = tpu.memref_slice %arg4[%add3A_389, %dma_wait3A_1174] : memref<2560x128xi32, #tpu.memory_space<hbm>> -> memref<24x128xi32, #tpu.memory_space<hbm>>
        tpu.wait_dma2 semaphore(%run_scoped3A : memref<!tpu.dma_semaphore, #tpu.memory_space<semaphore_mem>>) src(%dma_wait3A_1175 : memref<24x128xi32, #tpu.memory_space<hbm>>) dst(%dma_wait3A_1173 : memref<24x128xi32, #tpu.memory_space<vmem>>)
        tpu.yield
      }) : () -> ()
      %dma_start3A_390 = arith.constant 0 : i32
      %dma_start3A_391 = arith.constant 0 : i32
      %dma_start3A_392 = tpu.memref_slice %arg11[%dma_start3A_390, %dma_start3A_391] : memref<24x128xi32, #tpu.memory_space<vmem>> -> memref<1x128xi32, #tpu.memory_space<vmem>>
      %dma_start3A_393 = tpu.memref_squeeze %dma_start3A_392 : memref<1x128xi32, #tpu.memory_space<vmem>> -> memref<128xi32, #tpu.memory_space<vmem>>
      %dma_start3A_394 = arith.constant 0 : i32
      %dma_start3A_395 = arith.constant 0 : i32
      %dma_start3A_396 = tpu.memref_slice %arg2[%dma_start3A_394, %dma_start3A_395] : memref<10000x128xf32, #tpu.memory_space<hbm>> -> memref<10000x128xf32, #tpu.memory_space<hbm>>
      tpu.enqueue_indirect_dma source(%dma_start3A_396 : memref<10000x128xf32, #tpu.memory_space<hbm>>) target(%arg13 : memref<128x128xf32, #tpu.memory_space<vmem>>) offsets(%dma_start3A_393 : memref<128xi32, #tpu.memory_space<vmem>>) semaphore(%arg15 : memref<!tpu.dma_semaphore, #tpu.memory_space<semaphore_mem>>)
      %dma_start3A_397 = arith.constant 1 : i32
      %dma_start3A_398 = arith.constant 0 : i32
      %dma_start3A_399 = tpu.memref_slice %arg11[%dma_start3A_397, %dma_start3A_398] : memref<24x128xi32, #tpu.memory_space<vmem>> -> memref<1x128xi32, #tpu.memory_space<vmem>>
      %dma_start3A_400 = tpu.memref_squeeze %dma_start3A_399 : memref<1x128xi32, #tpu.memory_space<vmem>> -> memref<128xi32, #tpu.memory_space<vmem>>
      %dma_start3A_401 = arith.constant 0 : i32
      %dma_start3A_402 = arith.constant 0 : i32
      %dma_start3A_403 = tpu.memref_slice %arg2[%dma_start3A_401, %dma_start3A_402] : memref<10000x128xf32, #tpu.memory_space<hbm>> -> memref<10000x128xf32, #tpu.memory_space<hbm>>
      tpu.enqueue_indirect_dma source(%dma_start3A_403 : memref<10000x128xf32, #tpu.memory_space<hbm>>) target(%arg14 : memref<128x128xf32, #tpu.memory_space<vmem>>) offsets(%dma_start3A_400 : memref<128xi32, #tpu.memory_space<vmem>>) semaphore(%arg16 : memref<!tpu.dma_semaphore, #tpu.memory_space<semaphore_mem>>)
      %scan3A_404 = arith.constant 0 : i32
      %scan3A_405 = arith.constant 0 : i32
      %scan3A_406 = arith.constant 11 : i32
      %scan3A_407 = arith.addi %scan3A_405, %scan3A_406 : i32
      %scan3A_408 = arith.constant 1 : i32
      scf.for %scan3A_1156 = %scan3A_405 to %scan3A_407 step %scan3A_408  : i32 {
        %mul3A_1157 = arith.constant 2 : i32
        %mul3A_1158 = arith.muli %mul3A_1157, %scan3A_1156 : i32
        %dma_wait3A_1159 = arith.constant 0 : i32
        %dma_wait3A_1160 = tpu.memref_slice %arg11[%mul3A_1158, %dma_wait3A_1159] : memref<24x128xi32, #tpu.memory_space<vmem>> -> memref<1x128xi32, #tpu.memory_space<vmem>>
        %dma_wait3A_1161 = tpu.memref_squeeze %dma_wait3A_1160 : memref<1x128xi32, #tpu.memory_space<vmem>> -> memref<128xi32, #tpu.memory_space<vmem>>
        %dma_wait3A_1162 = arith.constant 0 : i32
        %dma_wait3A_1163 = arith.constant 0 : i32
        %dma_wait3A_1164 = tpu.memref_slice %arg2[%dma_wait3A_1162, %dma_wait3A_1163] : memref<10000x128xf32, #tpu.memory_space<hbm>> -> memref<10000x128xf32, #tpu.memory_space<hbm>>
        tpu.wait_indirect_dma semaphore(%arg15 : memref<!tpu.dma_semaphore, #tpu.memory_space<semaphore_mem>>) src(%dma_wait3A_1164 : memref<10000x128xf32, #tpu.memory_space<hbm>>) dst(%arg13 : memref<128x128xf32, #tpu.memory_space<vmem>>)
        %get3A_1165 = arith.index_cast %mul3A_1158 : i32 to index
        %get3A_1166 = arith.constant 0 : index
        %get3A_1167 = tpu.vector_load %arg12[%get3A_1165, %get3A_1166] {strides = array<i32>} : memref<24x128xi32, #tpu.memory_space<vmem>>, vector<16xi32>,
        %broadcast_in_dim3A_1168 = arith.constant true
        %broadcast_in_dim3A_1169 = vector.broadcast %broadcast_in_dim3A_1168 : i1 to vector<16xi1>
        %unique3A_1170, %unique3A_1171 = tpu.scan_count mask(%broadcast_in_dim3A_1169 : vector<16xi1>) value(%get3A_1167 : vector<16xi32>) : vector<16xi1>, vector<16xi32>
        tpu.vector_store_idx %arg10[%get3A_1167], %unique3A_1171 masked %unique3A_1170 {add = true} : memref<10112xi32, #tpu.memory_space<vmem>>[vector<16xi32>], vector<16xi32>, vector<16xi1>
        %get3A_1172 = arith.index_cast %mul3A_1158 : i32 to index
        %get3A_1173 = arith.constant 16 : index
        %get3A_1174 = tpu.vector_load %arg12[%get3A_1172, %get3A_1173] {strides = array<i32>} : memref<24x128xi32, #tpu.memory_space<vmem>>, vector<16xi32>,
        %broadcast_in_dim3A_1175 = arith.constant true
        %broadcast_in_dim3A_1176 = vector.broadcast %broadcast_in_dim3A_1175 : i1 to vector<16xi1>
        %unique3A_1177, %unique3A_1178 = tpu.scan_count mask(%broadcast_in_dim3A_1176 : vector<16xi1>) value(%get3A_1174 : vector<16xi32>) : vector<16xi1>, vector<16xi32>
        tpu.vector_store_idx %arg10[%get3A_1174], %unique3A_1178 masked %unique3A_1177 {add = true} : memref<10112xi32, #tpu.memory_space<vmem>>[vector<16xi32>], vector<16xi32>, vector<16xi1>
        %get3A_1179 = arith.index_cast %mul3A_1158 : i32 to index
        %get3A_1180 = arith.constant 32 : index
        %get3A_1181 = tpu.vector_load %arg12[%get3A_1179, %get3A_1180] {strides = array<i32>} : memref<24x128xi32, #tpu.memory_space<vmem>>, vector<16xi32>,
        %broadcast_in_dim3A_1182 = arith.constant true
        %broadcast_in_dim3A_1183 = vector.broadcast %broadcast_in_dim3A_1182 : i1 to vector<16xi1>
        %unique3A_1184, %unique3A_1185 = tpu.scan_count mask(%broadcast_in_dim3A_1183 : vector<16xi1>) value(%get3A_1181 : vector<16xi32>) : vector<16xi1>, vector<16xi32>
        tpu.vector_store_idx %arg10[%get3A_1181], %unique3A_1185 masked %unique3A_1184 {add = true} : memref<10112xi32, #tpu.memory_space<vmem>>[vector<16xi32>], vector<16xi32>, vector<16xi1>
        %get3A_1186 = arith.index_cast %mul3A_1158 : i32 to index
        %get3A_1187 = arith.constant 48 : index
        %get3A_1188 = tpu.vector_load %arg12[%get3A_1186, %get3A_1187] {strides = array<i32>} : memref<24x128xi32, #tpu.memory_space<vmem>>, vector<16xi32>,
        %broadcast_in_dim3A_1189 = arith.constant true
        %broadcast_in_dim3A_1190 = vector.broadcast %broadcast_in_dim3A_1189 : i1 to vector<16xi1>
        %unique3A_1191, %unique3A_1192 = tpu.scan_count mask(%broadcast_in_dim3A_1190 : vector<16xi1>) value(%get3A_1188 : vector<16xi32>) : vector<16xi1>, vector<16xi32>
        tpu.vector_store_idx %arg10[%get3A_1188], %unique3A_1192 masked %unique3A_1191 {add = true} : memref<10112xi32, #tpu.memory_space<vmem>>[vector<16xi32>], vector<16xi32>, vector<16xi1>
        %get3A_1193 = arith.index_cast %mul3A_1158 : i32 to index
        %get3A_1194 = arith.constant 64 : index
        %get3A_1195 = tpu.vector_load %arg12[%get3A_1193, %get3A_1194] {strides = array<i32>} : memref<24x128xi32, #tpu.memory_space<vmem>>, vector<16xi32>,
        %broadcast_in_dim3A_1196 = arith.constant true
        %broadcast_in_dim3A_1197 = vector.broadcast %broadcast_in_dim3A_1196 : i1 to vector<16xi1>
        %unique3A_1198, %unique3A_1199 = tpu.scan_count mask(%broadcast_in_dim3A_1197 : vector<16xi1>) value(%get3A_1195 : vector<16xi32>) : vector<16xi1>, vector<16xi32>
        tpu.vector_store_idx %arg10[%get3A_1195], %unique3A_1199 masked %unique3A_1198 {add = true} : memref<10112xi32, #tpu.memory_space<vmem>>[vector<16xi32>], vector<16xi32>, vector<16xi1>
        %get3A_1200 = arith.index_cast %mul3A_1158 : i32 to index
        %get3A_1201 = arith.constant 80 : index
        %get3A_1202 = tpu.vector_load %arg12[%get3A_1200, %get3A_1201] {strides = array<i32>} : memref<24x128xi32, #tpu.memory_space<vmem>>, vector<16xi32>,
        %broadcast_in_dim3A_1203 = arith.constant true
        %broadcast_in_dim3A_1204 = vector.broadcast %broadcast_in_dim3A_1203 : i1 to vector<16xi1>
        %unique3A_1205, %unique3A_1206 = tpu.scan_count mask(%broadcast_in_dim3A_1204 : vector<16xi1>) value(%get3A_1202 : vector<16xi32>) : vector<16xi1>, vector<16xi32>
        tpu.vector_store_idx %arg10[%get3A_1202], %unique3A_1206 masked %unique3A_1205 {add = true} : memref<10112xi32, #tpu.memory_space<vmem>>[vector<16xi32>], vector<16xi32>, vector<16xi1>
        %get3A_1207 = arith.index_cast %mul3A_1158 : i32 to index
        %get3A_1208 = arith.constant 96 : index
        %get3A_1209 = tpu.vector_load %arg12[%get3A_1207, %get3A_1208] {strides = array<i32>} : memref<24x128xi32, #tpu.memory_space<vmem>>, vector<16xi32>,
        %broadcast_in_dim3A_1210 = arith.constant true
        %broadcast_in_dim3A_1211 = vector.broadcast %broadcast_in_dim3A_1210 : i1 to vector<16xi1>
        %unique3A_1212, %unique3A_1213 = tpu.scan_count mask(%broadcast_in_dim3A_1211 : vector<16xi1>) value(%get3A_1209 : vector<16xi32>) : vector<16xi1>, vector<16xi32>
        tpu.vector_store_idx %arg10[%get3A_1209], %unique3A_1213 masked %unique3A_1212 {add = true} : memref<10112xi32, #tpu.memory_space<vmem>>[vector<16xi32>], vector<16xi32>, vector<16xi1>
        %get3A_1214 = arith.index_cast %mul3A_1158 : i32 to index
        %get3A_1215 = arith.constant 112 : index
        %get3A_1216 = tpu.vector_load %arg12[%get3A_1214, %get3A_1215] {strides = array<i32>} : memref<24x128xi32, #tpu.memory_space<vmem>>, vector<16xi32>,
        %broadcast_in_dim3A_1217 = arith.constant true
        %broadcast_in_dim3A_1218 = vector.broadcast %broadcast_in_dim3A_1217 : i1 to vector<16xi1>
        %unique3A_1219, %unique3A_1220 = tpu.scan_count mask(%broadcast_in_dim3A_1218 : vector<16xi1>) value(%get3A_1216 : vector<16xi32>) : vector<16xi1>, vector<16xi32>
        tpu.vector_store_idx %arg10[%get3A_1216], %unique3A_1220 masked %unique3A_1219 {add = true} : memref<10112xi32, #tpu.memory_space<vmem>>[vector<16xi32>], vector<16xi32>, vector<16xi1>
        %dma_start3A_1221 = arith.constant 0 : i32
        %dma_start3A_1222 = tpu.memref_slice %arg12[%mul3A_1158, %dma_start3A_1221] : memref<24x128xi32, #tpu.memory_space<vmem>> -> memref<1x128xi32, #tpu.memory_space<vmem>>
        %dma_start3A_1223 = tpu.memref_squeeze %dma_start3A_1222 : memref<1x128xi32, #tpu.memory_space<vmem>> -> memref<128xi32, #tpu.memory_space<vmem>>
        %dma_start3A_1224 = arith.constant 0 : i32
        %dma_start3A_1225 = arith.constant 0 : i32
        %dma_start3A_1226 = tpu.memref_slice %arg9[%dma_start3A_1224, %dma_start3A_1225] : memref<10112x128xf32, #tpu.memory_space<vmem_shared>> -> memref<10112x128xf32, #tpu.memory_space<vmem_shared>>
        tpu.enqueue_indirect_dma source(%arg13 : memref<128x128xf32, #tpu.memory_space<vmem>>) target(%dma_start3A_1226 : memref<10112x128xf32, #tpu.memory_space<vmem_shared>>) offsets(%dma_start3A_1223 : memref<128xi32, #tpu.memory_space<vmem>>) semaphore(%arg17 : memref<!tpu.dma_semaphore, #tpu.memory_space<semaphore_mem>>) {add = true}
        %add3A_1227 = arith.constant 1 : i32
        %add3A_1228 = arith.addi %mul3A_1158, %add3A_1227 : i32
        %dma_wait3A_1229 = arith.constant 0 : i32
        %dma_wait3A_1230 = tpu.memref_slice %arg11[%add3A_1228, %dma_wait3A_1229] : memref<24x128xi32, #tpu.memory_space<vmem>> -> memref<1x128xi32, #tpu.memory_space<vmem>>
        %dma_wait3A_1231 = tpu.memref_squeeze %dma_wait3A_1230 : memref<1x128xi32, #tpu.memory_space<vmem>> -> memref<128xi32, #tpu.memory_space<vmem>>
        %dma_wait3A_1232 = arith.constant 0 : i32
        %dma_wait3A_1233 = arith.constant 0 : i32
        %dma_wait3A_1234 = tpu.memref_slice %arg2[%dma_wait3A_1232, %dma_wait3A_1233] : memref<10000x128xf32, #tpu.memory_space<hbm>> -> memref<10000x128xf32, #tpu.memory_space<hbm>>
        tpu.wait_indirect_dma semaphore(%arg16 : memref<!tpu.dma_semaphore, #tpu.memory_space<semaphore_mem>>) src(%dma_wait3A_1234 : memref<10000x128xf32, #tpu.memory_space<hbm>>) dst(%arg14 : memref<128x128xf32, #tpu.memory_space<vmem>>)
        %add3A_1235 = arith.constant 1 : i32
        %add3A_1236 = arith.addi %mul3A_1158, %add3A_1235 : i32
        %get3A_1237 = arith.index_cast %add3A_1236 : i32 to index
        %get3A_1238 = arith.constant 0 : index
        %get3A_1239 = tpu.vector_load %arg12[%get3A_1237, %get3A_1238] {strides = array<i32>} : memref<24x128xi32, #tpu.memory_space<vmem>>, vector<16xi32>,
        %broadcast_in_dim3A_1240 = arith.constant true
        %broadcast_in_dim3A_1241 = vector.broadcast %broadcast_in_dim3A_1240 : i1 to vector<16xi1>
        %unique3A_1242, %unique3A_1243 = tpu.scan_count mask(%broadcast_in_dim3A_1241 : vector<16xi1>) value(%get3A_1239 : vector<16xi32>) : vector<16xi1>, vector<16xi32>
        tpu.vector_store_idx %arg10[%get3A_1239], %unique3A_1243 masked %unique3A_1242 {add = true} : memref<10112xi32, #tpu.memory_space<vmem>>[vector<16xi32>], vector<16xi32>, vector<16xi1>
        %get3A_1244 = arith.index_cast %add3A_1236 : i32 to index
        %get3A_1245 = arith.constant 16 : index
        %get3A_1246 = tpu.vector_load %arg12[%get3A_1244, %get3A_1245] {strides = array<i32>} : memref<24x128xi32, #tpu.memory_space<vmem>>, vector<16xi32>,
        %broadcast_in_dim3A_1247 = arith.constant true
        %broadcast_in_dim3A_1248 = vector.broadcast %broadcast_in_dim3A_1247 : i1 to vector<16xi1>
        %unique3A_1249, %unique3A_1250 = tpu.scan_count mask(%broadcast_in_dim3A_1248 : vector<16xi1>) value(%get3A_1246 : vector<16xi32>) : vector<16xi1>, vector<16xi32>
        tpu.vector_store_idx %arg10[%get3A_1246], %unique3A_1250 masked %unique3A_1249 {add = true} : memref<10112xi32, #tpu.memory_space<vmem>>[vector<16xi32>], vector<16xi32>, vector<16xi1>
        %get3A_1251 = arith.index_cast %add3A_1236 : i32 to index
        %get3A_1252 = arith.constant 32 : index
        %get3A_1253 = tpu.vector_load %arg12[%get3A_1251, %get3A_1252] {strides = array<i32>} : memref<24x128xi32, #tpu.memory_space<vmem>>, vector<16xi32>,
        %broadcast_in_dim3A_1254 = arith.constant true
        %broadcast_in_dim3A_1255 = vector.broadcast %broadcast_in_dim3A_1254 : i1 to vector<16xi1>
        %unique3A_1256, %unique3A_1257 = tpu.scan_count mask(%broadcast_in_dim3A_1255 : vector<16xi1>) value(%get3A_1253 : vector<16xi32>) : vector<16xi1>, vector<16xi32>
        tpu.vector_store_idx %arg10[%get3A_1253], %unique3A_1257 masked %unique3A_1256 {add = true} : memref<10112xi32, #tpu.memory_space<vmem>>[vector<16xi32>], vector<16xi32>, vector<16xi1>
        %get3A_1258 = arith.index_cast %add3A_1236 : i32 to index
        %get3A_1259 = arith.constant 48 : index
        %get3A_1260 = tpu.vector_load %arg12[%get3A_1258, %get3A_1259] {strides = array<i32>} : memref<24x128xi32, #tpu.memory_space<vmem>>, vector<16xi32>,
        %broadcast_in_dim3A_1261 = arith.constant true
        %broadcast_in_dim3A_1262 = vector.broadcast %broadcast_in_dim3A_1261 : i1 to vector<16xi1>
        %unique3A_1263, %unique3A_1264 = tpu.scan_count mask(%broadcast_in_dim3A_1262 : vector<16xi1>) value(%get3A_1260 : vector<16xi32>) : vector<16xi1>, vector<16xi32>
        tpu.vector_store_idx %arg10[%get3A_1260], %unique3A_1264 masked %unique3A_1263 {add = true} : memref<10112xi32, #tpu.memory_space<vmem>>[vector<16xi32>], vector<16xi32>, vector<16xi1>
        %get3A_1265 = arith.index_cast %add3A_1236 : i32 to index
        %get3A_1266 = arith.constant 64 : index
        %get3A_1267 = tpu.vector_load %arg12[%get3A_1265, %get3A_1266] {strides = array<i32>} : memref<24x128xi32, #tpu.memory_space<vmem>>, vector<16xi32>,
        %broadcast_in_dim3A_1268 = arith.constant true
        %broadcast_in_dim3A_1269 = vector.broadcast %broadcast_in_dim3A_1268 : i1 to vector<16xi1>
        %unique3A_1270, %unique3A_1271 = tpu.scan_count mask(%broadcast_in_dim3A_1269 : vector<16xi1>) value(%get3A_1267 : vector<16xi32>) : vector<16xi1>, vector<16xi32>
        tpu.vector_store_idx %arg10[%get3A_1267], %unique3A_1271 masked %unique3A_1270 {add = true} : memref<10112xi32, #tpu.memory_space<vmem>>[vector<16xi32>], vector<16xi32>, vector<16xi1>
        %get3A_1272 = arith.index_cast %add3A_1236 : i32 to index
        %get3A_1273 = arith.constant 80 : index
        %get3A_1274 = tpu.vector_load %arg12[%get3A_1272, %get3A_1273] {strides = array<i32>} : memref<24x128xi32, #tpu.memory_space<vmem>>, vector<16xi32>,
        %broadcast_in_dim3A_1275 = arith.constant true
        %broadcast_in_dim3A_1276 = vector.broadcast %broadcast_in_dim3A_1275 : i1 to vector<16xi1>
        %unique3A_1277, %unique3A_1278 = tpu.scan_count mask(%broadcast_in_dim3A_1276 : vector<16xi1>) value(%get3A_1274 : vector<16xi32>) : vector<16xi1>, vector<16xi32>
        tpu.vector_store_idx %arg10[%get3A_1274], %unique3A_1278 masked %unique3A_1277 {add = true} : memref<10112xi32, #tpu.memory_space<vmem>>[vector<16xi32>], vector<16xi32>, vector<16xi1>
        %get3A_1279 = arith.index_cast %add3A_1236 : i32 to index
        %get3A_1280 = arith.constant 96 : index
        %get3A_1281 = tpu.vector_load %arg12[%get3A_1279, %get3A_1280] {strides = array<i32>} : memref<24x128xi32, #tpu.memory_space<vmem>>, vector<16xi32>,
        %broadcast_in_dim3A_1282 = arith.constant true
        %broadcast_in_dim3A_1283 = vector.broadcast %broadcast_in_dim3A_1282 : i1 to vector<16xi1>
        %unique3A_1284, %unique3A_1285 = tpu.scan_count mask(%broadcast_in_dim3A_1283 : vector<16xi1>) value(%get3A_1281 : vector<16xi32>) : vector<16xi1>, vector<16xi32>
        tpu.vector_store_idx %arg10[%get3A_1281], %unique3A_1285 masked %unique3A_1284 {add = true} : memref<10112xi32, #tpu.memory_space<vmem>>[vector<16xi32>], vector<16xi32>, vector<16xi1>
        %get3A_1286 = arith.index_cast %add3A_1236 : i32 to index
        %get3A_1287 = arith.constant 112 : index
        %get3A_1288 = tpu.vector_load %arg12[%get3A_1286, %get3A_1287] {strides = array<i32>} : memref<24x128xi32, #tpu.memory_space<vmem>>, vector<16xi32>,
        %broadcast_in_dim3A_1289 = arith.constant true
        %broadcast_in_dim3A_1290 = vector.broadcast %broadcast_in_dim3A_1289 : i1 to vector<16xi1>
        %unique3A_1291, %unique3A_1292 = tpu.scan_count mask(%broadcast_in_dim3A_1290 : vector<16xi1>) value(%get3A_1288 : vector<16xi32>) : vector<16xi1>, vector<16xi32>
        tpu.vector_store_idx %arg10[%get3A_1288], %unique3A_1292 masked %unique3A_1291 {add = true} : memref<10112xi32, #tpu.memory_space<vmem>>[vector<16xi32>], vector<16xi32>, vector<16xi1>
        %add3A_1293 = arith.constant 1 : i32
        %add3A_1294 = arith.addi %mul3A_1158, %add3A_1293 : i32
        %dma_start3A_1295 = arith.constant 0 : i32
        %dma_start3A_1296 = tpu.memref_slice %arg12[%add3A_1294, %dma_start3A_1295] : memref<24x128xi32, #tpu.memory_space<vmem>> -> memref<1x128xi32, #tpu.memory_space<vmem>>
        %dma_start3A_1297 = tpu.memref_squeeze %dma_start3A_1296 : memref<1x128xi32, #tpu.memory_space<vmem>> -> memref<128xi32, #tpu.memory_space<vmem>>
        %dma_start3A_1298 = arith.constant 0 : i32
        %dma_start3A_1299 = arith.constant 0 : i32
        %dma_start3A_1300 = tpu.memref_slice %arg9[%dma_start3A_1298, %dma_start3A_1299] : memref<10112x128xf32, #tpu.memory_space<vmem_shared>> -> memref<10112x128xf32, #tpu.memory_space<vmem_shared>>
        tpu.enqueue_indirect_dma source(%arg14 : memref<128x128xf32, #tpu.memory_space<vmem>>) target(%dma_start3A_1300 : memref<10112x128xf32, #tpu.memory_space<vmem_shared>>) offsets(%dma_start3A_1297 : memref<128xi32, #tpu.memory_space<vmem>>) semaphore(%arg18 : memref<!tpu.dma_semaphore, #tpu.memory_space<semaphore_mem>>) {add = true}
        %dma_wait3A_1301 = arith.constant 0 : i32
        %dma_wait3A_1302 = tpu.memref_slice %arg12[%mul3A_1158, %dma_wait3A_1301] : memref<24x128xi32, #tpu.memory_space<vmem>> -> memref<1x128xi32, #tpu.memory_space<vmem>>
        %dma_wait3A_1303 = tpu.memref_squeeze %dma_wait3A_1302 : memref<1x128xi32, #tpu.memory_space<vmem>> -> memref<128xi32, #tpu.memory_space<vmem>>
        %dma_wait3A_1304 = arith.constant 0 : i32
        %dma_wait3A_1305 = arith.constant 0 : i32
        %dma_wait3A_1306 = tpu.memref_slice %arg9[%dma_wait3A_1304, %dma_wait3A_1305] : memref<10112x128xf32, #tpu.memory_space<vmem_shared>> -> memref<10112x128xf32, #tpu.memory_space<vmem_shared>>
        tpu.wait_indirect_dma semaphore(%arg17 : memref<!tpu.dma_semaphore, #tpu.memory_space<semaphore_mem>>) src(%arg13 : memref<128x128xf32, #tpu.memory_space<vmem>>) dst(%dma_wait3A_1306 : memref<10112x128xf32, #tpu.memory_space<vmem_shared>>)
        %add3A_1307 = arith.constant 2 : i32
        %add3A_1308 = arith.addi %mul3A_1158, %add3A_1307 : i32
        %dma_start3A_1309 = arith.constant 0 : i32
        %dma_start3A_1310 = tpu.memref_slice %arg11[%add3A_1308, %dma_start3A_1309] : memref<24x128xi32, #tpu.memory_space<vmem>> -> memref<1x128xi32, #tpu.memory_space<vmem>>
        %dma_start3A_1311 = tpu.memref_squeeze %dma_start3A_1310 : memref<1x128xi32, #tpu.memory_space<vmem>> -> memref<128xi32, #tpu.memory_space<vmem>>
        %dma_start3A_1312 = arith.constant 0 : i32
        %dma_start3A_1313 = arith.constant 0 : i32
        %dma_start3A_1314 = tpu.memref_slice %arg2[%dma_start3A_1312, %dma_start3A_1313] : memref<10000x128xf32, #tpu.memory_space<hbm>> -> memref<10000x128xf32, #tpu.memory_space<hbm>>
        tpu.enqueue_indirect_dma source(%dma_start3A_1314 : memref<10000x128xf32, #tpu.memory_space<hbm>>) target(%arg13 : memref<128x128xf32, #tpu.memory_space<vmem>>) offsets(%dma_start3A_1311 : memref<128xi32, #tpu.memory_space<vmem>>) semaphore(%arg15 : memref<!tpu.dma_semaphore, #tpu.memory_space<semaphore_mem>>)
        %add3A_1315 = arith.constant 1 : i32
        %add3A_1316 = arith.addi %mul3A_1158, %add3A_1315 : i32
        %dma_wait3A_1317 = arith.constant 0 : i32
        %dma_wait3A_1318 = tpu.memref_slice %arg12[%add3A_1316, %dma_wait3A_1317] : memref<24x128xi32, #tpu.memory_space<vmem>> -> memref<1x128xi32, #tpu.memory_space<vmem>>
        %dma_wait3A_1319 = tpu.memref_squeeze %dma_wait3A_1318 : memref<1x128xi32, #tpu.memory_space<vmem>> -> memref<128xi32, #tpu.memory_space<vmem>>
        %dma_wait3A_1320 = arith.constant 0 : i32
        %dma_wait3A_1321 = arith.constant 0 : i32
        %dma_wait3A_1322 = tpu.memref_slice %arg9[%dma_wait3A_1320, %dma_wait3A_1321] : memref<10112x128xf32, #tpu.memory_space<vmem_shared>> -> memref<10112x128xf32, #tpu.memory_space<vmem_shared>>
        tpu.wait_indirect_dma semaphore(%arg18 : memref<!tpu.dma_semaphore, #tpu.memory_space<semaphore_mem>>) src(%arg14 : memref<128x128xf32, #tpu.memory_space<vmem>>) dst(%dma_wait3A_1322 : memref<10112x128xf32, #tpu.memory_space<vmem_shared>>)
        %add3A_1323 = arith.constant 3 : i32
        %add3A_1324 = arith.addi %mul3A_1158, %add3A_1323 : i32
        %dma_start3A_1325 = arith.constant 0 : i32
        %dma_start3A_1326 = tpu.memref_slice %arg11[%add3A_1324, %dma_start3A_1325] : memref<24x128xi32, #tpu.memory_space<vmem>> -> memref<1x128xi32, #tpu.memory_space<vmem>>
        %dma_start3A_1327 = tpu.memref_squeeze %dma_start3A_1326 : memref<1x128xi32, #tpu.memory_space<vmem>> -> memref<128xi32, #tpu.memory_space<vmem>>
        %dma_start3A_1328 = arith.constant 0 : i32
        %dma_start3A_1329 = arith.constant 0 : i32
        %dma_start3A_1330 = tpu.memref_slice %arg2[%dma_start3A_1328, %dma_start3A_1329] : memref<10000x128xf32, #tpu.memory_space<hbm>> -> memref<10000x128xf32, #tpu.memory_space<hbm>>
        tpu.enqueue_indirect_dma source(%dma_start3A_1330 : memref<10000x128xf32, #tpu.memory_space<hbm>>) target(%arg14 : memref<128x128xf32, #tpu.memory_space<vmem>>) offsets(%dma_start3A_1327 : memref<128xi32, #tpu.memory_space<vmem>>) semaphore(%arg16 : memref<!tpu.dma_semaphore, #tpu.memory_space<semaphore_mem>>)
      }
      %scan3A_409 = arith.constant 11 : i32
      %dma_wait3A_410 = arith.constant 22 : i32
      %dma_wait3A_411 = arith.constant 0 : i32
      %dma_wait3A_412 = tpu.memref_slice %arg11[%dma_wait3A_410, %dma_wait3A_411] : memref<24x128xi32, #tpu.memory_space<vmem>> -> memref<1x128xi32, #tpu.memory_space<vmem>>
      %dma_wait3A_413 = tpu.memref_squeeze %dma_wait3A_412 : memref<1x128xi32, #tpu.memory_space<vmem>> -> memref<128xi32, #tpu.memory_space<vmem>>
      %dma_wait3A_414 = arith.constant 0 : i32
      %dma_wait3A_415 = arith.constant 0 : i32
      %dma_wait3A_416 = tpu.memref_slice %arg2[%dma_wait3A_414, %dma_wait3A_415] : memref<10000x128xf32, #tpu.memory_space<hbm>> -> memref<10000x128xf32, #tpu.memory_space<hbm>>
      tpu.wait_indirect_dma semaphore(%arg15 : memref<!tpu.dma_semaphore, #tpu.memory_space<semaphore_mem>>) src(%dma_wait3A_416 : memref<10000x128xf32, #tpu.memory_space<hbm>>) dst(%arg13 : memref<128x128xf32, #tpu.memory_space<vmem>>)
      %get3A_417 = arith.constant 22 : i32
      %get3A_418 = arith.index_cast %get3A_417 : i32 to index
      %get3A_419 = arith.constant 0 : index
      %get3A_420 = tpu.vector_load %arg12[%get3A_418, %get3A_419] {strides = array<i32>} : memref<24x128xi32, #tpu.memory_space<vmem>>, vector<16xi32>,
      %broadcast_in_dim3A_421 = arith.constant true
      %broadcast_in_dim3A_422 = vector.broadcast %broadcast_in_dim3A_421 : i1 to vector<16xi1>
      %unique3A_423, %unique3A_424 = tpu.scan_count mask(%broadcast_in_dim3A_422 : vector<16xi1>) value(%get3A_420 : vector<16xi32>) : vector<16xi1>, vector<16xi32>
      tpu.vector_store_idx %arg10[%get3A_420], %unique3A_424 masked %unique3A_423 {add = true} : memref<10112xi32, #tpu.memory_space<vmem>>[vector<16xi32>], vector<16xi32>, vector<16xi1>
      %get3A_425 = arith.constant 22 : i32
      %get3A_426 = arith.index_cast %get3A_425 : i32 to index
      %get3A_427 = arith.constant 16 : index
      %get3A_428 = tpu.vector_load %arg12[%get3A_426, %get3A_427] {strides = array<i32>} : memref<24x128xi32, #tpu.memory_space<vmem>>, vector<16xi32>,
      %broadcast_in_dim3A_429 = arith.constant true
      %broadcast_in_dim3A_430 = vector.broadcast %broadcast_in_dim3A_429 : i1 to vector<16xi1>
      %unique3A_431, %unique3A_432 = tpu.scan_count mask(%broadcast_in_dim3A_430 : vector<16xi1>) value(%get3A_428 : vector<16xi32>) : vector<16xi1>, vector<16xi32>
      tpu.vector_store_idx %arg10[%get3A_428], %unique3A_432 masked %unique3A_431 {add = true} : memref<10112xi32, #tpu.memory_space<vmem>>[vector<16xi32>], vector<16xi32>, vector<16xi1>
      %get3A_433 = arith.constant 22 : i32
      %get3A_434 = arith.index_cast %get3A_433 : i32 to index
      %get3A_435 = arith.constant 32 : index
      %get3A_436 = tpu.vector_load %arg12[%get3A_434, %get3A_435] {strides = array<i32>} : memref<24x128xi32, #tpu.memory_space<vmem>>, vector<16xi32>,
      %broadcast_in_dim3A_437 = arith.constant true
      %broadcast_in_dim3A_438 = vector.broadcast %broadcast_in_dim3A_437 : i1 to vector<16xi1>
      %unique3A_439, %unique3A_440 = tpu.scan_count mask(%broadcast_in_dim3A_438 : vector<16xi1>) value(%get3A_436 : vector<16xi32>) : vector<16xi1>, vector<16xi32>
      tpu.vector_store_idx %arg10[%get3A_436], %unique3A_440 masked %unique3A_439 {add = true} : memref<10112xi32, #tpu.memory_space<vmem>>[vector<16xi32>], vector<16xi32>, vector<16xi1>
      %get3A_441 = arith.constant 22 : i32
      %get3A_442 = arith.index_cast %get3A_441 : i32 to index
      %get3A_443 = arith.constant 48 : index
      %get3A_444 = tpu.vector_load %arg12[%get3A_442, %get3A_443] {strides = array<i32>} : memref<24x128xi32, #tpu.memory_space<vmem>>, vector<16xi32>,
      %broadcast_in_dim3A_445 = arith.constant true
      %broadcast_in_dim3A_446 = vector.broadcast %broadcast_in_dim3A_445 : i1 to vector<16xi1>
      %unique3A_447, %unique3A_448 = tpu.scan_count mask(%broadcast_in_dim3A_446 : vector<16xi1>) value(%get3A_444 : vector<16xi32>) : vector<16xi1>, vector<16xi32>
      tpu.vector_store_idx %arg10[%get3A_444], %unique3A_448 masked %unique3A_447 {add = true} : memref<10112xi32, #tpu.memory_space<vmem>>[vector<16xi32>], vector<16xi32>, vector<16xi1>
      %get3A_449 = arith.constant 22 : i32
      %get3A_450 = arith.index_cast %get3A_449 : i32 to index
      %get3A_451 = arith.constant 64 : index
      %get3A_452 = tpu.vector_load %arg12[%get3A_450, %get3A_451] {strides = array<i32>} : memref<24x128xi32, #tpu.memory_space<vmem>>, vector<16xi32>,
      %broadcast_in_dim3A_453 = arith.constant true
      %broadcast_in_dim3A_454 = vector.broadcast %broadcast_in_dim3A_453 : i1 to vector<16xi1>
      %unique3A_455, %unique3A_456 = tpu.scan_count mask(%broadcast_in_dim3A_454 : vector<16xi1>) value(%get3A_452 : vector<16xi32>) : vector<16xi1>, vector<16xi32>
      tpu.vector_store_idx %arg10[%get3A_452], %unique3A_456 masked %unique3A_455 {add = true} : memref<10112xi32, #tpu.memory_space<vmem>>[vector<16xi32>], vector<16xi32>, vector<16xi1>
      %get3A_457 = arith.constant 22 : i32
      %get3A_458 = arith.index_cast %get3A_457 : i32 to index
      %get3A_459 = arith.constant 80 : index
      %get3A_460 = tpu.vector_load %arg12[%get3A_458, %get3A_459] {strides = array<i32>} : memref<24x128xi32, #tpu.memory_space<vmem>>, vector<16xi32>,
      %broadcast_in_dim3A_461 = arith.constant true
      %broadcast_in_dim3A_462 = vector.broadcast %broadcast_in_dim3A_461 : i1 to vector<16xi1>
      %unique3A_463, %unique3A_464 = tpu.scan_count mask(%broadcast_in_dim3A_462 : vector<16xi1>) value(%get3A_460 : vector<16xi32>) : vector<16xi1>, vector<16xi32>
      tpu.vector_store_idx %arg10[%get3A_460], %unique3A_464 masked %unique3A_463 {add = true} : memref<10112xi32, #tpu.memory_space<vmem>>[vector<16xi32>], vector<16xi32>, vector<16xi1>
      %get3A_465 = arith.constant 22 : i32
      %get3A_466 = arith.index_cast %get3A_465 : i32 to index
      %get3A_467 = arith.constant 96 : index
      %get3A_468 = tpu.vector_load %arg12[%get3A_466, %get3A_467] {strides = array<i32>} : memref<24x128xi32, #tpu.memory_space<vmem>>, vector<16xi32>,
      %broadcast_in_dim3A_469 = arith.constant true
      %broadcast_in_dim3A_470 = vector.broadcast %broadcast_in_dim3A_469 : i1 to vector<16xi1>
      %unique3A_471, %unique3A_472 = tpu.scan_count mask(%broadcast_in_dim3A_470 : vector<16xi1>) value(%get3A_468 : vector<16xi32>) : vector<16xi1>, vector<16xi32>
      tpu.vector_store_idx %arg10[%get3A_468], %unique3A_472 masked %unique3A_471 {add = true} : memref<10112xi32, #tpu.memory_space<vmem>>[vector<16xi32>], vector<16xi32>, vector<16xi1>
      %get3A_473 = arith.constant 22 : i32
      %get3A_474 = arith.index_cast %get3A_473 : i32 to index
      %get3A_475 = arith.constant 112 : index
      %get3A_476 = tpu.vector_load %arg12[%get3A_474, %get3A_475] {strides = array<i32>} : memref<24x128xi32, #tpu.memory_space<vmem>>, vector<16xi32>,
      %broadcast_in_dim3A_477 = arith.constant true
      %broadcast_in_dim3A_478 = vector.broadcast %broadcast_in_dim3A_477 : i1 to vector<16xi1>
      %unique3A_479, %unique3A_480 = tpu.scan_count mask(%broadcast_in_dim3A_478 : vector<16xi1>) value(%get3A_476 : vector<16xi32>) : vector<16xi1>, vector<16xi32>
      tpu.vector_store_idx %arg10[%get3A_476], %unique3A_480 masked %unique3A_479 {add = true} : memref<10112xi32, #tpu.memory_space<vmem>>[vector<16xi32>], vector<16xi32>, vector<16xi1>
      %dma_start3A_481 = arith.constant 22 : i32
      %dma_start3A_482 = arith.constant 0 : i32
      %dma_start3A_483 = tpu.memref_slice %arg12[%dma_start3A_481, %dma_start3A_482] : memref<24x128xi32, #tpu.memory_space<vmem>> -> memref<1x128xi32, #tpu.memory_space<vmem>>
      %dma_start3A_484 = tpu.memref_squeeze %dma_start3A_483 : memref<1x128xi32, #tpu.memory_space<vmem>> -> memref<128xi32, #tpu.memory_space<vmem>>
      %dma_start3A_485 = arith.constant 0 : i32
      %dma_start3A_486 = arith.constant 0 : i32
      %dma_start3A_487 = tpu.memref_slice %arg9[%dma_start3A_485, %dma_start3A_486] : memref<10112x128xf32, #tpu.memory_space<vmem_shared>> -> memref<10112x128xf32, #tpu.memory_space<vmem_shared>>
      tpu.enqueue_indirect_dma source(%arg13 : memref<128x128xf32, #tpu.memory_space<vmem>>) target(%dma_start3A_487 : memref<10112x128xf32, #tpu.memory_space<vmem_shared>>) offsets(%dma_start3A_484 : memref<128xi32, #tpu.memory_space<vmem>>) semaphore(%arg17 : memref<!tpu.dma_semaphore, #tpu.memory_space<semaphore_mem>>) {add = true}
      %dma_wait3A_488 = arith.constant 23 : i32
      %dma_wait3A_489 = arith.constant 0 : i32
      %dma_wait3A_490 = tpu.memref_slice %arg11[%dma_wait3A_488, %dma_wait3A_489] : memref<24x128xi32, #tpu.memory_space<vmem>> -> memref<1x128xi32, #tpu.memory_space<vmem>>
      %dma_wait3A_491 = tpu.memref_squeeze %dma_wait3A_490 : memref<1x128xi32, #tpu.memory_space<vmem>> -> memref<128xi32, #tpu.memory_space<vmem>>
      %dma_wait3A_492 = arith.constant 0 : i32
      %dma_wait3A_493 = arith.constant 0 : i32
      %dma_wait3A_494 = tpu.memref_slice %arg2[%dma_wait3A_492, %dma_wait3A_493] : memref<10000x128xf32, #tpu.memory_space<hbm>> -> memref<10000x128xf32, #tpu.memory_space<hbm>>
      tpu.wait_indirect_dma semaphore(%arg16 : memref<!tpu.dma_semaphore, #tpu.memory_space<semaphore_mem>>) src(%dma_wait3A_494 : memref<10000x128xf32, #tpu.memory_space<hbm>>) dst(%arg14 : memref<128x128xf32, #tpu.memory_space<vmem>>)
      %get3A_495 = arith.constant 23 : i32
      %get3A_496 = arith.index_cast %get3A_495 : i32 to index
      %get3A_497 = arith.constant 0 : index
      %get3A_498 = tpu.vector_load %arg12[%get3A_496, %get3A_497] {strides = array<i32>} : memref<24x128xi32, #tpu.memory_space<vmem>>, vector<16xi32>,
      %broadcast_in_dim3A_499 = arith.constant true
      %broadcast_in_dim3A_500 = vector.broadcast %broadcast_in_dim3A_499 : i1 to vector<16xi1>
      %unique3A_501, %unique3A_502 = tpu.scan_count mask(%broadcast_in_dim3A_500 : vector<16xi1>) value(%get3A_498 : vector<16xi32>) : vector<16xi1>, vector<16xi32>
      tpu.vector_store_idx %arg10[%get3A_498], %unique3A_502 masked %unique3A_501 {add = true} : memref<10112xi32, #tpu.memory_space<vmem>>[vector<16xi32>], vector<16xi32>, vector<16xi1>
      %get3A_503 = arith.constant 23 : i32
      %get3A_504 = arith.index_cast %get3A_503 : i32 to index
      %get3A_505 = arith.constant 16 : index
      %get3A_506 = tpu.vector_load %arg12[%get3A_504, %get3A_505] {strides = array<i32>} : memref<24x128xi32, #tpu.memory_space<vmem>>, vector<16xi32>,
      %broadcast_in_dim3A_507 = arith.constant true
      %broadcast_in_dim3A_508 = vector.broadcast %broadcast_in_dim3A_507 : i1 to vector<16xi1>
      %unique3A_509, %unique3A_510 = tpu.scan_count mask(%broadcast_in_dim3A_508 : vector<16xi1>) value(%get3A_506 : vector<16xi32>) : vector<16xi1>, vector<16xi32>
      tpu.vector_store_idx %arg10[%get3A_506], %unique3A_510 masked %unique3A_509 {add = true} : memref<10112xi32, #tpu.memory_space<vmem>>[vector<16xi32>], vector<16xi32>, vector<16xi1>
      %get3A_511 = arith.constant 23 : i32
      %get3A_512 = arith.index_cast %get3A_511 : i32 to index
      %get3A_513 = arith.constant 32 : index
      %get3A_514 = tpu.vector_load %arg12[%get3A_512, %get3A_513] {strides = array<i32>} : memref<24x128xi32, #tpu.memory_space<vmem>>, vector<16xi32>,
      %broadcast_in_dim3A_515 = arith.constant true
      %broadcast_in_dim3A_516 = vector.broadcast %broadcast_in_dim3A_515 : i1 to vector<16xi1>
      %unique3A_517, %unique3A_518 = tpu.scan_count mask(%broadcast_in_dim3A_516 : vector<16xi1>) value(%get3A_514 : vector<16xi32>) : vector<16xi1>, vector<16xi32>
      tpu.vector_store_idx %arg10[%get3A_514], %unique3A_518 masked %unique3A_517 {add = true} : memref<10112xi32, #tpu.memory_space<vmem>>[vector<16xi32>], vector<16xi32>, vector<16xi1>
      %get3A_519 = arith.constant 23 : i32
      %get3A_520 = arith.index_cast %get3A_519 : i32 to index
      %get3A_521 = arith.constant 48 : index
      %get3A_522 = tpu.vector_load %arg12[%get3A_520, %get3A_521] {strides = array<i32>} : memref<24x128xi32, #tpu.memory_space<vmem>>, vector<16xi32>,
      %broadcast_in_dim3A_523 = arith.constant true
      %broadcast_in_dim3A_524 = vector.broadcast %broadcast_in_dim3A_523 : i1 to vector<16xi1>
      %unique3A_525, %unique3A_526 = tpu.scan_count mask(%broadcast_in_dim3A_524 : vector<16xi1>) value(%get3A_522 : vector<16xi32>) : vector<16xi1>, vector<16xi32>
      tpu.vector_store_idx %arg10[%get3A_522], %unique3A_526 masked %unique3A_525 {add = true} : memref<10112xi32, #tpu.memory_space<vmem>>[vector<16xi32>], vector<16xi32>, vector<16xi1>
      %get3A_527 = arith.constant 23 : i32
      %get3A_528 = arith.index_cast %get3A_527 : i32 to index
      %get3A_529 = arith.constant 64 : index
      %get3A_530 = tpu.vector_load %arg12[%get3A_528, %get3A_529] {strides = array<i32>} : memref<24x128xi32, #tpu.memory_space<vmem>>, vector<16xi32>,
      %broadcast_in_dim3A_531 = arith.constant true
      %broadcast_in_dim3A_532 = vector.broadcast %broadcast_in_dim3A_531 : i1 to vector<16xi1>
      %unique3A_533, %unique3A_534 = tpu.scan_count mask(%broadcast_in_dim3A_532 : vector<16xi1>) value(%get3A_530 : vector<16xi32>) : vector<16xi1>, vector<16xi32>
      tpu.vector_store_idx %arg10[%get3A_530], %unique3A_534 masked %unique3A_533 {add = true} : memref<10112xi32, #tpu.memory_space<vmem>>[vector<16xi32>], vector<16xi32>, vector<16xi1>
      %get3A_535 = arith.constant 23 : i32
      %get3A_536 = arith.index_cast %get3A_535 : i32 to index
      %get3A_537 = arith.constant 80 : index
      %get3A_538 = tpu.vector_load %arg12[%get3A_536, %get3A_537] {strides = array<i32>} : memref<24x128xi32, #tpu.memory_space<vmem>>, vector<16xi32>,
      %broadcast_in_dim3A_539 = arith.constant true
      %broadcast_in_dim3A_540 = vector.broadcast %broadcast_in_dim3A_539 : i1 to vector<16xi1>
      %unique3A_541, %unique3A_542 = tpu.scan_count mask(%broadcast_in_dim3A_540 : vector<16xi1>) value(%get3A_538 : vector<16xi32>) : vector<16xi1>, vector<16xi32>
      tpu.vector_store_idx %arg10[%get3A_538], %unique3A_542 masked %unique3A_541 {add = true} : memref<10112xi32, #tpu.memory_space<vmem>>[vector<16xi32>], vector<16xi32>, vector<16xi1>
      %get3A_543 = arith.constant 23 : i32
      %get3A_544 = arith.index_cast %get3A_543 : i32 to index
      %get3A_545 = arith.constant 96 : index
      %get3A_546 = tpu.vector_load %arg12[%get3A_544, %get3A_545] {strides = array<i32>} : memref<24x128xi32, #tpu.memory_space<vmem>>, vector<16xi32>,
      %broadcast_in_dim3A_547 = arith.constant true
      %broadcast_in_dim3A_548 = vector.broadcast %broadcast_in_dim3A_547 : i1 to vector<16xi1>
      %unique3A_549, %unique3A_550 = tpu.scan_count mask(%broadcast_in_dim3A_548 : vector<16xi1>) value(%get3A_546 : vector<16xi32>) : vector<16xi1>, vector<16xi32>
      tpu.vector_store_idx %arg10[%get3A_546], %unique3A_550 masked %unique3A_549 {add = true} : memref<10112xi32, #tpu.memory_space<vmem>>[vector<16xi32>], vector<16xi32>, vector<16xi1>
      %get3A_551 = arith.constant 23 : i32
      %get3A_552 = arith.index_cast %get3A_551 : i32 to index
      %get3A_553 = arith.constant 112 : index
      %get3A_554 = tpu.vector_load %arg12[%get3A_552, %get3A_553] {strides = array<i32>} : memref<24x128xi32, #tpu.memory_space<vmem>>, vector<16xi32>,
      %broadcast_in_dim3A_555 = arith.constant true
      %broadcast_in_dim3A_556 = vector.broadcast %broadcast_in_dim3A_555 : i1 to vector<16xi1>
      %unique3A_557, %unique3A_558 = tpu.scan_count mask(%broadcast_in_dim3A_556 : vector<16xi1>) value(%get3A_554 : vector<16xi32>) : vector<16xi1>, vector<16xi32>
      tpu.vector_store_idx %arg10[%get3A_554], %unique3A_558 masked %unique3A_557 {add = true} : memref<10112xi32, #tpu.memory_space<vmem>>[vector<16xi32>], vector<16xi32>, vector<16xi1>
      %dma_start3A_559 = arith.constant 23 : i32
      %dma_start3A_560 = arith.constant 0 : i32
      %dma_start3A_561 = tpu.memref_slice %arg12[%dma_start3A_559, %dma_start3A_560] : memref<24x128xi32, #tpu.memory_space<vmem>> -> memref<1x128xi32, #tpu.memory_space<vmem>>
      %dma_start3A_562 = tpu.memref_squeeze %dma_start3A_561 : memref<1x128xi32, #tpu.memory_space<vmem>> -> memref<128xi32, #tpu.memory_space<vmem>>
      %dma_start3A_563 = arith.constant 0 : i32
      %dma_start3A_564 = arith.constant 0 : i32
      %dma_start3A_565 = tpu.memref_slice %arg9[%dma_start3A_563, %dma_start3A_564] : memref<10112x128xf32, #tpu.memory_space<vmem_shared>> -> memref<10112x128xf32, #tpu.memory_space<vmem_shared>>
      tpu.enqueue_indirect_dma source(%arg14 : memref<128x128xf32, #tpu.memory_space<vmem>>) target(%dma_start3A_565 : memref<10112x128xf32, #tpu.memory_space<vmem_shared>>) offsets(%dma_start3A_562 : memref<128xi32, #tpu.memory_space<vmem>>) semaphore(%arg18 : memref<!tpu.dma_semaphore, #tpu.memory_space<semaphore_mem>>) {add = true}
      %dma_wait3A_566 = arith.constant 22 : i32
      %dma_wait3A_567 = arith.constant 0 : i32
      %dma_wait3A_568 = tpu.memref_slice %arg12[%dma_wait3A_566, %dma_wait3A_567] : memref<24x128xi32, #tpu.memory_space<vmem>> -> memref<1x128xi32, #tpu.memory_space<vmem>>
      %dma_wait3A_569 = tpu.memref_squeeze %dma_wait3A_568 : memref<1x128xi32, #tpu.memory_space<vmem>> -> memref<128xi32, #tpu.memory_space<vmem>>
      %dma_wait3A_570 = arith.constant 0 : i32
      %dma_wait3A_571 = arith.constant 0 : i32
      %dma_wait3A_572 = tpu.memref_slice %arg9[%dma_wait3A_570, %dma_wait3A_571] : memref<10112x128xf32, #tpu.memory_space<vmem_shared>> -> memref<10112x128xf32, #tpu.memory_space<vmem_shared>>
      tpu.wait_indirect_dma semaphore(%arg17 : memref<!tpu.dma_semaphore, #tpu.memory_space<semaphore_mem>>) src(%arg13 : memref<128x128xf32, #tpu.memory_space<vmem>>) dst(%dma_wait3A_572 : memref<10112x128xf32, #tpu.memory_space<vmem_shared>>)
      %dma_wait3A_573 = arith.constant 23 : i32
      %dma_wait3A_574 = arith.constant 0 : i32
      %dma_wait3A_575 = tpu.memref_slice %arg12[%dma_wait3A_573, %dma_wait3A_574] : memref<24x128xi32, #tpu.memory_space<vmem>> -> memref<1x128xi32, #tpu.memory_space<vmem>>
      %dma_wait3A_576 = tpu.memref_squeeze %dma_wait3A_575 : memref<1x128xi32, #tpu.memory_space<vmem>> -> memref<128xi32, #tpu.memory_space<vmem>>
      %dma_wait3A_577 = arith.constant 0 : i32
      %dma_wait3A_578 = arith.constant 0 : i32
      %dma_wait3A_579 = tpu.memref_slice %arg9[%dma_wait3A_577, %dma_wait3A_578] : memref<10112x128xf32, #tpu.memory_space<vmem_shared>> -> memref<10112x128xf32, #tpu.memory_space<vmem_shared>>
      tpu.wait_indirect_dma semaphore(%arg18 : memref<!tpu.dma_semaphore, #tpu.memory_space<semaphore_mem>>) src(%arg14 : memref<128x128xf32, #tpu.memory_space<vmem>>) dst(%dma_wait3A_579 : memref<10112x128xf32, #tpu.memory_space<vmem_shared>>)
      %add3A_580 = arith.constant 72 : i32
      %add3A_581 = arith.addi %mul3A_10, %add3A_580 : i32
      "tpu.region"() ({
        %run_scoped3A = tpu.sem_alloc : memref<!tpu.dma_semaphore, #tpu.memory_space<semaphore_mem>>
        %dma_start3A_1156 = arith.constant 0 : i32
        %dma_start3A_1157 = arith.constant 0 : i32
        %dma_start3A_1158 = tpu.memref_slice %arg11[%dma_start3A_1156, %dma_start3A_1157] : memref<24x128xi32, #tpu.memory_space<vmem>> -> memref<24x128xi32, #tpu.memory_space<vmem>>
        %dma_start3A_1159 = arith.constant 0 : i32
        %dma_start3A_1160 = tpu.memref_slice %arg3[%add3A_581, %dma_start3A_1159] : memref<2560x128xi32, #tpu.memory_space<hbm>> -> memref<24x128xi32, #tpu.memory_space<hbm>>
        %dma_start3A_1161 = arith.constant 0 : i32
        %dma_start3A_1162 = arith.constant 0 : i32
        %dma_start3A_1163 = tpu.memref_slice %arg11[%dma_start3A_1161, %dma_start3A_1162] : memref<24x128xi32, #tpu.memory_space<vmem>> -> memref<24x128xi32, #tpu.memory_space<vmem>>
        %dma_start3A_1164 = arith.constant 0 : i32
        %dma_start3A_1165 = tpu.memref_slice %arg3[%add3A_581, %dma_start3A_1164] : memref<2560x128xi32, #tpu.memory_space<hbm>> -> memref<24x128xi32, #tpu.memory_space<hbm>>
        tpu.enqueue_dma source(%dma_start3A_1165 : memref<24x128xi32, #tpu.memory_space<hbm>>) target(%dma_start3A_1163 : memref<24x128xi32, #tpu.memory_space<vmem>>) target_semaphore(%run_scoped3A : memref<!tpu.dma_semaphore, #tpu.memory_space<semaphore_mem>>)
        %dma_wait3A_1166 = arith.constant 0 : i32
        %dma_wait3A_1167 = arith.constant 0 : i32
        %dma_wait3A_1168 = tpu.memref_slice %arg11[%dma_wait3A_1166, %dma_wait3A_1167] : memref<24x128xi32, #tpu.memory_space<vmem>> -> memref<24x128xi32, #tpu.memory_space<vmem>>
        %dma_wait3A_1169 = arith.constant 0 : i32
        %dma_wait3A_1170 = tpu.memref_slice %arg3[%add3A_581, %dma_wait3A_1169] : memref<2560x128xi32, #tpu.memory_space<hbm>> -> memref<24x128xi32, #tpu.memory_space<hbm>>
        %dma_wait3A_1171 = arith.constant 0 : i32
        %dma_wait3A_1172 = arith.constant 0 : i32
        %dma_wait3A_1173 = tpu.memref_slice %arg11[%dma_wait3A_1171, %dma_wait3A_1172] : memref<24x128xi32, #tpu.memory_space<vmem>> -> memref<24x128xi32, #tpu.memory_space<vmem>>
        %dma_wait3A_1174 = arith.constant 0 : i32
        %dma_wait3A_1175 = tpu.memref_slice %arg3[%add3A_581, %dma_wait3A_1174] : memref<2560x128xi32, #tpu.memory_space<hbm>> -> memref<24x128xi32, #tpu.memory_space<hbm>>
        tpu.wait_dma2 semaphore(%run_scoped3A : memref<!tpu.dma_semaphore, #tpu.memory_space<semaphore_mem>>) src(%dma_wait3A_1175 : memref<24x128xi32, #tpu.memory_space<hbm>>) dst(%dma_wait3A_1173 : memref<24x128xi32, #tpu.memory_space<vmem>>)
        tpu.yield
      }) : () -> ()
      "tpu.region"() ({
        %run_scoped3A = tpu.sem_alloc : memref<!tpu.dma_semaphore, #tpu.memory_space<semaphore_mem>>
        %dma_start3A_1156 = arith.constant 0 : i32
        %dma_start3A_1157 = arith.constant 0 : i32
        %dma_start3A_1158 = tpu.memref_slice %arg12[%dma_start3A_1156, %dma_start3A_1157] : memref<24x128xi32, #tpu.memory_space<vmem>> -> memref<24x128xi32, #tpu.memory_space<vmem>>
        %dma_start3A_1159 = arith.constant 0 : i32
        %dma_start3A_1160 = tpu.memref_slice %arg4[%add3A_581, %dma_start3A_1159] : memref<2560x128xi32, #tpu.memory_space<hbm>> -> memref<24x128xi32, #tpu.memory_space<hbm>>
        %dma_start3A_1161 = arith.constant 0 : i32
        %dma_start3A_1162 = arith.constant 0 : i32
        %dma_start3A_1163 = tpu.memref_slice %arg12[%dma_start3A_1161, %dma_start3A_1162] : memref<24x128xi32, #tpu.memory_space<vmem>> -> memref<24x128xi32, #tpu.memory_space<vmem>>
        %dma_start3A_1164 = arith.constant 0 : i32
        %dma_start3A_1165 = tpu.memref_slice %arg4[%add3A_581, %dma_start3A_1164] : memref<2560x128xi32, #tpu.memory_space<hbm>> -> memref<24x128xi32, #tpu.memory_space<hbm>>
        tpu.enqueue_dma source(%dma_start3A_1165 : memref<24x128xi32, #tpu.memory_space<hbm>>) target(%dma_start3A_1163 : memref<24x128xi32, #tpu.memory_space<vmem>>) target_semaphore(%run_scoped3A : memref<!tpu.dma_semaphore, #tpu.memory_space<semaphore_mem>>)
        %dma_wait3A_1166 = arith.constant 0 : i32
        %dma_wait3A_1167 = arith.constant 0 : i32
        %dma_wait3A_1168 = tpu.memref_slice %arg12[%dma_wait3A_1166, %dma_wait3A_1167] : memref<24x128xi32, #tpu.memory_space<vmem>> -> memref<24x128xi32, #tpu.memory_space<vmem>>
        %dma_wait3A_1169 = arith.constant 0 : i32
        %dma_wait3A_1170 = tpu.memref_slice %arg4[%add3A_581, %dma_wait3A_1169] : memref<2560x128xi32, #tpu.memory_space<hbm>> -> memref<24x128xi32, #tpu.memory_space<hbm>>
        %dma_wait3A_1171 = arith.constant 0 : i32
        %dma_wait3A_1172 = arith.constant 0 : i32
        %dma_wait3A_1173 = tpu.memref_slice %arg12[%dma_wait3A_1171, %dma_wait3A_1172] : memref<24x128xi32, #tpu.memory_space<vmem>> -> memref<24x128xi32, #tpu.memory_space<vmem>>
        %dma_wait3A_1174 = arith.constant 0 : i32
        %dma_wait3A_1175 = tpu.memref_slice %arg4[%add3A_581, %dma_wait3A_1174] : memref<2560x128xi32, #tpu.memory_space<hbm>> -> memref<24x128xi32, #tpu.memory_space<hbm>>
        tpu.wait_dma2 semaphore(%run_scoped3A : memref<!tpu.dma_semaphore, #tpu.memory_space<semaphore_mem>>) src(%dma_wait3A_1175 : memref<24x128xi32, #tpu.memory_space<hbm>>) dst(%dma_wait3A_1173 : memref<24x128xi32, #tpu.memory_space<vmem>>)
        tpu.yield
      }) : () -> ()
      %dma_start3A_582 = arith.constant 0 : i32
      %dma_start3A_583 = arith.constant 0 : i32
      %dma_start3A_584 = tpu.memref_slice %arg11[%dma_start3A_582, %dma_start3A_583] : memref<24x128xi32, #tpu.memory_space<vmem>> -> memref<1x128xi32, #tpu.memory_space<vmem>>
      %dma_start3A_585 = tpu.memref_squeeze %dma_start3A_584 : memref<1x128xi32, #tpu.memory_space<vmem>> -> memref<128xi32, #tpu.memory_space<vmem>>
      %dma_start3A_586 = arith.constant 0 : i32
      %dma_start3A_587 = arith.constant 0 : i32
      %dma_start3A_588 = tpu.memref_slice %arg2[%dma_start3A_586, %dma_start3A_587] : memref<10000x128xf32, #tpu.memory_space<hbm>> -> memref<10000x128xf32, #tpu.memory_space<hbm>>
      tpu.enqueue_indirect_dma source(%dma_start3A_588 : memref<10000x128xf32, #tpu.memory_space<hbm>>) target(%arg13 : memref<128x128xf32, #tpu.memory_space<vmem>>) offsets(%dma_start3A_585 : memref<128xi32, #tpu.memory_space<vmem>>) semaphore(%arg15 : memref<!tpu.dma_semaphore, #tpu.memory_space<semaphore_mem>>)
      %dma_start3A_589 = arith.constant 1 : i32
      %dma_start3A_590 = arith.constant 0 : i32
      %dma_start3A_591 = tpu.memref_slice %arg11[%dma_start3A_589, %dma_start3A_590] : memref<24x128xi32, #tpu.memory_space<vmem>> -> memref<1x128xi32, #tpu.memory_space<vmem>>
      %dma_start3A_592 = tpu.memref_squeeze %dma_start3A_591 : memref<1x128xi32, #tpu.memory_space<vmem>> -> memref<128xi32, #tpu.memory_space<vmem>>
      %dma_start3A_593 = arith.constant 0 : i32
      %dma_start3A_594 = arith.constant 0 : i32
      %dma_start3A_595 = tpu.memref_slice %arg2[%dma_start3A_593, %dma_start3A_594] : memref<10000x128xf32, #tpu.memory_space<hbm>> -> memref<10000x128xf32, #tpu.memory_space<hbm>>
      tpu.enqueue_indirect_dma source(%dma_start3A_595 : memref<10000x128xf32, #tpu.memory_space<hbm>>) target(%arg14 : memref<128x128xf32, #tpu.memory_space<vmem>>) offsets(%dma_start3A_592 : memref<128xi32, #tpu.memory_space<vmem>>) semaphore(%arg16 : memref<!tpu.dma_semaphore, #tpu.memory_space<semaphore_mem>>)
      %scan3A_596 = arith.constant 0 : i32
      %scan3A_597 = arith.constant 0 : i32
      %scan3A_598 = arith.constant 11 : i32
      %scan3A_599 = arith.addi %scan3A_597, %scan3A_598 : i32
      %scan3A_600 = arith.constant 1 : i32
      scf.for %scan3A_1156 = %scan3A_597 to %scan3A_599 step %scan3A_600  : i32 {
        %mul3A_1157 = arith.constant 2 : i32
        %mul3A_1158 = arith.muli %mul3A_1157, %scan3A_1156 : i32
        %dma_wait3A_1159 = arith.constant 0 : i32
        %dma_wait3A_1160 = tpu.memref_slice %arg11[%mul3A_1158, %dma_wait3A_1159] : memref<24x128xi32, #tpu.memory_space<vmem>> -> memref<1x128xi32, #tpu.memory_space<vmem>>
        %dma_wait3A_1161 = tpu.memref_squeeze %dma_wait3A_1160 : memref<1x128xi32, #tpu.memory_space<vmem>> -> memref<128xi32, #tpu.memory_space<vmem>>
        %dma_wait3A_1162 = arith.constant 0 : i32
        %dma_wait3A_1163 = arith.constant 0 : i32
        %dma_wait3A_1164 = tpu.memref_slice %arg2[%dma_wait3A_1162, %dma_wait3A_1163] : memref<10000x128xf32, #tpu.memory_space<hbm>> -> memref<10000x128xf32, #tpu.memory_space<hbm>>
        tpu.wait_indirect_dma semaphore(%arg15 : memref<!tpu.dma_semaphore, #tpu.memory_space<semaphore_mem>>) src(%dma_wait3A_1164 : memref<10000x128xf32, #tpu.memory_space<hbm>>) dst(%arg13 : memref<128x128xf32, #tpu.memory_space<vmem>>)
        %get3A_1165 = arith.index_cast %mul3A_1158 : i32 to index
        %get3A_1166 = arith.constant 0 : index
        %get3A_1167 = tpu.vector_load %arg12[%get3A_1165, %get3A_1166] {strides = array<i32>} : memref<24x128xi32, #tpu.memory_space<vmem>>, vector<16xi32>,
        %broadcast_in_dim3A_1168 = arith.constant true
        %broadcast_in_dim3A_1169 = vector.broadcast %broadcast_in_dim3A_1168 : i1 to vector<16xi1>
        %unique3A_1170, %unique3A_1171 = tpu.scan_count mask(%broadcast_in_dim3A_1169 : vector<16xi1>) value(%get3A_1167 : vector<16xi32>) : vector<16xi1>, vector<16xi32>
        tpu.vector_store_idx %arg10[%get3A_1167], %unique3A_1171 masked %unique3A_1170 {add = true} : memref<10112xi32, #tpu.memory_space<vmem>>[vector<16xi32>], vector<16xi32>, vector<16xi1>
        %get3A_1172 = arith.index_cast %mul3A_1158 : i32 to index
        %get3A_1173 = arith.constant 16 : index
        %get3A_1174 = tpu.vector_load %arg12[%get3A_1172, %get3A_1173] {strides = array<i32>} : memref<24x128xi32, #tpu.memory_space<vmem>>, vector<16xi32>,
        %broadcast_in_dim3A_1175 = arith.constant true
        %broadcast_in_dim3A_1176 = vector.broadcast %broadcast_in_dim3A_1175 : i1 to vector<16xi1>
        %unique3A_1177, %unique3A_1178 = tpu.scan_count mask(%broadcast_in_dim3A_1176 : vector<16xi1>) value(%get3A_1174 : vector<16xi32>) : vector<16xi1>, vector<16xi32>
        tpu.vector_store_idx %arg10[%get3A_1174], %unique3A_1178 masked %unique3A_1177 {add = true} : memref<10112xi32, #tpu.memory_space<vmem>>[vector<16xi32>], vector<16xi32>, vector<16xi1>
        %get3A_1179 = arith.index_cast %mul3A_1158 : i32 to index
        %get3A_1180 = arith.constant 32 : index
        %get3A_1181 = tpu.vector_load %arg12[%get3A_1179, %get3A_1180] {strides = array<i32>} : memref<24x128xi32, #tpu.memory_space<vmem>>, vector<16xi32>,
        %broadcast_in_dim3A_1182 = arith.constant true
        %broadcast_in_dim3A_1183 = vector.broadcast %broadcast_in_dim3A_1182 : i1 to vector<16xi1>
        %unique3A_1184, %unique3A_1185 = tpu.scan_count mask(%broadcast_in_dim3A_1183 : vector<16xi1>) value(%get3A_1181 : vector<16xi32>) : vector<16xi1>, vector<16xi32>
        tpu.vector_store_idx %arg10[%get3A_1181], %unique3A_1185 masked %unique3A_1184 {add = true} : memref<10112xi32, #tpu.memory_space<vmem>>[vector<16xi32>], vector<16xi32>, vector<16xi1>
        %get3A_1186 = arith.index_cast %mul3A_1158 : i32 to index
        %get3A_1187 = arith.constant 48 : index
        %get3A_1188 = tpu.vector_load %arg12[%get3A_1186, %get3A_1187] {strides = array<i32>} : memref<24x128xi32, #tpu.memory_space<vmem>>, vector<16xi32>,
        %broadcast_in_dim3A_1189 = arith.constant true
        %broadcast_in_dim3A_1190 = vector.broadcast %broadcast_in_dim3A_1189 : i1 to vector<16xi1>
        %unique3A_1191, %unique3A_1192 = tpu.scan_count mask(%broadcast_in_dim3A_1190 : vector<16xi1>) value(%get3A_1188 : vector<16xi32>) : vector<16xi1>, vector<16xi32>
        tpu.vector_store_idx %arg10[%get3A_1188], %unique3A_1192 masked %unique3A_1191 {add = true} : memref<10112xi32, #tpu.memory_space<vmem>>[vector<16xi32>], vector<16xi32>, vector<16xi1>
        %get3A_1193 = arith.index_cast %mul3A_1158 : i32 to index
        %get3A_1194 = arith.constant 64 : index
        %get3A_1195 = tpu.vector_load %arg12[%get3A_1193, %get3A_1194] {strides = array<i32>} : memref<24x128xi32, #tpu.memory_space<vmem>>, vector<16xi32>,
        %broadcast_in_dim3A_1196 = arith.constant true
        %broadcast_in_dim3A_1197 = vector.broadcast %broadcast_in_dim3A_1196 : i1 to vector<16xi1>
        %unique3A_1198, %unique3A_1199 = tpu.scan_count mask(%broadcast_in_dim3A_1197 : vector<16xi1>) value(%get3A_1195 : vector<16xi32>) : vector<16xi1>, vector<16xi32>
        tpu.vector_store_idx %arg10[%get3A_1195], %unique3A_1199 masked %unique3A_1198 {add = true} : memref<10112xi32, #tpu.memory_space<vmem>>[vector<16xi32>], vector<16xi32>, vector<16xi1>
        %get3A_1200 = arith.index_cast %mul3A_1158 : i32 to index
        %get3A_1201 = arith.constant 80 : index
        %get3A_1202 = tpu.vector_load %arg12[%get3A_1200, %get3A_1201] {strides = array<i32>} : memref<24x128xi32, #tpu.memory_space<vmem>>, vector<16xi32>,
        %broadcast_in_dim3A_1203 = arith.constant true
        %broadcast_in_dim3A_1204 = vector.broadcast %broadcast_in_dim3A_1203 : i1 to vector<16xi1>
        %unique3A_1205, %unique3A_1206 = tpu.scan_count mask(%broadcast_in_dim3A_1204 : vector<16xi1>) value(%get3A_1202 : vector<16xi32>) : vector<16xi1>, vector<16xi32>
        tpu.vector_store_idx %arg10[%get3A_1202], %unique3A_1206 masked %unique3A_1205 {add = true} : memref<10112xi32, #tpu.memory_space<vmem>>[vector<16xi32>], vector<16xi32>, vector<16xi1>
        %get3A_1207 = arith.index_cast %mul3A_1158 : i32 to index
        %get3A_1208 = arith.constant 96 : index
        %get3A_1209 = tpu.vector_load %arg12[%get3A_1207, %get3A_1208] {strides = array<i32>} : memref<24x128xi32, #tpu.memory_space<vmem>>, vector<16xi32>,
        %broadcast_in_dim3A_1210 = arith.constant true
        %broadcast_in_dim3A_1211 = vector.broadcast %broadcast_in_dim3A_1210 : i1 to vector<16xi1>
        %unique3A_1212, %unique3A_1213 = tpu.scan_count mask(%broadcast_in_dim3A_1211 : vector<16xi1>) value(%get3A_1209 : vector<16xi32>) : vector<16xi1>, vector<16xi32>
        tpu.vector_store_idx %arg10[%get3A_1209], %unique3A_1213 masked %unique3A_1212 {add = true} : memref<10112xi32, #tpu.memory_space<vmem>>[vector<16xi32>], vector<16xi32>, vector<16xi1>
        %get3A_1214 = arith.index_cast %mul3A_1158 : i32 to index
        %get3A_1215 = arith.constant 112 : index
        %get3A_1216 = tpu.vector_load %arg12[%get3A_1214, %get3A_1215] {strides = array<i32>} : memref<24x128xi32, #tpu.memory_space<vmem>>, vector<16xi32>,
        %broadcast_in_dim3A_1217 = arith.constant true
        %broadcast_in_dim3A_1218 = vector.broadcast %broadcast_in_dim3A_1217 : i1 to vector<16xi1>
        %unique3A_1219, %unique3A_1220 = tpu.scan_count mask(%broadcast_in_dim3A_1218 : vector<16xi1>) value(%get3A_1216 : vector<16xi32>) : vector<16xi1>, vector<16xi32>
        tpu.vector_store_idx %arg10[%get3A_1216], %unique3A_1220 masked %unique3A_1219 {add = true} : memref<10112xi32, #tpu.memory_space<vmem>>[vector<16xi32>], vector<16xi32>, vector<16xi1>
        %dma_start3A_1221 = arith.constant 0 : i32
        %dma_start3A_1222 = tpu.memref_slice %arg12[%mul3A_1158, %dma_start3A_1221] : memref<24x128xi32, #tpu.memory_space<vmem>> -> memref<1x128xi32, #tpu.memory_space<vmem>>
        %dma_start3A_1223 = tpu.memref_squeeze %dma_start3A_1222 : memref<1x128xi32, #tpu.memory_space<vmem>> -> memref<128xi32, #tpu.memory_space<vmem>>
        %dma_start3A_1224 = arith.constant 0 : i32
        %dma_start3A_1225 = arith.constant 0 : i32
        %dma_start3A_1226 = tpu.memref_slice %arg9[%dma_start3A_1224, %dma_start3A_1225] : memref<10112x128xf32, #tpu.memory_space<vmem_shared>> -> memref<10112x128xf32, #tpu.memory_space<vmem_shared>>
        tpu.enqueue_indirect_dma source(%arg13 : memref<128x128xf32, #tpu.memory_space<vmem>>) target(%dma_start3A_1226 : memref<10112x128xf32, #tpu.memory_space<vmem_shared>>) offsets(%dma_start3A_1223 : memref<128xi32, #tpu.memory_space<vmem>>) semaphore(%arg17 : memref<!tpu.dma_semaphore, #tpu.memory_space<semaphore_mem>>) {add = true}
        %add3A_1227 = arith.constant 1 : i32
        %add3A_1228 = arith.addi %mul3A_1158, %add3A_1227 : i32
        %dma_wait3A_1229 = arith.constant 0 : i32
        %dma_wait3A_1230 = tpu.memref_slice %arg11[%add3A_1228, %dma_wait3A_1229] : memref<24x128xi32, #tpu.memory_space<vmem>> -> memref<1x128xi32, #tpu.memory_space<vmem>>
        %dma_wait3A_1231 = tpu.memref_squeeze %dma_wait3A_1230 : memref<1x128xi32, #tpu.memory_space<vmem>> -> memref<128xi32, #tpu.memory_space<vmem>>
        %dma_wait3A_1232 = arith.constant 0 : i32
        %dma_wait3A_1233 = arith.constant 0 : i32
        %dma_wait3A_1234 = tpu.memref_slice %arg2[%dma_wait3A_1232, %dma_wait3A_1233] : memref<10000x128xf32, #tpu.memory_space<hbm>> -> memref<10000x128xf32, #tpu.memory_space<hbm>>
        tpu.wait_indirect_dma semaphore(%arg16 : memref<!tpu.dma_semaphore, #tpu.memory_space<semaphore_mem>>) src(%dma_wait3A_1234 : memref<10000x128xf32, #tpu.memory_space<hbm>>) dst(%arg14 : memref<128x128xf32, #tpu.memory_space<vmem>>)
        %add3A_1235 = arith.constant 1 : i32
        %add3A_1236 = arith.addi %mul3A_1158, %add3A_1235 : i32
        %get3A_1237 = arith.index_cast %add3A_1236 : i32 to index
        %get3A_1238 = arith.constant 0 : index
        %get3A_1239 = tpu.vector_load %arg12[%get3A_1237, %get3A_1238] {strides = array<i32>} : memref<24x128xi32, #tpu.memory_space<vmem>>, vector<16xi32>,
        %broadcast_in_dim3A_1240 = arith.constant true
        %broadcast_in_dim3A_1241 = vector.broadcast %broadcast_in_dim3A_1240 : i1 to vector<16xi1>
        %unique3A_1242, %unique3A_1243 = tpu.scan_count mask(%broadcast_in_dim3A_1241 : vector<16xi1>) value(%get3A_1239 : vector<16xi32>) : vector<16xi1>, vector<16xi32>
        tpu.vector_store_idx %arg10[%get3A_1239], %unique3A_1243 masked %unique3A_1242 {add = true} : memref<10112xi32, #tpu.memory_space<vmem>>[vector<16xi32>], vector<16xi32>, vector<16xi1>
        %get3A_1244 = arith.index_cast %add3A_1236 : i32 to index
        %get3A_1245 = arith.constant 16 : index
        %get3A_1246 = tpu.vector_load %arg12[%get3A_1244, %get3A_1245] {strides = array<i32>} : memref<24x128xi32, #tpu.memory_space<vmem>>, vector<16xi32>,
        %broadcast_in_dim3A_1247 = arith.constant true
        %broadcast_in_dim3A_1248 = vector.broadcast %broadcast_in_dim3A_1247 : i1 to vector<16xi1>
        %unique3A_1249, %unique3A_1250 = tpu.scan_count mask(%broadcast_in_dim3A_1248 : vector<16xi1>) value(%get3A_1246 : vector<16xi32>) : vector<16xi1>, vector<16xi32>
        tpu.vector_store_idx %arg10[%get3A_1246], %unique3A_1250 masked %unique3A_1249 {add = true} : memref<10112xi32, #tpu.memory_space<vmem>>[vector<16xi32>], vector<16xi32>, vector<16xi1>
        %get3A_1251 = arith.index_cast %add3A_1236 : i32 to index
        %get3A_1252 = arith.constant 32 : index
        %get3A_1253 = tpu.vector_load %arg12[%get3A_1251, %get3A_1252] {strides = array<i32>} : memref<24x128xi32, #tpu.memory_space<vmem>>, vector<16xi32>,
        %broadcast_in_dim3A_1254 = arith.constant true
        %broadcast_in_dim3A_1255 = vector.broadcast %broadcast_in_dim3A_1254 : i1 to vector<16xi1>
        %unique3A_1256, %unique3A_1257 = tpu.scan_count mask(%broadcast_in_dim3A_1255 : vector<16xi1>) value(%get3A_1253 : vector<16xi32>) : vector<16xi1>, vector<16xi32>
        tpu.vector_store_idx %arg10[%get3A_1253], %unique3A_1257 masked %unique3A_1256 {add = true} : memref<10112xi32, #tpu.memory_space<vmem>>[vector<16xi32>], vector<16xi32>, vector<16xi1>
        %get3A_1258 = arith.index_cast %add3A_1236 : i32 to index
        %get3A_1259 = arith.constant 48 : index
        %get3A_1260 = tpu.vector_load %arg12[%get3A_1258, %get3A_1259] {strides = array<i32>} : memref<24x128xi32, #tpu.memory_space<vmem>>, vector<16xi32>,
        %broadcast_in_dim3A_1261 = arith.constant true
        %broadcast_in_dim3A_1262 = vector.broadcast %broadcast_in_dim3A_1261 : i1 to vector<16xi1>
        %unique3A_1263, %unique3A_1264 = tpu.scan_count mask(%broadcast_in_dim3A_1262 : vector<16xi1>) value(%get3A_1260 : vector<16xi32>) : vector<16xi1>, vector<16xi32>
        tpu.vector_store_idx %arg10[%get3A_1260], %unique3A_1264 masked %unique3A_1263 {add = true} : memref<10112xi32, #tpu.memory_space<vmem>>[vector<16xi32>], vector<16xi32>, vector<16xi1>
        %get3A_1265 = arith.index_cast %add3A_1236 : i32 to index
        %get3A_1266 = arith.constant 64 : index
        %get3A_1267 = tpu.vector_load %arg12[%get3A_1265, %get3A_1266] {strides = array<i32>} : memref<24x128xi32, #tpu.memory_space<vmem>>, vector<16xi32>,
        %broadcast_in_dim3A_1268 = arith.constant true
        %broadcast_in_dim3A_1269 = vector.broadcast %broadcast_in_dim3A_1268 : i1 to vector<16xi1>
        %unique3A_1270, %unique3A_1271 = tpu.scan_count mask(%broadcast_in_dim3A_1269 : vector<16xi1>) value(%get3A_1267 : vector<16xi32>) : vector<16xi1>, vector<16xi32>
        tpu.vector_store_idx %arg10[%get3A_1267], %unique3A_1271 masked %unique3A_1270 {add = true} : memref<10112xi32, #tpu.memory_space<vmem>>[vector<16xi32>], vector<16xi32>, vector<16xi1>
        %get3A_1272 = arith.index_cast %add3A_1236 : i32 to index
        %get3A_1273 = arith.constant 80 : index
        %get3A_1274 = tpu.vector_load %arg12[%get3A_1272, %get3A_1273] {strides = array<i32>} : memref<24x128xi32, #tpu.memory_space<vmem>>, vector<16xi32>,
        %broadcast_in_dim3A_1275 = arith.constant true
        %broadcast_in_dim3A_1276 = vector.broadcast %broadcast_in_dim3A_1275 : i1 to vector<16xi1>
        %unique3A_1277, %unique3A_1278 = tpu.scan_count mask(%broadcast_in_dim3A_1276 : vector<16xi1>) value(%get3A_1274 : vector<16xi32>) : vector<16xi1>, vector<16xi32>
        tpu.vector_store_idx %arg10[%get3A_1274], %unique3A_1278 masked %unique3A_1277 {add = true} : memref<10112xi32, #tpu.memory_space<vmem>>[vector<16xi32>], vector<16xi32>, vector<16xi1>
        %get3A_1279 = arith.index_cast %add3A_1236 : i32 to index
        %get3A_1280 = arith.constant 96 : index
        %get3A_1281 = tpu.vector_load %arg12[%get3A_1279, %get3A_1280] {strides = array<i32>} : memref<24x128xi32, #tpu.memory_space<vmem>>, vector<16xi32>,
        %broadcast_in_dim3A_1282 = arith.constant true
        %broadcast_in_dim3A_1283 = vector.broadcast %broadcast_in_dim3A_1282 : i1 to vector<16xi1>
        %unique3A_1284, %unique3A_1285 = tpu.scan_count mask(%broadcast_in_dim3A_1283 : vector<16xi1>) value(%get3A_1281 : vector<16xi32>) : vector<16xi1>, vector<16xi32>
        tpu.vector_store_idx %arg10[%get3A_1281], %unique3A_1285 masked %unique3A_1284 {add = true} : memref<10112xi32, #tpu.memory_space<vmem>>[vector<16xi32>], vector<16xi32>, vector<16xi1>
        %get3A_1286 = arith.index_cast %add3A_1236 : i32 to index
        %get3A_1287 = arith.constant 112 : index
        %get3A_1288 = tpu.vector_load %arg12[%get3A_1286, %get3A_1287] {strides = array<i32>} : memref<24x128xi32, #tpu.memory_space<vmem>>, vector<16xi32>,
        %broadcast_in_dim3A_1289 = arith.constant true
        %broadcast_in_dim3A_1290 = vector.broadcast %broadcast_in_dim3A_1289 : i1 to vector<16xi1>
        %unique3A_1291, %unique3A_1292 = tpu.scan_count mask(%broadcast_in_dim3A_1290 : vector<16xi1>) value(%get3A_1288 : vector<16xi32>) : vector<16xi1>, vector<16xi32>
        tpu.vector_store_idx %arg10[%get3A_1288], %unique3A_1292 masked %unique3A_1291 {add = true} : memref<10112xi32, #tpu.memory_space<vmem>>[vector<16xi32>], vector<16xi32>, vector<16xi1>
        %add3A_1293 = arith.constant 1 : i32
        %add3A_1294 = arith.addi %mul3A_1158, %add3A_1293 : i32
        %dma_start3A_1295 = arith.constant 0 : i32
        %dma_start3A_1296 = tpu.memref_slice %arg12[%add3A_1294, %dma_start3A_1295] : memref<24x128xi32, #tpu.memory_space<vmem>> -> memref<1x128xi32, #tpu.memory_space<vmem>>
        %dma_start3A_1297 = tpu.memref_squeeze %dma_start3A_1296 : memref<1x128xi32, #tpu.memory_space<vmem>> -> memref<128xi32, #tpu.memory_space<vmem>>
        %dma_start3A_1298 = arith.constant 0 : i32
        %dma_start3A_1299 = arith.constant 0 : i32
        %dma_start3A_1300 = tpu.memref_slice %arg9[%dma_start3A_1298, %dma_start3A_1299] : memref<10112x128xf32, #tpu.memory_space<vmem_shared>> -> memref<10112x128xf32, #tpu.memory_space<vmem_shared>>
        tpu.enqueue_indirect_dma source(%arg14 : memref<128x128xf32, #tpu.memory_space<vmem>>) target(%dma_start3A_1300 : memref<10112x128xf32, #tpu.memory_space<vmem_shared>>) offsets(%dma_start3A_1297 : memref<128xi32, #tpu.memory_space<vmem>>) semaphore(%arg18 : memref<!tpu.dma_semaphore, #tpu.memory_space<semaphore_mem>>) {add = true}
        %dma_wait3A_1301 = arith.constant 0 : i32
        %dma_wait3A_1302 = tpu.memref_slice %arg12[%mul3A_1158, %dma_wait3A_1301] : memref<24x128xi32, #tpu.memory_space<vmem>> -> memref<1x128xi32, #tpu.memory_space<vmem>>
        %dma_wait3A_1303 = tpu.memref_squeeze %dma_wait3A_1302 : memref<1x128xi32, #tpu.memory_space<vmem>> -> memref<128xi32, #tpu.memory_space<vmem>>
        %dma_wait3A_1304 = arith.constant 0 : i32
        %dma_wait3A_1305 = arith.constant 0 : i32
        %dma_wait3A_1306 = tpu.memref_slice %arg9[%dma_wait3A_1304, %dma_wait3A_1305] : memref<10112x128xf32, #tpu.memory_space<vmem_shared>> -> memref<10112x128xf32, #tpu.memory_space<vmem_shared>>
        tpu.wait_indirect_dma semaphore(%arg17 : memref<!tpu.dma_semaphore, #tpu.memory_space<semaphore_mem>>) src(%arg13 : memref<128x128xf32, #tpu.memory_space<vmem>>) dst(%dma_wait3A_1306 : memref<10112x128xf32, #tpu.memory_space<vmem_shared>>)
        %add3A_1307 = arith.constant 2 : i32
        %add3A_1308 = arith.addi %mul3A_1158, %add3A_1307 : i32
        %dma_start3A_1309 = arith.constant 0 : i32
        %dma_start3A_1310 = tpu.memref_slice %arg11[%add3A_1308, %dma_start3A_1309] : memref<24x128xi32, #tpu.memory_space<vmem>> -> memref<1x128xi32, #tpu.memory_space<vmem>>
        %dma_start3A_1311 = tpu.memref_squeeze %dma_start3A_1310 : memref<1x128xi32, #tpu.memory_space<vmem>> -> memref<128xi32, #tpu.memory_space<vmem>>
        %dma_start3A_1312 = arith.constant 0 : i32
        %dma_start3A_1313 = arith.constant 0 : i32
        %dma_start3A_1314 = tpu.memref_slice %arg2[%dma_start3A_1312, %dma_start3A_1313] : memref<10000x128xf32, #tpu.memory_space<hbm>> -> memref<10000x128xf32, #tpu.memory_space<hbm>>
        tpu.enqueue_indirect_dma source(%dma_start3A_1314 : memref<10000x128xf32, #tpu.memory_space<hbm>>) target(%arg13 : memref<128x128xf32, #tpu.memory_space<vmem>>) offsets(%dma_start3A_1311 : memref<128xi32, #tpu.memory_space<vmem>>) semaphore(%arg15 : memref<!tpu.dma_semaphore, #tpu.memory_space<semaphore_mem>>)
        %add3A_1315 = arith.constant 1 : i32
        %add3A_1316 = arith.addi %mul3A_1158, %add3A_1315 : i32
        %dma_wait3A_1317 = arith.constant 0 : i32
        %dma_wait3A_1318 = tpu.memref_slice %arg12[%add3A_1316, %dma_wait3A_1317] : memref<24x128xi32, #tpu.memory_space<vmem>> -> memref<1x128xi32, #tpu.memory_space<vmem>>
        %dma_wait3A_1319 = tpu.memref_squeeze %dma_wait3A_1318 : memref<1x128xi32, #tpu.memory_space<vmem>> -> memref<128xi32, #tpu.memory_space<vmem>>
        %dma_wait3A_1320 = arith.constant 0 : i32
        %dma_wait3A_1321 = arith.constant 0 : i32
        %dma_wait3A_1322 = tpu.memref_slice %arg9[%dma_wait3A_1320, %dma_wait3A_1321] : memref<10112x128xf32, #tpu.memory_space<vmem_shared>> -> memref<10112x128xf32, #tpu.memory_space<vmem_shared>>
        tpu.wait_indirect_dma semaphore(%arg18 : memref<!tpu.dma_semaphore, #tpu.memory_space<semaphore_mem>>) src(%arg14 : memref<128x128xf32, #tpu.memory_space<vmem>>) dst(%dma_wait3A_1322 : memref<10112x128xf32, #tpu.memory_space<vmem_shared>>)
        %add3A_1323 = arith.constant 3 : i32
        %add3A_1324 = arith.addi %mul3A_1158, %add3A_1323 : i32
        %dma_start3A_1325 = arith.constant 0 : i32
        %dma_start3A_1326 = tpu.memref_slice %arg11[%add3A_1324, %dma_start3A_1325] : memref<24x128xi32, #tpu.memory_space<vmem>> -> memref<1x128xi32, #tpu.memory_space<vmem>>
        %dma_start3A_1327 = tpu.memref_squeeze %dma_start3A_1326 : memref<1x128xi32, #tpu.memory_space<vmem>> -> memref<128xi32, #tpu.memory_space<vmem>>
        %dma_start3A_1328 = arith.constant 0 : i32
        %dma_start3A_1329 = arith.constant 0 : i32
        %dma_start3A_1330 = tpu.memref_slice %arg2[%dma_start3A_1328, %dma_start3A_1329] : memref<10000x128xf32, #tpu.memory_space<hbm>> -> memref<10000x128xf32, #tpu.memory_space<hbm>>
        tpu.enqueue_indirect_dma source(%dma_start3A_1330 : memref<10000x128xf32, #tpu.memory_space<hbm>>) target(%arg14 : memref<128x128xf32, #tpu.memory_space<vmem>>) offsets(%dma_start3A_1327 : memref<128xi32, #tpu.memory_space<vmem>>) semaphore(%arg16 : memref<!tpu.dma_semaphore, #tpu.memory_space<semaphore_mem>>)
      }
      %scan3A_601 = arith.constant 11 : i32
      %dma_wait3A_602 = arith.constant 22 : i32
      %dma_wait3A_603 = arith.constant 0 : i32
      %dma_wait3A_604 = tpu.memref_slice %arg11[%dma_wait3A_602, %dma_wait3A_603] : memref<24x128xi32, #tpu.memory_space<vmem>> -> memref<1x128xi32, #tpu.memory_space<vmem>>
      %dma_wait3A_605 = tpu.memref_squeeze %dma_wait3A_604 : memref<1x128xi32, #tpu.memory_space<vmem>> -> memref<128xi32, #tpu.memory_space<vmem>>
      %dma_wait3A_606 = arith.constant 0 : i32
      %dma_wait3A_607 = arith.constant 0 : i32
      %dma_wait3A_608 = tpu.memref_slice %arg2[%dma_wait3A_606, %dma_wait3A_607] : memref<10000x128xf32, #tpu.memory_space<hbm>> -> memref<10000x128xf32, #tpu.memory_space<hbm>>
      tpu.wait_indirect_dma semaphore(%arg15 : memref<!tpu.dma_semaphore, #tpu.memory_space<semaphore_mem>>) src(%dma_wait3A_608 : memref<10000x128xf32, #tpu.memory_space<hbm>>) dst(%arg13 : memref<128x128xf32, #tpu.memory_space<vmem>>)
      %get3A_609 = arith.constant 22 : i32
      %get3A_610 = arith.index_cast %get3A_609 : i32 to index
      %get3A_611 = arith.constant 0 : index
      %get3A_612 = tpu.vector_load %arg12[%get3A_610, %get3A_611] {strides = array<i32>} : memref<24x128xi32, #tpu.memory_space<vmem>>, vector<16xi32>,
      %broadcast_in_dim3A_613 = arith.constant true
      %broadcast_in_dim3A_614 = vector.broadcast %broadcast_in_dim3A_613 : i1 to vector<16xi1>
      %unique3A_615, %unique3A_616 = tpu.scan_count mask(%broadcast_in_dim3A_614 : vector<16xi1>) value(%get3A_612 : vector<16xi32>) : vector<16xi1>, vector<16xi32>
      tpu.vector_store_idx %arg10[%get3A_612], %unique3A_616 masked %unique3A_615 {add = true} : memref<10112xi32, #tpu.memory_space<vmem>>[vector<16xi32>], vector<16xi32>, vector<16xi1>
      %get3A_617 = arith.constant 22 : i32
      %get3A_618 = arith.index_cast %get3A_617 : i32 to index
      %get3A_619 = arith.constant 16 : index
      %get3A_620 = tpu.vector_load %arg12[%get3A_618, %get3A_619] {strides = array<i32>} : memref<24x128xi32, #tpu.memory_space<vmem>>, vector<16xi32>,
      %broadcast_in_dim3A_621 = arith.constant true
      %broadcast_in_dim3A_622 = vector.broadcast %broadcast_in_dim3A_621 : i1 to vector<16xi1>
      %unique3A_623, %unique3A_624 = tpu.scan_count mask(%broadcast_in_dim3A_622 : vector<16xi1>) value(%get3A_620 : vector<16xi32>) : vector<16xi1>, vector<16xi32>
      tpu.vector_store_idx %arg10[%get3A_620], %unique3A_624 masked %unique3A_623 {add = true} : memref<10112xi32, #tpu.memory_space<vmem>>[vector<16xi32>], vector<16xi32>, vector<16xi1>
      %get3A_625 = arith.constant 22 : i32
      %get3A_626 = arith.index_cast %get3A_625 : i32 to index
      %get3A_627 = arith.constant 32 : index
      %get3A_628 = tpu.vector_load %arg12[%get3A_626, %get3A_627] {strides = array<i32>} : memref<24x128xi32, #tpu.memory_space<vmem>>, vector<16xi32>,
      %broadcast_in_dim3A_629 = arith.constant true
      %broadcast_in_dim3A_630 = vector.broadcast %broadcast_in_dim3A_629 : i1 to vector<16xi1>
      %unique3A_631, %unique3A_632 = tpu.scan_count mask(%broadcast_in_dim3A_630 : vector<16xi1>) value(%get3A_628 : vector<16xi32>) : vector<16xi1>, vector<16xi32>
      tpu.vector_store_idx %arg10[%get3A_628], %unique3A_632 masked %unique3A_631 {add = true} : memref<10112xi32, #tpu.memory_space<vmem>>[vector<16xi32>], vector<16xi32>, vector<16xi1>
      %get3A_633 = arith.constant 22 : i32
      %get3A_634 = arith.index_cast %get3A_633 : i32 to index
      %get3A_635 = arith.constant 48 : index
      %get3A_636 = tpu.vector_load %arg12[%get3A_634, %get3A_635] {strides = array<i32>} : memref<24x128xi32, #tpu.memory_space<vmem>>, vector<16xi32>,
      %broadcast_in_dim3A_637 = arith.constant true
      %broadcast_in_dim3A_638 = vector.broadcast %broadcast_in_dim3A_637 : i1 to vector<16xi1>
      %unique3A_639, %unique3A_640 = tpu.scan_count mask(%broadcast_in_dim3A_638 : vector<16xi1>) value(%get3A_636 : vector<16xi32>) : vector<16xi1>, vector<16xi32>
      tpu.vector_store_idx %arg10[%get3A_636], %unique3A_640 masked %unique3A_639 {add = true} : memref<10112xi32, #tpu.memory_space<vmem>>[vector<16xi32>], vector<16xi32>, vector<16xi1>
      %get3A_641 = arith.constant 22 : i32
      %get3A_642 = arith.index_cast %get3A_641 : i32 to index
      %get3A_643 = arith.constant 64 : index
      %get3A_644 = tpu.vector_load %arg12[%get3A_642, %get3A_643] {strides = array<i32>} : memref<24x128xi32, #tpu.memory_space<vmem>>, vector<16xi32>,
      %broadcast_in_dim3A_645 = arith.constant true
      %broadcast_in_dim3A_646 = vector.broadcast %broadcast_in_dim3A_645 : i1 to vector<16xi1>
      %unique3A_647, %unique3A_648 = tpu.scan_count mask(%broadcast_in_dim3A_646 : vector<16xi1>) value(%get3A_644 : vector<16xi32>) : vector<16xi1>, vector<16xi32>
      tpu.vector_store_idx %arg10[%get3A_644], %unique3A_648 masked %unique3A_647 {add = true} : memref<10112xi32, #tpu.memory_space<vmem>>[vector<16xi32>], vector<16xi32>, vector<16xi1>
      %get3A_649 = arith.constant 22 : i32
      %get3A_650 = arith.index_cast %get3A_649 : i32 to index
      %get3A_651 = arith.constant 80 : index
      %get3A_652 = tpu.vector_load %arg12[%get3A_650, %get3A_651] {strides = array<i32>} : memref<24x128xi32, #tpu.memory_space<vmem>>, vector<16xi32>,
      %broadcast_in_dim3A_653 = arith.constant true
      %broadcast_in_dim3A_654 = vector.broadcast %broadcast_in_dim3A_653 : i1 to vector<16xi1>
      %unique3A_655, %unique3A_656 = tpu.scan_count mask(%broadcast_in_dim3A_654 : vector<16xi1>) value(%get3A_652 : vector<16xi32>) : vector<16xi1>, vector<16xi32>
      tpu.vector_store_idx %arg10[%get3A_652], %unique3A_656 masked %unique3A_655 {add = true} : memref<10112xi32, #tpu.memory_space<vmem>>[vector<16xi32>], vector<16xi32>, vector<16xi1>
      %get3A_657 = arith.constant 22 : i32
      %get3A_658 = arith.index_cast %get3A_657 : i32 to index
      %get3A_659 = arith.constant 96 : index
      %get3A_660 = tpu.vector_load %arg12[%get3A_658, %get3A_659] {strides = array<i32>} : memref<24x128xi32, #tpu.memory_space<vmem>>, vector<16xi32>,
      %broadcast_in_dim3A_661 = arith.constant true
      %broadcast_in_dim3A_662 = vector.broadcast %broadcast_in_dim3A_661 : i1 to vector<16xi1>
      %unique3A_663, %unique3A_664 = tpu.scan_count mask(%broadcast_in_dim3A_662 : vector<16xi1>) value(%get3A_660 : vector<16xi32>) : vector<16xi1>, vector<16xi32>
      tpu.vector_store_idx %arg10[%get3A_660], %unique3A_664 masked %unique3A_663 {add = true} : memref<10112xi32, #tpu.memory_space<vmem>>[vector<16xi32>], vector<16xi32>, vector<16xi1>
      %get3A_665 = arith.constant 22 : i32
      %get3A_666 = arith.index_cast %get3A_665 : i32 to index
      %get3A_667 = arith.constant 112 : index
      %get3A_668 = tpu.vector_load %arg12[%get3A_666, %get3A_667] {strides = array<i32>} : memref<24x128xi32, #tpu.memory_space<vmem>>, vector<16xi32>,
      %broadcast_in_dim3A_669 = arith.constant true
      %broadcast_in_dim3A_670 = vector.broadcast %broadcast_in_dim3A_669 : i1 to vector<16xi1>
      %unique3A_671, %unique3A_672 = tpu.scan_count mask(%broadcast_in_dim3A_670 : vector<16xi1>) value(%get3A_668 : vector<16xi32>) : vector<16xi1>, vector<16xi32>
      tpu.vector_store_idx %arg10[%get3A_668], %unique3A_672 masked %unique3A_671 {add = true} : memref<10112xi32, #tpu.memory_space<vmem>>[vector<16xi32>], vector<16xi32>, vector<16xi1>
      %dma_start3A_673 = arith.constant 22 : i32
      %dma_start3A_674 = arith.constant 0 : i32
      %dma_start3A_675 = tpu.memref_slice %arg12[%dma_start3A_673, %dma_start3A_674] : memref<24x128xi32, #tpu.memory_space<vmem>> -> memref<1x128xi32, #tpu.memory_space<vmem>>
      %dma_start3A_676 = tpu.memref_squeeze %dma_start3A_675 : memref<1x128xi32, #tpu.memory_space<vmem>> -> memref<128xi32, #tpu.memory_space<vmem>>
      %dma_start3A_677 = arith.constant 0 : i32
      %dma_start3A_678 = arith.constant 0 : i32
      %dma_start3A_679 = tpu.memref_slice %arg9[%dma_start3A_677, %dma_start3A_678] : memref<10112x128xf32, #tpu.memory_space<vmem_shared>> -> memref<10112x128xf32, #tpu.memory_space<vmem_shared>>
      tpu.enqueue_indirect_dma source(%arg13 : memref<128x128xf32, #tpu.memory_space<vmem>>) target(%dma_start3A_679 : memref<10112x128xf32, #tpu.memory_space<vmem_shared>>) offsets(%dma_start3A_676 : memref<128xi32, #tpu.memory_space<vmem>>) semaphore(%arg17 : memref<!tpu.dma_semaphore, #tpu.memory_space<semaphore_mem>>) {add = true}
      %dma_wait3A_680 = arith.constant 23 : i32
      %dma_wait3A_681 = arith.constant 0 : i32
      %dma_wait3A_682 = tpu.memref_slice %arg11[%dma_wait3A_680, %dma_wait3A_681] : memref<24x128xi32, #tpu.memory_space<vmem>> -> memref<1x128xi32, #tpu.memory_space<vmem>>
      %dma_wait3A_683 = tpu.memref_squeeze %dma_wait3A_682 : memref<1x128xi32, #tpu.memory_space<vmem>> -> memref<128xi32, #tpu.memory_space<vmem>>
      %dma_wait3A_684 = arith.constant 0 : i32
      %dma_wait3A_685 = arith.constant 0 : i32
      %dma_wait3A_686 = tpu.memref_slice %arg2[%dma_wait3A_684, %dma_wait3A_685] : memref<10000x128xf32, #tpu.memory_space<hbm>> -> memref<10000x128xf32, #tpu.memory_space<hbm>>
      tpu.wait_indirect_dma semaphore(%arg16 : memref<!tpu.dma_semaphore, #tpu.memory_space<semaphore_mem>>) src(%dma_wait3A_686 : memref<10000x128xf32, #tpu.memory_space<hbm>>) dst(%arg14 : memref<128x128xf32, #tpu.memory_space<vmem>>)
      %get3A_687 = arith.constant 23 : i32
      %get3A_688 = arith.index_cast %get3A_687 : i32 to index
      %get3A_689 = arith.constant 0 : index
      %get3A_690 = tpu.vector_load %arg12[%get3A_688, %get3A_689] {strides = array<i32>} : memref<24x128xi32, #tpu.memory_space<vmem>>, vector<16xi32>,
      %broadcast_in_dim3A_691 = arith.constant true
      %broadcast_in_dim3A_692 = vector.broadcast %broadcast_in_dim3A_691 : i1 to vector<16xi1>
      %unique3A_693, %unique3A_694 = tpu.scan_count mask(%broadcast_in_dim3A_692 : vector<16xi1>) value(%get3A_690 : vector<16xi32>) : vector<16xi1>, vector<16xi32>
      tpu.vector_store_idx %arg10[%get3A_690], %unique3A_694 masked %unique3A_693 {add = true} : memref<10112xi32, #tpu.memory_space<vmem>>[vector<16xi32>], vector<16xi32>, vector<16xi1>
      %get3A_695 = arith.constant 23 : i32
      %get3A_696 = arith.index_cast %get3A_695 : i32 to index
      %get3A_697 = arith.constant 16 : index
      %get3A_698 = tpu.vector_load %arg12[%get3A_696, %get3A_697] {strides = array<i32>} : memref<24x128xi32, #tpu.memory_space<vmem>>, vector<16xi32>,
      %broadcast_in_dim3A_699 = arith.constant true
      %broadcast_in_dim3A_700 = vector.broadcast %broadcast_in_dim3A_699 : i1 to vector<16xi1>
      %unique3A_701, %unique3A_702 = tpu.scan_count mask(%broadcast_in_dim3A_700 : vector<16xi1>) value(%get3A_698 : vector<16xi32>) : vector<16xi1>, vector<16xi32>
      tpu.vector_store_idx %arg10[%get3A_698], %unique3A_702 masked %unique3A_701 {add = true} : memref<10112xi32, #tpu.memory_space<vmem>>[vector<16xi32>], vector<16xi32>, vector<16xi1>
      %get3A_703 = arith.constant 23 : i32
      %get3A_704 = arith.index_cast %get3A_703 : i32 to index
      %get3A_705 = arith.constant 32 : index
      %get3A_706 = tpu.vector_load %arg12[%get3A_704, %get3A_705] {strides = array<i32>} : memref<24x128xi32, #tpu.memory_space<vmem>>, vector<16xi32>,
      %broadcast_in_dim3A_707 = arith.constant true
      %broadcast_in_dim3A_708 = vector.broadcast %broadcast_in_dim3A_707 : i1 to vector<16xi1>
      %unique3A_709, %unique3A_710 = tpu.scan_count mask(%broadcast_in_dim3A_708 : vector<16xi1>) value(%get3A_706 : vector<16xi32>) : vector<16xi1>, vector<16xi32>
      tpu.vector_store_idx %arg10[%get3A_706], %unique3A_710 masked %unique3A_709 {add = true} : memref<10112xi32, #tpu.memory_space<vmem>>[vector<16xi32>], vector<16xi32>, vector<16xi1>
      %get3A_711 = arith.constant 23 : i32
      %get3A_712 = arith.index_cast %get3A_711 : i32 to index
      %get3A_713 = arith.constant 48 : index
      %get3A_714 = tpu.vector_load %arg12[%get3A_712, %get3A_713] {strides = array<i32>} : memref<24x128xi32, #tpu.memory_space<vmem>>, vector<16xi32>,
      %broadcast_in_dim3A_715 = arith.constant true
      %broadcast_in_dim3A_716 = vector.broadcast %broadcast_in_dim3A_715 : i1 to vector<16xi1>
      %unique3A_717, %unique3A_718 = tpu.scan_count mask(%broadcast_in_dim3A_716 : vector<16xi1>) value(%get3A_714 : vector<16xi32>) : vector<16xi1>, vector<16xi32>
      tpu.vector_store_idx %arg10[%get3A_714], %unique3A_718 masked %unique3A_717 {add = true} : memref<10112xi32, #tpu.memory_space<vmem>>[vector<16xi32>], vector<16xi32>, vector<16xi1>
      %get3A_719 = arith.constant 23 : i32
      %get3A_720 = arith.index_cast %get3A_719 : i32 to index
      %get3A_721 = arith.constant 64 : index
      %get3A_722 = tpu.vector_load %arg12[%get3A_720, %get3A_721] {strides = array<i32>} : memref<24x128xi32, #tpu.memory_space<vmem>>, vector<16xi32>,
      %broadcast_in_dim3A_723 = arith.constant true
      %broadcast_in_dim3A_724 = vector.broadcast %broadcast_in_dim3A_723 : i1 to vector<16xi1>
      %unique3A_725, %unique3A_726 = tpu.scan_count mask(%broadcast_in_dim3A_724 : vector<16xi1>) value(%get3A_722 : vector<16xi32>) : vector<16xi1>, vector<16xi32>
      tpu.vector_store_idx %arg10[%get3A_722], %unique3A_726 masked %unique3A_725 {add = true} : memref<10112xi32, #tpu.memory_space<vmem>>[vector<16xi32>], vector<16xi32>, vector<16xi1>
      %get3A_727 = arith.constant 23 : i32
      %get3A_728 = arith.index_cast %get3A_727 : i32 to index
      %get3A_729 = arith.constant 80 : index
      %get3A_730 = tpu.vector_load %arg12[%get3A_728, %get3A_729] {strides = array<i32>} : memref<24x128xi32, #tpu.memory_space<vmem>>, vector<16xi32>,
      %broadcast_in_dim3A_731 = arith.constant true
      %broadcast_in_dim3A_732 = vector.broadcast %broadcast_in_dim3A_731 : i1 to vector<16xi1>
      %unique3A_733, %unique3A_734 = tpu.scan_count mask(%broadcast_in_dim3A_732 : vector<16xi1>) value(%get3A_730 : vector<16xi32>) : vector<16xi1>, vector<16xi32>
      tpu.vector_store_idx %arg10[%get3A_730], %unique3A_734 masked %unique3A_733 {add = true} : memref<10112xi32, #tpu.memory_space<vmem>>[vector<16xi32>], vector<16xi32>, vector<16xi1>
      %get3A_735 = arith.constant 23 : i32
      %get3A_736 = arith.index_cast %get3A_735 : i32 to index
      %get3A_737 = arith.constant 96 : index
      %get3A_738 = tpu.vector_load %arg12[%get3A_736, %get3A_737] {strides = array<i32>} : memref<24x128xi32, #tpu.memory_space<vmem>>, vector<16xi32>,
      %broadcast_in_dim3A_739 = arith.constant true
      %broadcast_in_dim3A_740 = vector.broadcast %broadcast_in_dim3A_739 : i1 to vector<16xi1>
      %unique3A_741, %unique3A_742 = tpu.scan_count mask(%broadcast_in_dim3A_740 : vector<16xi1>) value(%get3A_738 : vector<16xi32>) : vector<16xi1>, vector<16xi32>
      tpu.vector_store_idx %arg10[%get3A_738], %unique3A_742 masked %unique3A_741 {add = true} : memref<10112xi32, #tpu.memory_space<vmem>>[vector<16xi32>], vector<16xi32>, vector<16xi1>
      %get3A_743 = arith.constant 23 : i32
      %get3A_744 = arith.index_cast %get3A_743 : i32 to index
      %get3A_745 = arith.constant 112 : index
      %get3A_746 = tpu.vector_load %arg12[%get3A_744, %get3A_745] {strides = array<i32>} : memref<24x128xi32, #tpu.memory_space<vmem>>, vector<16xi32>,
      %broadcast_in_dim3A_747 = arith.constant true
      %broadcast_in_dim3A_748 = vector.broadcast %broadcast_in_dim3A_747 : i1 to vector<16xi1>
      %unique3A_749, %unique3A_750 = tpu.scan_count mask(%broadcast_in_dim3A_748 : vector<16xi1>) value(%get3A_746 : vector<16xi32>) : vector<16xi1>, vector<16xi32>
      tpu.vector_store_idx %arg10[%get3A_746], %unique3A_750 masked %unique3A_749 {add = true} : memref<10112xi32, #tpu.memory_space<vmem>>[vector<16xi32>], vector<16xi32>, vector<16xi1>
      %dma_start3A_751 = arith.constant 23 : i32
      %dma_start3A_752 = arith.constant 0 : i32
      %dma_start3A_753 = tpu.memref_slice %arg12[%dma_start3A_751, %dma_start3A_752] : memref<24x128xi32, #tpu.memory_space<vmem>> -> memref<1x128xi32, #tpu.memory_space<vmem>>
      %dma_start3A_754 = tpu.memref_squeeze %dma_start3A_753 : memref<1x128xi32, #tpu.memory_space<vmem>> -> memref<128xi32, #tpu.memory_space<vmem>>
      %dma_start3A_755 = arith.constant 0 : i32
      %dma_start3A_756 = arith.constant 0 : i32
      %dma_start3A_757 = tpu.memref_slice %arg9[%dma_start3A_755, %dma_start3A_756] : memref<10112x128xf32, #tpu.memory_space<vmem_shared>> -> memref<10112x128xf32, #tpu.memory_space<vmem_shared>>
      tpu.enqueue_indirect_dma source(%arg14 : memref<128x128xf32, #tpu.memory_space<vmem>>) target(%dma_start3A_757 : memref<10112x128xf32, #tpu.memory_space<vmem_shared>>) offsets(%dma_start3A_754 : memref<128xi32, #tpu.memory_space<vmem>>) semaphore(%arg18 : memref<!tpu.dma_semaphore, #tpu.memory_space<semaphore_mem>>) {add = true}
      %dma_wait3A_758 = arith.constant 22 : i32
      %dma_wait3A_759 = arith.constant 0 : i32
      %dma_wait3A_760 = tpu.memref_slice %arg12[%dma_wait3A_758, %dma_wait3A_759] : memref<24x128xi32, #tpu.memory_space<vmem>> -> memref<1x128xi32, #tpu.memory_space<vmem>>
      %dma_wait3A_761 = tpu.memref_squeeze %dma_wait3A_760 : memref<1x128xi32, #tpu.memory_space<vmem>> -> memref<128xi32, #tpu.memory_space<vmem>>
      %dma_wait3A_762 = arith.constant 0 : i32
      %dma_wait3A_763 = arith.constant 0 : i32
      %dma_wait3A_764 = tpu.memref_slice %arg9[%dma_wait3A_762, %dma_wait3A_763] : memref<10112x128xf32, #tpu.memory_space<vmem_shared>> -> memref<10112x128xf32, #tpu.memory_space<vmem_shared>>
      tpu.wait_indirect_dma semaphore(%arg17 : memref<!tpu.dma_semaphore, #tpu.memory_space<semaphore_mem>>) src(%arg13 : memref<128x128xf32, #tpu.memory_space<vmem>>) dst(%dma_wait3A_764 : memref<10112x128xf32, #tpu.memory_space<vmem_shared>>)
      %dma_wait3A_765 = arith.constant 23 : i32
      %dma_wait3A_766 = arith.constant 0 : i32
      %dma_wait3A_767 = tpu.memref_slice %arg12[%dma_wait3A_765, %dma_wait3A_766] : memref<24x128xi32, #tpu.memory_space<vmem>> -> memref<1x128xi32, #tpu.memory_space<vmem>>
      %dma_wait3A_768 = tpu.memref_squeeze %dma_wait3A_767 : memref<1x128xi32, #tpu.memory_space<vmem>> -> memref<128xi32, #tpu.memory_space<vmem>>
      %dma_wait3A_769 = arith.constant 0 : i32
      %dma_wait3A_770 = arith.constant 0 : i32
      %dma_wait3A_771 = tpu.memref_slice %arg9[%dma_wait3A_769, %dma_wait3A_770] : memref<10112x128xf32, #tpu.memory_space<vmem_shared>> -> memref<10112x128xf32, #tpu.memory_space<vmem_shared>>
      tpu.wait_indirect_dma semaphore(%arg18 : memref<!tpu.dma_semaphore, #tpu.memory_space<semaphore_mem>>) src(%arg14 : memref<128x128xf32, #tpu.memory_space<vmem>>) dst(%dma_wait3A_771 : memref<10112x128xf32, #tpu.memory_space<vmem_shared>>)
      %add3A_772 = arith.constant 96 : i32
      %add3A_773 = arith.addi %mul3A_10, %add3A_772 : i32
      "tpu.region"() ({
        %run_scoped3A = tpu.sem_alloc : memref<!tpu.dma_semaphore, #tpu.memory_space<semaphore_mem>>
        %dma_start3A_1156 = arith.constant 0 : i32
        %dma_start3A_1157 = arith.constant 0 : i32
        %dma_start3A_1158 = tpu.memref_slice %arg11[%dma_start3A_1156, %dma_start3A_1157] : memref<24x128xi32, #tpu.memory_space<vmem>> -> memref<24x128xi32, #tpu.memory_space<vmem>>
        %dma_start3A_1159 = arith.constant 0 : i32
        %dma_start3A_1160 = tpu.memref_slice %arg3[%add3A_773, %dma_start3A_1159] : memref<2560x128xi32, #tpu.memory_space<hbm>> -> memref<24x128xi32, #tpu.memory_space<hbm>>
        %dma_start3A_1161 = arith.constant 0 : i32
        %dma_start3A_1162 = arith.constant 0 : i32
        %dma_start3A_1163 = tpu.memref_slice %arg11[%dma_start3A_1161, %dma_start3A_1162] : memref<24x128xi32, #tpu.memory_space<vmem>> -> memref<24x128xi32, #tpu.memory_space<vmem>>
        %dma_start3A_1164 = arith.constant 0 : i32
        %dma_start3A_1165 = tpu.memref_slice %arg3[%add3A_773, %dma_start3A_1164] : memref<2560x128xi32, #tpu.memory_space<hbm>> -> memref<24x128xi32, #tpu.memory_space<hbm>>
        tpu.enqueue_dma source(%dma_start3A_1165 : memref<24x128xi32, #tpu.memory_space<hbm>>) target(%dma_start3A_1163 : memref<24x128xi32, #tpu.memory_space<vmem>>) target_semaphore(%run_scoped3A : memref<!tpu.dma_semaphore, #tpu.memory_space<semaphore_mem>>)
        %dma_wait3A_1166 = arith.constant 0 : i32
        %dma_wait3A_1167 = arith.constant 0 : i32
        %dma_wait3A_1168 = tpu.memref_slice %arg11[%dma_wait3A_1166, %dma_wait3A_1167] : memref<24x128xi32, #tpu.memory_space<vmem>> -> memref<24x128xi32, #tpu.memory_space<vmem>>
        %dma_wait3A_1169 = arith.constant 0 : i32
        %dma_wait3A_1170 = tpu.memref_slice %arg3[%add3A_773, %dma_wait3A_1169] : memref<2560x128xi32, #tpu.memory_space<hbm>> -> memref<24x128xi32, #tpu.memory_space<hbm>>
        %dma_wait3A_1171 = arith.constant 0 : i32
        %dma_wait3A_1172 = arith.constant 0 : i32
        %dma_wait3A_1173 = tpu.memref_slice %arg11[%dma_wait3A_1171, %dma_wait3A_1172] : memref<24x128xi32, #tpu.memory_space<vmem>> -> memref<24x128xi32, #tpu.memory_space<vmem>>
        %dma_wait3A_1174 = arith.constant 0 : i32
        %dma_wait3A_1175 = tpu.memref_slice %arg3[%add3A_773, %dma_wait3A_1174] : memref<2560x128xi32, #tpu.memory_space<hbm>> -> memref<24x128xi32, #tpu.memory_space<hbm>>
        tpu.wait_dma2 semaphore(%run_scoped3A : memref<!tpu.dma_semaphore, #tpu.memory_space<semaphore_mem>>) src(%dma_wait3A_1175 : memref<24x128xi32, #tpu.memory_space<hbm>>) dst(%dma_wait3A_1173 : memref<24x128xi32, #tpu.memory_space<vmem>>)
        tpu.yield
      }) : () -> ()
      "tpu.region"() ({
        %run_scoped3A = tpu.sem_alloc : memref<!tpu.dma_semaphore, #tpu.memory_space<semaphore_mem>>
        %dma_start3A_1156 = arith.constant 0 : i32
        %dma_start3A_1157 = arith.constant 0 : i32
        %dma_start3A_1158 = tpu.memref_slice %arg12[%dma_start3A_1156, %dma_start3A_1157] : memref<24x128xi32, #tpu.memory_space<vmem>> -> memref<24x128xi32, #tpu.memory_space<vmem>>
        %dma_start3A_1159 = arith.constant 0 : i32
        %dma_start3A_1160 = tpu.memref_slice %arg4[%add3A_773, %dma_start3A_1159] : memref<2560x128xi32, #tpu.memory_space<hbm>> -> memref<24x128xi32, #tpu.memory_space<hbm>>
        %dma_start3A_1161 = arith.constant 0 : i32
        %dma_start3A_1162 = arith.constant 0 : i32
        %dma_start3A_1163 = tpu.memref_slice %arg12[%dma_start3A_1161, %dma_start3A_1162] : memref<24x128xi32, #tpu.memory_space<vmem>> -> memref<24x128xi32, #tpu.memory_space<vmem>>
        %dma_start3A_1164 = arith.constant 0 : i32
        %dma_start3A_1165 = tpu.memref_slice %arg4[%add3A_773, %dma_start3A_1164] : memref<2560x128xi32, #tpu.memory_space<hbm>> -> memref<24x128xi32, #tpu.memory_space<hbm>>
        tpu.enqueue_dma source(%dma_start3A_1165 : memref<24x128xi32, #tpu.memory_space<hbm>>) target(%dma_start3A_1163 : memref<24x128xi32, #tpu.memory_space<vmem>>) target_semaphore(%run_scoped3A : memref<!tpu.dma_semaphore, #tpu.memory_space<semaphore_mem>>)
        %dma_wait3A_1166 = arith.constant 0 : i32
        %dma_wait3A_1167 = arith.constant 0 : i32
        %dma_wait3A_1168 = tpu.memref_slice %arg12[%dma_wait3A_1166, %dma_wait3A_1167] : memref<24x128xi32, #tpu.memory_space<vmem>> -> memref<24x128xi32, #tpu.memory_space<vmem>>
        %dma_wait3A_1169 = arith.constant 0 : i32
        %dma_wait3A_1170 = tpu.memref_slice %arg4[%add3A_773, %dma_wait3A_1169] : memref<2560x128xi32, #tpu.memory_space<hbm>> -> memref<24x128xi32, #tpu.memory_space<hbm>>
        %dma_wait3A_1171 = arith.constant 0 : i32
        %dma_wait3A_1172 = arith.constant 0 : i32
        %dma_wait3A_1173 = tpu.memref_slice %arg12[%dma_wait3A_1171, %dma_wait3A_1172] : memref<24x128xi32, #tpu.memory_space<vmem>> -> memref<24x128xi32, #tpu.memory_space<vmem>>
        %dma_wait3A_1174 = arith.constant 0 : i32
        %dma_wait3A_1175 = tpu.memref_slice %arg4[%add3A_773, %dma_wait3A_1174] : memref<2560x128xi32, #tpu.memory_space<hbm>> -> memref<24x128xi32, #tpu.memory_space<hbm>>
        tpu.wait_dma2 semaphore(%run_scoped3A : memref<!tpu.dma_semaphore, #tpu.memory_space<semaphore_mem>>) src(%dma_wait3A_1175 : memref<24x128xi32, #tpu.memory_space<hbm>>) dst(%dma_wait3A_1173 : memref<24x128xi32, #tpu.memory_space<vmem>>)
        tpu.yield
      }) : () -> ()
      %dma_start3A_774 = arith.constant 0 : i32
      %dma_start3A_775 = arith.constant 0 : i32
      %dma_start3A_776 = tpu.memref_slice %arg11[%dma_start3A_774, %dma_start3A_775] : memref<24x128xi32, #tpu.memory_space<vmem>> -> memref<1x128xi32, #tpu.memory_space<vmem>>
      %dma_start3A_777 = tpu.memref_squeeze %dma_start3A_776 : memref<1x128xi32, #tpu.memory_space<vmem>> -> memref<128xi32, #tpu.memory_space<vmem>>
      %dma_start3A_778 = arith.constant 0 : i32
      %dma_start3A_779 = arith.constant 0 : i32
      %dma_start3A_780 = tpu.memref_slice %arg2[%dma_start3A_778, %dma_start3A_779] : memref<10000x128xf32, #tpu.memory_space<hbm>> -> memref<10000x128xf32, #tpu.memory_space<hbm>>
      tpu.enqueue_indirect_dma source(%dma_start3A_780 : memref<10000x128xf32, #tpu.memory_space<hbm>>) target(%arg13 : memref<128x128xf32, #tpu.memory_space<vmem>>) offsets(%dma_start3A_777 : memref<128xi32, #tpu.memory_space<vmem>>) semaphore(%arg15 : memref<!tpu.dma_semaphore, #tpu.memory_space<semaphore_mem>>)
      %dma_start3A_781 = arith.constant 1 : i32
      %dma_start3A_782 = arith.constant 0 : i32
      %dma_start3A_783 = tpu.memref_slice %arg11[%dma_start3A_781, %dma_start3A_782] : memref<24x128xi32, #tpu.memory_space<vmem>> -> memref<1x128xi32, #tpu.memory_space<vmem>>
      %dma_start3A_784 = tpu.memref_squeeze %dma_start3A_783 : memref<1x128xi32, #tpu.memory_space<vmem>> -> memref<128xi32, #tpu.memory_space<vmem>>
      %dma_start3A_785 = arith.constant 0 : i32
      %dma_start3A_786 = arith.constant 0 : i32
      %dma_start3A_787 = tpu.memref_slice %arg2[%dma_start3A_785, %dma_start3A_786] : memref<10000x128xf32, #tpu.memory_space<hbm>> -> memref<10000x128xf32, #tpu.memory_space<hbm>>
      tpu.enqueue_indirect_dma source(%dma_start3A_787 : memref<10000x128xf32, #tpu.memory_space<hbm>>) target(%arg14 : memref<128x128xf32, #tpu.memory_space<vmem>>) offsets(%dma_start3A_784 : memref<128xi32, #tpu.memory_space<vmem>>) semaphore(%arg16 : memref<!tpu.dma_semaphore, #tpu.memory_space<semaphore_mem>>)
      %scan3A_788 = arith.constant 0 : i32
      %scan3A_789 = arith.constant 0 : i32
      %scan3A_790 = arith.constant 11 : i32
      %scan3A_791 = arith.addi %scan3A_789, %scan3A_790 : i32
      %scan3A_792 = arith.constant 1 : i32
      scf.for %scan3A_1156 = %scan3A_789 to %scan3A_791 step %scan3A_792  : i32 {
        %mul3A_1157 = arith.constant 2 : i32
        %mul3A_1158 = arith.muli %mul3A_1157, %scan3A_1156 : i32
        %dma_wait3A_1159 = arith.constant 0 : i32
        %dma_wait3A_1160 = tpu.memref_slice %arg11[%mul3A_1158, %dma_wait3A_1159] : memref<24x128xi32, #tpu.memory_space<vmem>> -> memref<1x128xi32, #tpu.memory_space<vmem>>
        %dma_wait3A_1161 = tpu.memref_squeeze %dma_wait3A_1160 : memref<1x128xi32, #tpu.memory_space<vmem>> -> memref<128xi32, #tpu.memory_space<vmem>>
        %dma_wait3A_1162 = arith.constant 0 : i32
        %dma_wait3A_1163 = arith.constant 0 : i32
        %dma_wait3A_1164 = tpu.memref_slice %arg2[%dma_wait3A_1162, %dma_wait3A_1163] : memref<10000x128xf32, #tpu.memory_space<hbm>> -> memref<10000x128xf32, #tpu.memory_space<hbm>>
        tpu.wait_indirect_dma semaphore(%arg15 : memref<!tpu.dma_semaphore, #tpu.memory_space<semaphore_mem>>) src(%dma_wait3A_1164 : memref<10000x128xf32, #tpu.memory_space<hbm>>) dst(%arg13 : memref<128x128xf32, #tpu.memory_space<vmem>>)
        %get3A_1165 = arith.index_cast %mul3A_1158 : i32 to index
        %get3A_1166 = arith.constant 0 : index
        %get3A_1167 = tpu.vector_load %arg12[%get3A_1165, %get3A_1166] {strides = array<i32>} : memref<24x128xi32, #tpu.memory_space<vmem>>, vector<16xi32>,
        %broadcast_in_dim3A_1168 = arith.constant true
        %broadcast_in_dim3A_1169 = vector.broadcast %broadcast_in_dim3A_1168 : i1 to vector<16xi1>
        %unique3A_1170, %unique3A_1171 = tpu.scan_count mask(%broadcast_in_dim3A_1169 : vector<16xi1>) value(%get3A_1167 : vector<16xi32>) : vector<16xi1>, vector<16xi32>
        tpu.vector_store_idx %arg10[%get3A_1167], %unique3A_1171 masked %unique3A_1170 {add = true} : memref<10112xi32, #tpu.memory_space<vmem>>[vector<16xi32>], vector<16xi32>, vector<16xi1>
        %get3A_1172 = arith.index_cast %mul3A_1158 : i32 to index
        %get3A_1173 = arith.constant 16 : index
        %get3A_1174 = tpu.vector_load %arg12[%get3A_1172, %get3A_1173] {strides = array<i32>} : memref<24x128xi32, #tpu.memory_space<vmem>>, vector<16xi32>,
        %broadcast_in_dim3A_1175 = arith.constant true
        %broadcast_in_dim3A_1176 = vector.broadcast %broadcast_in_dim3A_1175 : i1 to vector<16xi1>
        %unique3A_1177, %unique3A_1178 = tpu.scan_count mask(%broadcast_in_dim3A_1176 : vector<16xi1>) value(%get3A_1174 : vector<16xi32>) : vector<16xi1>, vector<16xi32>
        tpu.vector_store_idx %arg10[%get3A_1174], %unique3A_1178 masked %unique3A_1177 {add = true} : memref<10112xi32, #tpu.memory_space<vmem>>[vector<16xi32>], vector<16xi32>, vector<16xi1>
        %get3A_1179 = arith.index_cast %mul3A_1158 : i32 to index
        %get3A_1180 = arith.constant 32 : index
        %get3A_1181 = tpu.vector_load %arg12[%get3A_1179, %get3A_1180] {strides = array<i32>} : memref<24x128xi32, #tpu.memory_space<vmem>>, vector<16xi32>,
        %broadcast_in_dim3A_1182 = arith.constant true
        %broadcast_in_dim3A_1183 = vector.broadcast %broadcast_in_dim3A_1182 : i1 to vector<16xi1>
        %unique3A_1184, %unique3A_1185 = tpu.scan_count mask(%broadcast_in_dim3A_1183 : vector<16xi1>) value(%get3A_1181 : vector<16xi32>) : vector<16xi1>, vector<16xi32>
        tpu.vector_store_idx %arg10[%get3A_1181], %unique3A_1185 masked %unique3A_1184 {add = true} : memref<10112xi32, #tpu.memory_space<vmem>>[vector<16xi32>], vector<16xi32>, vector<16xi1>
        %get3A_1186 = arith.index_cast %mul3A_1158 : i32 to index
        %get3A_1187 = arith.constant 48 : index
        %get3A_1188 = tpu.vector_load %arg12[%get3A_1186, %get3A_1187] {strides = array<i32>} : memref<24x128xi32, #tpu.memory_space<vmem>>, vector<16xi32>,
        %broadcast_in_dim3A_1189 = arith.constant true
        %broadcast_in_dim3A_1190 = vector.broadcast %broadcast_in_dim3A_1189 : i1 to vector<16xi1>
        %unique3A_1191, %unique3A_1192 = tpu.scan_count mask(%broadcast_in_dim3A_1190 : vector<16xi1>) value(%get3A_1188 : vector<16xi32>) : vector<16xi1>, vector<16xi32>
        tpu.vector_store_idx %arg10[%get3A_1188], %unique3A_1192 masked %unique3A_1191 {add = true} : memref<10112xi32, #tpu.memory_space<vmem>>[vector<16xi32>], vector<16xi32>, vector<16xi1>
        %get3A_1193 = arith.index_cast %mul3A_1158 : i32 to index
        %get3A_1194 = arith.constant 64 : index
        %get3A_1195 = tpu.vector_load %arg12[%get3A_1193, %get3A_1194] {strides = array<i32>} : memref<24x128xi32, #tpu.memory_space<vmem>>, vector<16xi32>,
        %broadcast_in_dim3A_1196 = arith.constant true
        %broadcast_in_dim3A_1197 = vector.broadcast %broadcast_in_dim3A_1196 : i1 to vector<16xi1>
        %unique3A_1198, %unique3A_1199 = tpu.scan_count mask(%broadcast_in_dim3A_1197 : vector<16xi1>) value(%get3A_1195 : vector<16xi32>) : vector<16xi1>, vector<16xi32>
        tpu.vector_store_idx %arg10[%get3A_1195], %unique3A_1199 masked %unique3A_1198 {add = true} : memref<10112xi32, #tpu.memory_space<vmem>>[vector<16xi32>], vector<16xi32>, vector<16xi1>
        %get3A_1200 = arith.index_cast %mul3A_1158 : i32 to index
        %get3A_1201 = arith.constant 80 : index
        %get3A_1202 = tpu.vector_load %arg12[%get3A_1200, %get3A_1201] {strides = array<i32>} : memref<24x128xi32, #tpu.memory_space<vmem>>, vector<16xi32>,
        %broadcast_in_dim3A_1203 = arith.constant true
        %broadcast_in_dim3A_1204 = vector.broadcast %broadcast_in_dim3A_1203 : i1 to vector<16xi1>
        %unique3A_1205, %unique3A_1206 = tpu.scan_count mask(%broadcast_in_dim3A_1204 : vector<16xi1>) value(%get3A_1202 : vector<16xi32>) : vector<16xi1>, vector<16xi32>
        tpu.vector_store_idx %arg10[%get3A_1202], %unique3A_1206 masked %unique3A_1205 {add = true} : memref<10112xi32, #tpu.memory_space<vmem>>[vector<16xi32>], vector<16xi32>, vector<16xi1>
        %get3A_1207 = arith.index_cast %mul3A_1158 : i32 to index
        %get3A_1208 = arith.constant 96 : index
        %get3A_1209 = tpu.vector_load %arg12[%get3A_1207, %get3A_1208] {strides = array<i32>} : memref<24x128xi32, #tpu.memory_space<vmem>>, vector<16xi32>,
        %broadcast_in_dim3A_1210 = arith.constant true
        %broadcast_in_dim3A_1211 = vector.broadcast %broadcast_in_dim3A_1210 : i1 to vector<16xi1>
        %unique3A_1212, %unique3A_1213 = tpu.scan_count mask(%broadcast_in_dim3A_1211 : vector<16xi1>) value(%get3A_1209 : vector<16xi32>) : vector<16xi1>, vector<16xi32>
        tpu.vector_store_idx %arg10[%get3A_1209], %unique3A_1213 masked %unique3A_1212 {add = true} : memref<10112xi32, #tpu.memory_space<vmem>>[vector<16xi32>], vector<16xi32>, vector<16xi1>
        %get3A_1214 = arith.index_cast %mul3A_1158 : i32 to index
        %get3A_1215 = arith.constant 112 : index
        %get3A_1216 = tpu.vector_load %arg12[%get3A_1214, %get3A_1215] {strides = array<i32>} : memref<24x128xi32, #tpu.memory_space<vmem>>, vector<16xi32>,
        %broadcast_in_dim3A_1217 = arith.constant true
        %broadcast_in_dim3A_1218 = vector.broadcast %broadcast_in_dim3A_1217 : i1 to vector<16xi1>
        %unique3A_1219, %unique3A_1220 = tpu.scan_count mask(%broadcast_in_dim3A_1218 : vector<16xi1>) value(%get3A_1216 : vector<16xi32>) : vector<16xi1>, vector<16xi32>
        tpu.vector_store_idx %arg10[%get3A_1216], %unique3A_1220 masked %unique3A_1219 {add = true} : memref<10112xi32, #tpu.memory_space<vmem>>[vector<16xi32>], vector<16xi32>, vector<16xi1>
        %dma_start3A_1221 = arith.constant 0 : i32
        %dma_start3A_1222 = tpu.memref_slice %arg12[%mul3A_1158, %dma_start3A_1221] : memref<24x128xi32, #tpu.memory_space<vmem>> -> memref<1x128xi32, #tpu.memory_space<vmem>>
        %dma_start3A_1223 = tpu.memref_squeeze %dma_start3A_1222 : memref<1x128xi32, #tpu.memory_space<vmem>> -> memref<128xi32, #tpu.memory_space<vmem>>
        %dma_start3A_1224 = arith.constant 0 : i32
        %dma_start3A_1225 = arith.constant 0 : i32
        %dma_start3A_1226 = tpu.memref_slice %arg9[%dma_start3A_1224, %dma_start3A_1225] : memref<10112x128xf32, #tpu.memory_space<vmem_shared>> -> memref<10112x128xf32, #tpu.memory_space<vmem_shared>>
        tpu.enqueue_indirect_dma source(%arg13 : memref<128x128xf32, #tpu.memory_space<vmem>>) target(%dma_start3A_1226 : memref<10112x128xf32, #tpu.memory_space<vmem_shared>>) offsets(%dma_start3A_1223 : memref<128xi32, #tpu.memory_space<vmem>>) semaphore(%arg17 : memref<!tpu.dma_semaphore, #tpu.memory_space<semaphore_mem>>) {add = true}
        %add3A_1227 = arith.constant 1 : i32
        %add3A_1228 = arith.addi %mul3A_1158, %add3A_1227 : i32
        %dma_wait3A_1229 = arith.constant 0 : i32
        %dma_wait3A_1230 = tpu.memref_slice %arg11[%add3A_1228, %dma_wait3A_1229] : memref<24x128xi32, #tpu.memory_space<vmem>> -> memref<1x128xi32, #tpu.memory_space<vmem>>
        %dma_wait3A_1231 = tpu.memref_squeeze %dma_wait3A_1230 : memref<1x128xi32, #tpu.memory_space<vmem>> -> memref<128xi32, #tpu.memory_space<vmem>>
        %dma_wait3A_1232 = arith.constant 0 : i32
        %dma_wait3A_1233 = arith.constant 0 : i32
        %dma_wait3A_1234 = tpu.memref_slice %arg2[%dma_wait3A_1232, %dma_wait3A_1233] : memref<10000x128xf32, #tpu.memory_space<hbm>> -> memref<10000x128xf32, #tpu.memory_space<hbm>>
        tpu.wait_indirect_dma semaphore(%arg16 : memref<!tpu.dma_semaphore, #tpu.memory_space<semaphore_mem>>) src(%dma_wait3A_1234 : memref<10000x128xf32, #tpu.memory_space<hbm>>) dst(%arg14 : memref<128x128xf32, #tpu.memory_space<vmem>>)
        %add3A_1235 = arith.constant 1 : i32
        %add3A_1236 = arith.addi %mul3A_1158, %add3A_1235 : i32
        %get3A_1237 = arith.index_cast %add3A_1236 : i32 to index
        %get3A_1238 = arith.constant 0 : index
        %get3A_1239 = tpu.vector_load %arg12[%get3A_1237, %get3A_1238] {strides = array<i32>} : memref<24x128xi32, #tpu.memory_space<vmem>>, vector<16xi32>,
        %broadcast_in_dim3A_1240 = arith.constant true
        %broadcast_in_dim3A_1241 = vector.broadcast %broadcast_in_dim3A_1240 : i1 to vector<16xi1>
        %unique3A_1242, %unique3A_1243 = tpu.scan_count mask(%broadcast_in_dim3A_1241 : vector<16xi1>) value(%get3A_1239 : vector<16xi32>) : vector<16xi1>, vector<16xi32>
        tpu.vector_store_idx %arg10[%get3A_1239], %unique3A_1243 masked %unique3A_1242 {add = true} : memref<10112xi32, #tpu.memory_space<vmem>>[vector<16xi32>], vector<16xi32>, vector<16xi1>
        %get3A_1244 = arith.index_cast %add3A_1236 : i32 to index
        %get3A_1245 = arith.constant 16 : index
        %get3A_1246 = tpu.vector_load %arg12[%get3A_1244, %get3A_1245] {strides = array<i32>} : memref<24x128xi32, #tpu.memory_space<vmem>>, vector<16xi32>,
        %broadcast_in_dim3A_1247 = arith.constant true
        %broadcast_in_dim3A_1248 = vector.broadcast %broadcast_in_dim3A_1247 : i1 to vector<16xi1>
        %unique3A_1249, %unique3A_1250 = tpu.scan_count mask(%broadcast_in_dim3A_1248 : vector<16xi1>) value(%get3A_1246 : vector<16xi32>) : vector<16xi1>, vector<16xi32>
        tpu.vector_store_idx %arg10[%get3A_1246], %unique3A_1250 masked %unique3A_1249 {add = true} : memref<10112xi32, #tpu.memory_space<vmem>>[vector<16xi32>], vector<16xi32>, vector<16xi1>
        %get3A_1251 = arith.index_cast %add3A_1236 : i32 to index
        %get3A_1252 = arith.constant 32 : index
        %get3A_1253 = tpu.vector_load %arg12[%get3A_1251, %get3A_1252] {strides = array<i32>} : memref<24x128xi32, #tpu.memory_space<vmem>>, vector<16xi32>,
        %broadcast_in_dim3A_1254 = arith.constant true
        %broadcast_in_dim3A_1255 = vector.broadcast %broadcast_in_dim3A_1254 : i1 to vector<16xi1>
        %unique3A_1256, %unique3A_1257 = tpu.scan_count mask(%broadcast_in_dim3A_1255 : vector<16xi1>) value(%get3A_1253 : vector<16xi32>) : vector<16xi1>, vector<16xi32>
        tpu.vector_store_idx %arg10[%get3A_1253], %unique3A_1257 masked %unique3A_1256 {add = true} : memref<10112xi32, #tpu.memory_space<vmem>>[vector<16xi32>], vector<16xi32>, vector<16xi1>
        %get3A_1258 = arith.index_cast %add3A_1236 : i32 to index
        %get3A_1259 = arith.constant 48 : index
        %get3A_1260 = tpu.vector_load %arg12[%get3A_1258, %get3A_1259] {strides = array<i32>} : memref<24x128xi32, #tpu.memory_space<vmem>>, vector<16xi32>,
        %broadcast_in_dim3A_1261 = arith.constant true
        %broadcast_in_dim3A_1262 = vector.broadcast %broadcast_in_dim3A_1261 : i1 to vector<16xi1>
        %unique3A_1263, %unique3A_1264 = tpu.scan_count mask(%broadcast_in_dim3A_1262 : vector<16xi1>) value(%get3A_1260 : vector<16xi32>) : vector<16xi1>, vector<16xi32>
        tpu.vector_store_idx %arg10[%get3A_1260], %unique3A_1264 masked %unique3A_1263 {add = true} : memref<10112xi32, #tpu.memory_space<vmem>>[vector<16xi32>], vector<16xi32>, vector<16xi1>
        %get3A_1265 = arith.index_cast %add3A_1236 : i32 to index
        %get3A_1266 = arith.constant 64 : index
        %get3A_1267 = tpu.vector_load %arg12[%get3A_1265, %get3A_1266] {strides = array<i32>} : memref<24x128xi32, #tpu.memory_space<vmem>>, vector<16xi32>,
        %broadcast_in_dim3A_1268 = arith.constant true
        %broadcast_in_dim3A_1269 = vector.broadcast %broadcast_in_dim3A_1268 : i1 to vector<16xi1>
        %unique3A_1270, %unique3A_1271 = tpu.scan_count mask(%broadcast_in_dim3A_1269 : vector<16xi1>) value(%get3A_1267 : vector<16xi32>) : vector<16xi1>, vector<16xi32>
        tpu.vector_store_idx %arg10[%get3A_1267], %unique3A_1271 masked %unique3A_1270 {add = true} : memref<10112xi32, #tpu.memory_space<vmem>>[vector<16xi32>], vector<16xi32>, vector<16xi1>
        %get3A_1272 = arith.index_cast %add3A_1236 : i32 to index
        %get3A_1273 = arith.constant 80 : index
        %get3A_1274 = tpu.vector_load %arg12[%get3A_1272, %get3A_1273] {strides = array<i32>} : memref<24x128xi32, #tpu.memory_space<vmem>>, vector<16xi32>,
        %broadcast_in_dim3A_1275 = arith.constant true
        %broadcast_in_dim3A_1276 = vector.broadcast %broadcast_in_dim3A_1275 : i1 to vector<16xi1>
        %unique3A_1277, %unique3A_1278 = tpu.scan_count mask(%broadcast_in_dim3A_1276 : vector<16xi1>) value(%get3A_1274 : vector<16xi32>) : vector<16xi1>, vector<16xi32>
        tpu.vector_store_idx %arg10[%get3A_1274], %unique3A_1278 masked %unique3A_1277 {add = true} : memref<10112xi32, #tpu.memory_space<vmem>>[vector<16xi32>], vector<16xi32>, vector<16xi1>
        %get3A_1279 = arith.index_cast %add3A_1236 : i32 to index
        %get3A_1280 = arith.constant 96 : index
        %get3A_1281 = tpu.vector_load %arg12[%get3A_1279, %get3A_1280] {strides = array<i32>} : memref<24x128xi32, #tpu.memory_space<vmem>>, vector<16xi32>,
        %broadcast_in_dim3A_1282 = arith.constant true
        %broadcast_in_dim3A_1283 = vector.broadcast %broadcast_in_dim3A_1282 : i1 to vector<16xi1>
        %unique3A_1284, %unique3A_1285 = tpu.scan_count mask(%broadcast_in_dim3A_1283 : vector<16xi1>) value(%get3A_1281 : vector<16xi32>) : vector<16xi1>, vector<16xi32>
        tpu.vector_store_idx %arg10[%get3A_1281], %unique3A_1285 masked %unique3A_1284 {add = true} : memref<10112xi32, #tpu.memory_space<vmem>>[vector<16xi32>], vector<16xi32>, vector<16xi1>
        %get3A_1286 = arith.index_cast %add3A_1236 : i32 to index
        %get3A_1287 = arith.constant 112 : index
        %get3A_1288 = tpu.vector_load %arg12[%get3A_1286, %get3A_1287] {strides = array<i32>} : memref<24x128xi32, #tpu.memory_space<vmem>>, vector<16xi32>,
        %broadcast_in_dim3A_1289 = arith.constant true
        %broadcast_in_dim3A_1290 = vector.broadcast %broadcast_in_dim3A_1289 : i1 to vector<16xi1>
        %unique3A_1291, %unique3A_1292 = tpu.scan_count mask(%broadcast_in_dim3A_1290 : vector<16xi1>) value(%get3A_1288 : vector<16xi32>) : vector<16xi1>, vector<16xi32>
        tpu.vector_store_idx %arg10[%get3A_1288], %unique3A_1292 masked %unique3A_1291 {add = true} : memref<10112xi32, #tpu.memory_space<vmem>>[vector<16xi32>], vector<16xi32>, vector<16xi1>
        %add3A_1293 = arith.constant 1 : i32
        %add3A_1294 = arith.addi %mul3A_1158, %add3A_1293 : i32
        %dma_start3A_1295 = arith.constant 0 : i32
        %dma_start3A_1296 = tpu.memref_slice %arg12[%add3A_1294, %dma_start3A_1295] : memref<24x128xi32, #tpu.memory_space<vmem>> -> memref<1x128xi32, #tpu.memory_space<vmem>>
        %dma_start3A_1297 = tpu.memref_squeeze %dma_start3A_1296 : memref<1x128xi32, #tpu.memory_space<vmem>> -> memref<128xi32, #tpu.memory_space<vmem>>
        %dma_start3A_1298 = arith.constant 0 : i32
        %dma_start3A_1299 = arith.constant 0 : i32
        %dma_start3A_1300 = tpu.memref_slice %arg9[%dma_start3A_1298, %dma_start3A_1299] : memref<10112x128xf32, #tpu.memory_space<vmem_shared>> -> memref<10112x128xf32, #tpu.memory_space<vmem_shared>>
        tpu.enqueue_indirect_dma source(%arg14 : memref<128x128xf32, #tpu.memory_space<vmem>>) target(%dma_start3A_1300 : memref<10112x128xf32, #tpu.memory_space<vmem_shared>>) offsets(%dma_start3A_1297 : memref<128xi32, #tpu.memory_space<vmem>>) semaphore(%arg18 : memref<!tpu.dma_semaphore, #tpu.memory_space<semaphore_mem>>) {add = true}
        %dma_wait3A_1301 = arith.constant 0 : i32
        %dma_wait3A_1302 = tpu.memref_slice %arg12[%mul3A_1158, %dma_wait3A_1301] : memref<24x128xi32, #tpu.memory_space<vmem>> -> memref<1x128xi32, #tpu.memory_space<vmem>>
        %dma_wait3A_1303 = tpu.memref_squeeze %dma_wait3A_1302 : memref<1x128xi32, #tpu.memory_space<vmem>> -> memref<128xi32, #tpu.memory_space<vmem>>
        %dma_wait3A_1304 = arith.constant 0 : i32
        %dma_wait3A_1305 = arith.constant 0 : i32
        %dma_wait3A_1306 = tpu.memref_slice %arg9[%dma_wait3A_1304, %dma_wait3A_1305] : memref<10112x128xf32, #tpu.memory_space<vmem_shared>> -> memref<10112x128xf32, #tpu.memory_space<vmem_shared>>
        tpu.wait_indirect_dma semaphore(%arg17 : memref<!tpu.dma_semaphore, #tpu.memory_space<semaphore_mem>>) src(%arg13 : memref<128x128xf32, #tpu.memory_space<vmem>>) dst(%dma_wait3A_1306 : memref<10112x128xf32, #tpu.memory_space<vmem_shared>>)
        %add3A_1307 = arith.constant 2 : i32
        %add3A_1308 = arith.addi %mul3A_1158, %add3A_1307 : i32
        %dma_start3A_1309 = arith.constant 0 : i32
        %dma_start3A_1310 = tpu.memref_slice %arg11[%add3A_1308, %dma_start3A_1309] : memref<24x128xi32, #tpu.memory_space<vmem>> -> memref<1x128xi32, #tpu.memory_space<vmem>>
        %dma_start3A_1311 = tpu.memref_squeeze %dma_start3A_1310 : memref<1x128xi32, #tpu.memory_space<vmem>> -> memref<128xi32, #tpu.memory_space<vmem>>
        %dma_start3A_1312 = arith.constant 0 : i32
        %dma_start3A_1313 = arith.constant 0 : i32
        %dma_start3A_1314 = tpu.memref_slice %arg2[%dma_start3A_1312, %dma_start3A_1313] : memref<10000x128xf32, #tpu.memory_space<hbm>> -> memref<10000x128xf32, #tpu.memory_space<hbm>>
        tpu.enqueue_indirect_dma source(%dma_start3A_1314 : memref<10000x128xf32, #tpu.memory_space<hbm>>) target(%arg13 : memref<128x128xf32, #tpu.memory_space<vmem>>) offsets(%dma_start3A_1311 : memref<128xi32, #tpu.memory_space<vmem>>) semaphore(%arg15 : memref<!tpu.dma_semaphore, #tpu.memory_space<semaphore_mem>>)
        %add3A_1315 = arith.constant 1 : i32
        %add3A_1316 = arith.addi %mul3A_1158, %add3A_1315 : i32
        %dma_wait3A_1317 = arith.constant 0 : i32
        %dma_wait3A_1318 = tpu.memref_slice %arg12[%add3A_1316, %dma_wait3A_1317] : memref<24x128xi32, #tpu.memory_space<vmem>> -> memref<1x128xi32, #tpu.memory_space<vmem>>
        %dma_wait3A_1319 = tpu.memref_squeeze %dma_wait3A_1318 : memref<1x128xi32, #tpu.memory_space<vmem>> -> memref<128xi32, #tpu.memory_space<vmem>>
        %dma_wait3A_1320 = arith.constant 0 : i32
        %dma_wait3A_1321 = arith.constant 0 : i32
        %dma_wait3A_1322 = tpu.memref_slice %arg9[%dma_wait3A_1320, %dma_wait3A_1321] : memref<10112x128xf32, #tpu.memory_space<vmem_shared>> -> memref<10112x128xf32, #tpu.memory_space<vmem_shared>>
        tpu.wait_indirect_dma semaphore(%arg18 : memref<!tpu.dma_semaphore, #tpu.memory_space<semaphore_mem>>) src(%arg14 : memref<128x128xf32, #tpu.memory_space<vmem>>) dst(%dma_wait3A_1322 : memref<10112x128xf32, #tpu.memory_space<vmem_shared>>)
        %add3A_1323 = arith.constant 3 : i32
        %add3A_1324 = arith.addi %mul3A_1158, %add3A_1323 : i32
        %dma_start3A_1325 = arith.constant 0 : i32
        %dma_start3A_1326 = tpu.memref_slice %arg11[%add3A_1324, %dma_start3A_1325] : memref<24x128xi32, #tpu.memory_space<vmem>> -> memref<1x128xi32, #tpu.memory_space<vmem>>
        %dma_start3A_1327 = tpu.memref_squeeze %dma_start3A_1326 : memref<1x128xi32, #tpu.memory_space<vmem>> -> memref<128xi32, #tpu.memory_space<vmem>>
        %dma_start3A_1328 = arith.constant 0 : i32
        %dma_start3A_1329 = arith.constant 0 : i32
        %dma_start3A_1330 = tpu.memref_slice %arg2[%dma_start3A_1328, %dma_start3A_1329] : memref<10000x128xf32, #tpu.memory_space<hbm>> -> memref<10000x128xf32, #tpu.memory_space<hbm>>
        tpu.enqueue_indirect_dma source(%dma_start3A_1330 : memref<10000x128xf32, #tpu.memory_space<hbm>>) target(%arg14 : memref<128x128xf32, #tpu.memory_space<vmem>>) offsets(%dma_start3A_1327 : memref<128xi32, #tpu.memory_space<vmem>>) semaphore(%arg16 : memref<!tpu.dma_semaphore, #tpu.memory_space<semaphore_mem>>)
      }
      %scan3A_793 = arith.constant 11 : i32
      %dma_wait3A_794 = arith.constant 22 : i32
      %dma_wait3A_795 = arith.constant 0 : i32
      %dma_wait3A_796 = tpu.memref_slice %arg11[%dma_wait3A_794, %dma_wait3A_795] : memref<24x128xi32, #tpu.memory_space<vmem>> -> memref<1x128xi32, #tpu.memory_space<vmem>>
      %dma_wait3A_797 = tpu.memref_squeeze %dma_wait3A_796 : memref<1x128xi32, #tpu.memory_space<vmem>> -> memref<128xi32, #tpu.memory_space<vmem>>
      %dma_wait3A_798 = arith.constant 0 : i32
      %dma_wait3A_799 = arith.constant 0 : i32
      %dma_wait3A_800 = tpu.memref_slice %arg2[%dma_wait3A_798, %dma_wait3A_799] : memref<10000x128xf32, #tpu.memory_space<hbm>> -> memref<10000x128xf32, #tpu.memory_space<hbm>>
      tpu.wait_indirect_dma semaphore(%arg15 : memref<!tpu.dma_semaphore, #tpu.memory_space<semaphore_mem>>) src(%dma_wait3A_800 : memref<10000x128xf32, #tpu.memory_space<hbm>>) dst(%arg13 : memref<128x128xf32, #tpu.memory_space<vmem>>)
      %get3A_801 = arith.constant 22 : i32
      %get3A_802 = arith.index_cast %get3A_801 : i32 to index
      %get3A_803 = arith.constant 0 : index
      %get3A_804 = tpu.vector_load %arg12[%get3A_802, %get3A_803] {strides = array<i32>} : memref<24x128xi32, #tpu.memory_space<vmem>>, vector<16xi32>,
      %broadcast_in_dim3A_805 = arith.constant true
      %broadcast_in_dim3A_806 = vector.broadcast %broadcast_in_dim3A_805 : i1 to vector<16xi1>
      %unique3A_807, %unique3A_808 = tpu.scan_count mask(%broadcast_in_dim3A_806 : vector<16xi1>) value(%get3A_804 : vector<16xi32>) : vector<16xi1>, vector<16xi32>
      tpu.vector_store_idx %arg10[%get3A_804], %unique3A_808 masked %unique3A_807 {add = true} : memref<10112xi32, #tpu.memory_space<vmem>>[vector<16xi32>], vector<16xi32>, vector<16xi1>
      %get3A_809 = arith.constant 22 : i32
      %get3A_810 = arith.index_cast %get3A_809 : i32 to index
      %get3A_811 = arith.constant 16 : index
      %get3A_812 = tpu.vector_load %arg12[%get3A_810, %get3A_811] {strides = array<i32>} : memref<24x128xi32, #tpu.memory_space<vmem>>, vector<16xi32>,
      %broadcast_in_dim3A_813 = arith.constant true
      %broadcast_in_dim3A_814 = vector.broadcast %broadcast_in_dim3A_813 : i1 to vector<16xi1>
      %unique3A_815, %unique3A_816 = tpu.scan_count mask(%broadcast_in_dim3A_814 : vector<16xi1>) value(%get3A_812 : vector<16xi32>) : vector<16xi1>, vector<16xi32>
      tpu.vector_store_idx %arg10[%get3A_812], %unique3A_816 masked %unique3A_815 {add = true} : memref<10112xi32, #tpu.memory_space<vmem>>[vector<16xi32>], vector<16xi32>, vector<16xi1>
      %get3A_817 = arith.constant 22 : i32
      %get3A_818 = arith.index_cast %get3A_817 : i32 to index
      %get3A_819 = arith.constant 32 : index
      %get3A_820 = tpu.vector_load %arg12[%get3A_818, %get3A_819] {strides = array<i32>} : memref<24x128xi32, #tpu.memory_space<vmem>>, vector<16xi32>,
      %broadcast_in_dim3A_821 = arith.constant true
      %broadcast_in_dim3A_822 = vector.broadcast %broadcast_in_dim3A_821 : i1 to vector<16xi1>
      %unique3A_823, %unique3A_824 = tpu.scan_count mask(%broadcast_in_dim3A_822 : vector<16xi1>) value(%get3A_820 : vector<16xi32>) : vector<16xi1>, vector<16xi32>
      tpu.vector_store_idx %arg10[%get3A_820], %unique3A_824 masked %unique3A_823 {add = true} : memref<10112xi32, #tpu.memory_space<vmem>>[vector<16xi32>], vector<16xi32>, vector<16xi1>
      %get3A_825 = arith.constant 22 : i32
      %get3A_826 = arith.index_cast %get3A_825 : i32 to index
      %get3A_827 = arith.constant 48 : index
      %get3A_828 = tpu.vector_load %arg12[%get3A_826, %get3A_827] {strides = array<i32>} : memref<24x128xi32, #tpu.memory_space<vmem>>, vector<16xi32>,
      %broadcast_in_dim3A_829 = arith.constant true
      %broadcast_in_dim3A_830 = vector.broadcast %broadcast_in_dim3A_829 : i1 to vector<16xi1>
      %unique3A_831, %unique3A_832 = tpu.scan_count mask(%broadcast_in_dim3A_830 : vector<16xi1>) value(%get3A_828 : vector<16xi32>) : vector<16xi1>, vector<16xi32>
      tpu.vector_store_idx %arg10[%get3A_828], %unique3A_832 masked %unique3A_831 {add = true} : memref<10112xi32, #tpu.memory_space<vmem>>[vector<16xi32>], vector<16xi32>, vector<16xi1>
      %get3A_833 = arith.constant 22 : i32
      %get3A_834 = arith.index_cast %get3A_833 : i32 to index
      %get3A_835 = arith.constant 64 : index
      %get3A_836 = tpu.vector_load %arg12[%get3A_834, %get3A_835] {strides = array<i32>} : memref<24x128xi32, #tpu.memory_space<vmem>>, vector<16xi32>,
      %broadcast_in_dim3A_837 = arith.constant true
      %broadcast_in_dim3A_838 = vector.broadcast %broadcast_in_dim3A_837 : i1 to vector<16xi1>
      %unique3A_839, %unique3A_840 = tpu.scan_count mask(%broadcast_in_dim3A_838 : vector<16xi1>) value(%get3A_836 : vector<16xi32>) : vector<16xi1>, vector<16xi32>
      tpu.vector_store_idx %arg10[%get3A_836], %unique3A_840 masked %unique3A_839 {add = true} : memref<10112xi32, #tpu.memory_space<vmem>>[vector<16xi32>], vector<16xi32>, vector<16xi1>
      %get3A_841 = arith.constant 22 : i32
      %get3A_842 = arith.index_cast %get3A_841 : i32 to index
      %get3A_843 = arith.constant 80 : index
      %get3A_844 = tpu.vector_load %arg12[%get3A_842, %get3A_843] {strides = array<i32>} : memref<24x128xi32, #tpu.memory_space<vmem>>, vector<16xi32>,
      %broadcast_in_dim3A_845 = arith.constant true
      %broadcast_in_dim3A_846 = vector.broadcast %broadcast_in_dim3A_845 : i1 to vector<16xi1>
      %unique3A_847, %unique3A_848 = tpu.scan_count mask(%broadcast_in_dim3A_846 : vector<16xi1>) value(%get3A_844 : vector<16xi32>) : vector<16xi1>, vector<16xi32>
      tpu.vector_store_idx %arg10[%get3A_844], %unique3A_848 masked %unique3A_847 {add = true} : memref<10112xi32, #tpu.memory_space<vmem>>[vector<16xi32>], vector<16xi32>, vector<16xi1>
      %get3A_849 = arith.constant 22 : i32
      %get3A_850 = arith.index_cast %get3A_849 : i32 to index
      %get3A_851 = arith.constant 96 : index
      %get3A_852 = tpu.vector_load %arg12[%get3A_850, %get3A_851] {strides = array<i32>} : memref<24x128xi32, #tpu.memory_space<vmem>>, vector<16xi32>,
      %broadcast_in_dim3A_853 = arith.constant true
      %broadcast_in_dim3A_854 = vector.broadcast %broadcast_in_dim3A_853 : i1 to vector<16xi1>
      %unique3A_855, %unique3A_856 = tpu.scan_count mask(%broadcast_in_dim3A_854 : vector<16xi1>) value(%get3A_852 : vector<16xi32>) : vector<16xi1>, vector<16xi32>
      tpu.vector_store_idx %arg10[%get3A_852], %unique3A_856 masked %unique3A_855 {add = true} : memref<10112xi32, #tpu.memory_space<vmem>>[vector<16xi32>], vector<16xi32>, vector<16xi1>
      %get3A_857 = arith.constant 22 : i32
      %get3A_858 = arith.index_cast %get3A_857 : i32 to index
      %get3A_859 = arith.constant 112 : index
      %get3A_860 = tpu.vector_load %arg12[%get3A_858, %get3A_859] {strides = array<i32>} : memref<24x128xi32, #tpu.memory_space<vmem>>, vector<16xi32>,
      %broadcast_in_dim3A_861 = arith.constant true
      %broadcast_in_dim3A_862 = vector.broadcast %broadcast_in_dim3A_861 : i1 to vector<16xi1>
      %unique3A_863, %unique3A_864 = tpu.scan_count mask(%broadcast_in_dim3A_862 : vector<16xi1>) value(%get3A_860 : vector<16xi32>) : vector<16xi1>, vector<16xi32>
      tpu.vector_store_idx %arg10[%get3A_860], %unique3A_864 masked %unique3A_863 {add = true} : memref<10112xi32, #tpu.memory_space<vmem>>[vector<16xi32>], vector<16xi32>, vector<16xi1>
      %dma_start3A_865 = arith.constant 22 : i32
      %dma_start3A_866 = arith.constant 0 : i32
      %dma_start3A_867 = tpu.memref_slice %arg12[%dma_start3A_865, %dma_start3A_866] : memref<24x128xi32, #tpu.memory_space<vmem>> -> memref<1x128xi32, #tpu.memory_space<vmem>>
      %dma_start3A_868 = tpu.memref_squeeze %dma_start3A_867 : memref<1x128xi32, #tpu.memory_space<vmem>> -> memref<128xi32, #tpu.memory_space<vmem>>
      %dma_start3A_869 = arith.constant 0 : i32
      %dma_start3A_870 = arith.constant 0 : i32
      %dma_start3A_871 = tpu.memref_slice %arg9[%dma_start3A_869, %dma_start3A_870] : memref<10112x128xf32, #tpu.memory_space<vmem_shared>> -> memref<10112x128xf32, #tpu.memory_space<vmem_shared>>
      tpu.enqueue_indirect_dma source(%arg13 : memref<128x128xf32, #tpu.memory_space<vmem>>) target(%dma_start3A_871 : memref<10112x128xf32, #tpu.memory_space<vmem_shared>>) offsets(%dma_start3A_868 : memref<128xi32, #tpu.memory_space<vmem>>) semaphore(%arg17 : memref<!tpu.dma_semaphore, #tpu.memory_space<semaphore_mem>>) {add = true}
      %dma_wait3A_872 = arith.constant 23 : i32
      %dma_wait3A_873 = arith.constant 0 : i32
      %dma_wait3A_874 = tpu.memref_slice %arg11[%dma_wait3A_872, %dma_wait3A_873] : memref<24x128xi32, #tpu.memory_space<vmem>> -> memref<1x128xi32, #tpu.memory_space<vmem>>
      %dma_wait3A_875 = tpu.memref_squeeze %dma_wait3A_874 : memref<1x128xi32, #tpu.memory_space<vmem>> -> memref<128xi32, #tpu.memory_space<vmem>>
      %dma_wait3A_876 = arith.constant 0 : i32
      %dma_wait3A_877 = arith.constant 0 : i32
      %dma_wait3A_878 = tpu.memref_slice %arg2[%dma_wait3A_876, %dma_wait3A_877] : memref<10000x128xf32, #tpu.memory_space<hbm>> -> memref<10000x128xf32, #tpu.memory_space<hbm>>
      tpu.wait_indirect_dma semaphore(%arg16 : memref<!tpu.dma_semaphore, #tpu.memory_space<semaphore_mem>>) src(%dma_wait3A_878 : memref<10000x128xf32, #tpu.memory_space<hbm>>) dst(%arg14 : memref<128x128xf32, #tpu.memory_space<vmem>>)
      %get3A_879 = arith.constant 23 : i32
      %get3A_880 = arith.index_cast %get3A_879 : i32 to index
      %get3A_881 = arith.constant 0 : index
      %get3A_882 = tpu.vector_load %arg12[%get3A_880, %get3A_881] {strides = array<i32>} : memref<24x128xi32, #tpu.memory_space<vmem>>, vector<16xi32>,
      %broadcast_in_dim3A_883 = arith.constant true
      %broadcast_in_dim3A_884 = vector.broadcast %broadcast_in_dim3A_883 : i1 to vector<16xi1>
      %unique3A_885, %unique3A_886 = tpu.scan_count mask(%broadcast_in_dim3A_884 : vector<16xi1>) value(%get3A_882 : vector<16xi32>) : vector<16xi1>, vector<16xi32>
      tpu.vector_store_idx %arg10[%get3A_882], %unique3A_886 masked %unique3A_885 {add = true} : memref<10112xi32, #tpu.memory_space<vmem>>[vector<16xi32>], vector<16xi32>, vector<16xi1>
      %get3A_887 = arith.constant 23 : i32
      %get3A_888 = arith.index_cast %get3A_887 : i32 to index
      %get3A_889 = arith.constant 16 : index
      %get3A_890 = tpu.vector_load %arg12[%get3A_888, %get3A_889] {strides = array<i32>} : memref<24x128xi32, #tpu.memory_space<vmem>>, vector<16xi32>,
      %broadcast_in_dim3A_891 = arith.constant true
      %broadcast_in_dim3A_892 = vector.broadcast %broadcast_in_dim3A_891 : i1 to vector<16xi1>
      %unique3A_893, %unique3A_894 = tpu.scan_count mask(%broadcast_in_dim3A_892 : vector<16xi1>) value(%get3A_890 : vector<16xi32>) : vector<16xi1>, vector<16xi32>
      tpu.vector_store_idx %arg10[%get3A_890], %unique3A_894 masked %unique3A_893 {add = true} : memref<10112xi32, #tpu.memory_space<vmem>>[vector<16xi32>], vector<16xi32>, vector<16xi1>
      %get3A_895 = arith.constant 23 : i32
      %get3A_896 = arith.index_cast %get3A_895 : i32 to index
      %get3A_897 = arith.constant 32 : index
      %get3A_898 = tpu.vector_load %arg12[%get3A_896, %get3A_897] {strides = array<i32>} : memref<24x128xi32, #tpu.memory_space<vmem>>, vector<16xi32>,
      %broadcast_in_dim3A_899 = arith.constant true
      %broadcast_in_dim3A_900 = vector.broadcast %broadcast_in_dim3A_899 : i1 to vector<16xi1>
      %unique3A_901, %unique3A_902 = tpu.scan_count mask(%broadcast_in_dim3A_900 : vector<16xi1>) value(%get3A_898 : vector<16xi32>) : vector<16xi1>, vector<16xi32>
      tpu.vector_store_idx %arg10[%get3A_898], %unique3A_902 masked %unique3A_901 {add = true} : memref<10112xi32, #tpu.memory_space<vmem>>[vector<16xi32>], vector<16xi32>, vector<16xi1>
      %get3A_903 = arith.constant 23 : i32
      %get3A_904 = arith.index_cast %get3A_903 : i32 to index
      %get3A_905 = arith.constant 48 : index
      %get3A_906 = tpu.vector_load %arg12[%get3A_904, %get3A_905] {strides = array<i32>} : memref<24x128xi32, #tpu.memory_space<vmem>>, vector<16xi32>,
      %broadcast_in_dim3A_907 = arith.constant true
      %broadcast_in_dim3A_908 = vector.broadcast %broadcast_in_dim3A_907 : i1 to vector<16xi1>
      %unique3A_909, %unique3A_910 = tpu.scan_count mask(%broadcast_in_dim3A_908 : vector<16xi1>) value(%get3A_906 : vector<16xi32>) : vector<16xi1>, vector<16xi32>
      tpu.vector_store_idx %arg10[%get3A_906], %unique3A_910 masked %unique3A_909 {add = true} : memref<10112xi32, #tpu.memory_space<vmem>>[vector<16xi32>], vector<16xi32>, vector<16xi1>
      %get3A_911 = arith.constant 23 : i32
      %get3A_912 = arith.index_cast %get3A_911 : i32 to index
      %get3A_913 = arith.constant 64 : index
      %get3A_914 = tpu.vector_load %arg12[%get3A_912, %get3A_913] {strides = array<i32>} : memref<24x128xi32, #tpu.memory_space<vmem>>, vector<16xi32>,
      %broadcast_in_dim3A_915 = arith.constant true
      %broadcast_in_dim3A_916 = vector.broadcast %broadcast_in_dim3A_915 : i1 to vector<16xi1>
      %unique3A_917, %unique3A_918 = tpu.scan_count mask(%broadcast_in_dim3A_916 : vector<16xi1>) value(%get3A_914 : vector<16xi32>) : vector<16xi1>, vector<16xi32>
      tpu.vector_store_idx %arg10[%get3A_914], %unique3A_918 masked %unique3A_917 {add = true} : memref<10112xi32, #tpu.memory_space<vmem>>[vector<16xi32>], vector<16xi32>, vector<16xi1>
      %get3A_919 = arith.constant 23 : i32
      %get3A_920 = arith.index_cast %get3A_919 : i32 to index
      %get3A_921 = arith.constant 80 : index
      %get3A_922 = tpu.vector_load %arg12[%get3A_920, %get3A_921] {strides = array<i32>} : memref<24x128xi32, #tpu.memory_space<vmem>>, vector<16xi32>,
      %broadcast_in_dim3A_923 = arith.constant true
      %broadcast_in_dim3A_924 = vector.broadcast %broadcast_in_dim3A_923 : i1 to vector<16xi1>
      %unique3A_925, %unique3A_926 = tpu.scan_count mask(%broadcast_in_dim3A_924 : vector<16xi1>) value(%get3A_922 : vector<16xi32>) : vector<16xi1>, vector<16xi32>
      tpu.vector_store_idx %arg10[%get3A_922], %unique3A_926 masked %unique3A_925 {add = true} : memref<10112xi32, #tpu.memory_space<vmem>>[vector<16xi32>], vector<16xi32>, vector<16xi1>
      %get3A_927 = arith.constant 23 : i32
      %get3A_928 = arith.index_cast %get3A_927 : i32 to index
      %get3A_929 = arith.constant 96 : index
      %get3A_930 = tpu.vector_load %arg12[%get3A_928, %get3A_929] {strides = array<i32>} : memref<24x128xi32, #tpu.memory_space<vmem>>, vector<16xi32>,
      %broadcast_in_dim3A_931 = arith.constant true
      %broadcast_in_dim3A_932 = vector.broadcast %broadcast_in_dim3A_931 : i1 to vector<16xi1>
      %unique3A_933, %unique3A_934 = tpu.scan_count mask(%broadcast_in_dim3A_932 : vector<16xi1>) value(%get3A_930 : vector<16xi32>) : vector<16xi1>, vector<16xi32>
      tpu.vector_store_idx %arg10[%get3A_930], %unique3A_934 masked %unique3A_933 {add = true} : memref<10112xi32, #tpu.memory_space<vmem>>[vector<16xi32>], vector<16xi32>, vector<16xi1>
      %get3A_935 = arith.constant 23 : i32
      %get3A_936 = arith.index_cast %get3A_935 : i32 to index
      %get3A_937 = arith.constant 112 : index
      %get3A_938 = tpu.vector_load %arg12[%get3A_936, %get3A_937] {strides = array<i32>} : memref<24x128xi32, #tpu.memory_space<vmem>>, vector<16xi32>,
      %broadcast_in_dim3A_939 = arith.constant true
      %broadcast_in_dim3A_940 = vector.broadcast %broadcast_in_dim3A_939 : i1 to vector<16xi1>
      %unique3A_941, %unique3A_942 = tpu.scan_count mask(%broadcast_in_dim3A_940 : vector<16xi1>) value(%get3A_938 : vector<16xi32>) : vector<16xi1>, vector<16xi32>
      tpu.vector_store_idx %arg10[%get3A_938], %unique3A_942 masked %unique3A_941 {add = true} : memref<10112xi32, #tpu.memory_space<vmem>>[vector<16xi32>], vector<16xi32>, vector<16xi1>
      %dma_start3A_943 = arith.constant 23 : i32
      %dma_start3A_944 = arith.constant 0 : i32
      %dma_start3A_945 = tpu.memref_slice %arg12[%dma_start3A_943, %dma_start3A_944] : memref<24x128xi32, #tpu.memory_space<vmem>> -> memref<1x128xi32, #tpu.memory_space<vmem>>
      %dma_start3A_946 = tpu.memref_squeeze %dma_start3A_945 : memref<1x128xi32, #tpu.memory_space<vmem>> -> memref<128xi32, #tpu.memory_space<vmem>>
      %dma_start3A_947 = arith.constant 0 : i32
      %dma_start3A_948 = arith.constant 0 : i32
      %dma_start3A_949 = tpu.memref_slice %arg9[%dma_start3A_947, %dma_start3A_948] : memref<10112x128xf32, #tpu.memory_space<vmem_shared>> -> memref<10112x128xf32, #tpu.memory_space<vmem_shared>>
      tpu.enqueue_indirect_dma source(%arg14 : memref<128x128xf32, #tpu.memory_space<vmem>>) target(%dma_start3A_949 : memref<10112x128xf32, #tpu.memory_space<vmem_shared>>) offsets(%dma_start3A_946 : memref<128xi32, #tpu.memory_space<vmem>>) semaphore(%arg18 : memref<!tpu.dma_semaphore, #tpu.memory_space<semaphore_mem>>) {add = true}
      %dma_wait3A_950 = arith.constant 22 : i32
      %dma_wait3A_951 = arith.constant 0 : i32
      %dma_wait3A_952 = tpu.memref_slice %arg12[%dma_wait3A_950, %dma_wait3A_951] : memref<24x128xi32, #tpu.memory_space<vmem>> -> memref<1x128xi32, #tpu.memory_space<vmem>>
      %dma_wait3A_953 = tpu.memref_squeeze %dma_wait3A_952 : memref<1x128xi32, #tpu.memory_space<vmem>> -> memref<128xi32, #tpu.memory_space<vmem>>
      %dma_wait3A_954 = arith.constant 0 : i32
      %dma_wait3A_955 = arith.constant 0 : i32
      %dma_wait3A_956 = tpu.memref_slice %arg9[%dma_wait3A_954, %dma_wait3A_955] : memref<10112x128xf32, #tpu.memory_space<vmem_shared>> -> memref<10112x128xf32, #tpu.memory_space<vmem_shared>>
      tpu.wait_indirect_dma semaphore(%arg17 : memref<!tpu.dma_semaphore, #tpu.memory_space<semaphore_mem>>) src(%arg13 : memref<128x128xf32, #tpu.memory_space<vmem>>) dst(%dma_wait3A_956 : memref<10112x128xf32, #tpu.memory_space<vmem_shared>>)
      %dma_wait3A_957 = arith.constant 23 : i32
      %dma_wait3A_958 = arith.constant 0 : i32
      %dma_wait3A_959 = tpu.memref_slice %arg12[%dma_wait3A_957, %dma_wait3A_958] : memref<24x128xi32, #tpu.memory_space<vmem>> -> memref<1x128xi32, #tpu.memory_space<vmem>>
      %dma_wait3A_960 = tpu.memref_squeeze %dma_wait3A_959 : memref<1x128xi32, #tpu.memory_space<vmem>> -> memref<128xi32, #tpu.memory_space<vmem>>
      %dma_wait3A_961 = arith.constant 0 : i32
      %dma_wait3A_962 = arith.constant 0 : i32
      %dma_wait3A_963 = tpu.memref_slice %arg9[%dma_wait3A_961, %dma_wait3A_962] : memref<10112x128xf32, #tpu.memory_space<vmem_shared>> -> memref<10112x128xf32, #tpu.memory_space<vmem_shared>>
      tpu.wait_indirect_dma semaphore(%arg18 : memref<!tpu.dma_semaphore, #tpu.memory_space<semaphore_mem>>) src(%arg14 : memref<128x128xf32, #tpu.memory_space<vmem>>) dst(%dma_wait3A_963 : memref<10112x128xf32, #tpu.memory_space<vmem_shared>>)
      %add3A_964 = arith.constant 120 : i32
      %add3A_965 = arith.addi %mul3A_10, %add3A_964 : i32
      "tpu.region"() ({
        %run_scoped3A = tpu.sem_alloc : memref<!tpu.dma_semaphore, #tpu.memory_space<semaphore_mem>>
        %dma_start3A_1156 = arith.constant 0 : i32
        %dma_start3A_1157 = arith.constant 0 : i32
        %dma_start3A_1158 = tpu.memref_slice %arg11[%dma_start3A_1156, %dma_start3A_1157] : memref<24x128xi32, #tpu.memory_space<vmem>> -> memref<24x128xi32, #tpu.memory_space<vmem>>
        %dma_start3A_1159 = arith.constant 0 : i32
        %dma_start3A_1160 = tpu.memref_slice %arg3[%add3A_965, %dma_start3A_1159] : memref<2560x128xi32, #tpu.memory_space<hbm>> -> memref<24x128xi32, #tpu.memory_space<hbm>>
        %dma_start3A_1161 = arith.constant 0 : i32
        %dma_start3A_1162 = arith.constant 0 : i32
        %dma_start3A_1163 = tpu.memref_slice %arg11[%dma_start3A_1161, %dma_start3A_1162] : memref<24x128xi32, #tpu.memory_space<vmem>> -> memref<24x128xi32, #tpu.memory_space<vmem>>
        %dma_start3A_1164 = arith.constant 0 : i32
        %dma_start3A_1165 = tpu.memref_slice %arg3[%add3A_965, %dma_start3A_1164] : memref<2560x128xi32, #tpu.memory_space<hbm>> -> memref<24x128xi32, #tpu.memory_space<hbm>>
        tpu.enqueue_dma source(%dma_start3A_1165 : memref<24x128xi32, #tpu.memory_space<hbm>>) target(%dma_start3A_1163 : memref<24x128xi32, #tpu.memory_space<vmem>>) target_semaphore(%run_scoped3A : memref<!tpu.dma_semaphore, #tpu.memory_space<semaphore_mem>>)
        %dma_wait3A_1166 = arith.constant 0 : i32
        %dma_wait3A_1167 = arith.constant 0 : i32
        %dma_wait3A_1168 = tpu.memref_slice %arg11[%dma_wait3A_1166, %dma_wait3A_1167] : memref<24x128xi32, #tpu.memory_space<vmem>> -> memref<24x128xi32, #tpu.memory_space<vmem>>
        %dma_wait3A_1169 = arith.constant 0 : i32
        %dma_wait3A_1170 = tpu.memref_slice %arg3[%add3A_965, %dma_wait3A_1169] : memref<2560x128xi32, #tpu.memory_space<hbm>> -> memref<24x128xi32, #tpu.memory_space<hbm>>
        %dma_wait3A_1171 = arith.constant 0 : i32
        %dma_wait3A_1172 = arith.constant 0 : i32
        %dma_wait3A_1173 = tpu.memref_slice %arg11[%dma_wait3A_1171, %dma_wait3A_1172] : memref<24x128xi32, #tpu.memory_space<vmem>> -> memref<24x128xi32, #tpu.memory_space<vmem>>
        %dma_wait3A_1174 = arith.constant 0 : i32
        %dma_wait3A_1175 = tpu.memref_slice %arg3[%add3A_965, %dma_wait3A_1174] : memref<2560x128xi32, #tpu.memory_space<hbm>> -> memref<24x128xi32, #tpu.memory_space<hbm>>
        tpu.wait_dma2 semaphore(%run_scoped3A : memref<!tpu.dma_semaphore, #tpu.memory_space<semaphore_mem>>) src(%dma_wait3A_1175 : memref<24x128xi32, #tpu.memory_space<hbm>>) dst(%dma_wait3A_1173 : memref<24x128xi32, #tpu.memory_space<vmem>>)
        tpu.yield
      }) : () -> ()
      "tpu.region"() ({
        %run_scoped3A = tpu.sem_alloc : memref<!tpu.dma_semaphore, #tpu.memory_space<semaphore_mem>>
        %dma_start3A_1156 = arith.constant 0 : i32
        %dma_start3A_1157 = arith.constant 0 : i32
        %dma_start3A_1158 = tpu.memref_slice %arg12[%dma_start3A_1156, %dma_start3A_1157] : memref<24x128xi32, #tpu.memory_space<vmem>> -> memref<24x128xi32, #tpu.memory_space<vmem>>
        %dma_start3A_1159 = arith.constant 0 : i32
        %dma_start3A_1160 = tpu.memref_slice %arg4[%add3A_965, %dma_start3A_1159] : memref<2560x128xi32, #tpu.memory_space<hbm>> -> memref<24x128xi32, #tpu.memory_space<hbm>>
        %dma_start3A_1161 = arith.constant 0 : i32
        %dma_start3A_1162 = arith.constant 0 : i32
        %dma_start3A_1163 = tpu.memref_slice %arg12[%dma_start3A_1161, %dma_start3A_1162] : memref<24x128xi32, #tpu.memory_space<vmem>> -> memref<24x128xi32, #tpu.memory_space<vmem>>
        %dma_start3A_1164 = arith.constant 0 : i32
        %dma_start3A_1165 = tpu.memref_slice %arg4[%add3A_965, %dma_start3A_1164] : memref<2560x128xi32, #tpu.memory_space<hbm>> -> memref<24x128xi32, #tpu.memory_space<hbm>>
        tpu.enqueue_dma source(%dma_start3A_1165 : memref<24x128xi32, #tpu.memory_space<hbm>>) target(%dma_start3A_1163 : memref<24x128xi32, #tpu.memory_space<vmem>>) target_semaphore(%run_scoped3A : memref<!tpu.dma_semaphore, #tpu.memory_space<semaphore_mem>>)
        %dma_wait3A_1166 = arith.constant 0 : i32
        %dma_wait3A_1167 = arith.constant 0 : i32
        %dma_wait3A_1168 = tpu.memref_slice %arg12[%dma_wait3A_1166, %dma_wait3A_1167] : memref<24x128xi32, #tpu.memory_space<vmem>> -> memref<24x128xi32, #tpu.memory_space<vmem>>
        %dma_wait3A_1169 = arith.constant 0 : i32
        %dma_wait3A_1170 = tpu.memref_slice %arg4[%add3A_965, %dma_wait3A_1169] : memref<2560x128xi32, #tpu.memory_space<hbm>> -> memref<24x128xi32, #tpu.memory_space<hbm>>
        %dma_wait3A_1171 = arith.constant 0 : i32
        %dma_wait3A_1172 = arith.constant 0 : i32
        %dma_wait3A_1173 = tpu.memref_slice %arg12[%dma_wait3A_1171, %dma_wait3A_1172] : memref<24x128xi32, #tpu.memory_space<vmem>> -> memref<24x128xi32, #tpu.memory_space<vmem>>
        %dma_wait3A_1174 = arith.constant 0 : i32
        %dma_wait3A_1175 = tpu.memref_slice %arg4[%add3A_965, %dma_wait3A_1174] : memref<2560x128xi32, #tpu.memory_space<hbm>> -> memref<24x128xi32, #tpu.memory_space<hbm>>
        tpu.wait_dma2 semaphore(%run_scoped3A : memref<!tpu.dma_semaphore, #tpu.memory_space<semaphore_mem>>) src(%dma_wait3A_1175 : memref<24x128xi32, #tpu.memory_space<hbm>>) dst(%dma_wait3A_1173 : memref<24x128xi32, #tpu.memory_space<vmem>>)
        tpu.yield
      }) : () -> ()
      %dma_start3A_966 = arith.constant 0 : i32
      %dma_start3A_967 = arith.constant 0 : i32
      %dma_start3A_968 = tpu.memref_slice %arg11[%dma_start3A_966, %dma_start3A_967] : memref<24x128xi32, #tpu.memory_space<vmem>> -> memref<1x128xi32, #tpu.memory_space<vmem>>
      %dma_start3A_969 = tpu.memref_squeeze %dma_start3A_968 : memref<1x128xi32, #tpu.memory_space<vmem>> -> memref<128xi32, #tpu.memory_space<vmem>>
      %dma_start3A_970 = arith.constant 0 : i32
      %dma_start3A_971 = arith.constant 0 : i32
      %dma_start3A_972 = tpu.memref_slice %arg2[%dma_start3A_970, %dma_start3A_971] : memref<10000x128xf32, #tpu.memory_space<hbm>> -> memref<10000x128xf32, #tpu.memory_space<hbm>>
      tpu.enqueue_indirect_dma source(%dma_start3A_972 : memref<10000x128xf32, #tpu.memory_space<hbm>>) target(%arg13 : memref<128x128xf32, #tpu.memory_space<vmem>>) offsets(%dma_start3A_969 : memref<128xi32, #tpu.memory_space<vmem>>) semaphore(%arg15 : memref<!tpu.dma_semaphore, #tpu.memory_space<semaphore_mem>>)
      %dma_start3A_973 = arith.constant 1 : i32
      %dma_start3A_974 = arith.constant 0 : i32
      %dma_start3A_975 = tpu.memref_slice %arg11[%dma_start3A_973, %dma_start3A_974] : memref<24x128xi32, #tpu.memory_space<vmem>> -> memref<1x128xi32, #tpu.memory_space<vmem>>
      %dma_start3A_976 = tpu.memref_squeeze %dma_start3A_975 : memref<1x128xi32, #tpu.memory_space<vmem>> -> memref<128xi32, #tpu.memory_space<vmem>>
      %dma_start3A_977 = arith.constant 0 : i32
      %dma_start3A_978 = arith.constant 0 : i32
      %dma_start3A_979 = tpu.memref_slice %arg2[%dma_start3A_977, %dma_start3A_978] : memref<10000x128xf32, #tpu.memory_space<hbm>> -> memref<10000x128xf32, #tpu.memory_space<hbm>>
      tpu.enqueue_indirect_dma source(%dma_start3A_979 : memref<10000x128xf32, #tpu.memory_space<hbm>>) target(%arg14 : memref<128x128xf32, #tpu.memory_space<vmem>>) offsets(%dma_start3A_976 : memref<128xi32, #tpu.memory_space<vmem>>) semaphore(%arg16 : memref<!tpu.dma_semaphore, #tpu.memory_space<semaphore_mem>>)
      %scan3A_980 = arith.constant 0 : i32
      %scan3A_981 = arith.constant 0 : i32
      %scan3A_982 = arith.constant 11 : i32
      %scan3A_983 = arith.addi %scan3A_981, %scan3A_982 : i32
      %scan3A_984 = arith.constant 1 : i32
      scf.for %scan3A_1156 = %scan3A_981 to %scan3A_983 step %scan3A_984  : i32 {
        %mul3A_1157 = arith.constant 2 : i32
        %mul3A_1158 = arith.muli %mul3A_1157, %scan3A_1156 : i32
        %dma_wait3A_1159 = arith.constant 0 : i32
        %dma_wait3A_1160 = tpu.memref_slice %arg11[%mul3A_1158, %dma_wait3A_1159] : memref<24x128xi32, #tpu.memory_space<vmem>> -> memref<1x128xi32, #tpu.memory_space<vmem>>
        %dma_wait3A_1161 = tpu.memref_squeeze %dma_wait3A_1160 : memref<1x128xi32, #tpu.memory_space<vmem>> -> memref<128xi32, #tpu.memory_space<vmem>>
        %dma_wait3A_1162 = arith.constant 0 : i32
        %dma_wait3A_1163 = arith.constant 0 : i32
        %dma_wait3A_1164 = tpu.memref_slice %arg2[%dma_wait3A_1162, %dma_wait3A_1163] : memref<10000x128xf32, #tpu.memory_space<hbm>> -> memref<10000x128xf32, #tpu.memory_space<hbm>>
        tpu.wait_indirect_dma semaphore(%arg15 : memref<!tpu.dma_semaphore, #tpu.memory_space<semaphore_mem>>) src(%dma_wait3A_1164 : memref<10000x128xf32, #tpu.memory_space<hbm>>) dst(%arg13 : memref<128x128xf32, #tpu.memory_space<vmem>>)
        %get3A_1165 = arith.index_cast %mul3A_1158 : i32 to index
        %get3A_1166 = arith.constant 0 : index
        %get3A_1167 = tpu.vector_load %arg12[%get3A_1165, %get3A_1166] {strides = array<i32>} : memref<24x128xi32, #tpu.memory_space<vmem>>, vector<16xi32>,
        %broadcast_in_dim3A_1168 = arith.constant true
        %broadcast_in_dim3A_1169 = vector.broadcast %broadcast_in_dim3A_1168 : i1 to vector<16xi1>
        %unique3A_1170, %unique3A_1171 = tpu.scan_count mask(%broadcast_in_dim3A_1169 : vector<16xi1>) value(%get3A_1167 : vector<16xi32>) : vector<16xi1>, vector<16xi32>
        tpu.vector_store_idx %arg10[%get3A_1167], %unique3A_1171 masked %unique3A_1170 {add = true} : memref<10112xi32, #tpu.memory_space<vmem>>[vector<16xi32>], vector<16xi32>, vector<16xi1>
        %get3A_1172 = arith.index_cast %mul3A_1158 : i32 to index
        %get3A_1173 = arith.constant 16 : index
        %get3A_1174 = tpu.vector_load %arg12[%get3A_1172, %get3A_1173] {strides = array<i32>} : memref<24x128xi32, #tpu.memory_space<vmem>>, vector<16xi32>,
        %broadcast_in_dim3A_1175 = arith.constant true
        %broadcast_in_dim3A_1176 = vector.broadcast %broadcast_in_dim3A_1175 : i1 to vector<16xi1>
        %unique3A_1177, %unique3A_1178 = tpu.scan_count mask(%broadcast_in_dim3A_1176 : vector<16xi1>) value(%get3A_1174 : vector<16xi32>) : vector<16xi1>, vector<16xi32>
        tpu.vector_store_idx %arg10[%get3A_1174], %unique3A_1178 masked %unique3A_1177 {add = true} : memref<10112xi32, #tpu.memory_space<vmem>>[vector<16xi32>], vector<16xi32>, vector<16xi1>
        %get3A_1179 = arith.index_cast %mul3A_1158 : i32 to index
        %get3A_1180 = arith.constant 32 : index
        %get3A_1181 = tpu.vector_load %arg12[%get3A_1179, %get3A_1180] {strides = array<i32>} : memref<24x128xi32, #tpu.memory_space<vmem>>, vector<16xi32>,
        %broadcast_in_dim3A_1182 = arith.constant true
        %broadcast_in_dim3A_1183 = vector.broadcast %broadcast_in_dim3A_1182 : i1 to vector<16xi1>
        %unique3A_1184, %unique3A_1185 = tpu.scan_count mask(%broadcast_in_dim3A_1183 : vector<16xi1>) value(%get3A_1181 : vector<16xi32>) : vector<16xi1>, vector<16xi32>
        tpu.vector_store_idx %arg10[%get3A_1181], %unique3A_1185 masked %unique3A_1184 {add = true} : memref<10112xi32, #tpu.memory_space<vmem>>[vector<16xi32>], vector<16xi32>, vector<16xi1>
        %get3A_1186 = arith.index_cast %mul3A_1158 : i32 to index
        %get3A_1187 = arith.constant 48 : index
        %get3A_1188 = tpu.vector_load %arg12[%get3A_1186, %get3A_1187] {strides = array<i32>} : memref<24x128xi32, #tpu.memory_space<vmem>>, vector<16xi32>,
        %broadcast_in_dim3A_1189 = arith.constant true
        %broadcast_in_dim3A_1190 = vector.broadcast %broadcast_in_dim3A_1189 : i1 to vector<16xi1>
        %unique3A_1191, %unique3A_1192 = tpu.scan_count mask(%broadcast_in_dim3A_1190 : vector<16xi1>) value(%get3A_1188 : vector<16xi32>) : vector<16xi1>, vector<16xi32>
        tpu.vector_store_idx %arg10[%get3A_1188], %unique3A_1192 masked %unique3A_1191 {add = true} : memref<10112xi32, #tpu.memory_space<vmem>>[vector<16xi32>], vector<16xi32>, vector<16xi1>
        %get3A_1193 = arith.index_cast %mul3A_1158 : i32 to index
        %get3A_1194 = arith.constant 64 : index
        %get3A_1195 = tpu.vector_load %arg12[%get3A_1193, %get3A_1194] {strides = array<i32>} : memref<24x128xi32, #tpu.memory_space<vmem>>, vector<16xi32>,
        %broadcast_in_dim3A_1196 = arith.constant true
        %broadcast_in_dim3A_1197 = vector.broadcast %broadcast_in_dim3A_1196 : i1 to vector<16xi1>
        %unique3A_1198, %unique3A_1199 = tpu.scan_count mask(%broadcast_in_dim3A_1197 : vector<16xi1>) value(%get3A_1195 : vector<16xi32>) : vector<16xi1>, vector<16xi32>
        tpu.vector_store_idx %arg10[%get3A_1195], %unique3A_1199 masked %unique3A_1198 {add = true} : memref<10112xi32, #tpu.memory_space<vmem>>[vector<16xi32>], vector<16xi32>, vector<16xi1>
        %get3A_1200 = arith.index_cast %mul3A_1158 : i32 to index
        %get3A_1201 = arith.constant 80 : index
        %get3A_1202 = tpu.vector_load %arg12[%get3A_1200, %get3A_1201] {strides = array<i32>} : memref<24x128xi32, #tpu.memory_space<vmem>>, vector<16xi32>,
        %broadcast_in_dim3A_1203 = arith.constant true
        %broadcast_in_dim3A_1204 = vector.broadcast %broadcast_in_dim3A_1203 : i1 to vector<16xi1>
        %unique3A_1205, %unique3A_1206 = tpu.scan_count mask(%broadcast_in_dim3A_1204 : vector<16xi1>) value(%get3A_1202 : vector<16xi32>) : vector<16xi1>, vector<16xi32>
        tpu.vector_store_idx %arg10[%get3A_1202], %unique3A_1206 masked %unique3A_1205 {add = true} : memref<10112xi32, #tpu.memory_space<vmem>>[vector<16xi32>], vector<16xi32>, vector<16xi1>
        %get3A_1207 = arith.index_cast %mul3A_1158 : i32 to index
        %get3A_1208 = arith.constant 96 : index
        %get3A_1209 = tpu.vector_load %arg12[%get3A_1207, %get3A_1208] {strides = array<i32>} : memref<24x128xi32, #tpu.memory_space<vmem>>, vector<16xi32>,
        %broadcast_in_dim3A_1210 = arith.constant true
        %broadcast_in_dim3A_1211 = vector.broadcast %broadcast_in_dim3A_1210 : i1 to vector<16xi1>
        %unique3A_1212, %unique3A_1213 = tpu.scan_count mask(%broadcast_in_dim3A_1211 : vector<16xi1>) value(%get3A_1209 : vector<16xi32>) : vector<16xi1>, vector<16xi32>
        tpu.vector_store_idx %arg10[%get3A_1209], %unique3A_1213 masked %unique3A_1212 {add = true} : memref<10112xi32, #tpu.memory_space<vmem>>[vector<16xi32>], vector<16xi32>, vector<16xi1>
        %get3A_1214 = arith.index_cast %mul3A_1158 : i32 to index
        %get3A_1215 = arith.constant 112 : index
        %get3A_1216 = tpu.vector_load %arg12[%get3A_1214, %get3A_1215] {strides = array<i32>} : memref<24x128xi32, #tpu.memory_space<vmem>>, vector<16xi32>,
        %broadcast_in_dim3A_1217 = arith.constant true
        %broadcast_in_dim3A_1218 = vector.broadcast %broadcast_in_dim3A_1217 : i1 to vector<16xi1>
        %unique3A_1219, %unique3A_1220 = tpu.scan_count mask(%broadcast_in_dim3A_1218 : vector<16xi1>) value(%get3A_1216 : vector<16xi32>) : vector<16xi1>, vector<16xi32>
        tpu.vector_store_idx %arg10[%get3A_1216], %unique3A_1220 masked %unique3A_1219 {add = true} : memref<10112xi32, #tpu.memory_space<vmem>>[vector<16xi32>], vector<16xi32>, vector<16xi1>
        %dma_start3A_1221 = arith.constant 0 : i32
        %dma_start3A_1222 = tpu.memref_slice %arg12[%mul3A_1158, %dma_start3A_1221] : memref<24x128xi32, #tpu.memory_space<vmem>> -> memref<1x128xi32, #tpu.memory_space<vmem>>
        %dma_start3A_1223 = tpu.memref_squeeze %dma_start3A_1222 : memref<1x128xi32, #tpu.memory_space<vmem>> -> memref<128xi32, #tpu.memory_space<vmem>>
        %dma_start3A_1224 = arith.constant 0 : i32
        %dma_start3A_1225 = arith.constant 0 : i32
        %dma_start3A_1226 = tpu.memref_slice %arg9[%dma_start3A_1224, %dma_start3A_1225] : memref<10112x128xf32, #tpu.memory_space<vmem_shared>> -> memref<10112x128xf32, #tpu.memory_space<vmem_shared>>
        tpu.enqueue_indirect_dma source(%arg13 : memref<128x128xf32, #tpu.memory_space<vmem>>) target(%dma_start3A_1226 : memref<10112x128xf32, #tpu.memory_space<vmem_shared>>) offsets(%dma_start3A_1223 : memref<128xi32, #tpu.memory_space<vmem>>) semaphore(%arg17 : memref<!tpu.dma_semaphore, #tpu.memory_space<semaphore_mem>>) {add = true}
        %add3A_1227 = arith.constant 1 : i32
        %add3A_1228 = arith.addi %mul3A_1158, %add3A_1227 : i32
        %dma_wait3A_1229 = arith.constant 0 : i32
        %dma_wait3A_1230 = tpu.memref_slice %arg11[%add3A_1228, %dma_wait3A_1229] : memref<24x128xi32, #tpu.memory_space<vmem>> -> memref<1x128xi32, #tpu.memory_space<vmem>>
        %dma_wait3A_1231 = tpu.memref_squeeze %dma_wait3A_1230 : memref<1x128xi32, #tpu.memory_space<vmem>> -> memref<128xi32, #tpu.memory_space<vmem>>
        %dma_wait3A_1232 = arith.constant 0 : i32
        %dma_wait3A_1233 = arith.constant 0 : i32
        %dma_wait3A_1234 = tpu.memref_slice %arg2[%dma_wait3A_1232, %dma_wait3A_1233] : memref<10000x128xf32, #tpu.memory_space<hbm>> -> memref<10000x128xf32, #tpu.memory_space<hbm>>
        tpu.wait_indirect_dma semaphore(%arg16 : memref<!tpu.dma_semaphore, #tpu.memory_space<semaphore_mem>>) src(%dma_wait3A_1234 : memref<10000x128xf32, #tpu.memory_space<hbm>>) dst(%arg14 : memref<128x128xf32, #tpu.memory_space<vmem>>)
        %add3A_1235 = arith.constant 1 : i32
        %add3A_1236 = arith.addi %mul3A_1158, %add3A_1235 : i32
        %get3A_1237 = arith.index_cast %add3A_1236 : i32 to index
        %get3A_1238 = arith.constant 0 : index
        %get3A_1239 = tpu.vector_load %arg12[%get3A_1237, %get3A_1238] {strides = array<i32>} : memref<24x128xi32, #tpu.memory_space<vmem>>, vector<16xi32>,
        %broadcast_in_dim3A_1240 = arith.constant true
        %broadcast_in_dim3A_1241 = vector.broadcast %broadcast_in_dim3A_1240 : i1 to vector<16xi1>
        %unique3A_1242, %unique3A_1243 = tpu.scan_count mask(%broadcast_in_dim3A_1241 : vector<16xi1>) value(%get3A_1239 : vector<16xi32>) : vector<16xi1>, vector<16xi32>
        tpu.vector_store_idx %arg10[%get3A_1239], %unique3A_1243 masked %unique3A_1242 {add = true} : memref<10112xi32, #tpu.memory_space<vmem>>[vector<16xi32>], vector<16xi32>, vector<16xi1>
        %get3A_1244 = arith.index_cast %add3A_1236 : i32 to index
        %get3A_1245 = arith.constant 16 : index
        %get3A_1246 = tpu.vector_load %arg12[%get3A_1244, %get3A_1245] {strides = array<i32>} : memref<24x128xi32, #tpu.memory_space<vmem>>, vector<16xi32>,
        %broadcast_in_dim3A_1247 = arith.constant true
        %broadcast_in_dim3A_1248 = vector.broadcast %broadcast_in_dim3A_1247 : i1 to vector<16xi1>
        %unique3A_1249, %unique3A_1250 = tpu.scan_count mask(%broadcast_in_dim3A_1248 : vector<16xi1>) value(%get3A_1246 : vector<16xi32>) : vector<16xi1>, vector<16xi32>
        tpu.vector_store_idx %arg10[%get3A_1246], %unique3A_1250 masked %unique3A_1249 {add = true} : memref<10112xi32, #tpu.memory_space<vmem>>[vector<16xi32>], vector<16xi32>, vector<16xi1>
        %get3A_1251 = arith.index_cast %add3A_1236 : i32 to index
        %get3A_1252 = arith.constant 32 : index
        %get3A_1253 = tpu.vector_load %arg12[%get3A_1251, %get3A_1252] {strides = array<i32>} : memref<24x128xi32, #tpu.memory_space<vmem>>, vector<16xi32>,
        %broadcast_in_dim3A_1254 = arith.constant true
        %broadcast_in_dim3A_1255 = vector.broadcast %broadcast_in_dim3A_1254 : i1 to vector<16xi1>
        %unique3A_1256, %unique3A_1257 = tpu.scan_count mask(%broadcast_in_dim3A_1255 : vector<16xi1>) value(%get3A_1253 : vector<16xi32>) : vector<16xi1>, vector<16xi32>
        tpu.vector_store_idx %arg10[%get3A_1253], %unique3A_1257 masked %unique3A_1256 {add = true} : memref<10112xi32, #tpu.memory_space<vmem>>[vector<16xi32>], vector<16xi32>, vector<16xi1>
        %get3A_1258 = arith.index_cast %add3A_1236 : i32 to index
        %get3A_1259 = arith.constant 48 : index
        %get3A_1260 = tpu.vector_load %arg12[%get3A_1258, %get3A_1259] {strides = array<i32>} : memref<24x128xi32, #tpu.memory_space<vmem>>, vector<16xi32>,
        %broadcast_in_dim3A_1261 = arith.constant true
        %broadcast_in_dim3A_1262 = vector.broadcast %broadcast_in_dim3A_1261 : i1 to vector<16xi1>
        %unique3A_1263, %unique3A_1264 = tpu.scan_count mask(%broadcast_in_dim3A_1262 : vector<16xi1>) value(%get3A_1260 : vector<16xi32>) : vector<16xi1>, vector<16xi32>
        tpu.vector_store_idx %arg10[%get3A_1260], %unique3A_1264 masked %unique3A_1263 {add = true} : memref<10112xi32, #tpu.memory_space<vmem>>[vector<16xi32>], vector<16xi32>, vector<16xi1>
        %get3A_1265 = arith.index_cast %add3A_1236 : i32 to index
        %get3A_1266 = arith.constant 64 : index
        %get3A_1267 = tpu.vector_load %arg12[%get3A_1265, %get3A_1266] {strides = array<i32>} : memref<24x128xi32, #tpu.memory_space<vmem>>, vector<16xi32>,
        %broadcast_in_dim3A_1268 = arith.constant true
        %broadcast_in_dim3A_1269 = vector.broadcast %broadcast_in_dim3A_1268 : i1 to vector<16xi1>
        %unique3A_1270, %unique3A_1271 = tpu.scan_count mask(%broadcast_in_dim3A_1269 : vector<16xi1>) value(%get3A_1267 : vector<16xi32>) : vector<16xi1>, vector<16xi32>
        tpu.vector_store_idx %arg10[%get3A_1267], %unique3A_1271 masked %unique3A_1270 {add = true} : memref<10112xi32, #tpu.memory_space<vmem>>[vector<16xi32>], vector<16xi32>, vector<16xi1>
        %get3A_1272 = arith.index_cast %add3A_1236 : i32 to index
        %get3A_1273 = arith.constant 80 : index
        %get3A_1274 = tpu.vector_load %arg12[%get3A_1272, %get3A_1273] {strides = array<i32>} : memref<24x128xi32, #tpu.memory_space<vmem>>, vector<16xi32>,
        %broadcast_in_dim3A_1275 = arith.constant true
        %broadcast_in_dim3A_1276 = vector.broadcast %broadcast_in_dim3A_1275 : i1 to vector<16xi1>
        %unique3A_1277, %unique3A_1278 = tpu.scan_count mask(%broadcast_in_dim3A_1276 : vector<16xi1>) value(%get3A_1274 : vector<16xi32>) : vector<16xi1>, vector<16xi32>
        tpu.vector_store_idx %arg10[%get3A_1274], %unique3A_1278 masked %unique3A_1277 {add = true} : memref<10112xi32, #tpu.memory_space<vmem>>[vector<16xi32>], vector<16xi32>, vector<16xi1>
        %get3A_1279 = arith.index_cast %add3A_1236 : i32 to index
        %get3A_1280 = arith.constant 96 : index
        %get3A_1281 = tpu.vector_load %arg12[%get3A_1279, %get3A_1280] {strides = array<i32>} : memref<24x128xi32, #tpu.memory_space<vmem>>, vector<16xi32>,
        %broadcast_in_dim3A_1282 = arith.constant true
        %broadcast_in_dim3A_1283 = vector.broadcast %broadcast_in_dim3A_1282 : i1 to vector<16xi1>
        %unique3A_1284, %unique3A_1285 = tpu.scan_count mask(%broadcast_in_dim3A_1283 : vector<16xi1>) value(%get3A_1281 : vector<16xi32>) : vector<16xi1>, vector<16xi32>
        tpu.vector_store_idx %arg10[%get3A_1281], %unique3A_1285 masked %unique3A_1284 {add = true} : memref<10112xi32, #tpu.memory_space<vmem>>[vector<16xi32>], vector<16xi32>, vector<16xi1>
        %get3A_1286 = arith.index_cast %add3A_1236 : i32 to index
        %get3A_1287 = arith.constant 112 : index
        %get3A_1288 = tpu.vector_load %arg12[%get3A_1286, %get3A_1287] {strides = array<i32>} : memref<24x128xi32, #tpu.memory_space<vmem>>, vector<16xi32>,
        %broadcast_in_dim3A_1289 = arith.constant true
        %broadcast_in_dim3A_1290 = vector.broadcast %broadcast_in_dim3A_1289 : i1 to vector<16xi1>
        %unique3A_1291, %unique3A_1292 = tpu.scan_count mask(%broadcast_in_dim3A_1290 : vector<16xi1>) value(%get3A_1288 : vector<16xi32>) : vector<16xi1>, vector<16xi32>
        tpu.vector_store_idx %arg10[%get3A_1288], %unique3A_1292 masked %unique3A_1291 {add = true} : memref<10112xi32, #tpu.memory_space<vmem>>[vector<16xi32>], vector<16xi32>, vector<16xi1>
        %add3A_1293 = arith.constant 1 : i32
        %add3A_1294 = arith.addi %mul3A_1158, %add3A_1293 : i32
        %dma_start3A_1295 = arith.constant 0 : i32
        %dma_start3A_1296 = tpu.memref_slice %arg12[%add3A_1294, %dma_start3A_1295] : memref<24x128xi32, #tpu.memory_space<vmem>> -> memref<1x128xi32, #tpu.memory_space<vmem>>
        %dma_start3A_1297 = tpu.memref_squeeze %dma_start3A_1296 : memref<1x128xi32, #tpu.memory_space<vmem>> -> memref<128xi32, #tpu.memory_space<vmem>>
        %dma_start3A_1298 = arith.constant 0 : i32
        %dma_start3A_1299 = arith.constant 0 : i32
        %dma_start3A_1300 = tpu.memref_slice %arg9[%dma_start3A_1298, %dma_start3A_1299] : memref<10112x128xf32, #tpu.memory_space<vmem_shared>> -> memref<10112x128xf32, #tpu.memory_space<vmem_shared>>
        tpu.enqueue_indirect_dma source(%arg14 : memref<128x128xf32, #tpu.memory_space<vmem>>) target(%dma_start3A_1300 : memref<10112x128xf32, #tpu.memory_space<vmem_shared>>) offsets(%dma_start3A_1297 : memref<128xi32, #tpu.memory_space<vmem>>) semaphore(%arg18 : memref<!tpu.dma_semaphore, #tpu.memory_space<semaphore_mem>>) {add = true}
        %dma_wait3A_1301 = arith.constant 0 : i32
        %dma_wait3A_1302 = tpu.memref_slice %arg12[%mul3A_1158, %dma_wait3A_1301] : memref<24x128xi32, #tpu.memory_space<vmem>> -> memref<1x128xi32, #tpu.memory_space<vmem>>
        %dma_wait3A_1303 = tpu.memref_squeeze %dma_wait3A_1302 : memref<1x128xi32, #tpu.memory_space<vmem>> -> memref<128xi32, #tpu.memory_space<vmem>>
        %dma_wait3A_1304 = arith.constant 0 : i32
        %dma_wait3A_1305 = arith.constant 0 : i32
        %dma_wait3A_1306 = tpu.memref_slice %arg9[%dma_wait3A_1304, %dma_wait3A_1305] : memref<10112x128xf32, #tpu.memory_space<vmem_shared>> -> memref<10112x128xf32, #tpu.memory_space<vmem_shared>>
        tpu.wait_indirect_dma semaphore(%arg17 : memref<!tpu.dma_semaphore, #tpu.memory_space<semaphore_mem>>) src(%arg13 : memref<128x128xf32, #tpu.memory_space<vmem>>) dst(%dma_wait3A_1306 : memref<10112x128xf32, #tpu.memory_space<vmem_shared>>)
        %add3A_1307 = arith.constant 2 : i32
        %add3A_1308 = arith.addi %mul3A_1158, %add3A_1307 : i32
        %dma_start3A_1309 = arith.constant 0 : i32
        %dma_start3A_1310 = tpu.memref_slice %arg11[%add3A_1308, %dma_start3A_1309] : memref<24x128xi32, #tpu.memory_space<vmem>> -> memref<1x128xi32, #tpu.memory_space<vmem>>
        %dma_start3A_1311 = tpu.memref_squeeze %dma_start3A_1310 : memref<1x128xi32, #tpu.memory_space<vmem>> -> memref<128xi32, #tpu.memory_space<vmem>>
        %dma_start3A_1312 = arith.constant 0 : i32
        %dma_start3A_1313 = arith.constant 0 : i32
        %dma_start3A_1314 = tpu.memref_slice %arg2[%dma_start3A_1312, %dma_start3A_1313] : memref<10000x128xf32, #tpu.memory_space<hbm>> -> memref<10000x128xf32, #tpu.memory_space<hbm>>
        tpu.enqueue_indirect_dma source(%dma_start3A_1314 : memref<10000x128xf32, #tpu.memory_space<hbm>>) target(%arg13 : memref<128x128xf32, #tpu.memory_space<vmem>>) offsets(%dma_start3A_1311 : memref<128xi32, #tpu.memory_space<vmem>>) semaphore(%arg15 : memref<!tpu.dma_semaphore, #tpu.memory_space<semaphore_mem>>)
        %add3A_1315 = arith.constant 1 : i32
        %add3A_1316 = arith.addi %mul3A_1158, %add3A_1315 : i32
        %dma_wait3A_1317 = arith.constant 0 : i32
        %dma_wait3A_1318 = tpu.memref_slice %arg12[%add3A_1316, %dma_wait3A_1317] : memref<24x128xi32, #tpu.memory_space<vmem>> -> memref<1x128xi32, #tpu.memory_space<vmem>>
        %dma_wait3A_1319 = tpu.memref_squeeze %dma_wait3A_1318 : memref<1x128xi32, #tpu.memory_space<vmem>> -> memref<128xi32, #tpu.memory_space<vmem>>
        %dma_wait3A_1320 = arith.constant 0 : i32
        %dma_wait3A_1321 = arith.constant 0 : i32
        %dma_wait3A_1322 = tpu.memref_slice %arg9[%dma_wait3A_1320, %dma_wait3A_1321] : memref<10112x128xf32, #tpu.memory_space<vmem_shared>> -> memref<10112x128xf32, #tpu.memory_space<vmem_shared>>
        tpu.wait_indirect_dma semaphore(%arg18 : memref<!tpu.dma_semaphore, #tpu.memory_space<semaphore_mem>>) src(%arg14 : memref<128x128xf32, #tpu.memory_space<vmem>>) dst(%dma_wait3A_1322 : memref<10112x128xf32, #tpu.memory_space<vmem_shared>>)
        %add3A_1323 = arith.constant 3 : i32
        %add3A_1324 = arith.addi %mul3A_1158, %add3A_1323 : i32
        %dma_start3A_1325 = arith.constant 0 : i32
        %dma_start3A_1326 = tpu.memref_slice %arg11[%add3A_1324, %dma_start3A_1325] : memref<24x128xi32, #tpu.memory_space<vmem>> -> memref<1x128xi32, #tpu.memory_space<vmem>>
        %dma_start3A_1327 = tpu.memref_squeeze %dma_start3A_1326 : memref<1x128xi32, #tpu.memory_space<vmem>> -> memref<128xi32, #tpu.memory_space<vmem>>
        %dma_start3A_1328 = arith.constant 0 : i32
        %dma_start3A_1329 = arith.constant 0 : i32
        %dma_start3A_1330 = tpu.memref_slice %arg2[%dma_start3A_1328, %dma_start3A_1329] : memref<10000x128xf32, #tpu.memory_space<hbm>> -> memref<10000x128xf32, #tpu.memory_space<hbm>>
        tpu.enqueue_indirect_dma source(%dma_start3A_1330 : memref<10000x128xf32, #tpu.memory_space<hbm>>) target(%arg14 : memref<128x128xf32, #tpu.memory_space<vmem>>) offsets(%dma_start3A_1327 : memref<128xi32, #tpu.memory_space<vmem>>) semaphore(%arg16 : memref<!tpu.dma_semaphore, #tpu.memory_space<semaphore_mem>>)
      }
      %scan3A_985 = arith.constant 11 : i32
      %dma_wait3A_986 = arith.constant 22 : i32
      %dma_wait3A_987 = arith.constant 0 : i32
      %dma_wait3A_988 = tpu.memref_slice %arg11[%dma_wait3A_986, %dma_wait3A_987] : memref<24x128xi32, #tpu.memory_space<vmem>> -> memref<1x128xi32, #tpu.memory_space<vmem>>
      %dma_wait3A_989 = tpu.memref_squeeze %dma_wait3A_988 : memref<1x128xi32, #tpu.memory_space<vmem>> -> memref<128xi32, #tpu.memory_space<vmem>>
      %dma_wait3A_990 = arith.constant 0 : i32
      %dma_wait3A_991 = arith.constant 0 : i32
      %dma_wait3A_992 = tpu.memref_slice %arg2[%dma_wait3A_990, %dma_wait3A_991] : memref<10000x128xf32, #tpu.memory_space<hbm>> -> memref<10000x128xf32, #tpu.memory_space<hbm>>
      tpu.wait_indirect_dma semaphore(%arg15 : memref<!tpu.dma_semaphore, #tpu.memory_space<semaphore_mem>>) src(%dma_wait3A_992 : memref<10000x128xf32, #tpu.memory_space<hbm>>) dst(%arg13 : memref<128x128xf32, #tpu.memory_space<vmem>>)
      %get3A_993 = arith.constant 22 : i32
      %get3A_994 = arith.index_cast %get3A_993 : i32 to index
      %get3A_995 = arith.constant 0 : index
      %get3A_996 = tpu.vector_load %arg12[%get3A_994, %get3A_995] {strides = array<i32>} : memref<24x128xi32, #tpu.memory_space<vmem>>, vector<16xi32>,
      %broadcast_in_dim3A_997 = arith.constant true
      %broadcast_in_dim3A_998 = vector.broadcast %broadcast_in_dim3A_997 : i1 to vector<16xi1>
      %unique3A_999, %unique3A_1000 = tpu.scan_count mask(%broadcast_in_dim3A_998 : vector<16xi1>) value(%get3A_996 : vector<16xi32>) : vector<16xi1>, vector<16xi32>
      tpu.vector_store_idx %arg10[%get3A_996], %unique3A_1000 masked %unique3A_999 {add = true} : memref<10112xi32, #tpu.memory_space<vmem>>[vector<16xi32>], vector<16xi32>, vector<16xi1>
      %get3A_1001 = arith.constant 22 : i32
      %get3A_1002 = arith.index_cast %get3A_1001 : i32 to index
      %get3A_1003 = arith.constant 16 : index
      %get3A_1004 = tpu.vector_load %arg12[%get3A_1002, %get3A_1003] {strides = array<i32>} : memref<24x128xi32, #tpu.memory_space<vmem>>, vector<16xi32>,
      %broadcast_in_dim3A_1005 = arith.constant true
      %broadcast_in_dim3A_1006 = vector.broadcast %broadcast_in_dim3A_1005 : i1 to vector<16xi1>
      %unique3A_1007, %unique3A_1008 = tpu.scan_count mask(%broadcast_in_dim3A_1006 : vector<16xi1>) value(%get3A_1004 : vector<16xi32>) : vector<16xi1>, vector<16xi32>
      tpu.vector_store_idx %arg10[%get3A_1004], %unique3A_1008 masked %unique3A_1007 {add = true} : memref<10112xi32, #tpu.memory_space<vmem>>[vector<16xi32>], vector<16xi32>, vector<16xi1>
      %get3A_1009 = arith.constant 22 : i32
      %get3A_1010 = arith.index_cast %get3A_1009 : i32 to index
      %get3A_1011 = arith.constant 32 : index
      %get3A_1012 = tpu.vector_load %arg12[%get3A_1010, %get3A_1011] {strides = array<i32>} : memref<24x128xi32, #tpu.memory_space<vmem>>, vector<16xi32>,
      %broadcast_in_dim3A_1013 = arith.constant true
      %broadcast_in_dim3A_1014 = vector.broadcast %broadcast_in_dim3A_1013 : i1 to vector<16xi1>
      %unique3A_1015, %unique3A_1016 = tpu.scan_count mask(%broadcast_in_dim3A_1014 : vector<16xi1>) value(%get3A_1012 : vector<16xi32>) : vector<16xi1>, vector<16xi32>
      tpu.vector_store_idx %arg10[%get3A_1012], %unique3A_1016 masked %unique3A_1015 {add = true} : memref<10112xi32, #tpu.memory_space<vmem>>[vector<16xi32>], vector<16xi32>, vector<16xi1>
      %get3A_1017 = arith.constant 22 : i32
      %get3A_1018 = arith.index_cast %get3A_1017 : i32 to index
      %get3A_1019 = arith.constant 48 : index
      %get3A_1020 = tpu.vector_load %arg12[%get3A_1018, %get3A_1019] {strides = array<i32>} : memref<24x128xi32, #tpu.memory_space<vmem>>, vector<16xi32>,
      %broadcast_in_dim3A_1021 = arith.constant true
      %broadcast_in_dim3A_1022 = vector.broadcast %broadcast_in_dim3A_1021 : i1 to vector<16xi1>
      %unique3A_1023, %unique3A_1024 = tpu.scan_count mask(%broadcast_in_dim3A_1022 : vector<16xi1>) value(%get3A_1020 : vector<16xi32>) : vector<16xi1>, vector<16xi32>
      tpu.vector_store_idx %arg10[%get3A_1020], %unique3A_1024 masked %unique3A_1023 {add = true} : memref<10112xi32, #tpu.memory_space<vmem>>[vector<16xi32>], vector<16xi32>, vector<16xi1>
      %get3A_1025 = arith.constant 22 : i32
      %get3A_1026 = arith.index_cast %get3A_1025 : i32 to index
      %get3A_1027 = arith.constant 64 : index
      %get3A_1028 = tpu.vector_load %arg12[%get3A_1026, %get3A_1027] {strides = array<i32>} : memref<24x128xi32, #tpu.memory_space<vmem>>, vector<16xi32>,
      %broadcast_in_dim3A_1029 = arith.constant true
      %broadcast_in_dim3A_1030 = vector.broadcast %broadcast_in_dim3A_1029 : i1 to vector<16xi1>
      %unique3A_1031, %unique3A_1032 = tpu.scan_count mask(%broadcast_in_dim3A_1030 : vector<16xi1>) value(%get3A_1028 : vector<16xi32>) : vector<16xi1>, vector<16xi32>
      tpu.vector_store_idx %arg10[%get3A_1028], %unique3A_1032 masked %unique3A_1031 {add = true} : memref<10112xi32, #tpu.memory_space<vmem>>[vector<16xi32>], vector<16xi32>, vector<16xi1>
      %get3A_1033 = arith.constant 22 : i32
      %get3A_1034 = arith.index_cast %get3A_1033 : i32 to index
      %get3A_1035 = arith.constant 80 : index
      %get3A_1036 = tpu.vector_load %arg12[%get3A_1034, %get3A_1035] {strides = array<i32>} : memref<24x128xi32, #tpu.memory_space<vmem>>, vector<16xi32>,
      %broadcast_in_dim3A_1037 = arith.constant true
      %broadcast_in_dim3A_1038 = vector.broadcast %broadcast_in_dim3A_1037 : i1 to vector<16xi1>
      %unique3A_1039, %unique3A_1040 = tpu.scan_count mask(%broadcast_in_dim3A_1038 : vector<16xi1>) value(%get3A_1036 : vector<16xi32>) : vector<16xi1>, vector<16xi32>
      tpu.vector_store_idx %arg10[%get3A_1036], %unique3A_1040 masked %unique3A_1039 {add = true} : memref<10112xi32, #tpu.memory_space<vmem>>[vector<16xi32>], vector<16xi32>, vector<16xi1>
      %get3A_1041 = arith.constant 22 : i32
      %get3A_1042 = arith.index_cast %get3A_1041 : i32 to index
      %get3A_1043 = arith.constant 96 : index
      %get3A_1044 = tpu.vector_load %arg12[%get3A_1042, %get3A_1043] {strides = array<i32>} : memref<24x128xi32, #tpu.memory_space<vmem>>, vector<16xi32>,
      %broadcast_in_dim3A_1045 = arith.constant true
      %broadcast_in_dim3A_1046 = vector.broadcast %broadcast_in_dim3A_1045 : i1 to vector<16xi1>
      %unique3A_1047, %unique3A_1048 = tpu.scan_count mask(%broadcast_in_dim3A_1046 : vector<16xi1>) value(%get3A_1044 : vector<16xi32>) : vector<16xi1>, vector<16xi32>
      tpu.vector_store_idx %arg10[%get3A_1044], %unique3A_1048 masked %unique3A_1047 {add = true} : memref<10112xi32, #tpu.memory_space<vmem>>[vector<16xi32>], vector<16xi32>, vector<16xi1>
      %get3A_1049 = arith.constant 22 : i32
      %get3A_1050 = arith.index_cast %get3A_1049 : i32 to index
      %get3A_1051 = arith.constant 112 : index
      %get3A_1052 = tpu.vector_load %arg12[%get3A_1050, %get3A_1051] {strides = array<i32>} : memref<24x128xi32, #tpu.memory_space<vmem>>, vector<16xi32>,
      %broadcast_in_dim3A_1053 = arith.constant true
      %broadcast_in_dim3A_1054 = vector.broadcast %broadcast_in_dim3A_1053 : i1 to vector<16xi1>
      %unique3A_1055, %unique3A_1056 = tpu.scan_count mask(%broadcast_in_dim3A_1054 : vector<16xi1>) value(%get3A_1052 : vector<16xi32>) : vector<16xi1>, vector<16xi32>
      tpu.vector_store_idx %arg10[%get3A_1052], %unique3A_1056 masked %unique3A_1055 {add = true} : memref<10112xi32, #tpu.memory_space<vmem>>[vector<16xi32>], vector<16xi32>, vector<16xi1>
      %dma_start3A_1057 = arith.constant 22 : i32
      %dma_start3A_1058 = arith.constant 0 : i32
      %dma_start3A_1059 = tpu.memref_slice %arg12[%dma_start3A_1057, %dma_start3A_1058] : memref<24x128xi32, #tpu.memory_space<vmem>> -> memref<1x128xi32, #tpu.memory_space<vmem>>
      %dma_start3A_1060 = tpu.memref_squeeze %dma_start3A_1059 : memref<1x128xi32, #tpu.memory_space<vmem>> -> memref<128xi32, #tpu.memory_space<vmem>>
      %dma_start3A_1061 = arith.constant 0 : i32
      %dma_start3A_1062 = arith.constant 0 : i32
      %dma_start3A_1063 = tpu.memref_slice %arg9[%dma_start3A_1061, %dma_start3A_1062] : memref<10112x128xf32, #tpu.memory_space<vmem_shared>> -> memref<10112x128xf32, #tpu.memory_space<vmem_shared>>
      tpu.enqueue_indirect_dma source(%arg13 : memref<128x128xf32, #tpu.memory_space<vmem>>) target(%dma_start3A_1063 : memref<10112x128xf32, #tpu.memory_space<vmem_shared>>) offsets(%dma_start3A_1060 : memref<128xi32, #tpu.memory_space<vmem>>) semaphore(%arg17 : memref<!tpu.dma_semaphore, #tpu.memory_space<semaphore_mem>>) {add = true}
      %dma_wait3A_1064 = arith.constant 23 : i32
      %dma_wait3A_1065 = arith.constant 0 : i32
      %dma_wait3A_1066 = tpu.memref_slice %arg11[%dma_wait3A_1064, %dma_wait3A_1065] : memref<24x128xi32, #tpu.memory_space<vmem>> -> memref<1x128xi32, #tpu.memory_space<vmem>>
      %dma_wait3A_1067 = tpu.memref_squeeze %dma_wait3A_1066 : memref<1x128xi32, #tpu.memory_space<vmem>> -> memref<128xi32, #tpu.memory_space<vmem>>
      %dma_wait3A_1068 = arith.constant 0 : i32
      %dma_wait3A_1069 = arith.constant 0 : i32
      %dma_wait3A_1070 = tpu.memref_slice %arg2[%dma_wait3A_1068, %dma_wait3A_1069] : memref<10000x128xf32, #tpu.memory_space<hbm>> -> memref<10000x128xf32, #tpu.memory_space<hbm>>
      tpu.wait_indirect_dma semaphore(%arg16 : memref<!tpu.dma_semaphore, #tpu.memory_space<semaphore_mem>>) src(%dma_wait3A_1070 : memref<10000x128xf32, #tpu.memory_space<hbm>>) dst(%arg14 : memref<128x128xf32, #tpu.memory_space<vmem>>)
      %get3A_1071 = arith.constant 23 : i32
      %get3A_1072 = arith.index_cast %get3A_1071 : i32 to index
      %get3A_1073 = arith.constant 0 : index
      %get3A_1074 = tpu.vector_load %arg12[%get3A_1072, %get3A_1073] {strides = array<i32>} : memref<24x128xi32, #tpu.memory_space<vmem>>, vector<16xi32>,
      %broadcast_in_dim3A_1075 = arith.constant true
      %broadcast_in_dim3A_1076 = vector.broadcast %broadcast_in_dim3A_1075 : i1 to vector<16xi1>
      %unique3A_1077, %unique3A_1078 = tpu.scan_count mask(%broadcast_in_dim3A_1076 : vector<16xi1>) value(%get3A_1074 : vector<16xi32>) : vector<16xi1>, vector<16xi32>
      tpu.vector_store_idx %arg10[%get3A_1074], %unique3A_1078 masked %unique3A_1077 {add = true} : memref<10112xi32, #tpu.memory_space<vmem>>[vector<16xi32>], vector<16xi32>, vector<16xi1>
      %get3A_1079 = arith.constant 23 : i32
      %get3A_1080 = arith.index_cast %get3A_1079 : i32 to index
      %get3A_1081 = arith.constant 16 : index
      %get3A_1082 = tpu.vector_load %arg12[%get3A_1080, %get3A_1081] {strides = array<i32>} : memref<24x128xi32, #tpu.memory_space<vmem>>, vector<16xi32>,
      %broadcast_in_dim3A_1083 = arith.constant true
      %broadcast_in_dim3A_1084 = vector.broadcast %broadcast_in_dim3A_1083 : i1 to vector<16xi1>
      %unique3A_1085, %unique3A_1086 = tpu.scan_count mask(%broadcast_in_dim3A_1084 : vector<16xi1>) value(%get3A_1082 : vector<16xi32>) : vector<16xi1>, vector<16xi32>
      tpu.vector_store_idx %arg10[%get3A_1082], %unique3A_1086 masked %unique3A_1085 {add = true} : memref<10112xi32, #tpu.memory_space<vmem>>[vector<16xi32>], vector<16xi32>, vector<16xi1>
      %get3A_1087 = arith.constant 23 : i32
      %get3A_1088 = arith.index_cast %get3A_1087 : i32 to index
      %get3A_1089 = arith.constant 32 : index
      %get3A_1090 = tpu.vector_load %arg12[%get3A_1088, %get3A_1089] {strides = array<i32>} : memref<24x128xi32, #tpu.memory_space<vmem>>, vector<16xi32>,
      %broadcast_in_dim3A_1091 = arith.constant true
      %broadcast_in_dim3A_1092 = vector.broadcast %broadcast_in_dim3A_1091 : i1 to vector<16xi1>
      %unique3A_1093, %unique3A_1094 = tpu.scan_count mask(%broadcast_in_dim3A_1092 : vector<16xi1>) value(%get3A_1090 : vector<16xi32>) : vector<16xi1>, vector<16xi32>
      tpu.vector_store_idx %arg10[%get3A_1090], %unique3A_1094 masked %unique3A_1093 {add = true} : memref<10112xi32, #tpu.memory_space<vmem>>[vector<16xi32>], vector<16xi32>, vector<16xi1>
      %get3A_1095 = arith.constant 23 : i32
      %get3A_1096 = arith.index_cast %get3A_1095 : i32 to index
      %get3A_1097 = arith.constant 48 : index
      %get3A_1098 = tpu.vector_load %arg12[%get3A_1096, %get3A_1097] {strides = array<i32>} : memref<24x128xi32, #tpu.memory_space<vmem>>, vector<16xi32>,
      %broadcast_in_dim3A_1099 = arith.constant true
      %broadcast_in_dim3A_1100 = vector.broadcast %broadcast_in_dim3A_1099 : i1 to vector<16xi1>
      %unique3A_1101, %unique3A_1102 = tpu.scan_count mask(%broadcast_in_dim3A_1100 : vector<16xi1>) value(%get3A_1098 : vector<16xi32>) : vector<16xi1>, vector<16xi32>
      tpu.vector_store_idx %arg10[%get3A_1098], %unique3A_1102 masked %unique3A_1101 {add = true} : memref<10112xi32, #tpu.memory_space<vmem>>[vector<16xi32>], vector<16xi32>, vector<16xi1>
      %get3A_1103 = arith.constant 23 : i32
      %get3A_1104 = arith.index_cast %get3A_1103 : i32 to index
      %get3A_1105 = arith.constant 64 : index
      %get3A_1106 = tpu.vector_load %arg12[%get3A_1104, %get3A_1105] {strides = array<i32>} : memref<24x128xi32, #tpu.memory_space<vmem>>, vector<16xi32>,
      %broadcast_in_dim3A_1107 = arith.constant true
      %broadcast_in_dim3A_1108 = vector.broadcast %broadcast_in_dim3A_1107 : i1 to vector<16xi1>
      %unique3A_1109, %unique3A_1110 = tpu.scan_count mask(%broadcast_in_dim3A_1108 : vector<16xi1>) value(%get3A_1106 : vector<16xi32>) : vector<16xi1>, vector<16xi32>
      tpu.vector_store_idx %arg10[%get3A_1106], %unique3A_1110 masked %unique3A_1109 {add = true} : memref<10112xi32, #tpu.memory_space<vmem>>[vector<16xi32>], vector<16xi32>, vector<16xi1>
      %get3A_1111 = arith.constant 23 : i32
      %get3A_1112 = arith.index_cast %get3A_1111 : i32 to index
      %get3A_1113 = arith.constant 80 : index
      %get3A_1114 = tpu.vector_load %arg12[%get3A_1112, %get3A_1113] {strides = array<i32>} : memref<24x128xi32, #tpu.memory_space<vmem>>, vector<16xi32>,
      %broadcast_in_dim3A_1115 = arith.constant true
      %broadcast_in_dim3A_1116 = vector.broadcast %broadcast_in_dim3A_1115 : i1 to vector<16xi1>
      %unique3A_1117, %unique3A_1118 = tpu.scan_count mask(%broadcast_in_dim3A_1116 : vector<16xi1>) value(%get3A_1114 : vector<16xi32>) : vector<16xi1>, vector<16xi32>
      tpu.vector_store_idx %arg10[%get3A_1114], %unique3A_1118 masked %unique3A_1117 {add = true} : memref<10112xi32, #tpu.memory_space<vmem>>[vector<16xi32>], vector<16xi32>, vector<16xi1>
      %get3A_1119 = arith.constant 23 : i32
      %get3A_1120 = arith.index_cast %get3A_1119 : i32 to index
      %get3A_1121 = arith.constant 96 : index
      %get3A_1122 = tpu.vector_load %arg12[%get3A_1120, %get3A_1121] {strides = array<i32>} : memref<24x128xi32, #tpu.memory_space<vmem>>, vector<16xi32>,
      %broadcast_in_dim3A_1123 = arith.constant true
      %broadcast_in_dim3A_1124 = vector.broadcast %broadcast_in_dim3A_1123 : i1 to vector<16xi1>
      %unique3A_1125, %unique3A_1126 = tpu.scan_count mask(%broadcast_in_dim3A_1124 : vector<16xi1>) value(%get3A_1122 : vector<16xi32>) : vector<16xi1>, vector<16xi32>
      tpu.vector_store_idx %arg10[%get3A_1122], %unique3A_1126 masked %unique3A_1125 {add = true} : memref<10112xi32, #tpu.memory_space<vmem>>[vector<16xi32>], vector<16xi32>, vector<16xi1>
      %get3A_1127 = arith.constant 23 : i32
      %get3A_1128 = arith.index_cast %get3A_1127 : i32 to index
      %get3A_1129 = arith.constant 112 : index
      %get3A_1130 = tpu.vector_load %arg12[%get3A_1128, %get3A_1129] {strides = array<i32>} : memref<24x128xi32, #tpu.memory_space<vmem>>, vector<16xi32>,
      %broadcast_in_dim3A_1131 = arith.constant true
      %broadcast_in_dim3A_1132 = vector.broadcast %broadcast_in_dim3A_1131 : i1 to vector<16xi1>
      %unique3A_1133, %unique3A_1134 = tpu.scan_count mask(%broadcast_in_dim3A_1132 : vector<16xi1>) value(%get3A_1130 : vector<16xi32>) : vector<16xi1>, vector<16xi32>
      tpu.vector_store_idx %arg10[%get3A_1130], %unique3A_1134 masked %unique3A_1133 {add = true} : memref<10112xi32, #tpu.memory_space<vmem>>[vector<16xi32>], vector<16xi32>, vector<16xi1>
      %dma_start3A_1135 = arith.constant 23 : i32
      %dma_start3A_1136 = arith.constant 0 : i32
      %dma_start3A_1137 = tpu.memref_slice %arg12[%dma_start3A_1135, %dma_start3A_1136] : memref<24x128xi32, #tpu.memory_space<vmem>> -> memref<1x128xi32, #tpu.memory_space<vmem>>
      %dma_start3A_1138 = tpu.memref_squeeze %dma_start3A_1137 : memref<1x128xi32, #tpu.memory_space<vmem>> -> memref<128xi32, #tpu.memory_space<vmem>>
      %dma_start3A_1139 = arith.constant 0 : i32
      %dma_start3A_1140 = arith.constant 0 : i32
      %dma_start3A_1141 = tpu.memref_slice %arg9[%dma_start3A_1139, %dma_start3A_1140] : memref<10112x128xf32, #tpu.memory_space<vmem_shared>> -> memref<10112x128xf32, #tpu.memory_space<vmem_shared>>
      tpu.enqueue_indirect_dma source(%arg14 : memref<128x128xf32, #tpu.memory_space<vmem>>) target(%dma_start3A_1141 : memref<10112x128xf32, #tpu.memory_space<vmem_shared>>) offsets(%dma_start3A_1138 : memref<128xi32, #tpu.memory_space<vmem>>) semaphore(%arg18 : memref<!tpu.dma_semaphore, #tpu.memory_space<semaphore_mem>>) {add = true}
      %dma_wait3A_1142 = arith.constant 22 : i32
      %dma_wait3A_1143 = arith.constant 0 : i32
      %dma_wait3A_1144 = tpu.memref_slice %arg12[%dma_wait3A_1142, %dma_wait3A_1143] : memref<24x128xi32, #tpu.memory_space<vmem>> -> memref<1x128xi32, #tpu.memory_space<vmem>>
      %dma_wait3A_1145 = tpu.memref_squeeze %dma_wait3A_1144 : memref<1x128xi32, #tpu.memory_space<vmem>> -> memref<128xi32, #tpu.memory_space<vmem>>
      %dma_wait3A_1146 = arith.constant 0 : i32
      %dma_wait3A_1147 = arith.constant 0 : i32
      %dma_wait3A_1148 = tpu.memref_slice %arg9[%dma_wait3A_1146, %dma_wait3A_1147] : memref<10112x128xf32, #tpu.memory_space<vmem_shared>> -> memref<10112x128xf32, #tpu.memory_space<vmem_shared>>
      tpu.wait_indirect_dma semaphore(%arg17 : memref<!tpu.dma_semaphore, #tpu.memory_space<semaphore_mem>>) src(%arg13 : memref<128x128xf32, #tpu.memory_space<vmem>>) dst(%dma_wait3A_1148 : memref<10112x128xf32, #tpu.memory_space<vmem_shared>>)
      %dma_wait3A_1149 = arith.constant 23 : i32
      %dma_wait3A_1150 = arith.constant 0 : i32
      %dma_wait3A_1151 = tpu.memref_slice %arg12[%dma_wait3A_1149, %dma_wait3A_1150] : memref<24x128xi32, #tpu.memory_space<vmem>> -> memref<1x128xi32, #tpu.memory_space<vmem>>
      %dma_wait3A_1152 = tpu.memref_squeeze %dma_wait3A_1151 : memref<1x128xi32, #tpu.memory_space<vmem>> -> memref<128xi32, #tpu.memory_space<vmem>>
      %dma_wait3A_1153 = arith.constant 0 : i32
      %dma_wait3A_1154 = arith.constant 0 : i32
      %dma_wait3A_1155 = tpu.memref_slice %arg9[%dma_wait3A_1153, %dma_wait3A_1154] : memref<10112x128xf32, #tpu.memory_space<vmem_shared>> -> memref<10112x128xf32, #tpu.memory_space<vmem_shared>>
      tpu.wait_indirect_dma semaphore(%arg18 : memref<!tpu.dma_semaphore, #tpu.memory_space<semaphore_mem>>) src(%arg14 : memref<128x128xf32, #tpu.memory_space<vmem>>) dst(%dma_wait3A_1155 : memref<10112x128xf32, #tpu.memory_space<vmem_shared>>)
    } else {
    }
    %eq3A_3 = arith.constant 1 : i32
    %eq3A_4 = arith.cmpi eq, %arg0, %eq3A_3 : i32
    %convert_element_type3A_5 = arith.extui %eq3A_4 : i1 to i32
    %cond3A_6 = arith.constant 0 : i32
    %cond3A_7 = arith.cmpi ne, %convert_element_type3A_5, %cond3A_6 : i32
    scf.if %cond3A_7 {
      %mul3A_9 = arith.constant 16 : i32
      %mul3A_10 = arith.muli %arg1, %mul3A_9 : i32
      %add3A = arith.constant 2304 : i32
      %add3A_11 = arith.addi %add3A, %mul3A_10 : i32
      %add3A_12 = arith.constant 0 : i32
      %add3A_13 = arith.addi %add3A_11, %add3A_12 : i32
      "tpu.region"() ({
        %run_scoped3A = tpu.sem_alloc : memref<!tpu.dma_semaphore, #tpu.memory_space<semaphore_mem>>
        %dma_start3A_390 = arith.constant 0 : i32
        %dma_start3A_391 = arith.constant 0 : i32
        %dma_start3A_392 = tpu.memref_slice %arg11[%dma_start3A_390, %dma_start3A_391] : memref<24x128xi32, #tpu.memory_space<vmem>> -> memref<8x128xi32, #tpu.memory_space<vmem>>
        %dma_start3A_393 = arith.constant 0 : i32
        %dma_start3A_394 = tpu.memref_slice %arg3[%add3A_13, %dma_start3A_393] : memref<2560x128xi32, #tpu.memory_space<hbm>> -> memref<8x128xi32, #tpu.memory_space<hbm>>
        %dma_start3A_395 = arith.constant 0 : i32
        %dma_start3A_396 = arith.constant 0 : i32
        %dma_start3A_397 = tpu.memref_slice %arg11[%dma_start3A_395, %dma_start3A_396] : memref<24x128xi32, #tpu.memory_space<vmem>> -> memref<8x128xi32, #tpu.memory_space<vmem>>
        %dma_start3A_398 = arith.constant 0 : i32
        %dma_start3A_399 = tpu.memref_slice %arg3[%add3A_13, %dma_start3A_398] : memref<2560x128xi32, #tpu.memory_space<hbm>> -> memref<8x128xi32, #tpu.memory_space<hbm>>
        tpu.enqueue_dma source(%dma_start3A_399 : memref<8x128xi32, #tpu.memory_space<hbm>>) target(%dma_start3A_397 : memref<8x128xi32, #tpu.memory_space<vmem>>) target_semaphore(%run_scoped3A : memref<!tpu.dma_semaphore, #tpu.memory_space<semaphore_mem>>)
        %dma_wait3A_400 = arith.constant 0 : i32
        %dma_wait3A_401 = arith.constant 0 : i32
        %dma_wait3A_402 = tpu.memref_slice %arg11[%dma_wait3A_400, %dma_wait3A_401] : memref<24x128xi32, #tpu.memory_space<vmem>> -> memref<8x128xi32, #tpu.memory_space<vmem>>
        %dma_wait3A_403 = arith.constant 0 : i32
        %dma_wait3A_404 = tpu.memref_slice %arg3[%add3A_13, %dma_wait3A_403] : memref<2560x128xi32, #tpu.memory_space<hbm>> -> memref<8x128xi32, #tpu.memory_space<hbm>>
        %dma_wait3A_405 = arith.constant 0 : i32
        %dma_wait3A_406 = arith.constant 0 : i32
        %dma_wait3A_407 = tpu.memref_slice %arg11[%dma_wait3A_405, %dma_wait3A_406] : memref<24x128xi32, #tpu.memory_space<vmem>> -> memref<8x128xi32, #tpu.memory_space<vmem>>
        %dma_wait3A_408 = arith.constant 0 : i32
        %dma_wait3A_409 = tpu.memref_slice %arg3[%add3A_13, %dma_wait3A_408] : memref<2560x128xi32, #tpu.memory_space<hbm>> -> memref<8x128xi32, #tpu.memory_space<hbm>>
        tpu.wait_dma2 semaphore(%run_scoped3A : memref<!tpu.dma_semaphore, #tpu.memory_space<semaphore_mem>>) src(%dma_wait3A_409 : memref<8x128xi32, #tpu.memory_space<hbm>>) dst(%dma_wait3A_407 : memref<8x128xi32, #tpu.memory_space<vmem>>)
        tpu.yield
      }) : () -> ()
      "tpu.region"() ({
        %run_scoped3A = tpu.sem_alloc : memref<!tpu.dma_semaphore, #tpu.memory_space<semaphore_mem>>
        %dma_start3A_390 = arith.constant 0 : i32
        %dma_start3A_391 = arith.constant 0 : i32
        %dma_start3A_392 = tpu.memref_slice %arg12[%dma_start3A_390, %dma_start3A_391] : memref<24x128xi32, #tpu.memory_space<vmem>> -> memref<8x128xi32, #tpu.memory_space<vmem>>
        %dma_start3A_393 = arith.constant 0 : i32
        %dma_start3A_394 = tpu.memref_slice %arg4[%add3A_13, %dma_start3A_393] : memref<2560x128xi32, #tpu.memory_space<hbm>> -> memref<8x128xi32, #tpu.memory_space<hbm>>
        %dma_start3A_395 = arith.constant 0 : i32
        %dma_start3A_396 = arith.constant 0 : i32
        %dma_start3A_397 = tpu.memref_slice %arg12[%dma_start3A_395, %dma_start3A_396] : memref<24x128xi32, #tpu.memory_space<vmem>> -> memref<8x128xi32, #tpu.memory_space<vmem>>
        %dma_start3A_398 = arith.constant 0 : i32
        %dma_start3A_399 = tpu.memref_slice %arg4[%add3A_13, %dma_start3A_398] : memref<2560x128xi32, #tpu.memory_space<hbm>> -> memref<8x128xi32, #tpu.memory_space<hbm>>
        tpu.enqueue_dma source(%dma_start3A_399 : memref<8x128xi32, #tpu.memory_space<hbm>>) target(%dma_start3A_397 : memref<8x128xi32, #tpu.memory_space<vmem>>) target_semaphore(%run_scoped3A : memref<!tpu.dma_semaphore, #tpu.memory_space<semaphore_mem>>)
        %dma_wait3A_400 = arith.constant 0 : i32
        %dma_wait3A_401 = arith.constant 0 : i32
        %dma_wait3A_402 = tpu.memref_slice %arg12[%dma_wait3A_400, %dma_wait3A_401] : memref<24x128xi32, #tpu.memory_space<vmem>> -> memref<8x128xi32, #tpu.memory_space<vmem>>
        %dma_wait3A_403 = arith.constant 0 : i32
        %dma_wait3A_404 = tpu.memref_slice %arg4[%add3A_13, %dma_wait3A_403] : memref<2560x128xi32, #tpu.memory_space<hbm>> -> memref<8x128xi32, #tpu.memory_space<hbm>>
        %dma_wait3A_405 = arith.constant 0 : i32
        %dma_wait3A_406 = arith.constant 0 : i32
        %dma_wait3A_407 = tpu.memref_slice %arg12[%dma_wait3A_405, %dma_wait3A_406] : memref<24x128xi32, #tpu.memory_space<vmem>> -> memref<8x128xi32, #tpu.memory_space<vmem>>
        %dma_wait3A_408 = arith.constant 0 : i32
        %dma_wait3A_409 = tpu.memref_slice %arg4[%add3A_13, %dma_wait3A_408] : memref<2560x128xi32, #tpu.memory_space<hbm>> -> memref<8x128xi32, #tpu.memory_space<hbm>>
        tpu.wait_dma2 semaphore(%run_scoped3A : memref<!tpu.dma_semaphore, #tpu.memory_space<semaphore_mem>>) src(%dma_wait3A_409 : memref<8x128xi32, #tpu.memory_space<hbm>>) dst(%dma_wait3A_407 : memref<8x128xi32, #tpu.memory_space<vmem>>)
        tpu.yield
      }) : () -> ()
      %dma_start3A = arith.constant 0 : i32
      %dma_start3A_14 = arith.constant 0 : i32
      %dma_start3A_15 = tpu.memref_slice %arg11[%dma_start3A, %dma_start3A_14] : memref<24x128xi32, #tpu.memory_space<vmem>> -> memref<1x128xi32, #tpu.memory_space<vmem>>
      %dma_start3A_16 = tpu.memref_squeeze %dma_start3A_15 : memref<1x128xi32, #tpu.memory_space<vmem>> -> memref<128xi32, #tpu.memory_space<vmem>>
      %dma_start3A_17 = arith.constant 0 : i32
      %dma_start3A_18 = arith.constant 0 : i32
      %dma_start3A_19 = tpu.memref_slice %arg2[%dma_start3A_17, %dma_start3A_18] : memref<10000x128xf32, #tpu.memory_space<hbm>> -> memref<10000x128xf32, #tpu.memory_space<hbm>>
      tpu.enqueue_indirect_dma source(%dma_start3A_19 : memref<10000x128xf32, #tpu.memory_space<hbm>>) target(%arg13 : memref<128x128xf32, #tpu.memory_space<vmem>>) offsets(%dma_start3A_16 : memref<128xi32, #tpu.memory_space<vmem>>) semaphore(%arg15 : memref<!tpu.dma_semaphore, #tpu.memory_space<semaphore_mem>>)
      %dma_start3A_20 = arith.constant 1 : i32
      %dma_start3A_21 = arith.constant 0 : i32
      %dma_start3A_22 = tpu.memref_slice %arg11[%dma_start3A_20, %dma_start3A_21] : memref<24x128xi32, #tpu.memory_space<vmem>> -> memref<1x128xi32, #tpu.memory_space<vmem>>
      %dma_start3A_23 = tpu.memref_squeeze %dma_start3A_22 : memref<1x128xi32, #tpu.memory_space<vmem>> -> memref<128xi32, #tpu.memory_space<vmem>>
      %dma_start3A_24 = arith.constant 0 : i32
      %dma_start3A_25 = arith.constant 0 : i32
      %dma_start3A_26 = tpu.memref_slice %arg2[%dma_start3A_24, %dma_start3A_25] : memref<10000x128xf32, #tpu.memory_space<hbm>> -> memref<10000x128xf32, #tpu.memory_space<hbm>>
      tpu.enqueue_indirect_dma source(%dma_start3A_26 : memref<10000x128xf32, #tpu.memory_space<hbm>>) target(%arg14 : memref<128x128xf32, #tpu.memory_space<vmem>>) offsets(%dma_start3A_23 : memref<128xi32, #tpu.memory_space<vmem>>) semaphore(%arg16 : memref<!tpu.dma_semaphore, #tpu.memory_space<semaphore_mem>>)
      %scan3A = arith.constant 0 : i32
      %scan3A_27 = arith.constant 0 : i32
      %scan3A_28 = arith.constant 3 : i32
      %scan3A_29 = arith.addi %scan3A_27, %scan3A_28 : i32
      %scan3A_30 = arith.constant 1 : i32
      scf.for %scan3A_390 = %scan3A_27 to %scan3A_29 step %scan3A_30  : i32 {
        %mul3A_391 = arith.constant 2 : i32
        %mul3A_392 = arith.muli %mul3A_391, %scan3A_390 : i32
        %dma_wait3A_393 = arith.constant 0 : i32
        %dma_wait3A_394 = tpu.memref_slice %arg11[%mul3A_392, %dma_wait3A_393] : memref<24x128xi32, #tpu.memory_space<vmem>> -> memref<1x128xi32, #tpu.memory_space<vmem>>
        %dma_wait3A_395 = tpu.memref_squeeze %dma_wait3A_394 : memref<1x128xi32, #tpu.memory_space<vmem>> -> memref<128xi32, #tpu.memory_space<vmem>>
        %dma_wait3A_396 = arith.constant 0 : i32
        %dma_wait3A_397 = arith.constant 0 : i32
        %dma_wait3A_398 = tpu.memref_slice %arg2[%dma_wait3A_396, %dma_wait3A_397] : memref<10000x128xf32, #tpu.memory_space<hbm>> -> memref<10000x128xf32, #tpu.memory_space<hbm>>
        tpu.wait_indirect_dma semaphore(%arg15 : memref<!tpu.dma_semaphore, #tpu.memory_space<semaphore_mem>>) src(%dma_wait3A_398 : memref<10000x128xf32, #tpu.memory_space<hbm>>) dst(%arg13 : memref<128x128xf32, #tpu.memory_space<vmem>>)
        %get3A_399 = arith.index_cast %mul3A_392 : i32 to index
        %get3A_400 = arith.constant 0 : index
        %get3A_401 = tpu.vector_load %arg12[%get3A_399, %get3A_400] {strides = array<i32>} : memref<24x128xi32, #tpu.memory_space<vmem>>, vector<16xi32>,
        %broadcast_in_dim3A_402 = arith.constant true
        %broadcast_in_dim3A_403 = vector.broadcast %broadcast_in_dim3A_402 : i1 to vector<16xi1>
        %unique3A_404, %unique3A_405 = tpu.scan_count mask(%broadcast_in_dim3A_403 : vector<16xi1>) value(%get3A_401 : vector<16xi32>) : vector<16xi1>, vector<16xi32>
        tpu.vector_store_idx %arg10[%get3A_401], %unique3A_405 masked %unique3A_404 {add = true} : memref<10112xi32, #tpu.memory_space<vmem>>[vector<16xi32>], vector<16xi32>, vector<16xi1>
        %get3A_406 = arith.index_cast %mul3A_392 : i32 to index
        %get3A_407 = arith.constant 16 : index
        %get3A_408 = tpu.vector_load %arg12[%get3A_406, %get3A_407] {strides = array<i32>} : memref<24x128xi32, #tpu.memory_space<vmem>>, vector<16xi32>,
        %broadcast_in_dim3A_409 = arith.constant true
        %broadcast_in_dim3A_410 = vector.broadcast %broadcast_in_dim3A_409 : i1 to vector<16xi1>
        %unique3A_411, %unique3A_412 = tpu.scan_count mask(%broadcast_in_dim3A_410 : vector<16xi1>) value(%get3A_408 : vector<16xi32>) : vector<16xi1>, vector<16xi32>
        tpu.vector_store_idx %arg10[%get3A_408], %unique3A_412 masked %unique3A_411 {add = true} : memref<10112xi32, #tpu.memory_space<vmem>>[vector<16xi32>], vector<16xi32>, vector<16xi1>
        %get3A_413 = arith.index_cast %mul3A_392 : i32 to index
        %get3A_414 = arith.constant 32 : index
        %get3A_415 = tpu.vector_load %arg12[%get3A_413, %get3A_414] {strides = array<i32>} : memref<24x128xi32, #tpu.memory_space<vmem>>, vector<16xi32>,
        %broadcast_in_dim3A_416 = arith.constant true
        %broadcast_in_dim3A_417 = vector.broadcast %broadcast_in_dim3A_416 : i1 to vector<16xi1>
        %unique3A_418, %unique3A_419 = tpu.scan_count mask(%broadcast_in_dim3A_417 : vector<16xi1>) value(%get3A_415 : vector<16xi32>) : vector<16xi1>, vector<16xi32>
        tpu.vector_store_idx %arg10[%get3A_415], %unique3A_419 masked %unique3A_418 {add = true} : memref<10112xi32, #tpu.memory_space<vmem>>[vector<16xi32>], vector<16xi32>, vector<16xi1>
        %get3A_420 = arith.index_cast %mul3A_392 : i32 to index
        %get3A_421 = arith.constant 48 : index
        %get3A_422 = tpu.vector_load %arg12[%get3A_420, %get3A_421] {strides = array<i32>} : memref<24x128xi32, #tpu.memory_space<vmem>>, vector<16xi32>,
        %broadcast_in_dim3A_423 = arith.constant true
        %broadcast_in_dim3A_424 = vector.broadcast %broadcast_in_dim3A_423 : i1 to vector<16xi1>
        %unique3A_425, %unique3A_426 = tpu.scan_count mask(%broadcast_in_dim3A_424 : vector<16xi1>) value(%get3A_422 : vector<16xi32>) : vector<16xi1>, vector<16xi32>
        tpu.vector_store_idx %arg10[%get3A_422], %unique3A_426 masked %unique3A_425 {add = true} : memref<10112xi32, #tpu.memory_space<vmem>>[vector<16xi32>], vector<16xi32>, vector<16xi1>
        %get3A_427 = arith.index_cast %mul3A_392 : i32 to index
        %get3A_428 = arith.constant 64 : index
        %get3A_429 = tpu.vector_load %arg12[%get3A_427, %get3A_428] {strides = array<i32>} : memref<24x128xi32, #tpu.memory_space<vmem>>, vector<16xi32>,
        %broadcast_in_dim3A_430 = arith.constant true
        %broadcast_in_dim3A_431 = vector.broadcast %broadcast_in_dim3A_430 : i1 to vector<16xi1>
        %unique3A_432, %unique3A_433 = tpu.scan_count mask(%broadcast_in_dim3A_431 : vector<16xi1>) value(%get3A_429 : vector<16xi32>) : vector<16xi1>, vector<16xi32>
        tpu.vector_store_idx %arg10[%get3A_429], %unique3A_433 masked %unique3A_432 {add = true} : memref<10112xi32, #tpu.memory_space<vmem>>[vector<16xi32>], vector<16xi32>, vector<16xi1>
        %get3A_434 = arith.index_cast %mul3A_392 : i32 to index
        %get3A_435 = arith.constant 80 : index
        %get3A_436 = tpu.vector_load %arg12[%get3A_434, %get3A_435] {strides = array<i32>} : memref<24x128xi32, #tpu.memory_space<vmem>>, vector<16xi32>,
        %broadcast_in_dim3A_437 = arith.constant true
        %broadcast_in_dim3A_438 = vector.broadcast %broadcast_in_dim3A_437 : i1 to vector<16xi1>
        %unique3A_439, %unique3A_440 = tpu.scan_count mask(%broadcast_in_dim3A_438 : vector<16xi1>) value(%get3A_436 : vector<16xi32>) : vector<16xi1>, vector<16xi32>
        tpu.vector_store_idx %arg10[%get3A_436], %unique3A_440 masked %unique3A_439 {add = true} : memref<10112xi32, #tpu.memory_space<vmem>>[vector<16xi32>], vector<16xi32>, vector<16xi1>
        %get3A_441 = arith.index_cast %mul3A_392 : i32 to index
        %get3A_442 = arith.constant 96 : index
        %get3A_443 = tpu.vector_load %arg12[%get3A_441, %get3A_442] {strides = array<i32>} : memref<24x128xi32, #tpu.memory_space<vmem>>, vector<16xi32>,
        %broadcast_in_dim3A_444 = arith.constant true
        %broadcast_in_dim3A_445 = vector.broadcast %broadcast_in_dim3A_444 : i1 to vector<16xi1>
        %unique3A_446, %unique3A_447 = tpu.scan_count mask(%broadcast_in_dim3A_445 : vector<16xi1>) value(%get3A_443 : vector<16xi32>) : vector<16xi1>, vector<16xi32>
        tpu.vector_store_idx %arg10[%get3A_443], %unique3A_447 masked %unique3A_446 {add = true} : memref<10112xi32, #tpu.memory_space<vmem>>[vector<16xi32>], vector<16xi32>, vector<16xi1>
        %get3A_448 = arith.index_cast %mul3A_392 : i32 to index
        %get3A_449 = arith.constant 112 : index
        %get3A_450 = tpu.vector_load %arg12[%get3A_448, %get3A_449] {strides = array<i32>} : memref<24x128xi32, #tpu.memory_space<vmem>>, vector<16xi32>,
        %broadcast_in_dim3A_451 = arith.constant true
        %broadcast_in_dim3A_452 = vector.broadcast %broadcast_in_dim3A_451 : i1 to vector<16xi1>
        %unique3A_453, %unique3A_454 = tpu.scan_count mask(%broadcast_in_dim3A_452 : vector<16xi1>) value(%get3A_450 : vector<16xi32>) : vector<16xi1>, vector<16xi32>
        tpu.vector_store_idx %arg10[%get3A_450], %unique3A_454 masked %unique3A_453 {add = true} : memref<10112xi32, #tpu.memory_space<vmem>>[vector<16xi32>], vector<16xi32>, vector<16xi1>
        %dma_start3A_455 = arith.constant 0 : i32
        %dma_start3A_456 = tpu.memref_slice %arg12[%mul3A_392, %dma_start3A_455] : memref<24x128xi32, #tpu.memory_space<vmem>> -> memref<1x128xi32, #tpu.memory_space<vmem>>
        %dma_start3A_457 = tpu.memref_squeeze %dma_start3A_456 : memref<1x128xi32, #tpu.memory_space<vmem>> -> memref<128xi32, #tpu.memory_space<vmem>>
        %dma_start3A_458 = arith.constant 0 : i32
        %dma_start3A_459 = arith.constant 0 : i32
        %dma_start3A_460 = tpu.memref_slice %arg9[%dma_start3A_458, %dma_start3A_459] : memref<10112x128xf32, #tpu.memory_space<vmem_shared>> -> memref<10112x128xf32, #tpu.memory_space<vmem_shared>>
        tpu.enqueue_indirect_dma source(%arg13 : memref<128x128xf32, #tpu.memory_space<vmem>>) target(%dma_start3A_460 : memref<10112x128xf32, #tpu.memory_space<vmem_shared>>) offsets(%dma_start3A_457 : memref<128xi32, #tpu.memory_space<vmem>>) semaphore(%arg17 : memref<!tpu.dma_semaphore, #tpu.memory_space<semaphore_mem>>) {add = true}
        %add3A_461 = arith.constant 1 : i32
        %add3A_462 = arith.addi %mul3A_392, %add3A_461 : i32
        %dma_wait3A_463 = arith.constant 0 : i32
        %dma_wait3A_464 = tpu.memref_slice %arg11[%add3A_462, %dma_wait3A_463] : memref<24x128xi32, #tpu.memory_space<vmem>> -> memref<1x128xi32, #tpu.memory_space<vmem>>
        %dma_wait3A_465 = tpu.memref_squeeze %dma_wait3A_464 : memref<1x128xi32, #tpu.memory_space<vmem>> -> memref<128xi32, #tpu.memory_space<vmem>>
        %dma_wait3A_466 = arith.constant 0 : i32
        %dma_wait3A_467 = arith.constant 0 : i32
        %dma_wait3A_468 = tpu.memref_slice %arg2[%dma_wait3A_466, %dma_wait3A_467] : memref<10000x128xf32, #tpu.memory_space<hbm>> -> memref<10000x128xf32, #tpu.memory_space<hbm>>
        tpu.wait_indirect_dma semaphore(%arg16 : memref<!tpu.dma_semaphore, #tpu.memory_space<semaphore_mem>>) src(%dma_wait3A_468 : memref<10000x128xf32, #tpu.memory_space<hbm>>) dst(%arg14 : memref<128x128xf32, #tpu.memory_space<vmem>>)
        %add3A_469 = arith.constant 1 : i32
        %add3A_470 = arith.addi %mul3A_392, %add3A_469 : i32
        %get3A_471 = arith.index_cast %add3A_470 : i32 to index
        %get3A_472 = arith.constant 0 : index
        %get3A_473 = tpu.vector_load %arg12[%get3A_471, %get3A_472] {strides = array<i32>} : memref<24x128xi32, #tpu.memory_space<vmem>>, vector<16xi32>,
        %broadcast_in_dim3A_474 = arith.constant true
        %broadcast_in_dim3A_475 = vector.broadcast %broadcast_in_dim3A_474 : i1 to vector<16xi1>
        %unique3A_476, %unique3A_477 = tpu.scan_count mask(%broadcast_in_dim3A_475 : vector<16xi1>) value(%get3A_473 : vector<16xi32>) : vector<16xi1>, vector<16xi32>
        tpu.vector_store_idx %arg10[%get3A_473], %unique3A_477 masked %unique3A_476 {add = true} : memref<10112xi32, #tpu.memory_space<vmem>>[vector<16xi32>], vector<16xi32>, vector<16xi1>
        %get3A_478 = arith.index_cast %add3A_470 : i32 to index
        %get3A_479 = arith.constant 16 : index
        %get3A_480 = tpu.vector_load %arg12[%get3A_478, %get3A_479] {strides = array<i32>} : memref<24x128xi32, #tpu.memory_space<vmem>>, vector<16xi32>,
        %broadcast_in_dim3A_481 = arith.constant true
        %broadcast_in_dim3A_482 = vector.broadcast %broadcast_in_dim3A_481 : i1 to vector<16xi1>
        %unique3A_483, %unique3A_484 = tpu.scan_count mask(%broadcast_in_dim3A_482 : vector<16xi1>) value(%get3A_480 : vector<16xi32>) : vector<16xi1>, vector<16xi32>
        tpu.vector_store_idx %arg10[%get3A_480], %unique3A_484 masked %unique3A_483 {add = true} : memref<10112xi32, #tpu.memory_space<vmem>>[vector<16xi32>], vector<16xi32>, vector<16xi1>
        %get3A_485 = arith.index_cast %add3A_470 : i32 to index
        %get3A_486 = arith.constant 32 : index
        %get3A_487 = tpu.vector_load %arg12[%get3A_485, %get3A_486] {strides = array<i32>} : memref<24x128xi32, #tpu.memory_space<vmem>>, vector<16xi32>,
        %broadcast_in_dim3A_488 = arith.constant true
        %broadcast_in_dim3A_489 = vector.broadcast %broadcast_in_dim3A_488 : i1 to vector<16xi1>
        %unique3A_490, %unique3A_491 = tpu.scan_count mask(%broadcast_in_dim3A_489 : vector<16xi1>) value(%get3A_487 : vector<16xi32>) : vector<16xi1>, vector<16xi32>
        tpu.vector_store_idx %arg10[%get3A_487], %unique3A_491 masked %unique3A_490 {add = true} : memref<10112xi32, #tpu.memory_space<vmem>>[vector<16xi32>], vector<16xi32>, vector<16xi1>
        %get3A_492 = arith.index_cast %add3A_470 : i32 to index
        %get3A_493 = arith.constant 48 : index
        %get3A_494 = tpu.vector_load %arg12[%get3A_492, %get3A_493] {strides = array<i32>} : memref<24x128xi32, #tpu.memory_space<vmem>>, vector<16xi32>,
        %broadcast_in_dim3A_495 = arith.constant true
        %broadcast_in_dim3A_496 = vector.broadcast %broadcast_in_dim3A_495 : i1 to vector<16xi1>
        %unique3A_497, %unique3A_498 = tpu.scan_count mask(%broadcast_in_dim3A_496 : vector<16xi1>) value(%get3A_494 : vector<16xi32>) : vector<16xi1>, vector<16xi32>
        tpu.vector_store_idx %arg10[%get3A_494], %unique3A_498 masked %unique3A_497 {add = true} : memref<10112xi32, #tpu.memory_space<vmem>>[vector<16xi32>], vector<16xi32>, vector<16xi1>
        %get3A_499 = arith.index_cast %add3A_470 : i32 to index
        %get3A_500 = arith.constant 64 : index
        %get3A_501 = tpu.vector_load %arg12[%get3A_499, %get3A_500] {strides = array<i32>} : memref<24x128xi32, #tpu.memory_space<vmem>>, vector<16xi32>,
        %broadcast_in_dim3A_502 = arith.constant true
        %broadcast_in_dim3A_503 = vector.broadcast %broadcast_in_dim3A_502 : i1 to vector<16xi1>
        %unique3A_504, %unique3A_505 = tpu.scan_count mask(%broadcast_in_dim3A_503 : vector<16xi1>) value(%get3A_501 : vector<16xi32>) : vector<16xi1>, vector<16xi32>
        tpu.vector_store_idx %arg10[%get3A_501], %unique3A_505 masked %unique3A_504 {add = true} : memref<10112xi32, #tpu.memory_space<vmem>>[vector<16xi32>], vector<16xi32>, vector<16xi1>
        %get3A_506 = arith.index_cast %add3A_470 : i32 to index
        %get3A_507 = arith.constant 80 : index
        %get3A_508 = tpu.vector_load %arg12[%get3A_506, %get3A_507] {strides = array<i32>} : memref<24x128xi32, #tpu.memory_space<vmem>>, vector<16xi32>,
        %broadcast_in_dim3A_509 = arith.constant true
        %broadcast_in_dim3A_510 = vector.broadcast %broadcast_in_dim3A_509 : i1 to vector<16xi1>
        %unique3A_511, %unique3A_512 = tpu.scan_count mask(%broadcast_in_dim3A_510 : vector<16xi1>) value(%get3A_508 : vector<16xi32>) : vector<16xi1>, vector<16xi32>
        tpu.vector_store_idx %arg10[%get3A_508], %unique3A_512 masked %unique3A_511 {add = true} : memref<10112xi32, #tpu.memory_space<vmem>>[vector<16xi32>], vector<16xi32>, vector<16xi1>
        %get3A_513 = arith.index_cast %add3A_470 : i32 to index
        %get3A_514 = arith.constant 96 : index
        %get3A_515 = tpu.vector_load %arg12[%get3A_513, %get3A_514] {strides = array<i32>} : memref<24x128xi32, #tpu.memory_space<vmem>>, vector<16xi32>,
        %broadcast_in_dim3A_516 = arith.constant true
        %broadcast_in_dim3A_517 = vector.broadcast %broadcast_in_dim3A_516 : i1 to vector<16xi1>
        %unique3A_518, %unique3A_519 = tpu.scan_count mask(%broadcast_in_dim3A_517 : vector<16xi1>) value(%get3A_515 : vector<16xi32>) : vector<16xi1>, vector<16xi32>
        tpu.vector_store_idx %arg10[%get3A_515], %unique3A_519 masked %unique3A_518 {add = true} : memref<10112xi32, #tpu.memory_space<vmem>>[vector<16xi32>], vector<16xi32>, vector<16xi1>
        %get3A_520 = arith.index_cast %add3A_470 : i32 to index
        %get3A_521 = arith.constant 112 : index
        %get3A_522 = tpu.vector_load %arg12[%get3A_520, %get3A_521] {strides = array<i32>} : memref<24x128xi32, #tpu.memory_space<vmem>>, vector<16xi32>,
        %broadcast_in_dim3A_523 = arith.constant true
        %broadcast_in_dim3A_524 = vector.broadcast %broadcast_in_dim3A_523 : i1 to vector<16xi1>
        %unique3A_525, %unique3A_526 = tpu.scan_count mask(%broadcast_in_dim3A_524 : vector<16xi1>) value(%get3A_522 : vector<16xi32>) : vector<16xi1>, vector<16xi32>
        tpu.vector_store_idx %arg10[%get3A_522], %unique3A_526 masked %unique3A_525 {add = true} : memref<10112xi32, #tpu.memory_space<vmem>>[vector<16xi32>], vector<16xi32>, vector<16xi1>
        %add3A_527 = arith.constant 1 : i32
        %add3A_528 = arith.addi %mul3A_392, %add3A_527 : i32
        %dma_start3A_529 = arith.constant 0 : i32
        %dma_start3A_530 = tpu.memref_slice %arg12[%add3A_528, %dma_start3A_529] : memref<24x128xi32, #tpu.memory_space<vmem>> -> memref<1x128xi32, #tpu.memory_space<vmem>>
        %dma_start3A_531 = tpu.memref_squeeze %dma_start3A_530 : memref<1x128xi32, #tpu.memory_space<vmem>> -> memref<128xi32, #tpu.memory_space<vmem>>
        %dma_start3A_532 = arith.constant 0 : i32
        %dma_start3A_533 = arith.constant 0 : i32
        %dma_start3A_534 = tpu.memref_slice %arg9[%dma_start3A_532, %dma_start3A_533] : memref<10112x128xf32, #tpu.memory_space<vmem_shared>> -> memref<10112x128xf32, #tpu.memory_space<vmem_shared>>
        tpu.enqueue_indirect_dma source(%arg14 : memref<128x128xf32, #tpu.memory_space<vmem>>) target(%dma_start3A_534 : memref<10112x128xf32, #tpu.memory_space<vmem_shared>>) offsets(%dma_start3A_531 : memref<128xi32, #tpu.memory_space<vmem>>) semaphore(%arg18 : memref<!tpu.dma_semaphore, #tpu.memory_space<semaphore_mem>>) {add = true}
        %dma_wait3A_535 = arith.constant 0 : i32
        %dma_wait3A_536 = tpu.memref_slice %arg12[%mul3A_392, %dma_wait3A_535] : memref<24x128xi32, #tpu.memory_space<vmem>> -> memref<1x128xi32, #tpu.memory_space<vmem>>
        %dma_wait3A_537 = tpu.memref_squeeze %dma_wait3A_536 : memref<1x128xi32, #tpu.memory_space<vmem>> -> memref<128xi32, #tpu.memory_space<vmem>>
        %dma_wait3A_538 = arith.constant 0 : i32
        %dma_wait3A_539 = arith.constant 0 : i32
        %dma_wait3A_540 = tpu.memref_slice %arg9[%dma_wait3A_538, %dma_wait3A_539] : memref<10112x128xf32, #tpu.memory_space<vmem_shared>> -> memref<10112x128xf32, #tpu.memory_space<vmem_shared>>
        tpu.wait_indirect_dma semaphore(%arg17 : memref<!tpu.dma_semaphore, #tpu.memory_space<semaphore_mem>>) src(%arg13 : memref<128x128xf32, #tpu.memory_space<vmem>>) dst(%dma_wait3A_540 : memref<10112x128xf32, #tpu.memory_space<vmem_shared>>)
        %add3A_541 = arith.constant 2 : i32
        %add3A_542 = arith.addi %mul3A_392, %add3A_541 : i32
        %dma_start3A_543 = arith.constant 0 : i32
        %dma_start3A_544 = tpu.memref_slice %arg11[%add3A_542, %dma_start3A_543] : memref<24x128xi32, #tpu.memory_space<vmem>> -> memref<1x128xi32, #tpu.memory_space<vmem>>
        %dma_start3A_545 = tpu.memref_squeeze %dma_start3A_544 : memref<1x128xi32, #tpu.memory_space<vmem>> -> memref<128xi32, #tpu.memory_space<vmem>>
        %dma_start3A_546 = arith.constant 0 : i32
        %dma_start3A_547 = arith.constant 0 : i32
        %dma_start3A_548 = tpu.memref_slice %arg2[%dma_start3A_546, %dma_start3A_547] : memref<10000x128xf32, #tpu.memory_space<hbm>> -> memref<10000x128xf32, #tpu.memory_space<hbm>>
        tpu.enqueue_indirect_dma source(%dma_start3A_548 : memref<10000x128xf32, #tpu.memory_space<hbm>>) target(%arg13 : memref<128x128xf32, #tpu.memory_space<vmem>>) offsets(%dma_start3A_545 : memref<128xi32, #tpu.memory_space<vmem>>) semaphore(%arg15 : memref<!tpu.dma_semaphore, #tpu.memory_space<semaphore_mem>>)
        %add3A_549 = arith.constant 1 : i32
        %add3A_550 = arith.addi %mul3A_392, %add3A_549 : i32
        %dma_wait3A_551 = arith.constant 0 : i32
        %dma_wait3A_552 = tpu.memref_slice %arg12[%add3A_550, %dma_wait3A_551] : memref<24x128xi32, #tpu.memory_space<vmem>> -> memref<1x128xi32, #tpu.memory_space<vmem>>
        %dma_wait3A_553 = tpu.memref_squeeze %dma_wait3A_552 : memref<1x128xi32, #tpu.memory_space<vmem>> -> memref<128xi32, #tpu.memory_space<vmem>>
        %dma_wait3A_554 = arith.constant 0 : i32
        %dma_wait3A_555 = arith.constant 0 : i32
        %dma_wait3A_556 = tpu.memref_slice %arg9[%dma_wait3A_554, %dma_wait3A_555] : memref<10112x128xf32, #tpu.memory_space<vmem_shared>> -> memref<10112x128xf32, #tpu.memory_space<vmem_shared>>
        tpu.wait_indirect_dma semaphore(%arg18 : memref<!tpu.dma_semaphore, #tpu.memory_space<semaphore_mem>>) src(%arg14 : memref<128x128xf32, #tpu.memory_space<vmem>>) dst(%dma_wait3A_556 : memref<10112x128xf32, #tpu.memory_space<vmem_shared>>)
        %add3A_557 = arith.constant 3 : i32
        %add3A_558 = arith.addi %mul3A_392, %add3A_557 : i32
        %dma_start3A_559 = arith.constant 0 : i32
        %dma_start3A_560 = tpu.memref_slice %arg11[%add3A_558, %dma_start3A_559] : memref<24x128xi32, #tpu.memory_space<vmem>> -> memref<1x128xi32, #tpu.memory_space<vmem>>
        %dma_start3A_561 = tpu.memref_squeeze %dma_start3A_560 : memref<1x128xi32, #tpu.memory_space<vmem>> -> memref<128xi32, #tpu.memory_space<vmem>>
        %dma_start3A_562 = arith.constant 0 : i32
        %dma_start3A_563 = arith.constant 0 : i32
        %dma_start3A_564 = tpu.memref_slice %arg2[%dma_start3A_562, %dma_start3A_563] : memref<10000x128xf32, #tpu.memory_space<hbm>> -> memref<10000x128xf32, #tpu.memory_space<hbm>>
        tpu.enqueue_indirect_dma source(%dma_start3A_564 : memref<10000x128xf32, #tpu.memory_space<hbm>>) target(%arg14 : memref<128x128xf32, #tpu.memory_space<vmem>>) offsets(%dma_start3A_561 : memref<128xi32, #tpu.memory_space<vmem>>) semaphore(%arg16 : memref<!tpu.dma_semaphore, #tpu.memory_space<semaphore_mem>>)
      }
      %scan3A_31 = arith.constant 3 : i32
      %dma_wait3A = arith.constant 6 : i32
      %dma_wait3A_32 = arith.constant 0 : i32
      %dma_wait3A_33 = tpu.memref_slice %arg11[%dma_wait3A, %dma_wait3A_32] : memref<24x128xi32, #tpu.memory_space<vmem>> -> memref<1x128xi32, #tpu.memory_space<vmem>>
      %dma_wait3A_34 = tpu.memref_squeeze %dma_wait3A_33 : memref<1x128xi32, #tpu.memory_space<vmem>> -> memref<128xi32, #tpu.memory_space<vmem>>
      %dma_wait3A_35 = arith.constant 0 : i32
      %dma_wait3A_36 = arith.constant 0 : i32
      %dma_wait3A_37 = tpu.memref_slice %arg2[%dma_wait3A_35, %dma_wait3A_36] : memref<10000x128xf32, #tpu.memory_space<hbm>> -> memref<10000x128xf32, #tpu.memory_space<hbm>>
      tpu.wait_indirect_dma semaphore(%arg15 : memref<!tpu.dma_semaphore, #tpu.memory_space<semaphore_mem>>) src(%dma_wait3A_37 : memref<10000x128xf32, #tpu.memory_space<hbm>>) dst(%arg13 : memref<128x128xf32, #tpu.memory_space<vmem>>)
      %get3A = arith.constant 6 : i32
      %get3A_38 = arith.index_cast %get3A : i32 to index
      %get3A_39 = arith.constant 0 : index
      %get3A_40 = tpu.vector_load %arg12[%get3A_38, %get3A_39] {strides = array<i32>} : memref<24x128xi32, #tpu.memory_space<vmem>>, vector<16xi32>,
      %broadcast_in_dim3A = arith.constant true
      %broadcast_in_dim3A_41 = vector.broadcast %broadcast_in_dim3A : i1 to vector<16xi1>
      %unique3A, %unique3A_42 = tpu.scan_count mask(%broadcast_in_dim3A_41 : vector<16xi1>) value(%get3A_40 : vector<16xi32>) : vector<16xi1>, vector<16xi32>
      tpu.vector_store_idx %arg10[%get3A_40], %unique3A_42 masked %unique3A {add = true} : memref<10112xi32, #tpu.memory_space<vmem>>[vector<16xi32>], vector<16xi32>, vector<16xi1>
      %get3A_43 = arith.constant 6 : i32
      %get3A_44 = arith.index_cast %get3A_43 : i32 to index
      %get3A_45 = arith.constant 16 : index
      %get3A_46 = tpu.vector_load %arg12[%get3A_44, %get3A_45] {strides = array<i32>} : memref<24x128xi32, #tpu.memory_space<vmem>>, vector<16xi32>,
      %broadcast_in_dim3A_47 = arith.constant true
      %broadcast_in_dim3A_48 = vector.broadcast %broadcast_in_dim3A_47 : i1 to vector<16xi1>
      %unique3A_49, %unique3A_50 = tpu.scan_count mask(%broadcast_in_dim3A_48 : vector<16xi1>) value(%get3A_46 : vector<16xi32>) : vector<16xi1>, vector<16xi32>
      tpu.vector_store_idx %arg10[%get3A_46], %unique3A_50 masked %unique3A_49 {add = true} : memref<10112xi32, #tpu.memory_space<vmem>>[vector<16xi32>], vector<16xi32>, vector<16xi1>
      %get3A_51 = arith.constant 6 : i32
      %get3A_52 = arith.index_cast %get3A_51 : i32 to index
      %get3A_53 = arith.constant 32 : index
      %get3A_54 = tpu.vector_load %arg12[%get3A_52, %get3A_53] {strides = array<i32>} : memref<24x128xi32, #tpu.memory_space<vmem>>, vector<16xi32>,
      %broadcast_in_dim3A_55 = arith.constant true
      %broadcast_in_dim3A_56 = vector.broadcast %broadcast_in_dim3A_55 : i1 to vector<16xi1>
      %unique3A_57, %unique3A_58 = tpu.scan_count mask(%broadcast_in_dim3A_56 : vector<16xi1>) value(%get3A_54 : vector<16xi32>) : vector<16xi1>, vector<16xi32>
      tpu.vector_store_idx %arg10[%get3A_54], %unique3A_58 masked %unique3A_57 {add = true} : memref<10112xi32, #tpu.memory_space<vmem>>[vector<16xi32>], vector<16xi32>, vector<16xi1>
      %get3A_59 = arith.constant 6 : i32
      %get3A_60 = arith.index_cast %get3A_59 : i32 to index
      %get3A_61 = arith.constant 48 : index
      %get3A_62 = tpu.vector_load %arg12[%get3A_60, %get3A_61] {strides = array<i32>} : memref<24x128xi32, #tpu.memory_space<vmem>>, vector<16xi32>,
      %broadcast_in_dim3A_63 = arith.constant true
      %broadcast_in_dim3A_64 = vector.broadcast %broadcast_in_dim3A_63 : i1 to vector<16xi1>
      %unique3A_65, %unique3A_66 = tpu.scan_count mask(%broadcast_in_dim3A_64 : vector<16xi1>) value(%get3A_62 : vector<16xi32>) : vector<16xi1>, vector<16xi32>
      tpu.vector_store_idx %arg10[%get3A_62], %unique3A_66 masked %unique3A_65 {add = true} : memref<10112xi32, #tpu.memory_space<vmem>>[vector<16xi32>], vector<16xi32>, vector<16xi1>
      %get3A_67 = arith.constant 6 : i32
      %get3A_68 = arith.index_cast %get3A_67 : i32 to index
      %get3A_69 = arith.constant 64 : index
      %get3A_70 = tpu.vector_load %arg12[%get3A_68, %get3A_69] {strides = array<i32>} : memref<24x128xi32, #tpu.memory_space<vmem>>, vector<16xi32>,
      %broadcast_in_dim3A_71 = arith.constant true
      %broadcast_in_dim3A_72 = vector.broadcast %broadcast_in_dim3A_71 : i1 to vector<16xi1>
      %unique3A_73, %unique3A_74 = tpu.scan_count mask(%broadcast_in_dim3A_72 : vector<16xi1>) value(%get3A_70 : vector<16xi32>) : vector<16xi1>, vector<16xi32>
      tpu.vector_store_idx %arg10[%get3A_70], %unique3A_74 masked %unique3A_73 {add = true} : memref<10112xi32, #tpu.memory_space<vmem>>[vector<16xi32>], vector<16xi32>, vector<16xi1>
      %get3A_75 = arith.constant 6 : i32
      %get3A_76 = arith.index_cast %get3A_75 : i32 to index
      %get3A_77 = arith.constant 80 : index
      %get3A_78 = tpu.vector_load %arg12[%get3A_76, %get3A_77] {strides = array<i32>} : memref<24x128xi32, #tpu.memory_space<vmem>>, vector<16xi32>,
      %broadcast_in_dim3A_79 = arith.constant true
      %broadcast_in_dim3A_80 = vector.broadcast %broadcast_in_dim3A_79 : i1 to vector<16xi1>
      %unique3A_81, %unique3A_82 = tpu.scan_count mask(%broadcast_in_dim3A_80 : vector<16xi1>) value(%get3A_78 : vector<16xi32>) : vector<16xi1>, vector<16xi32>
      tpu.vector_store_idx %arg10[%get3A_78], %unique3A_82 masked %unique3A_81 {add = true} : memref<10112xi32, #tpu.memory_space<vmem>>[vector<16xi32>], vector<16xi32>, vector<16xi1>
      %get3A_83 = arith.constant 6 : i32
      %get3A_84 = arith.index_cast %get3A_83 : i32 to index
      %get3A_85 = arith.constant 96 : index
      %get3A_86 = tpu.vector_load %arg12[%get3A_84, %get3A_85] {strides = array<i32>} : memref<24x128xi32, #tpu.memory_space<vmem>>, vector<16xi32>,
      %broadcast_in_dim3A_87 = arith.constant true
      %broadcast_in_dim3A_88 = vector.broadcast %broadcast_in_dim3A_87 : i1 to vector<16xi1>
      %unique3A_89, %unique3A_90 = tpu.scan_count mask(%broadcast_in_dim3A_88 : vector<16xi1>) value(%get3A_86 : vector<16xi32>) : vector<16xi1>, vector<16xi32>
      tpu.vector_store_idx %arg10[%get3A_86], %unique3A_90 masked %unique3A_89 {add = true} : memref<10112xi32, #tpu.memory_space<vmem>>[vector<16xi32>], vector<16xi32>, vector<16xi1>
      %get3A_91 = arith.constant 6 : i32
      %get3A_92 = arith.index_cast %get3A_91 : i32 to index
      %get3A_93 = arith.constant 112 : index
      %get3A_94 = tpu.vector_load %arg12[%get3A_92, %get3A_93] {strides = array<i32>} : memref<24x128xi32, #tpu.memory_space<vmem>>, vector<16xi32>,
      %broadcast_in_dim3A_95 = arith.constant true
      %broadcast_in_dim3A_96 = vector.broadcast %broadcast_in_dim3A_95 : i1 to vector<16xi1>
      %unique3A_97, %unique3A_98 = tpu.scan_count mask(%broadcast_in_dim3A_96 : vector<16xi1>) value(%get3A_94 : vector<16xi32>) : vector<16xi1>, vector<16xi32>
      tpu.vector_store_idx %arg10[%get3A_94], %unique3A_98 masked %unique3A_97 {add = true} : memref<10112xi32, #tpu.memory_space<vmem>>[vector<16xi32>], vector<16xi32>, vector<16xi1>
      %dma_start3A_99 = arith.constant 6 : i32
      %dma_start3A_100 = arith.constant 0 : i32
      %dma_start3A_101 = tpu.memref_slice %arg12[%dma_start3A_99, %dma_start3A_100] : memref<24x128xi32, #tpu.memory_space<vmem>> -> memref<1x128xi32, #tpu.memory_space<vmem>>
      %dma_start3A_102 = tpu.memref_squeeze %dma_start3A_101 : memref<1x128xi32, #tpu.memory_space<vmem>> -> memref<128xi32, #tpu.memory_space<vmem>>
      %dma_start3A_103 = arith.constant 0 : i32
      %dma_start3A_104 = arith.constant 0 : i32
      %dma_start3A_105 = tpu.memref_slice %arg9[%dma_start3A_103, %dma_start3A_104] : memref<10112x128xf32, #tpu.memory_space<vmem_shared>> -> memref<10112x128xf32, #tpu.memory_space<vmem_shared>>
      tpu.enqueue_indirect_dma source(%arg13 : memref<128x128xf32, #tpu.memory_space<vmem>>) target(%dma_start3A_105 : memref<10112x128xf32, #tpu.memory_space<vmem_shared>>) offsets(%dma_start3A_102 : memref<128xi32, #tpu.memory_space<vmem>>) semaphore(%arg17 : memref<!tpu.dma_semaphore, #tpu.memory_space<semaphore_mem>>) {add = true}
      %dma_wait3A_106 = arith.constant 7 : i32
      %dma_wait3A_107 = arith.constant 0 : i32
      %dma_wait3A_108 = tpu.memref_slice %arg11[%dma_wait3A_106, %dma_wait3A_107] : memref<24x128xi32, #tpu.memory_space<vmem>> -> memref<1x128xi32, #tpu.memory_space<vmem>>
      %dma_wait3A_109 = tpu.memref_squeeze %dma_wait3A_108 : memref<1x128xi32, #tpu.memory_space<vmem>> -> memref<128xi32, #tpu.memory_space<vmem>>
      %dma_wait3A_110 = arith.constant 0 : i32
      %dma_wait3A_111 = arith.constant 0 : i32
      %dma_wait3A_112 = tpu.memref_slice %arg2[%dma_wait3A_110, %dma_wait3A_111] : memref<10000x128xf32, #tpu.memory_space<hbm>> -> memref<10000x128xf32, #tpu.memory_space<hbm>>
      tpu.wait_indirect_dma semaphore(%arg16 : memref<!tpu.dma_semaphore, #tpu.memory_space<semaphore_mem>>) src(%dma_wait3A_112 : memref<10000x128xf32, #tpu.memory_space<hbm>>) dst(%arg14 : memref<128x128xf32, #tpu.memory_space<vmem>>)
      %get3A_113 = arith.constant 7 : i32
      %get3A_114 = arith.index_cast %get3A_113 : i32 to index
      %get3A_115 = arith.constant 0 : index
      %get3A_116 = tpu.vector_load %arg12[%get3A_114, %get3A_115] {strides = array<i32>} : memref<24x128xi32, #tpu.memory_space<vmem>>, vector<16xi32>,
      %broadcast_in_dim3A_117 = arith.constant true
      %broadcast_in_dim3A_118 = vector.broadcast %broadcast_in_dim3A_117 : i1 to vector<16xi1>
      %unique3A_119, %unique3A_120 = tpu.scan_count mask(%broadcast_in_dim3A_118 : vector<16xi1>) value(%get3A_116 : vector<16xi32>) : vector<16xi1>, vector<16xi32>
      tpu.vector_store_idx %arg10[%get3A_116], %unique3A_120 masked %unique3A_119 {add = true} : memref<10112xi32, #tpu.memory_space<vmem>>[vector<16xi32>], vector<16xi32>, vector<16xi1>
      %get3A_121 = arith.constant 7 : i32
      %get3A_122 = arith.index_cast %get3A_121 : i32 to index
      %get3A_123 = arith.constant 16 : index
      %get3A_124 = tpu.vector_load %arg12[%get3A_122, %get3A_123] {strides = array<i32>} : memref<24x128xi32, #tpu.memory_space<vmem>>, vector<16xi32>,
      %broadcast_in_dim3A_125 = arith.constant true
      %broadcast_in_dim3A_126 = vector.broadcast %broadcast_in_dim3A_125 : i1 to vector<16xi1>
      %unique3A_127, %unique3A_128 = tpu.scan_count mask(%broadcast_in_dim3A_126 : vector<16xi1>) value(%get3A_124 : vector<16xi32>) : vector<16xi1>, vector<16xi32>
      tpu.vector_store_idx %arg10[%get3A_124], %unique3A_128 masked %unique3A_127 {add = true} : memref<10112xi32, #tpu.memory_space<vmem>>[vector<16xi32>], vector<16xi32>, vector<16xi1>
      %get3A_129 = arith.constant 7 : i32
      %get3A_130 = arith.index_cast %get3A_129 : i32 to index
      %get3A_131 = arith.constant 32 : index
      %get3A_132 = tpu.vector_load %arg12[%get3A_130, %get3A_131] {strides = array<i32>} : memref<24x128xi32, #tpu.memory_space<vmem>>, vector<16xi32>,
      %broadcast_in_dim3A_133 = arith.constant true
      %broadcast_in_dim3A_134 = vector.broadcast %broadcast_in_dim3A_133 : i1 to vector<16xi1>
      %unique3A_135, %unique3A_136 = tpu.scan_count mask(%broadcast_in_dim3A_134 : vector<16xi1>) value(%get3A_132 : vector<16xi32>) : vector<16xi1>, vector<16xi32>
      tpu.vector_store_idx %arg10[%get3A_132], %unique3A_136 masked %unique3A_135 {add = true} : memref<10112xi32, #tpu.memory_space<vmem>>[vector<16xi32>], vector<16xi32>, vector<16xi1>
      %get3A_137 = arith.constant 7 : i32
      %get3A_138 = arith.index_cast %get3A_137 : i32 to index
      %get3A_139 = arith.constant 48 : index
      %get3A_140 = tpu.vector_load %arg12[%get3A_138, %get3A_139] {strides = array<i32>} : memref<24x128xi32, #tpu.memory_space<vmem>>, vector<16xi32>,
      %broadcast_in_dim3A_141 = arith.constant true
      %broadcast_in_dim3A_142 = vector.broadcast %broadcast_in_dim3A_141 : i1 to vector<16xi1>
      %unique3A_143, %unique3A_144 = tpu.scan_count mask(%broadcast_in_dim3A_142 : vector<16xi1>) value(%get3A_140 : vector<16xi32>) : vector<16xi1>, vector<16xi32>
      tpu.vector_store_idx %arg10[%get3A_140], %unique3A_144 masked %unique3A_143 {add = true} : memref<10112xi32, #tpu.memory_space<vmem>>[vector<16xi32>], vector<16xi32>, vector<16xi1>
      %get3A_145 = arith.constant 7 : i32
      %get3A_146 = arith.index_cast %get3A_145 : i32 to index
      %get3A_147 = arith.constant 64 : index
      %get3A_148 = tpu.vector_load %arg12[%get3A_146, %get3A_147] {strides = array<i32>} : memref<24x128xi32, #tpu.memory_space<vmem>>, vector<16xi32>,
      %broadcast_in_dim3A_149 = arith.constant true
      %broadcast_in_dim3A_150 = vector.broadcast %broadcast_in_dim3A_149 : i1 to vector<16xi1>
      %unique3A_151, %unique3A_152 = tpu.scan_count mask(%broadcast_in_dim3A_150 : vector<16xi1>) value(%get3A_148 : vector<16xi32>) : vector<16xi1>, vector<16xi32>
      tpu.vector_store_idx %arg10[%get3A_148], %unique3A_152 masked %unique3A_151 {add = true} : memref<10112xi32, #tpu.memory_space<vmem>>[vector<16xi32>], vector<16xi32>, vector<16xi1>
      %get3A_153 = arith.constant 7 : i32
      %get3A_154 = arith.index_cast %get3A_153 : i32 to index
      %get3A_155 = arith.constant 80 : index
      %get3A_156 = tpu.vector_load %arg12[%get3A_154, %get3A_155] {strides = array<i32>} : memref<24x128xi32, #tpu.memory_space<vmem>>, vector<16xi32>,
      %broadcast_in_dim3A_157 = arith.constant true
      %broadcast_in_dim3A_158 = vector.broadcast %broadcast_in_dim3A_157 : i1 to vector<16xi1>
      %unique3A_159, %unique3A_160 = tpu.scan_count mask(%broadcast_in_dim3A_158 : vector<16xi1>) value(%get3A_156 : vector<16xi32>) : vector<16xi1>, vector<16xi32>
      tpu.vector_store_idx %arg10[%get3A_156], %unique3A_160 masked %unique3A_159 {add = true} : memref<10112xi32, #tpu.memory_space<vmem>>[vector<16xi32>], vector<16xi32>, vector<16xi1>
      %get3A_161 = arith.constant 7 : i32
      %get3A_162 = arith.index_cast %get3A_161 : i32 to index
      %get3A_163 = arith.constant 96 : index
      %get3A_164 = tpu.vector_load %arg12[%get3A_162, %get3A_163] {strides = array<i32>} : memref<24x128xi32, #tpu.memory_space<vmem>>, vector<16xi32>,
      %broadcast_in_dim3A_165 = arith.constant true
      %broadcast_in_dim3A_166 = vector.broadcast %broadcast_in_dim3A_165 : i1 to vector<16xi1>
      %unique3A_167, %unique3A_168 = tpu.scan_count mask(%broadcast_in_dim3A_166 : vector<16xi1>) value(%get3A_164 : vector<16xi32>) : vector<16xi1>, vector<16xi32>
      tpu.vector_store_idx %arg10[%get3A_164], %unique3A_168 masked %unique3A_167 {add = true} : memref<10112xi32, #tpu.memory_space<vmem>>[vector<16xi32>], vector<16xi32>, vector<16xi1>
      %get3A_169 = arith.constant 7 : i32
      %get3A_170 = arith.index_cast %get3A_169 : i32 to index
      %get3A_171 = arith.constant 112 : index
      %get3A_172 = tpu.vector_load %arg12[%get3A_170, %get3A_171] {strides = array<i32>} : memref<24x128xi32, #tpu.memory_space<vmem>>, vector<16xi32>,
      %broadcast_in_dim3A_173 = arith.constant true
      %broadcast_in_dim3A_174 = vector.broadcast %broadcast_in_dim3A_173 : i1 to vector<16xi1>
      %unique3A_175, %unique3A_176 = tpu.scan_count mask(%broadcast_in_dim3A_174 : vector<16xi1>) value(%get3A_172 : vector<16xi32>) : vector<16xi1>, vector<16xi32>
      tpu.vector_store_idx %arg10[%get3A_172], %unique3A_176 masked %unique3A_175 {add = true} : memref<10112xi32, #tpu.memory_space<vmem>>[vector<16xi32>], vector<16xi32>, vector<16xi1>
      %dma_start3A_177 = arith.constant 7 : i32
      %dma_start3A_178 = arith.constant 0 : i32
      %dma_start3A_179 = tpu.memref_slice %arg12[%dma_start3A_177, %dma_start3A_178] : memref<24x128xi32, #tpu.memory_space<vmem>> -> memref<1x128xi32, #tpu.memory_space<vmem>>
      %dma_start3A_180 = tpu.memref_squeeze %dma_start3A_179 : memref<1x128xi32, #tpu.memory_space<vmem>> -> memref<128xi32, #tpu.memory_space<vmem>>
      %dma_start3A_181 = arith.constant 0 : i32
      %dma_start3A_182 = arith.constant 0 : i32
      %dma_start3A_183 = tpu.memref_slice %arg9[%dma_start3A_181, %dma_start3A_182] : memref<10112x128xf32, #tpu.memory_space<vmem_shared>> -> memref<10112x128xf32, #tpu.memory_space<vmem_shared>>
      tpu.enqueue_indirect_dma source(%arg14 : memref<128x128xf32, #tpu.memory_space<vmem>>) target(%dma_start3A_183 : memref<10112x128xf32, #tpu.memory_space<vmem_shared>>) offsets(%dma_start3A_180 : memref<128xi32, #tpu.memory_space<vmem>>) semaphore(%arg18 : memref<!tpu.dma_semaphore, #tpu.memory_space<semaphore_mem>>) {add = true}
      %dma_wait3A_184 = arith.constant 6 : i32
      %dma_wait3A_185 = arith.constant 0 : i32
      %dma_wait3A_186 = tpu.memref_slice %arg12[%dma_wait3A_184, %dma_wait3A_185] : memref<24x128xi32, #tpu.memory_space<vmem>> -> memref<1x128xi32, #tpu.memory_space<vmem>>
      %dma_wait3A_187 = tpu.memref_squeeze %dma_wait3A_186 : memref<1x128xi32, #tpu.memory_space<vmem>> -> memref<128xi32, #tpu.memory_space<vmem>>
      %dma_wait3A_188 = arith.constant 0 : i32
      %dma_wait3A_189 = arith.constant 0 : i32
      %dma_wait3A_190 = tpu.memref_slice %arg9[%dma_wait3A_188, %dma_wait3A_189] : memref<10112x128xf32, #tpu.memory_space<vmem_shared>> -> memref<10112x128xf32, #tpu.memory_space<vmem_shared>>
      tpu.wait_indirect_dma semaphore(%arg17 : memref<!tpu.dma_semaphore, #tpu.memory_space<semaphore_mem>>) src(%arg13 : memref<128x128xf32, #tpu.memory_space<vmem>>) dst(%dma_wait3A_190 : memref<10112x128xf32, #tpu.memory_space<vmem_shared>>)
      %dma_wait3A_191 = arith.constant 7 : i32
      %dma_wait3A_192 = arith.constant 0 : i32
      %dma_wait3A_193 = tpu.memref_slice %arg12[%dma_wait3A_191, %dma_wait3A_192] : memref<24x128xi32, #tpu.memory_space<vmem>> -> memref<1x128xi32, #tpu.memory_space<vmem>>
      %dma_wait3A_194 = tpu.memref_squeeze %dma_wait3A_193 : memref<1x128xi32, #tpu.memory_space<vmem>> -> memref<128xi32, #tpu.memory_space<vmem>>
      %dma_wait3A_195 = arith.constant 0 : i32
      %dma_wait3A_196 = arith.constant 0 : i32
      %dma_wait3A_197 = tpu.memref_slice %arg9[%dma_wait3A_195, %dma_wait3A_196] : memref<10112x128xf32, #tpu.memory_space<vmem_shared>> -> memref<10112x128xf32, #tpu.memory_space<vmem_shared>>
      tpu.wait_indirect_dma semaphore(%arg18 : memref<!tpu.dma_semaphore, #tpu.memory_space<semaphore_mem>>) src(%arg14 : memref<128x128xf32, #tpu.memory_space<vmem>>) dst(%dma_wait3A_197 : memref<10112x128xf32, #tpu.memory_space<vmem_shared>>)
      %add3A_198 = arith.constant 8 : i32
      %add3A_199 = arith.addi %add3A_11, %add3A_198 : i32
      "tpu.region"() ({
        %run_scoped3A = tpu.sem_alloc : memref<!tpu.dma_semaphore, #tpu.memory_space<semaphore_mem>>
        %dma_start3A_390 = arith.constant 0 : i32
        %dma_start3A_391 = arith.constant 0 : i32
        %dma_start3A_392 = tpu.memref_slice %arg11[%dma_start3A_390, %dma_start3A_391] : memref<24x128xi32, #tpu.memory_space<vmem>> -> memref<8x128xi32, #tpu.memory_space<vmem>>
        %dma_start3A_393 = arith.constant 0 : i32
        %dma_start3A_394 = tpu.memref_slice %arg3[%add3A_199, %dma_start3A_393] : memref<2560x128xi32, #tpu.memory_space<hbm>> -> memref<8x128xi32, #tpu.memory_space<hbm>>
        %dma_start3A_395 = arith.constant 0 : i32
        %dma_start3A_396 = arith.constant 0 : i32
        %dma_start3A_397 = tpu.memref_slice %arg11[%dma_start3A_395, %dma_start3A_396] : memref<24x128xi32, #tpu.memory_space<vmem>> -> memref<8x128xi32, #tpu.memory_space<vmem>>
        %dma_start3A_398 = arith.constant 0 : i32
        %dma_start3A_399 = tpu.memref_slice %arg3[%add3A_199, %dma_start3A_398] : memref<2560x128xi32, #tpu.memory_space<hbm>> -> memref<8x128xi32, #tpu.memory_space<hbm>>
        tpu.enqueue_dma source(%dma_start3A_399 : memref<8x128xi32, #tpu.memory_space<hbm>>) target(%dma_start3A_397 : memref<8x128xi32, #tpu.memory_space<vmem>>) target_semaphore(%run_scoped3A : memref<!tpu.dma_semaphore, #tpu.memory_space<semaphore_mem>>)
        %dma_wait3A_400 = arith.constant 0 : i32
        %dma_wait3A_401 = arith.constant 0 : i32
        %dma_wait3A_402 = tpu.memref_slice %arg11[%dma_wait3A_400, %dma_wait3A_401] : memref<24x128xi32, #tpu.memory_space<vmem>> -> memref<8x128xi32, #tpu.memory_space<vmem>>
        %dma_wait3A_403 = arith.constant 0 : i32
        %dma_wait3A_404 = tpu.memref_slice %arg3[%add3A_199, %dma_wait3A_403] : memref<2560x128xi32, #tpu.memory_space<hbm>> -> memref<8x128xi32, #tpu.memory_space<hbm>>
        %dma_wait3A_405 = arith.constant 0 : i32
        %dma_wait3A_406 = arith.constant 0 : i32
        %dma_wait3A_407 = tpu.memref_slice %arg11[%dma_wait3A_405, %dma_wait3A_406] : memref<24x128xi32, #tpu.memory_space<vmem>> -> memref<8x128xi32, #tpu.memory_space<vmem>>
        %dma_wait3A_408 = arith.constant 0 : i32
        %dma_wait3A_409 = tpu.memref_slice %arg3[%add3A_199, %dma_wait3A_408] : memref<2560x128xi32, #tpu.memory_space<hbm>> -> memref<8x128xi32, #tpu.memory_space<hbm>>
        tpu.wait_dma2 semaphore(%run_scoped3A : memref<!tpu.dma_semaphore, #tpu.memory_space<semaphore_mem>>) src(%dma_wait3A_409 : memref<8x128xi32, #tpu.memory_space<hbm>>) dst(%dma_wait3A_407 : memref<8x128xi32, #tpu.memory_space<vmem>>)
        tpu.yield
      }) : () -> ()
      "tpu.region"() ({
        %run_scoped3A = tpu.sem_alloc : memref<!tpu.dma_semaphore, #tpu.memory_space<semaphore_mem>>
        %dma_start3A_390 = arith.constant 0 : i32
        %dma_start3A_391 = arith.constant 0 : i32
        %dma_start3A_392 = tpu.memref_slice %arg12[%dma_start3A_390, %dma_start3A_391] : memref<24x128xi32, #tpu.memory_space<vmem>> -> memref<8x128xi32, #tpu.memory_space<vmem>>
        %dma_start3A_393 = arith.constant 0 : i32
        %dma_start3A_394 = tpu.memref_slice %arg4[%add3A_199, %dma_start3A_393] : memref<2560x128xi32, #tpu.memory_space<hbm>> -> memref<8x128xi32, #tpu.memory_space<hbm>>
        %dma_start3A_395 = arith.constant 0 : i32
        %dma_start3A_396 = arith.constant 0 : i32
        %dma_start3A_397 = tpu.memref_slice %arg12[%dma_start3A_395, %dma_start3A_396] : memref<24x128xi32, #tpu.memory_space<vmem>> -> memref<8x128xi32, #tpu.memory_space<vmem>>
        %dma_start3A_398 = arith.constant 0 : i32
        %dma_start3A_399 = tpu.memref_slice %arg4[%add3A_199, %dma_start3A_398] : memref<2560x128xi32, #tpu.memory_space<hbm>> -> memref<8x128xi32, #tpu.memory_space<hbm>>
        tpu.enqueue_dma source(%dma_start3A_399 : memref<8x128xi32, #tpu.memory_space<hbm>>) target(%dma_start3A_397 : memref<8x128xi32, #tpu.memory_space<vmem>>) target_semaphore(%run_scoped3A : memref<!tpu.dma_semaphore, #tpu.memory_space<semaphore_mem>>)
        %dma_wait3A_400 = arith.constant 0 : i32
        %dma_wait3A_401 = arith.constant 0 : i32
        %dma_wait3A_402 = tpu.memref_slice %arg12[%dma_wait3A_400, %dma_wait3A_401] : memref<24x128xi32, #tpu.memory_space<vmem>> -> memref<8x128xi32, #tpu.memory_space<vmem>>
        %dma_wait3A_403 = arith.constant 0 : i32
        %dma_wait3A_404 = tpu.memref_slice %arg4[%add3A_199, %dma_wait3A_403] : memref<2560x128xi32, #tpu.memory_space<hbm>> -> memref<8x128xi32, #tpu.memory_space<hbm>>
        %dma_wait3A_405 = arith.constant 0 : i32
        %dma_wait3A_406 = arith.constant 0 : i32
        %dma_wait3A_407 = tpu.memref_slice %arg12[%dma_wait3A_405, %dma_wait3A_406] : memref<24x128xi32, #tpu.memory_space<vmem>> -> memref<8x128xi32, #tpu.memory_space<vmem>>
        %dma_wait3A_408 = arith.constant 0 : i32
        %dma_wait3A_409 = tpu.memref_slice %arg4[%add3A_199, %dma_wait3A_408] : memref<2560x128xi32, #tpu.memory_space<hbm>> -> memref<8x128xi32, #tpu.memory_space<hbm>>
        tpu.wait_dma2 semaphore(%run_scoped3A : memref<!tpu.dma_semaphore, #tpu.memory_space<semaphore_mem>>) src(%dma_wait3A_409 : memref<8x128xi32, #tpu.memory_space<hbm>>) dst(%dma_wait3A_407 : memref<8x128xi32, #tpu.memory_space<vmem>>)
        tpu.yield
      }) : () -> ()
      %dma_start3A_200 = arith.constant 0 : i32
      %dma_start3A_201 = arith.constant 0 : i32
      %dma_start3A_202 = tpu.memref_slice %arg11[%dma_start3A_200, %dma_start3A_201] : memref<24x128xi32, #tpu.memory_space<vmem>> -> memref<1x128xi32, #tpu.memory_space<vmem>>
      %dma_start3A_203 = tpu.memref_squeeze %dma_start3A_202 : memref<1x128xi32, #tpu.memory_space<vmem>> -> memref<128xi32, #tpu.memory_space<vmem>>
      %dma_start3A_204 = arith.constant 0 : i32
      %dma_start3A_205 = arith.constant 0 : i32
      %dma_start3A_206 = tpu.memref_slice %arg2[%dma_start3A_204, %dma_start3A_205] : memref<10000x128xf32, #tpu.memory_space<hbm>> -> memref<10000x128xf32, #tpu.memory_space<hbm>>
      tpu.enqueue_indirect_dma source(%dma_start3A_206 : memref<10000x128xf32, #tpu.memory_space<hbm>>) target(%arg13 : memref<128x128xf32, #tpu.memory_space<vmem>>) offsets(%dma_start3A_203 : memref<128xi32, #tpu.memory_space<vmem>>) semaphore(%arg15 : memref<!tpu.dma_semaphore, #tpu.memory_space<semaphore_mem>>)
      %dma_start3A_207 = arith.constant 1 : i32
      %dma_start3A_208 = arith.constant 0 : i32
      %dma_start3A_209 = tpu.memref_slice %arg11[%dma_start3A_207, %dma_start3A_208] : memref<24x128xi32, #tpu.memory_space<vmem>> -> memref<1x128xi32, #tpu.memory_space<vmem>>
      %dma_start3A_210 = tpu.memref_squeeze %dma_start3A_209 : memref<1x128xi32, #tpu.memory_space<vmem>> -> memref<128xi32, #tpu.memory_space<vmem>>
      %dma_start3A_211 = arith.constant 0 : i32
      %dma_start3A_212 = arith.constant 0 : i32
      %dma_start3A_213 = tpu.memref_slice %arg2[%dma_start3A_211, %dma_start3A_212] : memref<10000x128xf32, #tpu.memory_space<hbm>> -> memref<10000x128xf32, #tpu.memory_space<hbm>>
      tpu.enqueue_indirect_dma source(%dma_start3A_213 : memref<10000x128xf32, #tpu.memory_space<hbm>>) target(%arg14 : memref<128x128xf32, #tpu.memory_space<vmem>>) offsets(%dma_start3A_210 : memref<128xi32, #tpu.memory_space<vmem>>) semaphore(%arg16 : memref<!tpu.dma_semaphore, #tpu.memory_space<semaphore_mem>>)
      %scan3A_214 = arith.constant 0 : i32
      %scan3A_215 = arith.constant 0 : i32
      %scan3A_216 = arith.constant 3 : i32
      %scan3A_217 = arith.addi %scan3A_215, %scan3A_216 : i32
      %scan3A_218 = arith.constant 1 : i32
      scf.for %scan3A_390 = %scan3A_215 to %scan3A_217 step %scan3A_218  : i32 {
        %mul3A_391 = arith.constant 2 : i32
        %mul3A_392 = arith.muli %mul3A_391, %scan3A_390 : i32
        %dma_wait3A_393 = arith.constant 0 : i32
        %dma_wait3A_394 = tpu.memref_slice %arg11[%mul3A_392, %dma_wait3A_393] : memref<24x128xi32, #tpu.memory_space<vmem>> -> memref<1x128xi32, #tpu.memory_space<vmem>>
        %dma_wait3A_395 = tpu.memref_squeeze %dma_wait3A_394 : memref<1x128xi32, #tpu.memory_space<vmem>> -> memref<128xi32, #tpu.memory_space<vmem>>
        %dma_wait3A_396 = arith.constant 0 : i32
        %dma_wait3A_397 = arith.constant 0 : i32
        %dma_wait3A_398 = tpu.memref_slice %arg2[%dma_wait3A_396, %dma_wait3A_397] : memref<10000x128xf32, #tpu.memory_space<hbm>> -> memref<10000x128xf32, #tpu.memory_space<hbm>>
        tpu.wait_indirect_dma semaphore(%arg15 : memref<!tpu.dma_semaphore, #tpu.memory_space<semaphore_mem>>) src(%dma_wait3A_398 : memref<10000x128xf32, #tpu.memory_space<hbm>>) dst(%arg13 : memref<128x128xf32, #tpu.memory_space<vmem>>)
        %get3A_399 = arith.index_cast %mul3A_392 : i32 to index
        %get3A_400 = arith.constant 0 : index
        %get3A_401 = tpu.vector_load %arg12[%get3A_399, %get3A_400] {strides = array<i32>} : memref<24x128xi32, #tpu.memory_space<vmem>>, vector<16xi32>,
        %broadcast_in_dim3A_402 = arith.constant true
        %broadcast_in_dim3A_403 = vector.broadcast %broadcast_in_dim3A_402 : i1 to vector<16xi1>
        %unique3A_404, %unique3A_405 = tpu.scan_count mask(%broadcast_in_dim3A_403 : vector<16xi1>) value(%get3A_401 : vector<16xi32>) : vector<16xi1>, vector<16xi32>
        tpu.vector_store_idx %arg10[%get3A_401], %unique3A_405 masked %unique3A_404 {add = true} : memref<10112xi32, #tpu.memory_space<vmem>>[vector<16xi32>], vector<16xi32>, vector<16xi1>
        %get3A_406 = arith.index_cast %mul3A_392 : i32 to index
        %get3A_407 = arith.constant 16 : index
        %get3A_408 = tpu.vector_load %arg12[%get3A_406, %get3A_407] {strides = array<i32>} : memref<24x128xi32, #tpu.memory_space<vmem>>, vector<16xi32>,
        %broadcast_in_dim3A_409 = arith.constant true
        %broadcast_in_dim3A_410 = vector.broadcast %broadcast_in_dim3A_409 : i1 to vector<16xi1>
        %unique3A_411, %unique3A_412 = tpu.scan_count mask(%broadcast_in_dim3A_410 : vector<16xi1>) value(%get3A_408 : vector<16xi32>) : vector<16xi1>, vector<16xi32>
        tpu.vector_store_idx %arg10[%get3A_408], %unique3A_412 masked %unique3A_411 {add = true} : memref<10112xi32, #tpu.memory_space<vmem>>[vector<16xi32>], vector<16xi32>, vector<16xi1>
        %get3A_413 = arith.index_cast %mul3A_392 : i32 to index
        %get3A_414 = arith.constant 32 : index
        %get3A_415 = tpu.vector_load %arg12[%get3A_413, %get3A_414] {strides = array<i32>} : memref<24x128xi32, #tpu.memory_space<vmem>>, vector<16xi32>,
        %broadcast_in_dim3A_416 = arith.constant true
        %broadcast_in_dim3A_417 = vector.broadcast %broadcast_in_dim3A_416 : i1 to vector<16xi1>
        %unique3A_418, %unique3A_419 = tpu.scan_count mask(%broadcast_in_dim3A_417 : vector<16xi1>) value(%get3A_415 : vector<16xi32>) : vector<16xi1>, vector<16xi32>
        tpu.vector_store_idx %arg10[%get3A_415], %unique3A_419 masked %unique3A_418 {add = true} : memref<10112xi32, #tpu.memory_space<vmem>>[vector<16xi32>], vector<16xi32>, vector<16xi1>
        %get3A_420 = arith.index_cast %mul3A_392 : i32 to index
        %get3A_421 = arith.constant 48 : index
        %get3A_422 = tpu.vector_load %arg12[%get3A_420, %get3A_421] {strides = array<i32>} : memref<24x128xi32, #tpu.memory_space<vmem>>, vector<16xi32>,
        %broadcast_in_dim3A_423 = arith.constant true
        %broadcast_in_dim3A_424 = vector.broadcast %broadcast_in_dim3A_423 : i1 to vector<16xi1>
        %unique3A_425, %unique3A_426 = tpu.scan_count mask(%broadcast_in_dim3A_424 : vector<16xi1>) value(%get3A_422 : vector<16xi32>) : vector<16xi1>, vector<16xi32>
        tpu.vector_store_idx %arg10[%get3A_422], %unique3A_426 masked %unique3A_425 {add = true} : memref<10112xi32, #tpu.memory_space<vmem>>[vector<16xi32>], vector<16xi32>, vector<16xi1>
        %get3A_427 = arith.index_cast %mul3A_392 : i32 to index
        %get3A_428 = arith.constant 64 : index
        %get3A_429 = tpu.vector_load %arg12[%get3A_427, %get3A_428] {strides = array<i32>} : memref<24x128xi32, #tpu.memory_space<vmem>>, vector<16xi32>,
        %broadcast_in_dim3A_430 = arith.constant true
        %broadcast_in_dim3A_431 = vector.broadcast %broadcast_in_dim3A_430 : i1 to vector<16xi1>
        %unique3A_432, %unique3A_433 = tpu.scan_count mask(%broadcast_in_dim3A_431 : vector<16xi1>) value(%get3A_429 : vector<16xi32>) : vector<16xi1>, vector<16xi32>
        tpu.vector_store_idx %arg10[%get3A_429], %unique3A_433 masked %unique3A_432 {add = true} : memref<10112xi32, #tpu.memory_space<vmem>>[vector<16xi32>], vector<16xi32>, vector<16xi1>
        %get3A_434 = arith.index_cast %mul3A_392 : i32 to index
        %get3A_435 = arith.constant 80 : index
        %get3A_436 = tpu.vector_load %arg12[%get3A_434, %get3A_435] {strides = array<i32>} : memref<24x128xi32, #tpu.memory_space<vmem>>, vector<16xi32>,
        %broadcast_in_dim3A_437 = arith.constant true
        %broadcast_in_dim3A_438 = vector.broadcast %broadcast_in_dim3A_437 : i1 to vector<16xi1>
        %unique3A_439, %unique3A_440 = tpu.scan_count mask(%broadcast_in_dim3A_438 : vector<16xi1>) value(%get3A_436 : vector<16xi32>) : vector<16xi1>, vector<16xi32>
        tpu.vector_store_idx %arg10[%get3A_436], %unique3A_440 masked %unique3A_439 {add = true} : memref<10112xi32, #tpu.memory_space<vmem>>[vector<16xi32>], vector<16xi32>, vector<16xi1>
        %get3A_441 = arith.index_cast %mul3A_392 : i32 to index
        %get3A_442 = arith.constant 96 : index
        %get3A_443 = tpu.vector_load %arg12[%get3A_441, %get3A_442] {strides = array<i32>} : memref<24x128xi32, #tpu.memory_space<vmem>>, vector<16xi32>,
        %broadcast_in_dim3A_444 = arith.constant true
        %broadcast_in_dim3A_445 = vector.broadcast %broadcast_in_dim3A_444 : i1 to vector<16xi1>
        %unique3A_446, %unique3A_447 = tpu.scan_count mask(%broadcast_in_dim3A_445 : vector<16xi1>) value(%get3A_443 : vector<16xi32>) : vector<16xi1>, vector<16xi32>
        tpu.vector_store_idx %arg10[%get3A_443], %unique3A_447 masked %unique3A_446 {add = true} : memref<10112xi32, #tpu.memory_space<vmem>>[vector<16xi32>], vector<16xi32>, vector<16xi1>
        %get3A_448 = arith.index_cast %mul3A_392 : i32 to index
        %get3A_449 = arith.constant 112 : index
        %get3A_450 = tpu.vector_load %arg12[%get3A_448, %get3A_449] {strides = array<i32>} : memref<24x128xi32, #tpu.memory_space<vmem>>, vector<16xi32>,
        %broadcast_in_dim3A_451 = arith.constant true
        %broadcast_in_dim3A_452 = vector.broadcast %broadcast_in_dim3A_451 : i1 to vector<16xi1>
        %unique3A_453, %unique3A_454 = tpu.scan_count mask(%broadcast_in_dim3A_452 : vector<16xi1>) value(%get3A_450 : vector<16xi32>) : vector<16xi1>, vector<16xi32>
        tpu.vector_store_idx %arg10[%get3A_450], %unique3A_454 masked %unique3A_453 {add = true} : memref<10112xi32, #tpu.memory_space<vmem>>[vector<16xi32>], vector<16xi32>, vector<16xi1>
        %dma_start3A_455 = arith.constant 0 : i32
        %dma_start3A_456 = tpu.memref_slice %arg12[%mul3A_392, %dma_start3A_455] : memref<24x128xi32, #tpu.memory_space<vmem>> -> memref<1x128xi32, #tpu.memory_space<vmem>>
        %dma_start3A_457 = tpu.memref_squeeze %dma_start3A_456 : memref<1x128xi32, #tpu.memory_space<vmem>> -> memref<128xi32, #tpu.memory_space<vmem>>
        %dma_start3A_458 = arith.constant 0 : i32
        %dma_start3A_459 = arith.constant 0 : i32
        %dma_start3A_460 = tpu.memref_slice %arg9[%dma_start3A_458, %dma_start3A_459] : memref<10112x128xf32, #tpu.memory_space<vmem_shared>> -> memref<10112x128xf32, #tpu.memory_space<vmem_shared>>
        tpu.enqueue_indirect_dma source(%arg13 : memref<128x128xf32, #tpu.memory_space<vmem>>) target(%dma_start3A_460 : memref<10112x128xf32, #tpu.memory_space<vmem_shared>>) offsets(%dma_start3A_457 : memref<128xi32, #tpu.memory_space<vmem>>) semaphore(%arg17 : memref<!tpu.dma_semaphore, #tpu.memory_space<semaphore_mem>>) {add = true}
        %add3A_461 = arith.constant 1 : i32
        %add3A_462 = arith.addi %mul3A_392, %add3A_461 : i32
        %dma_wait3A_463 = arith.constant 0 : i32
        %dma_wait3A_464 = tpu.memref_slice %arg11[%add3A_462, %dma_wait3A_463] : memref<24x128xi32, #tpu.memory_space<vmem>> -> memref<1x128xi32, #tpu.memory_space<vmem>>
        %dma_wait3A_465 = tpu.memref_squeeze %dma_wait3A_464 : memref<1x128xi32, #tpu.memory_space<vmem>> -> memref<128xi32, #tpu.memory_space<vmem>>
        %dma_wait3A_466 = arith.constant 0 : i32
        %dma_wait3A_467 = arith.constant 0 : i32
        %dma_wait3A_468 = tpu.memref_slice %arg2[%dma_wait3A_466, %dma_wait3A_467] : memref<10000x128xf32, #tpu.memory_space<hbm>> -> memref<10000x128xf32, #tpu.memory_space<hbm>>
        tpu.wait_indirect_dma semaphore(%arg16 : memref<!tpu.dma_semaphore, #tpu.memory_space<semaphore_mem>>) src(%dma_wait3A_468 : memref<10000x128xf32, #tpu.memory_space<hbm>>) dst(%arg14 : memref<128x128xf32, #tpu.memory_space<vmem>>)
        %add3A_469 = arith.constant 1 : i32
        %add3A_470 = arith.addi %mul3A_392, %add3A_469 : i32
        %get3A_471 = arith.index_cast %add3A_470 : i32 to index
        %get3A_472 = arith.constant 0 : index
        %get3A_473 = tpu.vector_load %arg12[%get3A_471, %get3A_472] {strides = array<i32>} : memref<24x128xi32, #tpu.memory_space<vmem>>, vector<16xi32>,
        %broadcast_in_dim3A_474 = arith.constant true
        %broadcast_in_dim3A_475 = vector.broadcast %broadcast_in_dim3A_474 : i1 to vector<16xi1>
        %unique3A_476, %unique3A_477 = tpu.scan_count mask(%broadcast_in_dim3A_475 : vector<16xi1>) value(%get3A_473 : vector<16xi32>) : vector<16xi1>, vector<16xi32>
        tpu.vector_store_idx %arg10[%get3A_473], %unique3A_477 masked %unique3A_476 {add = true} : memref<10112xi32, #tpu.memory_space<vmem>>[vector<16xi32>], vector<16xi32>, vector<16xi1>
        %get3A_478 = arith.index_cast %add3A_470 : i32 to index
        %get3A_479 = arith.constant 16 : index
        %get3A_480 = tpu.vector_load %arg12[%get3A_478, %get3A_479] {strides = array<i32>} : memref<24x128xi32, #tpu.memory_space<vmem>>, vector<16xi32>,
        %broadcast_in_dim3A_481 = arith.constant true
        %broadcast_in_dim3A_482 = vector.broadcast %broadcast_in_dim3A_481 : i1 to vector<16xi1>
        %unique3A_483, %unique3A_484 = tpu.scan_count mask(%broadcast_in_dim3A_482 : vector<16xi1>) value(%get3A_480 : vector<16xi32>) : vector<16xi1>, vector<16xi32>
        tpu.vector_store_idx %arg10[%get3A_480], %unique3A_484 masked %unique3A_483 {add = true} : memref<10112xi32, #tpu.memory_space<vmem>>[vector<16xi32>], vector<16xi32>, vector<16xi1>
        %get3A_485 = arith.index_cast %add3A_470 : i32 to index
        %get3A_486 = arith.constant 32 : index
        %get3A_487 = tpu.vector_load %arg12[%get3A_485, %get3A_486] {strides = array<i32>} : memref<24x128xi32, #tpu.memory_space<vmem>>, vector<16xi32>,
        %broadcast_in_dim3A_488 = arith.constant true
        %broadcast_in_dim3A_489 = vector.broadcast %broadcast_in_dim3A_488 : i1 to vector<16xi1>
        %unique3A_490, %unique3A_491 = tpu.scan_count mask(%broadcast_in_dim3A_489 : vector<16xi1>) value(%get3A_487 : vector<16xi32>) : vector<16xi1>, vector<16xi32>
        tpu.vector_store_idx %arg10[%get3A_487], %unique3A_491 masked %unique3A_490 {add = true} : memref<10112xi32, #tpu.memory_space<vmem>>[vector<16xi32>], vector<16xi32>, vector<16xi1>
        %get3A_492 = arith.index_cast %add3A_470 : i32 to index
        %get3A_493 = arith.constant 48 : index
        %get3A_494 = tpu.vector_load %arg12[%get3A_492, %get3A_493] {strides = array<i32>} : memref<24x128xi32, #tpu.memory_space<vmem>>, vector<16xi32>,
        %broadcast_in_dim3A_495 = arith.constant true
        %broadcast_in_dim3A_496 = vector.broadcast %broadcast_in_dim3A_495 : i1 to vector<16xi1>
        %unique3A_497, %unique3A_498 = tpu.scan_count mask(%broadcast_in_dim3A_496 : vector<16xi1>) value(%get3A_494 : vector<16xi32>) : vector<16xi1>, vector<16xi32>
        tpu.vector_store_idx %arg10[%get3A_494], %unique3A_498 masked %unique3A_497 {add = true} : memref<10112xi32, #tpu.memory_space<vmem>>[vector<16xi32>], vector<16xi32>, vector<16xi1>
        %get3A_499 = arith.index_cast %add3A_470 : i32 to index
        %get3A_500 = arith.constant 64 : index
        %get3A_501 = tpu.vector_load %arg12[%get3A_499, %get3A_500] {strides = array<i32>} : memref<24x128xi32, #tpu.memory_space<vmem>>, vector<16xi32>,
        %broadcast_in_dim3A_502 = arith.constant true
        %broadcast_in_dim3A_503 = vector.broadcast %broadcast_in_dim3A_502 : i1 to vector<16xi1>
        %unique3A_504, %unique3A_505 = tpu.scan_count mask(%broadcast_in_dim3A_503 : vector<16xi1>) value(%get3A_501 : vector<16xi32>) : vector<16xi1>, vector<16xi32>
        tpu.vector_store_idx %arg10[%get3A_501], %unique3A_505 masked %unique3A_504 {add = true} : memref<10112xi32, #tpu.memory_space<vmem>>[vector<16xi32>], vector<16xi32>, vector<16xi1>
        %get3A_506 = arith.index_cast %add3A_470 : i32 to index
        %get3A_507 = arith.constant 80 : index
        %get3A_508 = tpu.vector_load %arg12[%get3A_506, %get3A_507] {strides = array<i32>} : memref<24x128xi32, #tpu.memory_space<vmem>>, vector<16xi32>,
        %broadcast_in_dim3A_509 = arith.constant true
        %broadcast_in_dim3A_510 = vector.broadcast %broadcast_in_dim3A_509 : i1 to vector<16xi1>
        %unique3A_511, %unique3A_512 = tpu.scan_count mask(%broadcast_in_dim3A_510 : vector<16xi1>) value(%get3A_508 : vector<16xi32>) : vector<16xi1>, vector<16xi32>
        tpu.vector_store_idx %arg10[%get3A_508], %unique3A_512 masked %unique3A_511 {add = true} : memref<10112xi32, #tpu.memory_space<vmem>>[vector<16xi32>], vector<16xi32>, vector<16xi1>
        %get3A_513 = arith.index_cast %add3A_470 : i32 to index
        %get3A_514 = arith.constant 96 : index
        %get3A_515 = tpu.vector_load %arg12[%get3A_513, %get3A_514] {strides = array<i32>} : memref<24x128xi32, #tpu.memory_space<vmem>>, vector<16xi32>,
        %broadcast_in_dim3A_516 = arith.constant true
        %broadcast_in_dim3A_517 = vector.broadcast %broadcast_in_dim3A_516 : i1 to vector<16xi1>
        %unique3A_518, %unique3A_519 = tpu.scan_count mask(%broadcast_in_dim3A_517 : vector<16xi1>) value(%get3A_515 : vector<16xi32>) : vector<16xi1>, vector<16xi32>
        tpu.vector_store_idx %arg10[%get3A_515], %unique3A_519 masked %unique3A_518 {add = true} : memref<10112xi32, #tpu.memory_space<vmem>>[vector<16xi32>], vector<16xi32>, vector<16xi1>
        %get3A_520 = arith.index_cast %add3A_470 : i32 to index
        %get3A_521 = arith.constant 112 : index
        %get3A_522 = tpu.vector_load %arg12[%get3A_520, %get3A_521] {strides = array<i32>} : memref<24x128xi32, #tpu.memory_space<vmem>>, vector<16xi32>,
        %broadcast_in_dim3A_523 = arith.constant true
        %broadcast_in_dim3A_524 = vector.broadcast %broadcast_in_dim3A_523 : i1 to vector<16xi1>
        %unique3A_525, %unique3A_526 = tpu.scan_count mask(%broadcast_in_dim3A_524 : vector<16xi1>) value(%get3A_522 : vector<16xi32>) : vector<16xi1>, vector<16xi32>
        tpu.vector_store_idx %arg10[%get3A_522], %unique3A_526 masked %unique3A_525 {add = true} : memref<10112xi32, #tpu.memory_space<vmem>>[vector<16xi32>], vector<16xi32>, vector<16xi1>
        %add3A_527 = arith.constant 1 : i32
        %add3A_528 = arith.addi %mul3A_392, %add3A_527 : i32
        %dma_start3A_529 = arith.constant 0 : i32
        %dma_start3A_530 = tpu.memref_slice %arg12[%add3A_528, %dma_start3A_529] : memref<24x128xi32, #tpu.memory_space<vmem>> -> memref<1x128xi32, #tpu.memory_space<vmem>>
        %dma_start3A_531 = tpu.memref_squeeze %dma_start3A_530 : memref<1x128xi32, #tpu.memory_space<vmem>> -> memref<128xi32, #tpu.memory_space<vmem>>
        %dma_start3A_532 = arith.constant 0 : i32
        %dma_start3A_533 = arith.constant 0 : i32
        %dma_start3A_534 = tpu.memref_slice %arg9[%dma_start3A_532, %dma_start3A_533] : memref<10112x128xf32, #tpu.memory_space<vmem_shared>> -> memref<10112x128xf32, #tpu.memory_space<vmem_shared>>
        tpu.enqueue_indirect_dma source(%arg14 : memref<128x128xf32, #tpu.memory_space<vmem>>) target(%dma_start3A_534 : memref<10112x128xf32, #tpu.memory_space<vmem_shared>>) offsets(%dma_start3A_531 : memref<128xi32, #tpu.memory_space<vmem>>) semaphore(%arg18 : memref<!tpu.dma_semaphore, #tpu.memory_space<semaphore_mem>>) {add = true}
        %dma_wait3A_535 = arith.constant 0 : i32
        %dma_wait3A_536 = tpu.memref_slice %arg12[%mul3A_392, %dma_wait3A_535] : memref<24x128xi32, #tpu.memory_space<vmem>> -> memref<1x128xi32, #tpu.memory_space<vmem>>
        %dma_wait3A_537 = tpu.memref_squeeze %dma_wait3A_536 : memref<1x128xi32, #tpu.memory_space<vmem>> -> memref<128xi32, #tpu.memory_space<vmem>>
        %dma_wait3A_538 = arith.constant 0 : i32
        %dma_wait3A_539 = arith.constant 0 : i32
        %dma_wait3A_540 = tpu.memref_slice %arg9[%dma_wait3A_538, %dma_wait3A_539] : memref<10112x128xf32, #tpu.memory_space<vmem_shared>> -> memref<10112x128xf32, #tpu.memory_space<vmem_shared>>
        tpu.wait_indirect_dma semaphore(%arg17 : memref<!tpu.dma_semaphore, #tpu.memory_space<semaphore_mem>>) src(%arg13 : memref<128x128xf32, #tpu.memory_space<vmem>>) dst(%dma_wait3A_540 : memref<10112x128xf32, #tpu.memory_space<vmem_shared>>)
        %add3A_541 = arith.constant 2 : i32
        %add3A_542 = arith.addi %mul3A_392, %add3A_541 : i32
        %dma_start3A_543 = arith.constant 0 : i32
        %dma_start3A_544 = tpu.memref_slice %arg11[%add3A_542, %dma_start3A_543] : memref<24x128xi32, #tpu.memory_space<vmem>> -> memref<1x128xi32, #tpu.memory_space<vmem>>
        %dma_start3A_545 = tpu.memref_squeeze %dma_start3A_544 : memref<1x128xi32, #tpu.memory_space<vmem>> -> memref<128xi32, #tpu.memory_space<vmem>>
        %dma_start3A_546 = arith.constant 0 : i32
        %dma_start3A_547 = arith.constant 0 : i32
        %dma_start3A_548 = tpu.memref_slice %arg2[%dma_start3A_546, %dma_start3A_547] : memref<10000x128xf32, #tpu.memory_space<hbm>> -> memref<10000x128xf32, #tpu.memory_space<hbm>>
        tpu.enqueue_indirect_dma source(%dma_start3A_548 : memref<10000x128xf32, #tpu.memory_space<hbm>>) target(%arg13 : memref<128x128xf32, #tpu.memory_space<vmem>>) offsets(%dma_start3A_545 : memref<128xi32, #tpu.memory_space<vmem>>) semaphore(%arg15 : memref<!tpu.dma_semaphore, #tpu.memory_space<semaphore_mem>>)
        %add3A_549 = arith.constant 1 : i32
        %add3A_550 = arith.addi %mul3A_392, %add3A_549 : i32
        %dma_wait3A_551 = arith.constant 0 : i32
        %dma_wait3A_552 = tpu.memref_slice %arg12[%add3A_550, %dma_wait3A_551] : memref<24x128xi32, #tpu.memory_space<vmem>> -> memref<1x128xi32, #tpu.memory_space<vmem>>
        %dma_wait3A_553 = tpu.memref_squeeze %dma_wait3A_552 : memref<1x128xi32, #tpu.memory_space<vmem>> -> memref<128xi32, #tpu.memory_space<vmem>>
        %dma_wait3A_554 = arith.constant 0 : i32
        %dma_wait3A_555 = arith.constant 0 : i32
        %dma_wait3A_556 = tpu.memref_slice %arg9[%dma_wait3A_554, %dma_wait3A_555] : memref<10112x128xf32, #tpu.memory_space<vmem_shared>> -> memref<10112x128xf32, #tpu.memory_space<vmem_shared>>
        tpu.wait_indirect_dma semaphore(%arg18 : memref<!tpu.dma_semaphore, #tpu.memory_space<semaphore_mem>>) src(%arg14 : memref<128x128xf32, #tpu.memory_space<vmem>>) dst(%dma_wait3A_556 : memref<10112x128xf32, #tpu.memory_space<vmem_shared>>)
        %add3A_557 = arith.constant 3 : i32
        %add3A_558 = arith.addi %mul3A_392, %add3A_557 : i32
        %dma_start3A_559 = arith.constant 0 : i32
        %dma_start3A_560 = tpu.memref_slice %arg11[%add3A_558, %dma_start3A_559] : memref<24x128xi32, #tpu.memory_space<vmem>> -> memref<1x128xi32, #tpu.memory_space<vmem>>
        %dma_start3A_561 = tpu.memref_squeeze %dma_start3A_560 : memref<1x128xi32, #tpu.memory_space<vmem>> -> memref<128xi32, #tpu.memory_space<vmem>>
        %dma_start3A_562 = arith.constant 0 : i32
        %dma_start3A_563 = arith.constant 0 : i32
        %dma_start3A_564 = tpu.memref_slice %arg2[%dma_start3A_562, %dma_start3A_563] : memref<10000x128xf32, #tpu.memory_space<hbm>> -> memref<10000x128xf32, #tpu.memory_space<hbm>>
        tpu.enqueue_indirect_dma source(%dma_start3A_564 : memref<10000x128xf32, #tpu.memory_space<hbm>>) target(%arg14 : memref<128x128xf32, #tpu.memory_space<vmem>>) offsets(%dma_start3A_561 : memref<128xi32, #tpu.memory_space<vmem>>) semaphore(%arg16 : memref<!tpu.dma_semaphore, #tpu.memory_space<semaphore_mem>>)
      }
      %scan3A_219 = arith.constant 3 : i32
      %dma_wait3A_220 = arith.constant 6 : i32
      %dma_wait3A_221 = arith.constant 0 : i32
      %dma_wait3A_222 = tpu.memref_slice %arg11[%dma_wait3A_220, %dma_wait3A_221] : memref<24x128xi32, #tpu.memory_space<vmem>> -> memref<1x128xi32, #tpu.memory_space<vmem>>
      %dma_wait3A_223 = tpu.memref_squeeze %dma_wait3A_222 : memref<1x128xi32, #tpu.memory_space<vmem>> -> memref<128xi32, #tpu.memory_space<vmem>>
      %dma_wait3A_224 = arith.constant 0 : i32
      %dma_wait3A_225 = arith.constant 0 : i32
      %dma_wait3A_226 = tpu.memref_slice %arg2[%dma_wait3A_224, %dma_wait3A_225] : memref<10000x128xf32, #tpu.memory_space<hbm>> -> memref<10000x128xf32, #tpu.memory_space<hbm>>
      tpu.wait_indirect_dma semaphore(%arg15 : memref<!tpu.dma_semaphore, #tpu.memory_space<semaphore_mem>>) src(%dma_wait3A_226 : memref<10000x128xf32, #tpu.memory_space<hbm>>) dst(%arg13 : memref<128x128xf32, #tpu.memory_space<vmem>>)
      %get3A_227 = arith.constant 6 : i32
      %get3A_228 = arith.index_cast %get3A_227 : i32 to index
      %get3A_229 = arith.constant 0 : index
      %get3A_230 = tpu.vector_load %arg12[%get3A_228, %get3A_229] {strides = array<i32>} : memref<24x128xi32, #tpu.memory_space<vmem>>, vector<16xi32>,
      %broadcast_in_dim3A_231 = arith.constant true
      %broadcast_in_dim3A_232 = vector.broadcast %broadcast_in_dim3A_231 : i1 to vector<16xi1>
      %unique3A_233, %unique3A_234 = tpu.scan_count mask(%broadcast_in_dim3A_232 : vector<16xi1>) value(%get3A_230 : vector<16xi32>) : vector<16xi1>, vector<16xi32>
      tpu.vector_store_idx %arg10[%get3A_230], %unique3A_234 masked %unique3A_233 {add = true} : memref<10112xi32, #tpu.memory_space<vmem>>[vector<16xi32>], vector<16xi32>, vector<16xi1>
      %get3A_235 = arith.constant 6 : i32
      %get3A_236 = arith.index_cast %get3A_235 : i32 to index
      %get3A_237 = arith.constant 16 : index
      %get3A_238 = tpu.vector_load %arg12[%get3A_236, %get3A_237] {strides = array<i32>} : memref<24x128xi32, #tpu.memory_space<vmem>>, vector<16xi32>,
      %broadcast_in_dim3A_239 = arith.constant true
      %broadcast_in_dim3A_240 = vector.broadcast %broadcast_in_dim3A_239 : i1 to vector<16xi1>
      %unique3A_241, %unique3A_242 = tpu.scan_count mask(%broadcast_in_dim3A_240 : vector<16xi1>) value(%get3A_238 : vector<16xi32>) : vector<16xi1>, vector<16xi32>
      tpu.vector_store_idx %arg10[%get3A_238], %unique3A_242 masked %unique3A_241 {add = true} : memref<10112xi32, #tpu.memory_space<vmem>>[vector<16xi32>], vector<16xi32>, vector<16xi1>
      %get3A_243 = arith.constant 6 : i32
      %get3A_244 = arith.index_cast %get3A_243 : i32 to index
      %get3A_245 = arith.constant 32 : index
      %get3A_246 = tpu.vector_load %arg12[%get3A_244, %get3A_245] {strides = array<i32>} : memref<24x128xi32, #tpu.memory_space<vmem>>, vector<16xi32>,
      %broadcast_in_dim3A_247 = arith.constant true
      %broadcast_in_dim3A_248 = vector.broadcast %broadcast_in_dim3A_247 : i1 to vector<16xi1>
      %unique3A_249, %unique3A_250 = tpu.scan_count mask(%broadcast_in_dim3A_248 : vector<16xi1>) value(%get3A_246 : vector<16xi32>) : vector<16xi1>, vector<16xi32>
      tpu.vector_store_idx %arg10[%get3A_246], %unique3A_250 masked %unique3A_249 {add = true} : memref<10112xi32, #tpu.memory_space<vmem>>[vector<16xi32>], vector<16xi32>, vector<16xi1>
      %get3A_251 = arith.constant 6 : i32
      %get3A_252 = arith.index_cast %get3A_251 : i32 to index
      %get3A_253 = arith.constant 48 : index
      %get3A_254 = tpu.vector_load %arg12[%get3A_252, %get3A_253] {strides = array<i32>} : memref<24x128xi32, #tpu.memory_space<vmem>>, vector<16xi32>,
      %broadcast_in_dim3A_255 = arith.constant true
      %broadcast_in_dim3A_256 = vector.broadcast %broadcast_in_dim3A_255 : i1 to vector<16xi1>
      %unique3A_257, %unique3A_258 = tpu.scan_count mask(%broadcast_in_dim3A_256 : vector<16xi1>) value(%get3A_254 : vector<16xi32>) : vector<16xi1>, vector<16xi32>
      tpu.vector_store_idx %arg10[%get3A_254], %unique3A_258 masked %unique3A_257 {add = true} : memref<10112xi32, #tpu.memory_space<vmem>>[vector<16xi32>], vector<16xi32>, vector<16xi1>
      %get3A_259 = arith.constant 6 : i32
      %get3A_260 = arith.index_cast %get3A_259 : i32 to index
      %get3A_261 = arith.constant 64 : index
      %get3A_262 = tpu.vector_load %arg12[%get3A_260, %get3A_261] {strides = array<i32>} : memref<24x128xi32, #tpu.memory_space<vmem>>, vector<16xi32>,
      %broadcast_in_dim3A_263 = arith.constant true
      %broadcast_in_dim3A_264 = vector.broadcast %broadcast_in_dim3A_263 : i1 to vector<16xi1>
      %unique3A_265, %unique3A_266 = tpu.scan_count mask(%broadcast_in_dim3A_264 : vector<16xi1>) value(%get3A_262 : vector<16xi32>) : vector<16xi1>, vector<16xi32>
      tpu.vector_store_idx %arg10[%get3A_262], %unique3A_266 masked %unique3A_265 {add = true} : memref<10112xi32, #tpu.memory_space<vmem>>[vector<16xi32>], vector<16xi32>, vector<16xi1>
      %get3A_267 = arith.constant 6 : i32
      %get3A_268 = arith.index_cast %get3A_267 : i32 to index
      %get3A_269 = arith.constant 80 : index
      %get3A_270 = tpu.vector_load %arg12[%get3A_268, %get3A_269] {strides = array<i32>} : memref<24x128xi32, #tpu.memory_space<vmem>>, vector<16xi32>,
      %broadcast_in_dim3A_271 = arith.constant true
      %broadcast_in_dim3A_272 = vector.broadcast %broadcast_in_dim3A_271 : i1 to vector<16xi1>
      %unique3A_273, %unique3A_274 = tpu.scan_count mask(%broadcast_in_dim3A_272 : vector<16xi1>) value(%get3A_270 : vector<16xi32>) : vector<16xi1>, vector<16xi32>
      tpu.vector_store_idx %arg10[%get3A_270], %unique3A_274 masked %unique3A_273 {add = true} : memref<10112xi32, #tpu.memory_space<vmem>>[vector<16xi32>], vector<16xi32>, vector<16xi1>
      %get3A_275 = arith.constant 6 : i32
      %get3A_276 = arith.index_cast %get3A_275 : i32 to index
      %get3A_277 = arith.constant 96 : index
      %get3A_278 = tpu.vector_load %arg12[%get3A_276, %get3A_277] {strides = array<i32>} : memref<24x128xi32, #tpu.memory_space<vmem>>, vector<16xi32>,
      %broadcast_in_dim3A_279 = arith.constant true
      %broadcast_in_dim3A_280 = vector.broadcast %broadcast_in_dim3A_279 : i1 to vector<16xi1>
      %unique3A_281, %unique3A_282 = tpu.scan_count mask(%broadcast_in_dim3A_280 : vector<16xi1>) value(%get3A_278 : vector<16xi32>) : vector<16xi1>, vector<16xi32>
      tpu.vector_store_idx %arg10[%get3A_278], %unique3A_282 masked %unique3A_281 {add = true} : memref<10112xi32, #tpu.memory_space<vmem>>[vector<16xi32>], vector<16xi32>, vector<16xi1>
      %get3A_283 = arith.constant 6 : i32
      %get3A_284 = arith.index_cast %get3A_283 : i32 to index
      %get3A_285 = arith.constant 112 : index
      %get3A_286 = tpu.vector_load %arg12[%get3A_284, %get3A_285] {strides = array<i32>} : memref<24x128xi32, #tpu.memory_space<vmem>>, vector<16xi32>,
      %broadcast_in_dim3A_287 = arith.constant true
      %broadcast_in_dim3A_288 = vector.broadcast %broadcast_in_dim3A_287 : i1 to vector<16xi1>
      %unique3A_289, %unique3A_290 = tpu.scan_count mask(%broadcast_in_dim3A_288 : vector<16xi1>) value(%get3A_286 : vector<16xi32>) : vector<16xi1>, vector<16xi32>
      tpu.vector_store_idx %arg10[%get3A_286], %unique3A_290 masked %unique3A_289 {add = true} : memref<10112xi32, #tpu.memory_space<vmem>>[vector<16xi32>], vector<16xi32>, vector<16xi1>
      %dma_start3A_291 = arith.constant 6 : i32
      %dma_start3A_292 = arith.constant 0 : i32
      %dma_start3A_293 = tpu.memref_slice %arg12[%dma_start3A_291, %dma_start3A_292] : memref<24x128xi32, #tpu.memory_space<vmem>> -> memref<1x128xi32, #tpu.memory_space<vmem>>
      %dma_start3A_294 = tpu.memref_squeeze %dma_start3A_293 : memref<1x128xi32, #tpu.memory_space<vmem>> -> memref<128xi32, #tpu.memory_space<vmem>>
      %dma_start3A_295 = arith.constant 0 : i32
      %dma_start3A_296 = arith.constant 0 : i32
      %dma_start3A_297 = tpu.memref_slice %arg9[%dma_start3A_295, %dma_start3A_296] : memref<10112x128xf32, #tpu.memory_space<vmem_shared>> -> memref<10112x128xf32, #tpu.memory_space<vmem_shared>>
      tpu.enqueue_indirect_dma source(%arg13 : memref<128x128xf32, #tpu.memory_space<vmem>>) target(%dma_start3A_297 : memref<10112x128xf32, #tpu.memory_space<vmem_shared>>) offsets(%dma_start3A_294 : memref<128xi32, #tpu.memory_space<vmem>>) semaphore(%arg17 : memref<!tpu.dma_semaphore, #tpu.memory_space<semaphore_mem>>) {add = true}
      %dma_wait3A_298 = arith.constant 7 : i32
      %dma_wait3A_299 = arith.constant 0 : i32
      %dma_wait3A_300 = tpu.memref_slice %arg11[%dma_wait3A_298, %dma_wait3A_299] : memref<24x128xi32, #tpu.memory_space<vmem>> -> memref<1x128xi32, #tpu.memory_space<vmem>>
      %dma_wait3A_301 = tpu.memref_squeeze %dma_wait3A_300 : memref<1x128xi32, #tpu.memory_space<vmem>> -> memref<128xi32, #tpu.memory_space<vmem>>
      %dma_wait3A_302 = arith.constant 0 : i32
      %dma_wait3A_303 = arith.constant 0 : i32
      %dma_wait3A_304 = tpu.memref_slice %arg2[%dma_wait3A_302, %dma_wait3A_303] : memref<10000x128xf32, #tpu.memory_space<hbm>> -> memref<10000x128xf32, #tpu.memory_space<hbm>>
      tpu.wait_indirect_dma semaphore(%arg16 : memref<!tpu.dma_semaphore, #tpu.memory_space<semaphore_mem>>) src(%dma_wait3A_304 : memref<10000x128xf32, #tpu.memory_space<hbm>>) dst(%arg14 : memref<128x128xf32, #tpu.memory_space<vmem>>)
      %get3A_305 = arith.constant 7 : i32
      %get3A_306 = arith.index_cast %get3A_305 : i32 to index
      %get3A_307 = arith.constant 0 : index
      %get3A_308 = tpu.vector_load %arg12[%get3A_306, %get3A_307] {strides = array<i32>} : memref<24x128xi32, #tpu.memory_space<vmem>>, vector<16xi32>,
      %broadcast_in_dim3A_309 = arith.constant true
      %broadcast_in_dim3A_310 = vector.broadcast %broadcast_in_dim3A_309 : i1 to vector<16xi1>
      %unique3A_311, %unique3A_312 = tpu.scan_count mask(%broadcast_in_dim3A_310 : vector<16xi1>) value(%get3A_308 : vector<16xi32>) : vector<16xi1>, vector<16xi32>
      tpu.vector_store_idx %arg10[%get3A_308], %unique3A_312 masked %unique3A_311 {add = true} : memref<10112xi32, #tpu.memory_space<vmem>>[vector<16xi32>], vector<16xi32>, vector<16xi1>
      %get3A_313 = arith.constant 7 : i32
      %get3A_314 = arith.index_cast %get3A_313 : i32 to index
      %get3A_315 = arith.constant 16 : index
      %get3A_316 = tpu.vector_load %arg12[%get3A_314, %get3A_315] {strides = array<i32>} : memref<24x128xi32, #tpu.memory_space<vmem>>, vector<16xi32>,
      %broadcast_in_dim3A_317 = arith.constant true
      %broadcast_in_dim3A_318 = vector.broadcast %broadcast_in_dim3A_317 : i1 to vector<16xi1>
      %unique3A_319, %unique3A_320 = tpu.scan_count mask(%broadcast_in_dim3A_318 : vector<16xi1>) value(%get3A_316 : vector<16xi32>) : vector<16xi1>, vector<16xi32>
      tpu.vector_store_idx %arg10[%get3A_316], %unique3A_320 masked %unique3A_319 {add = true} : memref<10112xi32, #tpu.memory_space<vmem>>[vector<16xi32>], vector<16xi32>, vector<16xi1>
      %get3A_321 = arith.constant 7 : i32
      %get3A_322 = arith.index_cast %get3A_321 : i32 to index
      %get3A_323 = arith.constant 32 : index
      %get3A_324 = tpu.vector_load %arg12[%get3A_322, %get3A_323] {strides = array<i32>} : memref<24x128xi32, #tpu.memory_space<vmem>>, vector<16xi32>,
      %broadcast_in_dim3A_325 = arith.constant true
      %broadcast_in_dim3A_326 = vector.broadcast %broadcast_in_dim3A_325 : i1 to vector<16xi1>
      %unique3A_327, %unique3A_328 = tpu.scan_count mask(%broadcast_in_dim3A_326 : vector<16xi1>) value(%get3A_324 : vector<16xi32>) : vector<16xi1>, vector<16xi32>
      tpu.vector_store_idx %arg10[%get3A_324], %unique3A_328 masked %unique3A_327 {add = true} : memref<10112xi32, #tpu.memory_space<vmem>>[vector<16xi32>], vector<16xi32>, vector<16xi1>
      %get3A_329 = arith.constant 7 : i32
      %get3A_330 = arith.index_cast %get3A_329 : i32 to index
      %get3A_331 = arith.constant 48 : index
      %get3A_332 = tpu.vector_load %arg12[%get3A_330, %get3A_331] {strides = array<i32>} : memref<24x128xi32, #tpu.memory_space<vmem>>, vector<16xi32>,
      %broadcast_in_dim3A_333 = arith.constant true
      %broadcast_in_dim3A_334 = vector.broadcast %broadcast_in_dim3A_333 : i1 to vector<16xi1>
      %unique3A_335, %unique3A_336 = tpu.scan_count mask(%broadcast_in_dim3A_334 : vector<16xi1>) value(%get3A_332 : vector<16xi32>) : vector<16xi1>, vector<16xi32>
      tpu.vector_store_idx %arg10[%get3A_332], %unique3A_336 masked %unique3A_335 {add = true} : memref<10112xi32, #tpu.memory_space<vmem>>[vector<16xi32>], vector<16xi32>, vector<16xi1>
      %get3A_337 = arith.constant 7 : i32
      %get3A_338 = arith.index_cast %get3A_337 : i32 to index
      %get3A_339 = arith.constant 64 : index
      %get3A_340 = tpu.vector_load %arg12[%get3A_338, %get3A_339] {strides = array<i32>} : memref<24x128xi32, #tpu.memory_space<vmem>>, vector<16xi32>,
      %broadcast_in_dim3A_341 = arith.constant true
      %broadcast_in_dim3A_342 = vector.broadcast %broadcast_in_dim3A_341 : i1 to vector<16xi1>
      %unique3A_343, %unique3A_344 = tpu.scan_count mask(%broadcast_in_dim3A_342 : vector<16xi1>) value(%get3A_340 : vector<16xi32>) : vector<16xi1>, vector<16xi32>
      tpu.vector_store_idx %arg10[%get3A_340], %unique3A_344 masked %unique3A_343 {add = true} : memref<10112xi32, #tpu.memory_space<vmem>>[vector<16xi32>], vector<16xi32>, vector<16xi1>
      %get3A_345 = arith.constant 7 : i32
      %get3A_346 = arith.index_cast %get3A_345 : i32 to index
      %get3A_347 = arith.constant 80 : index
      %get3A_348 = tpu.vector_load %arg12[%get3A_346, %get3A_347] {strides = array<i32>} : memref<24x128xi32, #tpu.memory_space<vmem>>, vector<16xi32>,
      %broadcast_in_dim3A_349 = arith.constant true
      %broadcast_in_dim3A_350 = vector.broadcast %broadcast_in_dim3A_349 : i1 to vector<16xi1>
      %unique3A_351, %unique3A_352 = tpu.scan_count mask(%broadcast_in_dim3A_350 : vector<16xi1>) value(%get3A_348 : vector<16xi32>) : vector<16xi1>, vector<16xi32>
      tpu.vector_store_idx %arg10[%get3A_348], %unique3A_352 masked %unique3A_351 {add = true} : memref<10112xi32, #tpu.memory_space<vmem>>[vector<16xi32>], vector<16xi32>, vector<16xi1>
      %get3A_353 = arith.constant 7 : i32
      %get3A_354 = arith.index_cast %get3A_353 : i32 to index
      %get3A_355 = arith.constant 96 : index
      %get3A_356 = tpu.vector_load %arg12[%get3A_354, %get3A_355] {strides = array<i32>} : memref<24x128xi32, #tpu.memory_space<vmem>>, vector<16xi32>,
      %broadcast_in_dim3A_357 = arith.constant true
      %broadcast_in_dim3A_358 = vector.broadcast %broadcast_in_dim3A_357 : i1 to vector<16xi1>
      %unique3A_359, %unique3A_360 = tpu.scan_count mask(%broadcast_in_dim3A_358 : vector<16xi1>) value(%get3A_356 : vector<16xi32>) : vector<16xi1>, vector<16xi32>
      tpu.vector_store_idx %arg10[%get3A_356], %unique3A_360 masked %unique3A_359 {add = true} : memref<10112xi32, #tpu.memory_space<vmem>>[vector<16xi32>], vector<16xi32>, vector<16xi1>
      %get3A_361 = arith.constant 7 : i32
      %get3A_362 = arith.index_cast %get3A_361 : i32 to index
      %get3A_363 = arith.constant 112 : index
      %get3A_364 = tpu.vector_load %arg12[%get3A_362, %get3A_363] {strides = array<i32>} : memref<24x128xi32, #tpu.memory_space<vmem>>, vector<16xi32>,
      %broadcast_in_dim3A_365 = arith.constant true
      %broadcast_in_dim3A_366 = vector.broadcast %broadcast_in_dim3A_365 : i1 to vector<16xi1>
      %unique3A_367, %unique3A_368 = tpu.scan_count mask(%broadcast_in_dim3A_366 : vector<16xi1>) value(%get3A_364 : vector<16xi32>) : vector<16xi1>, vector<16xi32>
      tpu.vector_store_idx %arg10[%get3A_364], %unique3A_368 masked %unique3A_367 {add = true} : memref<10112xi32, #tpu.memory_space<vmem>>[vector<16xi32>], vector<16xi32>, vector<16xi1>
      %dma_start3A_369 = arith.constant 7 : i32
      %dma_start3A_370 = arith.constant 0 : i32
      %dma_start3A_371 = tpu.memref_slice %arg12[%dma_start3A_369, %dma_start3A_370] : memref<24x128xi32, #tpu.memory_space<vmem>> -> memref<1x128xi32, #tpu.memory_space<vmem>>
      %dma_start3A_372 = tpu.memref_squeeze %dma_start3A_371 : memref<1x128xi32, #tpu.memory_space<vmem>> -> memref<128xi32, #tpu.memory_space<vmem>>
      %dma_start3A_373 = arith.constant 0 : i32
      %dma_start3A_374 = arith.constant 0 : i32
      %dma_start3A_375 = tpu.memref_slice %arg9[%dma_start3A_373, %dma_start3A_374] : memref<10112x128xf32, #tpu.memory_space<vmem_shared>> -> memref<10112x128xf32, #tpu.memory_space<vmem_shared>>
      tpu.enqueue_indirect_dma source(%arg14 : memref<128x128xf32, #tpu.memory_space<vmem>>) target(%dma_start3A_375 : memref<10112x128xf32, #tpu.memory_space<vmem_shared>>) offsets(%dma_start3A_372 : memref<128xi32, #tpu.memory_space<vmem>>) semaphore(%arg18 : memref<!tpu.dma_semaphore, #tpu.memory_space<semaphore_mem>>) {add = true}
      %dma_wait3A_376 = arith.constant 6 : i32
      %dma_wait3A_377 = arith.constant 0 : i32
      %dma_wait3A_378 = tpu.memref_slice %arg12[%dma_wait3A_376, %dma_wait3A_377] : memref<24x128xi32, #tpu.memory_space<vmem>> -> memref<1x128xi32, #tpu.memory_space<vmem>>
      %dma_wait3A_379 = tpu.memref_squeeze %dma_wait3A_378 : memref<1x128xi32, #tpu.memory_space<vmem>> -> memref<128xi32, #tpu.memory_space<vmem>>
      %dma_wait3A_380 = arith.constant 0 : i32
      %dma_wait3A_381 = arith.constant 0 : i32
      %dma_wait3A_382 = tpu.memref_slice %arg9[%dma_wait3A_380, %dma_wait3A_381] : memref<10112x128xf32, #tpu.memory_space<vmem_shared>> -> memref<10112x128xf32, #tpu.memory_space<vmem_shared>>
      tpu.wait_indirect_dma semaphore(%arg17 : memref<!tpu.dma_semaphore, #tpu.memory_space<semaphore_mem>>) src(%arg13 : memref<128x128xf32, #tpu.memory_space<vmem>>) dst(%dma_wait3A_382 : memref<10112x128xf32, #tpu.memory_space<vmem_shared>>)
      %dma_wait3A_383 = arith.constant 7 : i32
      %dma_wait3A_384 = arith.constant 0 : i32
      %dma_wait3A_385 = tpu.memref_slice %arg12[%dma_wait3A_383, %dma_wait3A_384] : memref<24x128xi32, #tpu.memory_space<vmem>> -> memref<1x128xi32, #tpu.memory_space<vmem>>
      %dma_wait3A_386 = tpu.memref_squeeze %dma_wait3A_385 : memref<1x128xi32, #tpu.memory_space<vmem>> -> memref<128xi32, #tpu.memory_space<vmem>>
      %dma_wait3A_387 = arith.constant 0 : i32
      %dma_wait3A_388 = arith.constant 0 : i32
      %dma_wait3A_389 = tpu.memref_slice %arg9[%dma_wait3A_387, %dma_wait3A_388] : memref<10112x128xf32, #tpu.memory_space<vmem_shared>> -> memref<10112x128xf32, #tpu.memory_space<vmem_shared>>
      tpu.wait_indirect_dma semaphore(%arg18 : memref<!tpu.dma_semaphore, #tpu.memory_space<semaphore_mem>>) src(%arg14 : memref<128x128xf32, #tpu.memory_space<vmem>>) dst(%dma_wait3A_389 : memref<10112x128xf32, #tpu.memory_space<vmem_shared>>)
    } else {
    }
    %barrier3A_8 = arith.constant 0 : index
    tpu.barrier barrier_id(%barrier3A_8)
    "tpu.region"() ({
      %run_scoped3A = tpu.sem_alloc : memref<!tpu.dma_semaphore, #tpu.memory_space<semaphore_mem>>
      %dma_start3A = arith.constant 0 : i32
      %dma_start3A_9 = tpu.memref_slice %arg7[%arg0, %mul3A_0, %dma_start3A] : memref<2x10112x128xf32, #tpu.memory_space<hbm>> -> memref<1x632x128xf32, #tpu.memory_space<hbm>>
      %dma_start3A_10 = tpu.memref_squeeze %dma_start3A_9 : memref<1x632x128xf32, #tpu.memory_space<hbm>> -> memref<632x128xf32, #tpu.memory_space<hbm>>
      %dma_start3A_11 = arith.constant 0 : i32
      %dma_start3A_12 = tpu.memref_slice %arg9[%mul3A_0, %dma_start3A_11] : memref<10112x128xf32, #tpu.memory_space<vmem_shared>> -> memref<632x128xf32, #tpu.memory_space<vmem_shared>>
      tpu.enqueue_dma source(%dma_start3A_12 : memref<632x128xf32, #tpu.memory_space<vmem_shared>>) target(%dma_start3A_10 : memref<632x128xf32, #tpu.memory_space<hbm>>) target_semaphore(%run_scoped3A : memref<!tpu.dma_semaphore, #tpu.memory_space<semaphore_mem>>)
      %dma_wait3A = arith.constant 0 : i32
      %dma_wait3A_13 = tpu.memref_slice %arg7[%arg0, %mul3A_0, %dma_wait3A] : memref<2x10112x128xf32, #tpu.memory_space<hbm>> -> memref<1x632x128xf32, #tpu.memory_space<hbm>>
      %dma_wait3A_14 = tpu.memref_squeeze %dma_wait3A_13 : memref<1x632x128xf32, #tpu.memory_space<hbm>> -> memref<632x128xf32, #tpu.memory_space<hbm>>
      %dma_wait3A_15 = arith.constant 0 : i32
      %dma_wait3A_16 = tpu.memref_slice %arg9[%mul3A_0, %dma_wait3A_15] : memref<10112x128xf32, #tpu.memory_space<vmem_shared>> -> memref<632x128xf32, #tpu.memory_space<vmem_shared>>
      tpu.wait_dma2 semaphore(%run_scoped3A : memref<!tpu.dma_semaphore, #tpu.memory_space<semaphore_mem>>) src(%dma_wait3A_16 : memref<632x128xf32, #tpu.memory_space<vmem_shared>>) dst(%dma_wait3A_14 : memref<632x128xf32, #tpu.memory_space<hbm>>)
      tpu.yield
    }) : () -> ()
    "tpu.region"() ({
      %run_scoped3A = tpu.sem_alloc : memref<!tpu.dma_semaphore, #tpu.memory_space<semaphore_mem>>
      %dma_start3A = arith.constant 0 : i32
      %dma_start3A_9 = tpu.memref_slice %arg8[%arg0, %arg1, %dma_start3A] : memref<2x16x10112xi32, #tpu.memory_space<hbm>> -> memref<1x1x10112xi32, #tpu.memory_space<hbm>>
      %dma_start3A_10 = tpu.memref_squeeze %dma_start3A_9 : memref<1x1x10112xi32, #tpu.memory_space<hbm>> -> memref<10112xi32, #tpu.memory_space<hbm>>
      %dma_start3A_11 = arith.constant 0 : i32
      %dma_start3A_12 = tpu.memref_slice %arg8[%arg0, %arg1, %dma_start3A_11] : memref<2x16x10112xi32, #tpu.memory_space<hbm>> -> memref<1x1x10112xi32, #tpu.memory_space<hbm>>
      %dma_start3A_13 = tpu.memref_squeeze %dma_start3A_12 : memref<1x1x10112xi32, #tpu.memory_space<hbm>> -> memref<10112xi32, #tpu.memory_space<hbm>>
      tpu.enqueue_dma source(%arg10 : memref<10112xi32, #tpu.memory_space<vmem>>) target(%dma_start3A_13 : memref<10112xi32, #tpu.memory_space<hbm>>) target_semaphore(%run_scoped3A : memref<!tpu.dma_semaphore, #tpu.memory_space<semaphore_mem>>)
      %dma_wait3A = arith.constant 0 : i32
      %dma_wait3A_14 = tpu.memref_slice %arg8[%arg0, %arg1, %dma_wait3A] : memref<2x16x10112xi32, #tpu.memory_space<hbm>> -> memref<1x1x10112xi32, #tpu.memory_space<hbm>>
      %dma_wait3A_15 = tpu.memref_squeeze %dma_wait3A_14 : memref<1x1x10112xi32, #tpu.memory_space<hbm>> -> memref<10112xi32, #tpu.memory_space<hbm>>
      %dma_wait3A_16 = arith.constant 0 : i32
      %dma_wait3A_17 = tpu.memref_slice %arg8[%arg0, %arg1, %dma_wait3A_16] : memref<2x16x10112xi32, #tpu.memory_space<hbm>> -> memref<1x1x10112xi32, #tpu.memory_space<hbm>>
      %dma_wait3A_18 = tpu.memref_squeeze %dma_wait3A_17 : memref<1x1x10112xi32, #tpu.memory_space<hbm>> -> memref<10112xi32, #tpu.memory_space<hbm>>
      tpu.wait_dma2 semaphore(%run_scoped3A : memref<!tpu.dma_semaphore, #tpu.memory_space<semaphore_mem>>) src(%arg10 : memref<10112xi32, #tpu.memory_space<vmem>>) dst(%dma_wait3A_18 : memref<10112xi32, #tpu.memory_space<hbm>>)
      tpu.yield
    }) : () -> ()
    return
  }
}

module attributes {stable_mosaic.version = 14 : i64} {
  func.func @_prep_body(%arg0: i32, %arg1: memref<1000x128xf32, #tpu.memory_space<vmem>>, %arg2: memref<1000x128xf32, #tpu.memory_space<vmem>>) attributes {dimension_semantics = [#tpu.dimension_semantics<arbitrary>], iteration_bounds = array<i64: 10>, scalar_prefetch = 0 : i64, scratch_operands = 0 : i64, tpu.core_type = #tpu.core_type<tc>, window_params = [{transform_indices = @transform_0, window_bounds = array<i64: 1000, 128>}, {transform_indices = @transform_1, window_bounds = array<i64: 1000, 128>}]} {
    %get3A = arith.constant 0 : index
    %get3A_0 = arith.constant 0 : index
    %get3A_1 = vector.load %arg1[%get3A, %get3A_0] : memref<1000x128xf32, #tpu.memory_space<vmem>>, vector<1000x128xf32>
    %mul3A = arith.mulf %get3A_1, %get3A_1 : vector<1000x128xf32>
    %reduce_sum3A = arith.constant dense<0.000000e+00> : vector<1000xf32>
    %reduce_sum3A_2 = vector.multi_reduction <add>, %mul3A, %reduce_sum3A [1] : vector<1000x128xf32> to vector<1000xf32>
    %broadcast_in_dim3A = vector.shape_cast %reduce_sum3A_2 : vector<1000xf32> to vector<1000x1xf32>
    %sqrt3A = math.sqrt %broadcast_in_dim3A : vector<1000x1xf32>
    %div3A = vector.broadcast %sqrt3A : vector<1000x1xf32> to vector<1000x128xf32>
    %div3A_3 = arith.divf %get3A_1, %div3A : vector<1000x128xf32>
    %swap3A = arith.constant 0 : index
    %swap3A_4 = arith.constant 0 : index
    %swap3A_5 = vector.load %arg2[%swap3A, %swap3A_4] : memref<1000x128xf32, #tpu.memory_space<vmem>>, vector<1000x128xf32>
    tpu.vector_store %arg2[%swap3A, %swap3A_4], %div3A_3 {strides = array<i32>} : memref<1000x128xf32, #tpu.memory_space<vmem>>, vector<1000x128xf32>,
    return
  }
  func.func @transform_0(%arg0: i32) -> (i32, i32) {
    %c0_i32 = arith.constant 0 : i32
    %c0_i32_0 = arith.constant 0 : i32
    return %arg0, %c0_i32 : i32, i32
  }
  func.func @transform_1(%arg0: i32) -> (i32, i32) {
    %c0_i32 = arith.constant 0 : i32
    %c0_i32_0 = arith.constant 0 : i32
    return %arg0, %c0_i32 : i32, i32
  }
}

module attributes {stable_mosaic.version = 14 : i64} {
  func.func @_fin_body(%arg0: i32, %arg1: memref<1000x128xf32, #tpu.memory_space<vmem>>, %arg2: memref<2x1000x128xf32, #tpu.memory_space<vmem>>, %arg3: memref<1000x32xi32, #tpu.memory_space<vmem>>, %arg4: memref<1x128xf32, #tpu.memory_space<vmem>>, %arg5: memref<1x128xf32, #tpu.memory_space<vmem>>, %arg6: memref<1000x128xf32, #tpu.memory_space<vmem>>) attributes {dimension_semantics = [#tpu.dimension_semantics<arbitrary>], iteration_bounds = array<i64: 10>, scalar_prefetch = 0 : i64, scratch_operands = 0 : i64, tpu.core_type = #tpu.core_type<tc>, window_params = [{transform_indices = @transform_0, window_bounds = array<i64: 1000, 128>}, {transform_indices = @transform_1, window_bounds = array<i64: 2, 1000, 128>}, {transform_indices = @transform_2, window_bounds = array<i64: 1000, 32>}, {pipeline_mode = #tpu.pipeline_mode<synchronous>, transform_indices = @transform_3, window_bounds = array<i64: 1, 128>}, {pipeline_mode = #tpu.pipeline_mode<synchronous>, transform_indices = @transform_4, window_bounds = array<i64: 1, 128>}, {transform_indices = @transform_5, window_bounds = array<i64: 1000, 128>}]} {
    %get3A = arith.constant 0 : index
    %get3A_0 = arith.constant 0 : index
    %get3A_1 = vector.load %arg1[%get3A, %get3A_0] : memref<1000x128xf32, #tpu.memory_space<vmem>>, vector<1000x128xf32>
    %get3A_2 = arith.constant 0 : index
    %get3A_3 = arith.constant 0 : index
    %get3A_4 = arith.constant 0 : index
    %get3A_5 = vector.load %arg2[%get3A_2, %get3A_3, %get3A_4] : memref<2x1000x128xf32, #tpu.memory_space<vmem>>, vector<1x1000x128xf32>
    %get3A_6 = vector.shape_cast %get3A_5 : vector<1x1000x128xf32> to vector<1000x128xf32>
    %get3A_7 = arith.constant 1 : index
    %get3A_8 = arith.constant 0 : index
    %get3A_9 = arith.constant 0 : index
    %get3A_10 = vector.load %arg2[%get3A_7, %get3A_8, %get3A_9] : memref<2x1000x128xf32, #tpu.memory_space<vmem>>, vector<1x1000x128xf32>
    %get3A_11 = vector.shape_cast %get3A_10 : vector<1x1000x128xf32> to vector<1000x128xf32>
    %add3A = arith.addf %get3A_6, %get3A_11 : vector<1000x128xf32>
    %get3A_12 = arith.constant 0 : index
    %get3A_13 = arith.constant 0 : index
    %get3A_14 = vector.load %arg3[%get3A_12, %get3A_13] : memref<1000x32xi32, #tpu.memory_space<vmem>>, vector<1000x32xi32>
    %reduce_sum3A = arith.constant dense<0> : vector<1000xi32>
    %reduce_sum3A_15 = vector.multi_reduction <add>, %get3A_14, %reduce_sum3A [1] : vector<1000x32xi32> to vector<1000xi32>
    %convert_element_type3A = arith.sitofp %reduce_sum3A_15 : vector<1000xi32> to vector<1000xf32>
    %mul3A = arith.mulf %get3A_1, %get3A_1 : vector<1000x128xf32>
    %reduce_sum3A_16 = arith.constant dense<0.000000e+00> : vector<1000xf32>
    %reduce_sum3A_17 = vector.multi_reduction <add>, %mul3A, %reduce_sum3A_16 [1] : vector<1000x128xf32> to vector<1000xf32>
    %broadcast_in_dim3A = vector.shape_cast %reduce_sum3A_17 : vector<1000xf32> to vector<1000x1xf32>
    %sqrt3A = math.sqrt %broadcast_in_dim3A : vector<1000x1xf32>
    %div3A = vector.broadcast %sqrt3A : vector<1000x1xf32> to vector<1000x128xf32>
    %div3A_18 = arith.divf %get3A_1, %div3A : vector<1000x128xf32>
    %mul3A_19 = arith.mulf %div3A_18, %add3A : vector<1000x128xf32>
    %reduce_sum3A_20 = arith.constant dense<0.000000e+00> : vector<1000xf32>
    %reduce_sum3A_21 = vector.multi_reduction <add>, %mul3A_19, %reduce_sum3A_20 [1] : vector<1000x128xf32> to vector<1000xf32>
    %max3A = arith.constant 1.000000e+00 : f32
    %max3A_22 = vector.broadcast %max3A : f32 to vector<1000xf32>
    %max3A_23 = arith.maximumf %convert_element_type3A, %max3A_22 : vector<1000xf32>
    %div3A_24 = arith.divf %reduce_sum3A_21, %max3A_23 : vector<1000xf32>
    %le3A = arith.constant 3.000000e-01 : f32
    %le3A_25 = vector.broadcast %le3A : f32 to vector<1000xf32>
    %le3A_26 = arith.cmpf ole, %div3A_24, %le3A_25 : vector<1000xf32>
    %gt3A = arith.constant 0.000000e+00 : f32
    %gt3A_27 = vector.broadcast %gt3A : f32 to vector<1000xf32>
    %gt3A_28 = arith.cmpf ogt, %convert_element_type3A, %gt3A_27 : vector<1000xf32>
    %and3A = arith.andi %le3A_26, %gt3A_28 : vector<1000xi1>
    %le3A_29 = arith.constant 2.000000e+01 : f32
    %le3A_30 = vector.broadcast %le3A_29 : f32 to vector<1000xf32>
    %le3A_31 = arith.cmpf ole, %convert_element_type3A, %le3A_30 : vector<1000xf32>
    %get3A_32 = arith.constant 0 : index
    %get3A_33 = arith.constant 0 : index
    %get3A_34 = vector.load %arg4[%get3A_32, %get3A_33] : memref<1x128xf32, #tpu.memory_space<vmem>>, vector<1x128xf32>
    %get3A_35 = arith.constant 0 : index
    %get3A_36 = arith.constant 0 : index
    %get3A_37 = vector.load %arg5[%get3A_35, %get3A_36] : memref<1x128xf32, #tpu.memory_space<vmem>>, vector<1x128xf32>
    %ne3A = arith.constant 0.000000e+00 : f32
    %ne3A_38 = vector.broadcast %ne3A : f32 to vector<1x128xf32>
    %ne3A_39 = arith.cmpf one, %get3A_34, %ne3A_38 : vector<1x128xf32>
    %reduce_and3A = arith.constant 1.000000e+00 : f32
    %reduce_and3A_40 = arith.constant 0.000000e+00 : f32
    %reduce_and3A_41 = vector.broadcast %reduce_and3A : f32 to vector<1x128xf32>
    %reduce_and3A_42 = vector.broadcast %reduce_and3A_40 : f32 to vector<1x128xf32>
    %reduce_and3A_43 = arith.select %ne3A_39, %reduce_and3A_41, %reduce_and3A_42 : vector<1x128xi1>, vector<1x128xf32>
    %reduce_and3A_44 = vector.shape_cast %reduce_and3A_43 : vector<1x128xf32> to vector<1x1x128xf32>
    %reduce_and3A_45 = arith.constant dense<0x7F800000> : vector<1xf32>
    %reduce_and3A_46 = vector.multi_reduction <minimumf>, %reduce_and3A_44, %reduce_and3A_45 [1, 2] : vector<1x1x128xf32> to vector<1xf32>
    %reduce_and3A_47 = vector.shape_cast %reduce_and3A_46 : vector<1xf32> to vector<1x1x1xf32>
    %reduce_and3A_48 = vector.extract %reduce_and3A_47[0, 0, 0] : f32 from vector<1x1x1xf32>
    %reduce_and3A_49 = arith.constant 0.000000e+00 : f32
    %reduce_and3A_50 = arith.cmpf ogt, %reduce_and3A_48, %reduce_and3A_49 : f32
    %ne3A_51 = arith.constant 0.000000e+00 : f32
    %ne3A_52 = vector.broadcast %ne3A_51 : f32 to vector<1x128xf32>
    %ne3A_53 = arith.cmpf one, %get3A_37, %ne3A_52 : vector<1x128xf32>
    %reduce_and3A_54 = arith.constant 1.000000e+00 : f32
    %reduce_and3A_55 = arith.constant 0.000000e+00 : f32
    %reduce_and3A_56 = vector.broadcast %reduce_and3A_54 : f32 to vector<1x128xf32>
    %reduce_and3A_57 = vector.broadcast %reduce_and3A_55 : f32 to vector<1x128xf32>
    %reduce_and3A_58 = arith.select %ne3A_53, %reduce_and3A_56, %reduce_and3A_57 : vector<1x128xi1>, vector<1x128xf32>
    %reduce_and3A_59 = vector.shape_cast %reduce_and3A_58 : vector<1x128xf32> to vector<1x1x128xf32>
    %reduce_and3A_60 = arith.constant dense<0x7F800000> : vector<1xf32>
    %reduce_and3A_61 = vector.multi_reduction <minimumf>, %reduce_and3A_59, %reduce_and3A_60 [1, 2] : vector<1x1x128xf32> to vector<1xf32>
    %reduce_and3A_62 = vector.shape_cast %reduce_and3A_61 : vector<1xf32> to vector<1x1x1xf32>
    %reduce_and3A_63 = vector.extract %reduce_and3A_62[0, 0, 0] : f32 from vector<1x1x1xf32>
    %reduce_and3A_64 = arith.constant 0.000000e+00 : f32
    %reduce_and3A_65 = arith.cmpf ogt, %reduce_and3A_63, %reduce_and3A_64 : f32
    %and3A_66 = vector.broadcast %reduce_and3A_50 : i1 to vector<1000xi1>
    %and3A_67 = arith.andi %and3A, %and3A_66 : vector<1000xi1>
    %jit3A = arith.constant 1.000000e+00 : f32
    %jit3A_68 = arith.constant 0.000000e+00 : f32
    %broadcast_in_dim3A_69 = vector.broadcast %jit3A : f32 to vector<1000xf32>
    %broadcast_in_dim3A_70 = vector.broadcast %jit3A_68 : f32 to vector<1000xf32>
    %select_n3A = arith.select %and3A_67, %broadcast_in_dim3A_69, %broadcast_in_dim3A_70 : vector<1000xi1>, vector<1000xf32>
    %and3A_71 = vector.broadcast %reduce_and3A_65 : i1 to vector<1000xi1>
    %and3A_72 = arith.andi %le3A_31, %and3A_71 : vector<1000xi1>
    %jit3A_73 = arith.constant 1.000000e+00 : f32
    %jit3A_74 = arith.constant 0.000000e+00 : f32
    %broadcast_in_dim3A_75 = vector.broadcast %jit3A_73 : f32 to vector<1000xf32>
    %broadcast_in_dim3A_76 = vector.broadcast %jit3A_74 : f32 to vector<1000xf32>
    %select_n3A_77 = arith.select %and3A_72, %broadcast_in_dim3A_75, %broadcast_in_dim3A_76 : vector<1000xi1>, vector<1000xf32>
    %add3A_78 = arith.addf %select_n3A, %select_n3A_77 : vector<1000xf32>
    %jit3A_79 = arith.constant 1.000000e+00 : f32
    %jit3A_80 = arith.constant 0.000000e+00 : f32
    %broadcast_in_dim3A_81 = vector.broadcast %jit3A_79 : f32 to vector<1000xf32>
    %broadcast_in_dim3A_82 = vector.broadcast %jit3A_80 : f32 to vector<1000xf32>
    %select_n3A_83 = arith.select %and3A, %broadcast_in_dim3A_81, %broadcast_in_dim3A_82 : vector<1000xi1>, vector<1000xf32>
    %broadcast_in_dim3A_84 = vector.shape_cast %select_n3A_83 : vector<1000xf32> to vector<1000x1xf32>
    %mul3A_85 = vector.broadcast %broadcast_in_dim3A_84 : vector<1000x1xf32> to vector<1000x128xf32>
    %mul3A_86 = vector.broadcast %get3A_34 : vector<1x128xf32> to vector<1000x128xf32>
    %mul3A_87 = arith.mulf %mul3A_85, %mul3A_86 : vector<1000x128xf32>
    %jit3A_88 = arith.constant 1.000000e+00 : f32
    %jit3A_89 = arith.constant 0.000000e+00 : f32
    %broadcast_in_dim3A_90 = vector.broadcast %jit3A_88 : f32 to vector<1000xf32>
    %broadcast_in_dim3A_91 = vector.broadcast %jit3A_89 : f32 to vector<1000xf32>
    %select_n3A_92 = arith.select %le3A_31, %broadcast_in_dim3A_90, %broadcast_in_dim3A_91 : vector<1000xi1>, vector<1000xf32>
    %broadcast_in_dim3A_93 = vector.shape_cast %select_n3A_92 : vector<1000xf32> to vector<1000x1xf32>
    %mul3A_94 = vector.broadcast %broadcast_in_dim3A_93 : vector<1000x1xf32> to vector<1000x128xf32>
    %mul3A_95 = vector.broadcast %get3A_37 : vector<1x128xf32> to vector<1000x128xf32>
    %mul3A_96 = arith.mulf %mul3A_94, %mul3A_95 : vector<1000x128xf32>
    %add3A_97 = arith.addf %mul3A_87, %mul3A_96 : vector<1000x128xf32>
    %broadcast_in_dim3A_98 = vector.shape_cast %add3A_78 : vector<1000xf32> to vector<1000x1xf32>
    %ne3A_99 = arith.constant 0.000000e+00 : f32
    %ne3A_100 = vector.broadcast %ne3A_99 : f32 to vector<1000x1xf32>
    %ne3A_101 = arith.cmpf one, %broadcast_in_dim3A_98, %ne3A_100 : vector<1000x1xf32>
    %max3A_102 = arith.constant 1.000000e+00 : f32
    %max3A_103 = vector.broadcast %max3A_102 : f32 to vector<1000xf32>
    %max3A_104 = arith.maximumf %add3A_78, %max3A_103 : vector<1000xf32>
    %broadcast_in_dim3A_105 = vector.shape_cast %max3A_104 : vector<1000xf32> to vector<1000x1xf32>
    %div3A_106 = vector.broadcast %broadcast_in_dim3A_105 : vector<1000x1xf32> to vector<1000x128xf32>
    %div3A_107 = arith.divf %add3A_97, %div3A_106 : vector<1000x128xf32>
    %jit3A_108 = arith.constant 0.000000e+00 : f32
    %broadcast_in_dim3A_109 = vector.shape_cast %ne3A_101 : vector<1000x1xi1> to vector<1000x1xi1>
    %broadcast_in_dim3A_110 = vector.broadcast %broadcast_in_dim3A_109 : vector<1000x1xi1> to vector<1000x128xi1>
    %broadcast_in_dim3A_111 = vector.broadcast %jit3A_108 : f32 to vector<1000x128xf32>
    %select_n3A_112 = arith.select %broadcast_in_dim3A_110, %div3A_107, %broadcast_in_dim3A_111 : vector<1000x128xi1>, vector<1000x128xf32>
    %add3A_113 = arith.addf %get3A_1, %select_n3A_112 : vector<1000x128xf32>
    %swap3A = arith.constant 0 : index
    %swap3A_114 = arith.constant 0 : index
    %swap3A_115 = vector.load %arg6[%swap3A, %swap3A_114] : memref<1000x128xf32, #tpu.memory_space<vmem>>, vector<1000x128xf32>
    tpu.vector_store %arg6[%swap3A, %swap3A_114], %add3A_113 {strides = array<i32>} : memref<1000x128xf32, #tpu.memory_space<vmem>>, vector<1000x128xf32>,
    return
  }
  func.func @transform_0(%arg0: i32) -> (i32, i32) {
    %c0_i32 = arith.constant 0 : i32
    %c0_i32_0 = arith.constant 0 : i32
    return %arg0, %c0_i32 : i32, i32
  }
  func.func @transform_1(%arg0: i32) -> (i32, i32, i32) {
    %c0_i32 = arith.constant 0 : i32
    %c0_i32_0 = arith.constant 0 : i32
    %c0_i32_1 = arith.constant 0 : i32
    return %c0_i32, %arg0, %c0_i32_0 : i32, i32, i32
  }
  func.func @transform_2(%arg0: i32) -> (i32, i32) {
    %c0_i32 = arith.constant 0 : i32
    %c0_i32_0 = arith.constant 0 : i32
    return %arg0, %c0_i32 : i32, i32
  }
  func.func @transform_3(%arg0: i32) -> (i32, i32) {
    %c0_i32 = arith.constant 0 : i32
    %c0_i32_0 = arith.constant 0 : i32
    %c0_i32_1 = arith.constant 0 : i32
    return %c0_i32, %c0_i32_0 : i32, i32
  }
  func.func @transform_4(%arg0: i32) -> (i32, i32) {
    %c0_i32 = arith.constant 0 : i32
    %c0_i32_0 = arith.constant 0 : i32
    %c0_i32_1 = arith.constant 0 : i32
    return %c0_i32, %c0_i32_0 : i32, i32
  }
  func.func @transform_5(%arg0: i32) -> (i32, i32) {
    %c0_i32 = arith.constant 0 : i32
    %c0_i32_0 = arith.constant 0 : i32
    return %arg0, %c0_i32 : i32, i32
  }
}

</mosaic_0001>

<sc_bundles>
// kernel: kernel.5.cloned.1.call-start
scs
__scs_entry_jumppad:
0x0: {  	(pc) =	sbr.rel $0x88, $3  }
0x1: {  	(tag) =	ssettag $0x0;
	lr =	simm.s32 $0x1  }
0x2: {  	[smem:$0x3F9D] =	sst lr;
	_ =	strace $0xD0000000  }
0x3: {  	_ = 	snop  }
0x4: {  	_ = 	snop  }
0x5: {  	_ = 	snop  }
0x6: {  	_ = 	snop  }
0x7: {  	_ = 	snop  }
__scs_overlays_trampoline_lowered:
0x8: {  	[smem:$0x3FAC] =	sst s0  }
0x9: {  	[smem:$0x3FAD] =	sst s1  }
0xa: {  	[smem:$0x3FAE] =	sst s2  }
0xb: {  	[smem:$0x3FAF] =	sst s3  }
0xc: {  	[smem:$0x3FB0] =	sst s4  }
0xd: {  	[smem:$0x3FB1] =	sst s5  }
0xe: {  	[smem:$0x3FB2] =	sst s6  }
0xf: {  	[smem:$0x3FB3] =	sst s7  }
0x10: {  	[smem:$0x3FB4] =	sst s8  }
0x11: {  	[smem:$0x3FB5] =	sst s9;
	s0 =	simm.s32 @!p0 $0x0  }
0x12: {  	s1 =	sld [smem:$0x3F9B];
	s0 =	simm.s32 @p0 $0x1  }
0x13: {  	[smem:$0x3FB6] =	sst s0;
	s0 =	simm.s32 @!p1 $0x0  }
0x14: {  	s2 =	sld [smem:$0x3F9A];
	s0 =	simm.s32 @p1 $0x1  }
0x15: {  	[smem:$0x3FB7] =	sst s0;
	s0 =	simm.s32 @!p2 $0x0  }
0x16: {  	s3 =	sld [smem:$0x3FDB];
	s0 =	simm.s32 @p2 $0x1  }
0x17: {  	s4 =	simm.s32 $0x1BF5;
	[smem:$0x3FB9] =	sst s0  }
0x18: {  	s0 =	sld [smem:$0x3F9C];
	_ =	swait.ge [sflag:s4], $0x0  }
0x19: {  	s7 =	sld [smem:$0x3F9D]  }
0x1a: {  	s8 =	sadd.s32 $0xFFFFE003, lr  }
0x1b: {  	s9 =	sadd.s32 $0xFFFFFEF7, lr;
	s5 =	simm.s32 $0xFFFFFFFF;
	p2 =	slt.u32 s8, $0xFFFFF086  }
0x1c: {  	p1 =	slt.u32 s9, $0xF7A;
	s5 =	simm.s32 @!p2 $0x0  }
0x1d: {  	s5 =	simm.s32 @p1 $0x1;
	p0 =	seq.s32 s7, s2  }
0x1e: {  	s7 =	smul.u32 @!p0 $0xF7A, s2;
	p2 =	seq.s32 @!p0 s5, $0x0  }
0x1f: {  	s9 =	smul.u32 $0xF7A, s1;
	s8 =	simm.s32 @!p0 $0x1BF5;
	p2 =	por !p2, p0  }
0x20: {  	[sflag:s8] =	ssyncset.s32 @!p0 $0xFFFFF086;
	s6 =	sadd.s32 @!p0 s3, s7;
	s7 =	simm.s32 @!p0 $0x108  }
0x21: {  	s3 =	sadd.s32 s3, s9;
	s6 =	sadd.s32 @!p0 $0x88, s6;
	s7 =	simm.s32 @p2 $0x1082  }
0x22: {  	[simem:s7], [sflag:s8] =	dma.local @!p0 [hbm:s6], $0xF7A  }
0x23: {  	s9 =	sor.u32 $0xD0000000, s2;
	s6 =	simm.s32 $0x108;
	_ =	swait.ge @!p0 [sflag:s8], $0x0  }
0x24: {  	s3 =	sadd.s32 $0x88, s3;
	s6 =	simm.s32 @!p1 $0x1082;
	[sflag:s4] =	ssyncset.s32 $0xFFFFF086  }
0x25: {  	[simem:s6], [sflag:s4] =	dma.local [hbm:s3], $0xF7A  }
0x26: {  	[smem:$0x3F9D] =	sst s1;
	(tag) =	ssettag s2;
	_ =	strace s9  }
0x27: {  	s1 =	sld [smem:$0x3FAD]  }
0x28: {  	s2 =	sld [smem:$0x3FAE]  }
0x29: {  	s4 =	sld [smem:$0x3FB0]  }
0x2a: {  	p0 =	seq.s32 s5, $0x0;
	s5 =	sld [smem:$0x3FB1]  }
0x2b: {  	s6 =	sld [smem:$0x3FB2]  }
0x2c: {  	s7 =	sld [smem:$0x3FB3]  }
0x2d: {  	s3 =	simm.s32 $0x108;
	s8 =	sld [smem:$0x3FB4]  }
0x2e: {  	s3 =	simm.s32 @!p0 $0x1082;
	s9 =	sld [smem:$0x3FB5]  }
0x2f: {  	lr =	sadd.s32 s0, s3;
	s0 =	sld [smem:$0x3FAC]  }
0x30: {  	s3 =	sld [smem:$0x3FAF]  }
0x31: {  	[smem:$0x3FB8] =	sst s10  }
0x32: {  	s10 =	sld [smem:$0x3FB6];
	_ =	sdelay $0x3  }
0x33: {  	p0 =	seq.s32 s10, $0x1;
	s10 =	sld [smem:$0x3FB8];
	_ =	sdelay $0x3  }
0x34: {  	[smem:$0x3FB8] =	sst s10  }
0x35: {  	s10 =	sld [smem:$0x3FB7];
	_ =	sdelay $0x3  }
0x36: {  	p1 =	seq.s32 s10, $0x1;
	s10 =	sld [smem:$0x3FB8];
	_ =	sdelay $0x3  }
0x37: {  	[smem:$0x3FB8] =	sst s10  }
0x38: {  	s10 =	sld [smem:$0x3FB9]  }
0x39: {  	_ = 	snop;
	(pc) =	sbr.ind lr, $3  }
0x3a: {  	_ = 	snop  }
0x3b: {  	_ = 	snop  }
0x3c: {  	p2 =	seq.s32 s10, $0x1;
	s10 =	sld [smem:$0x3FB8]  }
0x3d: {  	_ =	shalt  }
0x3e: {  	_ =	shalt  }
0x3f: {  	_ =	shalt  }
0x40: {  	_ =	shalt  }
0x41: {  	_ =	shalt  }
0x42: {  	_ =	shalt  }
0x43: {  	_ =	shalt  }
0x44: {  	_ =	shalt  }
0x45: {  	_ =	shalt  }
0x46: {  	_ =	shalt  }
0x47: {  	_ =	shalt  }
0x48: {  	_ =	shalt  }
0x49: {  	_ =	shalt  }
0x4a: {  	_ =	shalt  }
0x4b: {  	_ =	shalt  }
0x4c: {  	_ =	shalt  }
0x4d: {  	_ =	shalt  }
0x4e: {  	_ =	shalt  }
0x4f: {  	_ =	shalt  }
0x50: {  	_ =	shalt  }
0x51: {  	_ =	shalt  }
0x52: {  	_ =	shalt  }
0x53: {  	_ =	shalt  }
0x54: {  	_ =	shalt  }
0x55: {  	_ =	shalt  }
0x56: {  	_ =	shalt  }
0x57: {  	_ =	shalt  }
0x58: {  	_ =	shalt  }
0x59: {  	_ =	shalt  }
0x5a: {  	_ =	shalt  }
0x5b: {  	_ =	shalt  }
0x5c: {  	_ =	shalt  }
0x5d: {  	_ =	shalt  }
0x5e: {  	_ =	shalt  }
0x5f: {  	_ =	shalt  }
0x60: {  	_ =	shalt  }
0x61: {  	_ =	shalt  }
0x62: {  	_ =	shalt  }
0x63: {  	_ =	shalt  }
0x64: {  	_ =	shalt  }
0x65: {  	_ =	shalt  }
0x66: {  	_ =	shalt  }
0x67: {  	_ =	shalt  }
0x68: {  	_ =	shalt  }
0x69: {  	_ =	shalt  }
0x6a: {  	_ =	shalt  }
0x6b: {  	_ =	shalt  }
0x6c: {  	_ =	shalt  }
0x6d: {  	_ =	shalt  }
0x6e: {  	_ =	shalt  }
0x6f: {  	_ =	shalt  }
0x70: {  	_ =	shalt  }
0x71: {  	_ =	shalt  }
0x72: {  	_ =	shalt  }
0x73: {  	_ =	shalt  }
0x74: {  	_ =	shalt  }
0x75: {  	_ =	shalt  }
0x76: {  	_ =	shalt  }
0x77: {  	_ =	shalt  }
0x78: {  	_ =	shalt  }
0x79: {  	_ =	shalt  }
0x7a: {  	_ =	shalt  }
0x7b: {  	_ =	shalt  }
0x7c: {  	_ =	shalt  }
0x7d: {  	_ =	shalt  }
0x7e: {  	_ =	shalt  }
0x7f: {  	_ =	shalt  }
0x80: {  	_ =	shalt  }
0x81: {  	_ =	shalt  }
0x82: {  	_ =	shalt  }
0x83: {  	_ =	shalt  }
0x84: {  	_ =	shalt  }
0x85: {  	_ =	shalt  }
0x86: {  	_ =	shalt  }
0x87: {  	_ =	shalt  }
.Lfunc_end0:
.L_simem_size_0:
called_computation_lowered:
.L_overlay_start_0:
0x88: {  	s2 =	sld [smem:$0x3FD9]  }
0x89: {  	s3 =	sld [smem:$0x3FFE];
	_ =	sdelay $0x1  }
0x8a: {  	s1 =	srdreg.scid  }
0x8b: {  	s0 =	sand.u32 $0x1, s1  }
0x8c: {  	s17 =	sshll.u32 s0, $0xA;
	s2 =	sadd.s32 s3, s2  }
0x8d: {  	s2 =	sadd.s32 s2, s17  }
0x8e: {  	[smem:$0x3FC4] =	sst s2  }
0x8f: {  	_ = 	snop  }
0x90: {  	s2 =	sld [smem:$0x3FD0];
	(tm) =	ssettm $0x1  }
0x91: {  	s18 =	sld [smem:$0x3FFB];
	_ =	sdelay $0x3  }
0x92: {  	_ =	strace s18  }
0x93: {  	s3 =	sld [smem:$0x3FFC];
	_ =	sdelay $0x3  }
0x94: {  	_ =	strace s3  }
0x95: {  	s3 =	sld [smem:$0x3FFD];
	_ =	sdelay $0x3  }
0x96: {  	_ =	strace s3  }
0x97: {  	_ =	strace $0x8FFFFFFF  }
0x98: {  	s19 =	sld [smem:$0x3FDB];
	_ =	sdelay $0x1  }
0x99: {  	s4 =	simm.s32 $_scs_section_size  }
0x9a: {  	s5 =	simm.s32 $_size__tile_overlayer_lowered;
	s6 =	simm.s32 $_tile_overlayer_lowered  }
0x9b: {  	s22 =	simm.s32 $0x1BFF;
	s21 =	sshll.u32 s6, $0x1;
	s3 =	sadd.s32 s4, s19  }
0x9c: {  	s7 =	simm.s32 $0x0;
	s20 =	sshll.u32 s5, $0x1;
	s5 =	sadd.s32 s21, s3  }
0x9d: {  	[timem:s7], [sflag:s22] =	dma.local [hbm:s5], s20  }
0x9e: {  	_ =	swait.ge [sflag:s22], s20  }
0x9f: {  	s4 =	ssub.s32 $0x0, s20;
	[sflag:s22] =	ssyncset.done $0x0  }
0xa0: {  	[sflag:s22] =	ssyncadd.s32 s4;
	_ =	sdelay $0x1  }
0xa1: {  	s23 =	simm.s32 $0x1B8B  }
0xa2: {  	_ =	swait.ge [sflag:s23], $0x1  }
0xa3: {  	[sflag:s23] =	ssyncset.done $0x0  }
0xa4: {  	s25 =	simm.s32 $0x1B8E;
	s24 =	sld [smem:$0x3FFE];
	[sflag:s23] =	ssyncadd.s32 $0xFFFFFFFF  }
0xa5: {  	s26 =	simm.s32 $execute0_lowered;
	[smem:$0x3FD2] =	sst s25  }
0xa6: {  	s5 =	sshll.u32 s26, $0x1;
	_ =	strace $0x80000046;
	[dreg:$0x1] =	wrdreg $0xFFFFFFFF  }
0xa7: {  	s28 =	simm.s32 $_size_execute0_lowered;
	s3 =	sadd.s32 s3, s5;
	[dreg:$0x0] =	wrdreg $0x0  }
0xa8: {  	s5 =	sshll.u32 s28, $0x1;
	[dreg:$0x2] =	wrdreg s3  }
0xa9: {  	[dreg:$0x3] =	wrdreg s5  }
0xaa: {  	[dreg:$0x4] =	wrdreg $0xC0  }
0xab: {  	_ =	task [dreg:s7], $0x5FFFF  }
0xac: {  	[dreg:$0x1] =	wrdreg $0xFFFFFFFF  }
0xad: {  	[dreg:$0x0] =	wrdreg $0x60  }
0xae: {  	[dreg:$0x2] =	wrdreg s2  }
0xaf: {  	[dreg:$0x3] =	wrdreg s24  }
0xb0: {  	[dreg:$0x4] =	wrdreg $0x0  }
0xb1: {  	[dreg:$0x5] =	wrdreg $0x9  }
0xb2: {  	_ =	task.clear_ibuf [dreg:s7], $0x6FFFF;
	_ =	strace $0x90000046  }
0xb3: {  	s29 =	simm.s32 $0x9;
	_ =	strace $0x80000048  }
0xb4: {  	_ =	swait.ge [sflag:s29], $0x1  }
0xb5: {  	[sflag:s29] =	ssyncadd.s32 $0xFFFFFFFF  }
0xb6: {  	_ =	strace $0x90000048  }
0xb7: {  	_ =	sfence  }
0xb8: {  	s30 =	sld [smem:$0x0];
	_ =	sdelay $0x2  }
0xb9: {  	s31 =	sshll.u32 s1, $0xD;
	s1 =	sshrl.u32 s1, $0x2  }
0xba: {  	s3 =	sand.u32 $0x4000, s31;
	s1 =	sadd.s32 s1, s30  }
0xbb: {  	s0 =	sor.u32 s3, s0;
	s1 =	sshll.u32 s1, $0x11  }
0xbc: {  	s0 =	sor.u32 s1, s0  }
0xbd: {  	s0 =	sadd.s32 $0x8F2B, s0  }
0xbe: {  	[sflag:s0] =	ssyncadd.remote.s32 $0x1  }
0xbf: {  	_ =	sfence.sel $0xFFFF  }
0xc0: {  	[dreg:$0x0] =	wrdreg $0xFFFFFFFF;
	(pc) =	sbr.abs _section_cstart, $3  }
0xc1: {  	[dreg:$0x1] =	wrdreg $0xFFFFFFFF  }
0xc2: {  	_ =	task.clear_ibuf [dreg:s7], $0x2FFFF;
	_ =	strace $0x9FFFFFFF  }
0xc3: {  	(tm) =	ssettm $0x7FFFFFFF  }
tec
execute0_lowered:
.L_overlay_start_1:
0x0: {  	(tag) =	ssettag $0x1  }
0x1: {  	s1 =	rddreg [dreg:$0x0]  }
0x2: {  	s0 =	srdreg.scid;
	s4 =	rddreg [dreg:$0x1]  }
0x3: {  	s12 =	stileid.u32;
	s3 =	rddreg [dreg:$0x2]  }
0x4: {  	s8 =	simm.s32 $0x0;
	s29 =	simm.s32 $0x5;
	s5 =	smul.u32 $0x13C00, s12  }
0x5: {  	s30 =	simm.s32 $0x13C00;
	s31 =	simm.s32 $0x16380;
	s10 =	smul.u32 $0x900, s12  }
0x6: {  	s0 =	sand.u32 $0x1, s0;
	s7 =	sshrl.u32 s12, $0x3;
	s11 =	smul.u32 $0x4800, s12  }
0x7: {  	[smem:$0x7FF] =	sst s8;
	s8 =	sadd.s32 $0xAC00, s4;
	s2 =	smul.u32 $0x13C000, s0  }
0x8: {  	s9 =	sadd.s32 $0xC00, s4;
	s18 =	sshll.u32 s12, $0x7;
	s6 =	smul.u32 $0x27800, s0  }
0x9: {  	s7 =	smul.u32 $0x13C00, s7;
	s19 =	ssub.s32 $0x2, s0;
	p0 =	seq.s32 s0, $0x1  }
0xa: {  	s20 =	sshrl.u32 s19, $0x1;
	s21 =	sadd.s32 s8, s10;
	s22 =	sshrl.u32 s11, $0x3  }
0xb: {  	s23 =	sadd.s32 s9, s10;
	s10 =	simm.s32 $0x4;
	s11 =	simm.s32 $0x17A80  }
0xc: {  	s2 =	sadd.s32 s5, s2;
	s17 =	sadd.s32 s6, s7;
	[dreg:$0x4] =	wrdreg s21  }
0xd: {  	s6 =	sand.u32 $0x380, s18;
	[dreg:$0x5] =	wrdreg s23;
	s24 =	sadd.s32 $0x180, s22  }
0xe: {  	s25 =	sadd.s32 $0x300, s22;
	s15 =	sadd.s32 $0x480, s22;
	s26 =	sadd.s32 s8, s24  }
0xf: {  	s16 =	sadd.s32 $0x600, s22;
	s7 =	sadd.s32 s9, s24;
	[dreg:$0x6] =	wrdreg s26  }
0x10: {  	s0 =	sadd.s32 $0x780, s22;
	s13 =	sadd.s32 s8, s25;
	[dreg:$0x7] =	wrdreg s7  }
0x11: {  	s5 =	sor.u32 s6, s17;
	s14 =	sadd.s32 s9, s25;
	[dreg:$0x8] =	wrdreg s13  }
0x12: {  	s2 =	sshrl.u32 s2, $0x3;
	s17 =	sadd.s32 s8, s15;
	[dreg:$0x9] =	wrdreg s14  }
0x13: {  	s6 =	ssub.s32 s19, s20;
	s18 =	sadd.s32 s8, s16;
	[dreg:$0xa] =	wrdreg s17  }
0x14: {  	s19 =	sadd.s32 s9, s16;
	s20 =	sshll.u32 s12, $0x8;
	[dreg:$0xc] =	wrdreg s18  }
0x15: {  	s21 =	sadd.s32 s8, s0;
	s0 =	sadd.s32 s9, s0;
	[dreg:$0xd] =	wrdreg s19  }
0x16: {  	s25 =	smul.u32 $0x4F000, s12;
	s5 =	sshrl.u32 s5, $0x3;
	[dreg:$0xe] =	wrdreg s21  }
0x17: {  	s7 =	sadd.s32 s9, s15;
	[dreg:$0xf] =	wrdreg s0;
	s22 =	sor.u32 $0x9000, s20  }
0x18: {  	s24 =	sor.u32 $0x9080, s20;
	s2 =	sadd.s32 s2, s4;
	s21 =	sadd.s32 $0x15200, s4  }
0x19: {  	s26 =	sshll.u32 s12, $0x6;
	s28 =	smax.u32 s6, $0x1;
	s6 =	simm.s32 $0x1BB80  }
0x1a: {  	s12 =	simm.s32 $0x17B00;
	s13 =	simm.s32 $0x0;
	[dreg:$0xb] =	wrdreg s7  }
0x1b: {  	s23 =	sadd.s32 s8, s22;
	s18 =	sadd.s32 s9, s22;
	s19 =	sadd.s32 s8, s24  }
0x1c: {  	s20 =	sadd.s32 s9, s24;
	s5 =	sadd.s32 s5, s4;
	s0 =	sshrl.u32 s25, $0x2  }
.Ltmp0:
0x1d: {  	s22 =	sadd.s32 $0x14C00, s4;
	s24 =	sor.u32 $0x1C05, s26;
	(pc) =	sbr.rel .LBB2_1-.Ltmp0, $4  }
0x1e: {  	s25 =	sadd.s32 $0x21800, s2;
	s2 =	simm.s32 $0x16F80;
	s4 =	simm.s32 $0x17B80  }
0x1f: {  	s7 =	simm.s32 $0x1;
	s8 =	simm.s32 $0x2;
	s9 =	simm.s32 $0x3  }
0x20: {  	[dreg:$0x10] =	wrdreg s23;
	s23 =	sadd.s32 s0, s3;
	s26 =	sadd.s32 $0x17A00, s5  }
0x21: {  	s0 =	simm.s32 $0x80;
	s5 =	simm.s32 $0x16400;
	_ =	strace $0x80000047  }
.LBB2_14:
0x22: {  	_ =	swait.ge [sflag:s7], $0x4000  }
0x23: {  	[sflag:s7] =	ssyncset.done $0x0  }
0x24: {  	[sflag:s7] =	ssyncadd.s32 $0xFFFFC000  }
0x25: {  	v0 =	vld [tilespmem:$0x17A80];
	_ =	sdelay $0x4  }
0x26: {  	(xrf1) =	vunique.msk.u32 $0xffff, v0;
	_ =	sdelay $0xd  }
0x27: {  	_, v1, vm0 =	vpop (xrf1);
	_ =	sdelay $0x5  }
0x28: {  	[tilespmem:v0+s30+$0x0] =	vst.idx.add.s32.msk vm0, v1  }
0x29: {  	v0 =	vld [tilespmem:$0x17A90];
	_ =	sdelay $0x4  }
0x2a: {  	(xrf1) =	vunique.msk.u32 $0xffff, v0;
	_ =	sdelay $0xd  }
0x2b: {  	_, v1, vm0 =	vpop (xrf1);
	_ =	sdelay $0x5  }
0x2c: {  	[tilespmem:v0+s30+$0x0] =	vst.idx.add.s32.msk vm0, v1  }
0x2d: {  	v0 =	vld [tilespmem:$0x17AA0];
	_ =	sdelay $0x4  }
0x2e: {  	(xrf1) =	vunique.msk.u32 $0xffff, v0;
	_ =	sdelay $0xd  }
0x2f: {  	_, v1, vm0 =	vpop (xrf1);
	_ =	sdelay $0x5  }
0x30: {  	[tilespmem:v0+s30+$0x0] =	vst.idx.add.s32.msk vm0, v1  }
0x31: {  	v0 =	vld [tilespmem:$0x17AB0];
	_ =	sdelay $0x4  }
0x32: {  	(xrf1) =	vunique.msk.u32 $0xffff, v0;
	_ =	sdelay $0xd  }
0x33: {  	_, v1, vm0 =	vpop (xrf1);
	_ =	sdelay $0x5  }
0x34: {  	[tilespmem:v0+s30+$0x0] =	vst.idx.add.s32.msk vm0, v1  }
0x35: {  	v0 =	vld [tilespmem:$0x17AC0];
	_ =	sdelay $0x4  }
0x36: {  	(xrf1) =	vunique.msk.u32 $0xffff, v0;
	_ =	sdelay $0xd  }
0x37: {  	_, v1, vm0 =	vpop (xrf1);
	_ =	sdelay $0x5  }
0x38: {  	[tilespmem:v0+s30+$0x0] =	vst.idx.add.s32.msk vm0, v1  }
0x39: {  	v0 =	vld [tilespmem:$0x17AD0];
	_ =	sdelay $0x4  }
0x3a: {  	(xrf1) =	vunique.msk.u32 $0xffff, v0;
	_ =	sdelay $0xd  }
0x3b: {  	_, v1, vm0 =	vpop (xrf1);
	_ =	sdelay $0x5  }
0x3c: {  	[tilespmem:v0+s30+$0x0] =	vst.idx.add.s32.msk vm0, v1  }
0x3d: {  	v0 =	vld [tilespmem:$0x17AE0];
	_ =	sdelay $0x4  }
0x3e: {  	(xrf1) =	vunique.msk.u32 $0xffff, v0;
	_ =	sdelay $0xd  }
0x3f: {  	_, v1, vm0 =	vpop (xrf1);
	_ =	sdelay $0x5  }
0x40: {  	[tilespmem:v0+s30+$0x0] =	vst.idx.add.s32.msk vm0, v1  }
0x41: {  	v0 =	vld [tilespmem:$0x17AF0];
	_ =	sdelay $0x4  }
0x42: {  	(xrf1) =	vunique.msk.u32 $0xffff, v0;
	_ =	sdelay $0xd  }
0x43: {  	_, v1, vm0 =	vpop (xrf1);
	_ =	sdelay $0x5  }
0x44: {  	[tilespmem:v0+s30+$0x0] =	vst.idx.add.s32.msk vm0, v1  }
0x45: {  	[spmem:s3] =	stream.indirect.scatter.add.f32 [tilespmem:s4], [sflag:$0x3], $0x80, s11, s0, $0xb8;
	[tilespmem:$0x1FB80] =	vst v63  }
0x46: {  	_ =	swait.ge [sflag:s8], $0x4000  }
0x47: {  	[sflag:s8] =	ssyncset.done $0x0  }
0x48: {  	[sflag:s8] =	ssyncadd.s32 $0xFFFFC000  }
0x49: {  	v63 =	vld [tilespmem:$0x17B00];
	_ =	sdelay $0x4  }
0x4a: {  	(xrf1) =	vunique.msk.u32 $0xffff, v63;
	_ =	sdelay $0xd  }
0x4b: {  	_, v1, vm0 =	vpop (xrf1);
	_ =	sdelay $0x5  }
0x4c: {  	[tilespmem:v63+s30+$0x0] =	vst.idx.add.s32.msk vm0, v1  }
0x4d: {  	v0 =	vld [tilespmem:$0x17B10];
	_ =	sdelay $0x4  }
0x4e: {  	(xrf1) =	vunique.msk.u32 $0xffff, v0;
	_ =	sdelay $0xd  }
0x4f: {  	_, v1, vm0 =	vpop (xrf1);
	_ =	sdelay $0x5  }
0x50: {  	[tilespmem:v0+s30+$0x0] =	vst.idx.add.s32.msk vm0, v1  }
0x51: {  	v0 =	vld [tilespmem:$0x17B20];
	_ =	sdelay $0x4  }
0x52: {  	(xrf1) =	vunique.msk.u32 $0xffff, v0;
	_ =	sdelay $0xd  }
0x53: {  	_, v1, vm0 =	vpop (xrf1);
	_ =	sdelay $0x5  }
0x54: {  	[tilespmem:v0+s30+$0x0] =	vst.idx.add.s32.msk vm0, v1  }
0x55: {  	v0 =	vld [tilespmem:$0x17B30];
	_ =	sdelay $0x4  }
0x56: {  	(xrf1) =	vunique.msk.u32 $0xffff, v0;
	_ =	sdelay $0xd  }
0x57: {  	_, v1, vm0 =	vpop (xrf1);
	_ =	sdelay $0x5  }
0x58: {  	[tilespmem:v0+s30+$0x0] =	vst.idx.add.s32.msk vm0, v1  }
0x59: {  	v0 =	vld [tilespmem:$0x17B40];
	_ =	sdelay $0x4  }
0x5a: {  	(xrf1) =	vunique.msk.u32 $0xffff, v0;
	_ =	sdelay $0xd  }
0x5b: {  	_, v1, vm0 =	vpop (xrf1);
	_ =	sdelay $0x5  }
0x5c: {  	[tilespmem:v0+s30+$0x0] =	vst.idx.add.s32.msk vm0, v1  }
0x5d: {  	v0 =	vld [tilespmem:$0x17B50];
	_ =	sdelay $0x4  }
0x5e: {  	(xrf1) =	vunique.msk.u32 $0xffff, v0;
	_ =	sdelay $0xd  }
0x5f: {  	_, v1, vm0 =	vpop (xrf1);
	_ =	sdelay $0x5  }
0x60: {  	s15 =	simm.s32 $0x17B00;
	s16 =	simm.s32 $0x17B70;
	s17 =	simm.s32 $0x17B60;
	[tilespmem:v0+s30+$0x0] =	vst.idx.add.s32.msk vm0, v1  }
.LBB2_20:
0x61: {  	v0 =	vld [tilespmem:s17+$0x0];
	_ =	sdelay $0x4  }
0x62: {  	(xrf1) =	vunique.msk.u32 $0xffff, v0;
	_ =	sdelay $0xd  }
0x63: {  	_, v1, vm0 =	vpop (xrf1);
	_ =	sdelay $0x5  }
0x64: {  	[tilespmem:v0+s30+$0x0] =	vst.idx.add.s32.msk vm0, v1  }
0x65: {  	v0 =	vld [tilespmem:s16+$0x0];
	_ =	sdelay $0x4  }
0x66: {  	(xrf1) =	vunique.msk.u32 $0xffff, v0;
	_ =	sdelay $0xd  }
0x67: {  	_, v1, vm0 =	vpop (xrf1);
	_ =	sdelay $0x5  }
0x68: {  	[tilespmem:v0+s30+$0x0] =	vst.idx.add.s32.msk vm0, v1  }
0x69: {  	[spmem:s3] =	stream.indirect.scatter.add.f32 [tilespmem:s6], [sflag:$0x4], $0x80, s15, s0, $0xb8;
	[tilespmem:$0x1FB80] =	vst v63  }
0x6a: {  	_ =	swait.ge [sflag:s9], $0x4000  }
0x6b: {  	[sflag:s9] =	ssyncset.done $0x0  }
0x6c: {  	[sflag:s9] =	ssyncadd.s32 $0xFFFFC000  }
0x6d: {  	_ =	swait.ge [sflag:s10], $0x4000  }
0x6e: {  	[sflag:s10] =	ssyncset.done $0x0  }
0x6f: {  	[sflag:s10] =	ssyncadd.s32 $0xFFFFC000  }
0x70: {  	[bflag:$0x0] =	sbarrier.arrive $0xFFFF  }
0x71: {  	[hbm:s25], [sflag:s24] =	dma.local [spmem:s14], $0x2780  }
0x72: {  	s13 =	sadd.s32 $0x1, s13;
	_ =	swait.ge [sflag:s29], $0x2780  }
0x73: {  	p1 =	sne.s32 s13, s28;
	[sflag:s29] =	ssyncset.done $0x0  }
.Ltmp1:
0x74: {  	s17 =	simm.s32 $0x400;
	[sflag:s29] =	ssyncadd.s32 $0xFFFFD880;
	(pc) =	sbr.rel @!p1 .LBB2_21-.Ltmp1, $4  }
0x75: {  	[hbm4b:s26+s0] =	stream.strided.scatter [tilespmem:s30], [sflag:$0x5], $0x2780, s17, s0, $0x38;
	[tilespmem:$0x1FB80] =	vst v63  }
0x76: {  	_ =	swait.ge [sflag:s29], $0x2780  }
0x77: {  	[sflag:s29] =	ssyncset.done $0x0  }
0x78: {  	[sflag:s29] =	ssyncadd.s32 $0xFFFFD880  }
.LBB2_1:
0x79: {  	s14 =	sshrl.u32 s23, $0x3  }
0x7a: {  	[spmem:s14], [sflag:s24] =	dma.local [hbm:s21], $0x2780  }
0x7b: {  	_ =	swait.ge [sflag:s29], $0x2780  }
0x7c: {  	[sflag:s29] =	ssyncset.done $0x0  }
0x7d: {  	s15 =	simm.s32 $0x0;
	[sflag:s29] =	ssyncadd.s32 $0xFFFFD880  }
0x7e: {  	[tilespmem:s30], [sflag:$0x5] =	stream.linear.gather [hbm4b:s22+s15], $0x2780, $0x38;
	[tilespmem:$0x1FB80] =	vst v63  }
.Ltmp2:
0x7f: {  	_ =	swait.ge [sflag:s29], $0x2780;
	(pc) =	sbr.rel @!p0 .LBB2_2-.Ltmp2, $4  }
0x80: {  	[sflag:s29] =	ssyncset.done $0x0  }
0x81: {  	[sflag:s29] =	ssyncadd.s32 $0xFFFFD880  }
0x82: {  	[bflag:$0x0] =	sbarrier.arrive $0xFFFF  }
0x83: {  	s15 =	simm.s32 $0x0  }
0x84: {  	s16 =	rddreg [dreg:$0x10]  }
0x85: {  	[tilespmem:s31], [sflag:$0x5] =	stream.linear.gather [hbm4b:s16+s15], $0x400, $0x38;
	[tilespmem:$0x1FB80] =	vst v63  }
0x86: {  	_ =	swait.ge [sflag:s29], $0x400  }
0x87: {  	[sflag:s29] =	ssyncset.done $0x0  }
0x88: {  	[sflag:s29] =	ssyncadd.s32 $0xFFFFFC00  }
0x89: {  	[tilespmem:s2], [sflag:$0x5] =	stream.linear.gather [hbm4b:s18+s15], $0x400, $0x38;
	[tilespmem:$0x1FB80] =	vst v63  }
0x8a: {  	_ =	swait.ge [sflag:s29], $0x400  }
0x8b: {  	[sflag:s29] =	ssyncset.done $0x0  }
0x8c: {  	[sflag:s29] =	ssyncadd.s32 $0xFFFFFC00  }
0x8d: {  	[tilespmem:s4], [sflag:$0x1] =	stream.indirect.gather [hbm4b:s1+s0], $0x80, s31, s0, $0xb8;
	[tilespmem:$0x1FB80] =	vst v63  }
0x8e: {  	_ = 	snop  }
0x8f: {  	[tilespmem:s6], [sflag:$0x2] =	stream.indirect.gather [hbm4b:s1+s0], $0x80, s5, s0, $0xb8;
	[tilespmem:$0x1FB80] =	vst v63  }
.LBB2_16:
0x90: {  	_ =	swait.ge [sflag:s7], $0x4000  }
0x91: {  	[sflag:s7] =	ssyncset.done $0x0  }
0x92: {  	s16 =	sshra.s32 s15, $0x2;
	[sflag:s7] =	ssyncadd.s32 $0xFFFFC000  }
0x93: {  	v0 =	vld [tilespmem:s16+$0x16F80];
	_ =	sdelay $0x4  }
0x94: {  	(xrf1) =	vunique.msk.u32 $0xffff, v0;
	_ =	sdelay $0xd  }
0x95: {  	_, v1, vm0 =	vpop (xrf1);
	_ =	sdelay $0x5  }
0x96: {  	[tilespmem:v0+s30+$0x0] =	vst.idx.add.s32.msk vm0, v1  }
0x97: {  	v0 =	vld [tilespmem:s16+$0x16F90];
	_ =	sdelay $0x4  }
0x98: {  	(xrf1) =	vunique.msk.u32 $0xffff, v0;
	_ =	sdelay $0xd  }
0x99: {  	_, v1, vm0 =	vpop (xrf1);
	_ =	sdelay $0x5  }
0x9a: {  	[tilespmem:v0+s30+$0x0] =	vst.idx.add.s32.msk vm0, v1  }
0x9b: {  	v0 =	vld [tilespmem:s16+$0x16FA0];
	_ =	sdelay $0x4  }
0x9c: {  	(xrf1) =	vunique.msk.u32 $0xffff, v0;
	_ =	sdelay $0xd  }
0x9d: {  	_, v1, vm0 =	vpop (xrf1);
	_ =	sdelay $0x5  }
0x9e: {  	[tilespmem:v0+s30+$0x0] =	vst.idx.add.s32.msk vm0, v1  }
0x9f: {  	v0 =	vld [tilespmem:s16+$0x16FB0];
	_ =	sdelay $0x4  }
0xa0: {  	(xrf1) =	vunique.msk.u32 $0xffff, v0;
	_ =	sdelay $0xd  }
0xa1: {  	_, v1, vm0 =	vpop (xrf1);
	_ =	sdelay $0x5  }
0xa2: {  	[tilespmem:v0+s30+$0x0] =	vst.idx.add.s32.msk vm0, v1  }
0xa3: {  	v0 =	vld [tilespmem:s16+$0x16FC0];
	_ =	sdelay $0x4  }
0xa4: {  	(xrf1) =	vunique.msk.u32 $0xffff, v0;
	_ =	sdelay $0xd  }
0xa5: {  	_, v1, vm0 =	vpop (xrf1);
	_ =	sdelay $0x5  }
0xa6: {  	[tilespmem:v0+s30+$0x0] =	vst.idx.add.s32.msk vm0, v1  }
0xa7: {  	v0 =	vld [tilespmem:s16+$0x16FD0];
	_ =	sdelay $0x4  }
0xa8: {  	(xrf1) =	vunique.msk.u32 $0xffff, v0;
	_ =	sdelay $0xd  }
0xa9: {  	_, v1, vm0 =	vpop (xrf1);
	_ =	sdelay $0x5  }
0xaa: {  	[tilespmem:v0+s30+$0x0] =	vst.idx.add.s32.msk vm0, v1  }
0xab: {  	v0 =	vld [tilespmem:s16+$0x16FE0];
	_ =	sdelay $0x4  }
0xac: {  	(xrf1) =	vunique.msk.u32 $0xffff, v0;
	_ =	sdelay $0xd  }
0xad: {  	_, v1, vm0 =	vpop (xrf1);
	_ =	sdelay $0x5  }
0xae: {  	[tilespmem:v0+s30+$0x0] =	vst.idx.add.s32.msk vm0, v1  }
0xaf: {  	v0 =	vld [tilespmem:s16+$0x16FF0];
	_ =	sdelay $0x4  }
0xb0: {  	(xrf1) =	vunique.msk.u32 $0xffff, v0;
	_ =	sdelay $0xd  }
0xb1: {  	_, v1, vm0 =	vpop (xrf1);
	_ =	sdelay $0x5  }
0xb2: {  	s17 =	sadd.s32 $0x16F80, s16;
	[tilespmem:v0+s30+$0x0] =	vst.idx.add.s32.msk vm0, v1  }
0xb3: {  	[spmem:s3] =	stream.indirect.scatter.add.f32 [tilespmem:s4], [sflag:$0x3], $0x80, s17, s0, $0xb8;
	[tilespmem:$0x1FB80] =	vst v63  }
0xb4: {  	_ =	swait.ge [sflag:s8], $0x4000  }
0xb5: {  	[sflag:s8] =	ssyncset.done $0x0  }
0xb6: {  	[sflag:s8] =	ssyncadd.s32 $0xFFFFC000  }
0xb7: {  	v63 =	vld [tilespmem:s16+$0x17000];
	_ =	sdelay $0x4  }
0xb8: {  	(xrf1) =	vunique.msk.u32 $0xffff, v63;
	_ =	sdelay $0xd  }
0xb9: {  	_, v1, vm0 =	vpop (xrf1);
	_ =	sdelay $0x5  }
0xba: {  	[tilespmem:v63+s30+$0x0] =	vst.idx.add.s32.msk vm0, v1  }
0xbb: {  	v0 =	vld [tilespmem:s16+$0x17010];
	_ =	sdelay $0x4  }
0xbc: {  	(xrf1) =	vunique.msk.u32 $0xffff, v0;
	_ =	sdelay $0xd  }
0xbd: {  	_, v1, vm0 =	vpop (xrf1);
	_ =	sdelay $0x5  }
0xbe: {  	[tilespmem:v0+s30+$0x0] =	vst.idx.add.s32.msk vm0, v1  }
0xbf: {  	v0 =	vld [tilespmem:s16+$0x17020];
	_ =	sdelay $0x4  }
0xc0: {  	(xrf1) =	vunique.msk.u32 $0xffff, v0;
	_ =	sdelay $0xd  }
0xc1: {  	_, v1, vm0 =	vpop (xrf1);
	_ =	sdelay $0x5  }
0xc2: {  	[tilespmem:v0+s30+$0x0] =	vst.idx.add.s32.msk vm0, v1  }
0xc3: {  	v0 =	vld [tilespmem:s16+$0x17030];
	_ =	sdelay $0x4  }
0xc4: {  	(xrf1) =	vunique.msk.u32 $0xffff, v0;
	_ =	sdelay $0xd  }
0xc5: {  	_, v1, vm0 =	vpop (xrf1);
	_ =	sdelay $0x5  }
0xc6: {  	[tilespmem:v0+s30+$0x0] =	vst.idx.add.s32.msk vm0, v1  }
0xc7: {  	v0 =	vld [tilespmem:s16+$0x17040];
	_ =	sdelay $0x4  }
0xc8: {  	(xrf1) =	vunique.msk.u32 $0xffff, v0;
	_ =	sdelay $0xd  }
0xc9: {  	_, v1, vm0 =	vpop (xrf1);
	_ =	sdelay $0x5  }
0xca: {  	[tilespmem:v0+s30+$0x0] =	vst.idx.add.s32.msk vm0, v1  }
0xcb: {  	v0 =	vld [tilespmem:s16+$0x17050];
	_ =	sdelay $0x4  }
0xcc: {  	(xrf1) =	vunique.msk.u32 $0xffff, v0;
	_ =	sdelay $0xd  }
0xcd: {  	_, v1, vm0 =	vpop (xrf1);
	_ =	sdelay $0x5  }
0xce: {  	[tilespmem:v0+s30+$0x0] =	vst.idx.add.s32.msk vm0, v1  }
0xcf: {  	v0 =	vld [tilespmem:s16+$0x17060];
	_ =	sdelay $0x4  }
0xd0: {  	(xrf1) =	vunique.msk.u32 $0xffff, v0;
	_ =	sdelay $0xd  }
0xd1: {  	_, v1, vm0 =	vpop (xrf1);
	_ =	sdelay $0x5  }
0xd2: {  	[tilespmem:v0+s30+$0x0] =	vst.idx.add.s32.msk vm0, v1  }
0xd3: {  	v0 =	vld [tilespmem:s16+$0x17070];
	_ =	sdelay $0x4  }
0xd4: {  	(xrf1) =	vunique.msk.u32 $0xffff, v0;
	_ =	sdelay $0xd  }
0xd5: {  	_, v1, vm0 =	vpop (xrf1);
	_ =	sdelay $0x5  }
0xd6: {  	s17 =	sadd.s32 $0x17000, s16;
	[tilespmem:v0+s30+$0x0] =	vst.idx.add.s32.msk vm0, v1  }
0xd7: {  	[spmem:s3] =	stream.indirect.scatter.add.f32 [tilespmem:s6], [sflag:$0x4], $0x80, s17, s0, $0xb8;
	[tilespmem:$0x1FB80] =	vst v63  }
0xd8: {  	_ =	swait.ge [sflag:s9], $0x4000  }
0xd9: {  	[sflag:s9] =	ssyncset.done $0x0  }
0xda: {  	p1 =	sne.s32 s15, $0x800;
	s17 =	sadd.s32 $0x16480, s16;
	[sflag:s9] =	ssyncadd.s32 $0xFFFFC000  }
0xdb: {  	[tilespmem:s4], [sflag:$0x1] =	stream.indirect.gather [hbm4b:s1+s0], $0x80, s17, s0, $0xb8;
	[tilespmem:$0x1FB80] =	vst v63  }
.Ltmp3:
0xdc: {  	_ = 	snop;
	(pc) =	sbr.rel @p1 .LBB2_16-.Ltmp3, $4  }
0xdd: {  	_ =	swait.ge [sflag:s10], $0x4000  }
0xde: {  	[sflag:s10] =	ssyncset.done $0x0  }
0xdf: {  	s15 =	sadd.s32 $0x400, s15;
	s16 =	sadd.s32 $0x16500, s16;
	[sflag:s10] =	ssyncadd.s32 $0xFFFFC000  }
0xe0: {  	[tilespmem:s6], [sflag:$0x2] =	stream.indirect.gather [hbm4b:s1+s0], $0x80, s16, s0, $0xb8;
	[tilespmem:$0x1FB80] =	vst v63  }
0xe1: {  	_ =	swait.ge [sflag:s7], $0x4000  }
0xe2: {  	[sflag:s7] =	ssyncset.done $0x0  }
0xe3: {  	[sflag:s7] =	ssyncadd.s32 $0xFFFFC000  }
0xe4: {  	v0 =	vld [tilespmem:$0x17280];
	_ =	sdelay $0x4  }
0xe5: {  	(xrf1) =	vunique.msk.u32 $0xffff, v0;
	_ =	sdelay $0xd  }
0xe6: {  	_, v1, vm0 =	vpop (xrf1);
	_ =	sdelay $0x5  }
0xe7: {  	[tilespmem:v0+s30+$0x0] =	vst.idx.add.s32.msk vm0, v1  }
0xe8: {  	v0 =	vld [tilespmem:$0x17290];
	_ =	sdelay $0x4  }
0xe9: {  	(xrf1) =	vunique.msk.u32 $0xffff, v0;
	_ =	sdelay $0xd  }
0xea: {  	_, v1, vm0 =	vpop (xrf1);
	_ =	sdelay $0x5  }
0xeb: {  	[tilespmem:v0+s30+$0x0] =	vst.idx.add.s32.msk vm0, v1  }
0xec: {  	v0 =	vld [tilespmem:$0x172A0];
	_ =	sdelay $0x4  }
0xed: {  	(xrf1) =	vunique.msk.u32 $0xffff, v0;
	_ =	sdelay $0xd  }
0xee: {  	_, v1, vm0 =	vpop (xrf1);
	_ =	sdelay $0x5  }
0xef: {  	[tilespmem:v0+s30+$0x0] =	vst.idx.add.s32.msk vm0, v1  }
0xf0: {  	v0 =	vld [tilespmem:$0x172B0];
	_ =	sdelay $0x4  }
0xf1: {  	(xrf1) =	vunique.msk.u32 $0xffff, v0;
	_ =	sdelay $0xd  }
0xf2: {  	_, v1, vm0 =	vpop (xrf1);
	_ =	sdelay $0x5  }
0xf3: {  	[tilespmem:v0+s30+$0x0] =	vst.idx.add.s32.msk vm0, v1  }
0xf4: {  	v0 =	vld [tilespmem:$0x172C0];
	_ =	sdelay $0x4  }
0xf5: {  	(xrf1) =	vunique.msk.u32 $0xffff, v0;
	_ =	sdelay $0xd  }
0xf6: {  	_, v1, vm0 =	vpop (xrf1);
	_ =	sdelay $0x5  }
0xf7: {  	[tilespmem:v0+s30+$0x0] =	vst.idx.add.s32.msk vm0, v1  }
0xf8: {  	v0 =	vld [tilespmem:$0x172D0];
	_ =	sdelay $0x4  }
0xf9: {  	(xrf1) =	vunique.msk.u32 $0xffff, v0;
	_ =	sdelay $0xd  }
0xfa: {  	_, v1, vm0 =	vpop (xrf1);
	_ =	sdelay $0x5  }
0xfb: {  	[tilespmem:v0+s30+$0x0] =	vst.idx.add.s32.msk vm0, v1  }
0xfc: {  	v0 =	vld [tilespmem:$0x172E0];
	_ =	sdelay $0x4  }
0xfd: {  	(xrf1) =	vunique.msk.u32 $0xffff, v0;
	_ =	sdelay $0xd  }
0xfe: {  	_, v1, vm0 =	vpop (xrf1);
	_ =	sdelay $0x5  }
0xff: {  	[tilespmem:v0+s30+$0x0] =	vst.idx.add.s32.msk vm0, v1  }
0x100: {  	v0 =	vld [tilespmem:$0x172F0];
	_ =	sdelay $0x4  }
0x101: {  	(xrf1) =	vunique.msk.u32 $0xffff, v0;
	_ =	sdelay $0xd  }
0x102: {  	_, v1, vm0 =	vpop (xrf1);
	_ =	sdelay $0x5  }
0x103: {  	s15 =	simm.s32 $0x17280;
	[tilespmem:v0+s30+$0x0] =	vst.idx.add.s32.msk vm0, v1  }
0x104: {  	[spmem:s3] =	stream.indirect.scatter.add.f32 [tilespmem:s4], [sflag:$0x3], $0x80, s15, s0, $0xb8;
	[tilespmem:$0x1FB80] =	vst v63  }
0x105: {  	_ =	swait.ge [sflag:s8], $0x4000  }
0x106: {  	[sflag:s8] =	ssyncset.done $0x0  }
0x107: {  	[sflag:s8] =	ssyncadd.s32 $0xFFFFC000  }
0x108: {  	v63 =	vld [tilespmem:$0x17300];
	_ =	sdelay $0x4  }
0x109: {  	(xrf1) =	vunique.msk.u32 $0xffff, v63;
	_ =	sdelay $0xd  }
0x10a: {  	_, v1, vm0 =	vpop (xrf1);
	_ =	sdelay $0x5  }
0x10b: {  	[tilespmem:v63+s30+$0x0] =	vst.idx.add.s32.msk vm0, v1  }
0x10c: {  	v0 =	vld [tilespmem:$0x17310];
	_ =	sdelay $0x4  }
0x10d: {  	(xrf1) =	vunique.msk.u32 $0xffff, v0;
	_ =	sdelay $0xd  }
0x10e: {  	_, v1, vm0 =	vpop (xrf1);
	_ =	sdelay $0x5  }
0x10f: {  	[tilespmem:v0+s30+$0x0] =	vst.idx.add.s32.msk vm0, v1  }
0x110: {  	v0 =	vld [tilespmem:$0x17320];
	_ =	sdelay $0x4  }
0x111: {  	(xrf1) =	vunique.msk.u32 $0xffff, v0;
	_ =	sdelay $0xd  }
0x112: {  	_, v1, vm0 =	vpop (xrf1);
	_ =	sdelay $0x5  }
0x113: {  	[tilespmem:v0+s30+$0x0] =	vst.idx.add.s32.msk vm0, v1  }
0x114: {  	v0 =	vld [tilespmem:$0x17330];
	_ =	sdelay $0x4  }
0x115: {  	(xrf1) =	vunique.msk.u32 $0xffff, v0;
	_ =	sdelay $0xd  }
0x116: {  	_, v1, vm0 =	vpop (xrf1);
	_ =	sdelay $0x5  }
0x117: {  	[tilespmem:v0+s30+$0x0] =	vst.idx.add.s32.msk vm0, v1  }
0x118: {  	v0 =	vld [tilespmem:$0x17340];
	_ =	sdelay $0x4  }
0x119: {  	(xrf1) =	vunique.msk.u32 $0xffff, v0;
	_ =	sdelay $0xd  }
0x11a: {  	_, v1, vm0 =	vpop (xrf1);
	_ =	sdelay $0x5  }
0x11b: {  	[tilespmem:v0+s30+$0x0] =	vst.idx.add.s32.msk vm0, v1  }
0x11c: {  	v0 =	vld [tilespmem:$0x17350];
	_ =	sdelay $0x4  }
0x11d: {  	(xrf1) =	vunique.msk.u32 $0xffff, v0;
	_ =	sdelay $0xd  }
0x11e: {  	_, v1, vm0 =	vpop (xrf1);
	_ =	sdelay $0x5  }
0x11f: {  	[tilespmem:v0+s30+$0x0] =	vst.idx.add.s32.msk vm0, v1  }
0x120: {  	v0 =	vld [tilespmem:$0x17360];
	_ =	sdelay $0x4  }
0x121: {  	(xrf1) =	vunique.msk.u32 $0xffff, v0;
	_ =	sdelay $0xd  }
0x122: {  	_, v1, vm0 =	vpop (xrf1);
	_ =	sdelay $0x5  }
0x123: {  	[tilespmem:v0+s30+$0x0] =	vst.idx.add.s32.msk vm0, v1  }
0x124: {  	v0 =	vld [tilespmem:$0x17370];
	_ =	sdelay $0x4  }
0x125: {  	(xrf1) =	vunique.msk.u32 $0xffff, v0;
	_ =	sdelay $0xd  }
0x126: {  	_, v1, vm0 =	vpop (xrf1);
	_ =	sdelay $0x5  }
0x127: {  	s17 =	simm.s32 $0x17300;
	[tilespmem:v0+s30+$0x0] =	vst.idx.add.s32.msk vm0, v1  }
0x128: {  	[spmem:s3] =	stream.indirect.scatter.add.f32 [tilespmem:s6], [sflag:$0x4], $0x80, s17, s0, $0xb8;
	[tilespmem:$0x1FB80] =	vst v63  }
0x129: {  	_ =	swait.ge [sflag:s9], $0x4000  }
0x12a: {  	[sflag:s9] =	ssyncset.done $0x0  }
0x12b: {  	[sflag:s9] =	ssyncadd.s32 $0xFFFFC000  }
0x12c: {  	_ =	swait.ge [sflag:s10], $0x4000  }
0x12d: {  	[sflag:s10] =	ssyncset.done $0x0  }
0x12e: {  	s15 =	simm.s32 $0x0;
	[sflag:s10] =	ssyncadd.s32 $0xFFFFC000  }
0x12f: {  	[tilespmem:s31], [sflag:$0x5] =	stream.linear.gather [hbm4b:s19+s15], $0x400, $0x38;
	[tilespmem:$0x1FB80] =	vst v63  }
0x130: {  	_ =	swait.ge [sflag:s29], $0x400  }
0x131: {  	[sflag:s29] =	ssyncset.done $0x0  }
0x132: {  	[sflag:s29] =	ssyncadd.s32 $0xFFFFFC00  }
0x133: {  	[tilespmem:s2], [sflag:$0x5] =	stream.linear.gather [hbm4b:s20+s15], $0x400, $0x38;
	[tilespmem:$0x1FB80] =	vst v63  }
0x134: {  	_ =	swait.ge [sflag:s29], $0x400  }
0x135: {  	[sflag:s29] =	ssyncset.done $0x0  }
0x136: {  	[sflag:s29] =	ssyncadd.s32 $0xFFFFFC00  }
0x137: {  	[tilespmem:s4], [sflag:$0x1] =	stream.indirect.gather [hbm4b:s1+s0], $0x80, s31, s0, $0xb8;
	[tilespmem:$0x1FB80] =	vst v63  }
0x138: {  	_ = 	snop  }
0x139: {  	[tilespmem:s6], [sflag:$0x2] =	stream.indirect.gather [hbm4b:s1+s0], $0x80, s5, s0, $0xb8;
	[tilespmem:$0x1FB80] =	vst v63  }
.LBB2_18:
0x13a: {  	_ =	swait.ge [sflag:s7], $0x4000  }
0x13b: {  	[sflag:s7] =	ssyncset.done $0x0  }
0x13c: {  	s16 =	sshra.s32 s15, $0x2;
	[sflag:s7] =	ssyncadd.s32 $0xFFFFC000  }
0x13d: {  	v0 =	vld [tilespmem:s16+$0x16F80];
	_ =	sdelay $0x4  }
0x13e: {  	(xrf1) =	vunique.msk.u32 $0xffff, v0;
	_ =	sdelay $0xd  }
0x13f: {  	_, v1, vm0 =	vpop (xrf1);
	_ =	sdelay $0x5  }
0x140: {  	[tilespmem:v0+s30+$0x0] =	vst.idx.add.s32.msk vm0, v1  }
0x141: {  	v0 =	vld [tilespmem:s16+$0x16F90];
	_ =	sdelay $0x4  }
0x142: {  	(xrf1) =	vunique.msk.u32 $0xffff, v0;
	_ =	sdelay $0xd  }
0x143: {  	_, v1, vm0 =	vpop (xrf1);
	_ =	sdelay $0x5  }
0x144: {  	[tilespmem:v0+s30+$0x0] =	vst.idx.add.s32.msk vm0, v1  }
0x145: {  	v0 =	vld [tilespmem:s16+$0x16FA0];
	_ =	sdelay $0x4  }
0x146: {  	(xrf1) =	vunique.msk.u32 $0xffff, v0;
	_ =	sdelay $0xd  }
0x147: {  	_, v1, vm0 =	vpop (xrf1);
	_ =	sdelay $0x5  }
0x148: {  	[tilespmem:v0+s30+$0x0] =	vst.idx.add.s32.msk vm0, v1  }
0x149: {  	v0 =	vld [tilespmem:s16+$0x16FB0];
	_ =	sdelay $0x4  }
0x14a: {  	(xrf1) =	vunique.msk.u32 $0xffff, v0;
	_ =	sdelay $0xd  }
0x14b: {  	_, v1, vm0 =	vpop (xrf1);
	_ =	sdelay $0x5  }
0x14c: {  	[tilespmem:v0+s30+$0x0] =	vst.idx.add.s32.msk vm0, v1  }
0x14d: {  	v0 =	vld [tilespmem:s16+$0x16FC0];
	_ =	sdelay $0x4  }
0x14e: {  	(xrf1) =	vunique.msk.u32 $0xffff, v0;
	_ =	sdelay $0xd  }
0x14f: {  	_, v1, vm0 =	vpop (xrf1);
	_ =	sdelay $0x5  }
0x150: {  	[tilespmem:v0+s30+$0x0] =	vst.idx.add.s32.msk vm0, v1  }
0x151: {  	v0 =	vld [tilespmem:s16+$0x16FD0];
	_ =	sdelay $0x4  }
0x152: {  	(xrf1) =	vunique.msk.u32 $0xffff, v0;
	_ =	sdelay $0xd  }
0x153: {  	_, v1, vm0 =	vpop (xrf1);
	_ =	sdelay $0x5  }
0x154: {  	[tilespmem:v0+s30+$0x0] =	vst.idx.add.s32.msk vm0, v1  }
0x155: {  	v0 =	vld [tilespmem:s16+$0x16FE0];
	_ =	sdelay $0x4  }
0x156: {  	(xrf1) =	vunique.msk.u32 $0xffff, v0;
	_ =	sdelay $0xd  }
0x157: {  	_, v1, vm0 =	vpop (xrf1);
	_ =	sdelay $0x5  }
0x158: {  	[tilespmem:v0+s30+$0x0] =	vst.idx.add.s32.msk vm0, v1  }
0x159: {  	v0 =	vld [tilespmem:s16+$0x16FF0];
	_ =	sdelay $0x4  }
0x15a: {  	(xrf1) =	vunique.msk.u32 $0xffff, v0;
	_ =	sdelay $0xd  }
0x15b: {  	_, v1, vm0 =	vpop (xrf1);
	_ =	sdelay $0x5  }
0x15c: {  	s17 =	sadd.s32 $0x16F80, s16;
	[tilespmem:v0+s30+$0x0] =	vst.idx.add.s32.msk vm0, v1  }
0x15d: {  	[spmem:s3] =	stream.indirect.scatter.add.f32 [tilespmem:s4], [sflag:$0x3], $0x80, s17, s0, $0xb8;
	[tilespmem:$0x1FB80] =	vst v63  }
0x15e: {  	_ =	swait.ge [sflag:s8], $0x4000  }
0x15f: {  	[sflag:s8] =	ssyncset.done $0x0  }
0x160: {  	[sflag:s8] =	ssyncadd.s32 $0xFFFFC000  }
0x161: {  	v63 =	vld [tilespmem:s16+$0x17000];
	_ =	sdelay $0x4  }
0x162: {  	(xrf1) =	vunique.msk.u32 $0xffff, v63;
	_ =	sdelay $0xd  }
0x163: {  	_, v1, vm0 =	vpop (xrf1);
	_ =	sdelay $0x5  }
0x164: {  	[tilespmem:v63+s30+$0x0] =	vst.idx.add.s32.msk vm0, v1  }
0x165: {  	v0 =	vld [tilespmem:s16+$0x17010];
	_ =	sdelay $0x4  }
0x166: {  	(xrf1) =	vunique.msk.u32 $0xffff, v0;
	_ =	sdelay $0xd  }
0x167: {  	_, v1, vm0 =	vpop (xrf1);
	_ =	sdelay $0x5  }
0x168: {  	[tilespmem:v0+s30+$0x0] =	vst.idx.add.s32.msk vm0, v1  }
0x169: {  	v0 =	vld [tilespmem:s16+$0x17020];
	_ =	sdelay $0x4  }
0x16a: {  	(xrf1) =	vunique.msk.u32 $0xffff, v0;
	_ =	sdelay $0xd  }
0x16b: {  	_, v1, vm0 =	vpop (xrf1);
	_ =	sdelay $0x5  }
0x16c: {  	[tilespmem:v0+s30+$0x0] =	vst.idx.add.s32.msk vm0, v1  }
0x16d: {  	v0 =	vld [tilespmem:s16+$0x17030];
	_ =	sdelay $0x4  }
0x16e: {  	(xrf1) =	vunique.msk.u32 $0xffff, v0;
	_ =	sdelay $0xd  }
0x16f: {  	_, v1, vm0 =	vpop (xrf1);
	_ =	sdelay $0x5  }
0x170: {  	[tilespmem:v0+s30+$0x0] =	vst.idx.add.s32.msk vm0, v1  }
0x171: {  	v0 =	vld [tilespmem:s16+$0x17040];
	_ =	sdelay $0x4  }
0x172: {  	(xrf1) =	vunique.msk.u32 $0xffff, v0;
	_ =	sdelay $0xd  }
0x173: {  	_, v1, vm0 =	vpop (xrf1);
	_ =	sdelay $0x5  }
0x174: {  	[tilespmem:v0+s30+$0x0] =	vst.idx.add.s32.msk vm0, v1  }
0x175: {  	v0 =	vld [tilespmem:s16+$0x17050];
	_ =	sdelay $0x4  }
0x176: {  	(xrf1) =	vunique.msk.u32 $0xffff, v0;
	_ =	sdelay $0xd  }
0x177: {  	_, v1, vm0 =	vpop (xrf1);
	_ =	sdelay $0x5  }
0x178: {  	[tilespmem:v0+s30+$0x0] =	vst.idx.add.s32.msk vm0, v1  }
0x179: {  	v0 =	vld [tilespmem:s16+$0x17060];
	_ =	sdelay $0x4  }
0x17a: {  	(xrf1) =	vunique.msk.u32 $0xffff, v0;
	_ =	sdelay $0xd  }
0x17b: {  	_, v1, vm0 =	vpop (xrf1);
	_ =	sdelay $0x5  }
0x17c: {  	[tilespmem:v0+s30+$0x0] =	vst.idx.add.s32.msk vm0, v1  }
0x17d: {  	v0 =	vld [tilespmem:s16+$0x17070];
	_ =	sdelay $0x4  }
0x17e: {  	(xrf1) =	vunique.msk.u32 $0xffff, v0;
	_ =	sdelay $0xd  }
0x17f: {  	_, v1, vm0 =	vpop (xrf1);
	_ =	sdelay $0x5  }
0x180: {  	s17 =	sadd.s32 $0x17000, s16;
	[tilespmem:v0+s30+$0x0] =	vst.idx.add.s32.msk vm0, v1  }
0x181: {  	[spmem:s3] =	stream.indirect.scatter.add.f32 [tilespmem:s6], [sflag:$0x4], $0x80, s17, s0, $0xb8;
	[tilespmem:$0x1FB80] =	vst v63  }
0x182: {  	_ =	swait.ge [sflag:s9], $0x4000  }
0x183: {  	[sflag:s9] =	ssyncset.done $0x0  }
0x184: {  	p1 =	sne.s32 s15, $0x800;
	s17 =	sadd.s32 $0x16480, s16;
	[sflag:s9] =	ssyncadd.s32 $0xFFFFC000  }
0x185: {  	[tilespmem:s4], [sflag:$0x1] =	stream.indirect.gather [hbm4b:s1+s0], $0x80, s17, s0, $0xb8;
	[tilespmem:$0x1FB80] =	vst v63  }
.Ltmp4:
0x186: {  	_ = 	snop;
	(pc) =	sbr.rel @p1 .LBB2_18-.Ltmp4, $4  }
0x187: {  	_ =	swait.ge [sflag:s10], $0x4000  }
0x188: {  	[sflag:s10] =	ssyncset.done $0x0  }
0x189: {  	s15 =	sadd.s32 $0x400, s15;
	s16 =	sadd.s32 $0x16500, s16;
	[sflag:s10] =	ssyncadd.s32 $0xFFFFC000  }
0x18a: {  	[tilespmem:s6], [sflag:$0x2] =	stream.indirect.gather [hbm4b:s1+s0], $0x80, s16, s0, $0xb8;
	[tilespmem:$0x1FB80] =	vst v63  }
0x18b: {  	_ =	swait.ge [sflag:s7], $0x4000  }
0x18c: {  	[sflag:s7] =	ssyncset.done $0x0  }
0x18d: {  	[sflag:s7] =	ssyncadd.s32 $0xFFFFC000  }
0x18e: {  	v0 =	vld [tilespmem:$0x17280];
	_ =	sdelay $0x4  }
0x18f: {  	(xrf1) =	vunique.msk.u32 $0xffff, v0;
	_ =	sdelay $0xd  }
0x190: {  	_, v1, vm0 =	vpop (xrf1);
	_ =	sdelay $0x5  }
0x191: {  	[tilespmem:v0+s30+$0x0] =	vst.idx.add.s32.msk vm0, v1  }
0x192: {  	v0 =	vld [tilespmem:$0x17290];
	_ =	sdelay $0x4  }
0x193: {  	(xrf1) =	vunique.msk.u32 $0xffff, v0;
	_ =	sdelay $0xd  }
0x194: {  	_, v1, vm0 =	vpop (xrf1);
	_ =	sdelay $0x5  }
0x195: {  	[tilespmem:v0+s30+$0x0] =	vst.idx.add.s32.msk vm0, v1  }
0x196: {  	v0 =	vld [tilespmem:$0x172A0];
	_ =	sdelay $0x4  }
0x197: {  	(xrf1) =	vunique.msk.u32 $0xffff, v0;
	_ =	sdelay $0xd  }
0x198: {  	_, v1, vm0 =	vpop (xrf1);
	_ =	sdelay $0x5  }
0x199: {  	[tilespmem:v0+s30+$0x0] =	vst.idx.add.s32.msk vm0, v1  }
0x19a: {  	v0 =	vld [tilespmem:$0x172B0];
	_ =	sdelay $0x4  }
0x19b: {  	(xrf1) =	vunique.msk.u32 $0xffff, v0;
	_ =	sdelay $0xd  }
0x19c: {  	_, v1, vm0 =	vpop (xrf1);
	_ =	sdelay $0x5  }
0x19d: {  	[tilespmem:v0+s30+$0x0] =	vst.idx.add.s32.msk vm0, v1  }
0x19e: {  	v0 =	vld [tilespmem:$0x172C0];
	_ =	sdelay $0x4  }
0x19f: {  	(xrf1) =	vunique.msk.u32 $0xffff, v0;
	_ =	sdelay $0xd  }
0x1a0: {  	_, v1, vm0 =	vpop (xrf1);
	_ =	sdelay $0x5  }
0x1a1: {  	[tilespmem:v0+s30+$0x0] =	vst.idx.add.s32.msk vm0, v1  }
0x1a2: {  	v0 =	vld [tilespmem:$0x172D0];
	_ =	sdelay $0x4  }
0x1a3: {  	(xrf1) =	vunique.msk.u32 $0xffff, v0;
	_ =	sdelay $0xd  }
0x1a4: {  	_, v1, vm0 =	vpop (xrf1);
	_ =	sdelay $0x5  }
0x1a5: {  	[tilespmem:v0+s30+$0x0] =	vst.idx.add.s32.msk vm0, v1  }
0x1a6: {  	v0 =	vld [tilespmem:$0x172E0];
	_ =	sdelay $0x4  }
0x1a7: {  	(xrf1) =	vunique.msk.u32 $0xffff, v0;
	_ =	sdelay $0xd  }
0x1a8: {  	_, v1, vm0 =	vpop (xrf1);
	_ =	sdelay $0x5  }
0x1a9: {  	[tilespmem:v0+s30+$0x0] =	vst.idx.add.s32.msk vm0, v1  }
0x1aa: {  	v0 =	vld [tilespmem:$0x172F0];
	_ =	sdelay $0x4  }
0x1ab: {  	(xrf1) =	vunique.msk.u32 $0xffff, v0;
	_ =	sdelay $0xd  }
0x1ac: {  	_, v1, vm0 =	vpop (xrf1);
	_ =	sdelay $0x5  }
0x1ad: {  	s15 =	simm.s32 $0x17280;
	[tilespmem:v0+s30+$0x0] =	vst.idx.add.s32.msk vm0, v1  }
0x1ae: {  	[spmem:s3] =	stream.indirect.scatter.add.f32 [tilespmem:s4], [sflag:$0x3], $0x80, s15, s0, $0xb8;
	[tilespmem:$0x1FB80] =	vst v63  }
0x1af: {  	_ =	swait.ge [sflag:s8], $0x4000  }
0x1b0: {  	[sflag:s8] =	ssyncset.done $0x0  }
0x1b1: {  	[sflag:s8] =	ssyncadd.s32 $0xFFFFC000  }
0x1b2: {  	v63 =	vld [tilespmem:$0x17300];
	_ =	sdelay $0x4  }
0x1b3: {  	(xrf1) =	vunique.msk.u32 $0xffff, v63;
	_ =	sdelay $0xd  }
0x1b4: {  	_, v1, vm0 =	vpop (xrf1);
	_ =	sdelay $0x5  }
0x1b5: {  	[tilespmem:v63+s30+$0x0] =	vst.idx.add.s32.msk vm0, v1  }
0x1b6: {  	v0 =	vld [tilespmem:$0x17310];
	_ =	sdelay $0x4  }
0x1b7: {  	(xrf1) =	vunique.msk.u32 $0xffff, v0;
	_ =	sdelay $0xd  }
0x1b8: {  	_, v1, vm0 =	vpop (xrf1);
	_ =	sdelay $0x5  }
0x1b9: {  	[tilespmem:v0+s30+$0x0] =	vst.idx.add.s32.msk vm0, v1  }
0x1ba: {  	v0 =	vld [tilespmem:$0x17320];
	_ =	sdelay $0x4  }
0x1bb: {  	(xrf1) =	vunique.msk.u32 $0xffff, v0;
	_ =	sdelay $0xd  }
0x1bc: {  	_, v1, vm0 =	vpop (xrf1);
	_ =	sdelay $0x5  }
0x1bd: {  	[tilespmem:v0+s30+$0x0] =	vst.idx.add.s32.msk vm0, v1  }
0x1be: {  	v0 =	vld [tilespmem:$0x17330];
	_ =	sdelay $0x4  }
0x1bf: {  	(xrf1) =	vunique.msk.u32 $0xffff, v0;
	_ =	sdelay $0xd  }
0x1c0: {  	_, v1, vm0 =	vpop (xrf1);
	_ =	sdelay $0x5  }
0x1c1: {  	[tilespmem:v0+s30+$0x0] =	vst.idx.add.s32.msk vm0, v1  }
0x1c2: {  	v0 =	vld [tilespmem:$0x17340];
	_ =	sdelay $0x4  }
0x1c3: {  	(xrf1) =	vunique.msk.u32 $0xffff, v0;
	_ =	sdelay $0xd  }
0x1c4: {  	_, v1, vm0 =	vpop (xrf1);
	_ =	sdelay $0x5  }
0x1c5: {  	[tilespmem:v0+s30+$0x0] =	vst.idx.add.s32.msk vm0, v1  }
0x1c6: {  	v0 =	vld [tilespmem:$0x17350];
	_ =	sdelay $0x4  }
0x1c7: {  	(xrf1) =	vunique.msk.u32 $0xffff, v0;
	_ =	sdelay $0xd  }
0x1c8: {  	_, v1, vm0 =	vpop (xrf1);
	_ =	sdelay $0x1  }
.Ltmp5:
0x1c9: {  	_ = 	snop;
	(pc) =	sbr.rel .LBB2_20-.Ltmp5, $2  }
0x1ca: {  	_ =	sdelay $0x2  }
0x1cb: {  	s16 =	simm.s32 $0x17370;
	s17 =	simm.s32 $0x17360;
	s15 =	simm.s32 $0x17300;
	[tilespmem:v0+s30+$0x0] =	vst.idx.add.s32.msk vm0, v1  }
.LBB2_2:
0x1cc: {  	s16 =	rddreg [dreg:$0x4]  }
0x1cd: {  	[tilespmem:s31], [sflag:$0x5] =	stream.linear.gather [hbm4b:s16+s15], $0xC00, $0x38;
	[tilespmem:$0x1FB80] =	vst v63  }
0x1ce: {  	_ =	swait.ge [sflag:s29], $0xC00  }
0x1cf: {  	[sflag:s29] =	ssyncset.done $0x0  }
0x1d0: {  	s17 =	rddreg [dreg:$0x5];
	[sflag:s29] =	ssyncadd.s32 $0xFFFFF400  }
0x1d1: {  	[tilespmem:s2], [sflag:$0x5] =	stream.linear.gather [hbm4b:s17+s15], $0xC00, $0x38;
	[tilespmem:$0x1FB80] =	vst v63  }
0x1d2: {  	_ =	swait.ge [sflag:s29], $0xC00  }
0x1d3: {  	[sflag:s29] =	ssyncset.done $0x0  }
0x1d4: {  	[sflag:s29] =	ssyncadd.s32 $0xFFFFF400  }
0x1d5: {  	[tilespmem:s4], [sflag:$0x1] =	stream.indirect.gather [hbm4b:s1+s0], $0x80, s31, s0, $0xb8;
	[tilespmem:$0x1FB80] =	vst v63  }
0x1d6: {  	_ = 	snop  }
0x1d7: {  	[tilespmem:s6], [sflag:$0x2] =	stream.indirect.gather [hbm4b:s1+s0], $0x80, s5, s0, $0xb8;
	[tilespmem:$0x1FB80] =	vst v63  }
.LBB2_3:
0x1d8: {  	_ =	swait.ge [sflag:s7], $0x4000  }
0x1d9: {  	[sflag:s7] =	ssyncset.done $0x0  }
0x1da: {  	s16 =	sshra.s32 s15, $0x2;
	[sflag:s7] =	ssyncadd.s32 $0xFFFFC000  }
0x1db: {  	v0 =	vld [tilespmem:s16+$0x16F80];
	_ =	sdelay $0x4  }
0x1dc: {  	(xrf1) =	vunique.msk.u32 $0xffff, v0;
	_ =	sdelay $0xd  }
0x1dd: {  	_, v1, vm0 =	vpop (xrf1);
	_ =	sdelay $0x5  }
0x1de: {  	[tilespmem:v0+s30+$0x0] =	vst.idx.add.s32.msk vm0, v1  }
0x1df: {  	v0 =	vld [tilespmem:s16+$0x16F90];
	_ =	sdelay $0x4  }
0x1e0: {  	(xrf1) =	vunique.msk.u32 $0xffff, v0;
	_ =	sdelay $0xd  }
0x1e1: {  	_, v1, vm0 =	vpop (xrf1);
	_ =	sdelay $0x5  }
0x1e2: {  	[tilespmem:v0+s30+$0x0] =	vst.idx.add.s32.msk vm0, v1  }
0x1e3: {  	v0 =	vld [tilespmem:s16+$0x16FA0];
	_ =	sdelay $0x4  }
0x1e4: {  	(xrf1) =	vunique.msk.u32 $0xffff, v0;
	_ =	sdelay $0xd  }
0x1e5: {  	_, v1, vm0 =	vpop (xrf1);
	_ =	sdelay $0x5  }
0x1e6: {  	[tilespmem:v0+s30+$0x0] =	vst.idx.add.s32.msk vm0, v1  }
0x1e7: {  	v0 =	vld [tilespmem:s16+$0x16FB0];
	_ =	sdelay $0x4  }
0x1e8: {  	(xrf1) =	vunique.msk.u32 $0xffff, v0;
	_ =	sdelay $0xd  }
0x1e9: {  	_, v1, vm0 =	vpop (xrf1);
	_ =	sdelay $0x5  }
0x1ea: {  	[tilespmem:v0+s30+$0x0] =	vst.idx.add.s32.msk vm0, v1  }
0x1eb: {  	v0 =	vld [tilespmem:s16+$0x16FC0];
	_ =	sdelay $0x4  }
0x1ec: {  	(xrf1) =	vunique.msk.u32 $0xffff, v0;
	_ =	sdelay $0xd  }
0x1ed: {  	_, v1, vm0 =	vpop (xrf1);
	_ =	sdelay $0x5  }
0x1ee: {  	[tilespmem:v0+s30+$0x0] =	vst.idx.add.s32.msk vm0, v1  }
0x1ef: {  	v0 =	vld [tilespmem:s16+$0x16FD0];
	_ =	sdelay $0x4  }
0x1f0: {  	(xrf1) =	vunique.msk.u32 $0xffff, v0;
	_ =	sdelay $0xd  }
0x1f1: {  	_, v1, vm0 =	vpop (xrf1);
	_ =	sdelay $0x5  }
0x1f2: {  	[tilespmem:v0+s30+$0x0] =	vst.idx.add.s32.msk vm0, v1  }
0x1f3: {  	v0 =	vld [tilespmem:s16+$0x16FE0];
	_ =	sdelay $0x4  }
0x1f4: {  	(xrf1) =	vunique.msk.u32 $0xffff, v0;
	_ =	sdelay $0xd  }
0x1f5: {  	_, v1, vm0 =	vpop (xrf1);
	_ =	sdelay $0x5  }
0x1f6: {  	[tilespmem:v0+s30+$0x0] =	vst.idx.add.s32.msk vm0, v1  }
0x1f7: {  	v0 =	vld [tilespmem:s16+$0x16FF0];
	_ =	sdelay $0x4  }
0x1f8: {  	(xrf1) =	vunique.msk.u32 $0xffff, v0;
	_ =	sdelay $0xd  }
0x1f9: {  	_, v1, vm0 =	vpop (xrf1);
	_ =	sdelay $0x5  }
0x1fa: {  	s17 =	sadd.s32 $0x16F80, s16;
	[tilespmem:v0+s30+$0x0] =	vst.idx.add.s32.msk vm0, v1  }
0x1fb: {  	[spmem:s3] =	stream.indirect.scatter.add.f32 [tilespmem:s4], [sflag:$0x3], $0x80, s17, s0, $0xb8;
	[tilespmem:$0x1FB80] =	vst v63  }
0x1fc: {  	_ =	swait.ge [sflag:s8], $0x4000  }
0x1fd: {  	[sflag:s8] =	ssyncset.done $0x0  }
0x1fe: {  	[sflag:s8] =	ssyncadd.s32 $0xFFFFC000  }
0x1ff: {  	v63 =	vld [tilespmem:s16+$0x17000];
	_ =	sdelay $0x4  }
0x200: {  	(xrf1) =	vunique.msk.u32 $0xffff, v63;
	_ =	sdelay $0xd  }
0x201: {  	_, v1, vm0 =	vpop (xrf1);
	_ =	sdelay $0x5  }
0x202: {  	[tilespmem:v63+s30+$0x0] =	vst.idx.add.s32.msk vm0, v1  }
0x203: {  	v0 =	vld [tilespmem:s16+$0x17010];
	_ =	sdelay $0x4  }
0x204: {  	(xrf1) =	vunique.msk.u32 $0xffff, v0;
	_ =	sdelay $0xd  }
0x205: {  	_, v1, vm0 =	vpop (xrf1);
	_ =	sdelay $0x5  }
0x206: {  	[tilespmem:v0+s30+$0x0] =	vst.idx.add.s32.msk vm0, v1  }
0x207: {  	v0 =	vld [tilespmem:s16+$0x17020];
	_ =	sdelay $0x4  }
0x208: {  	(xrf1) =	vunique.msk.u32 $0xffff, v0;
	_ =	sdelay $0xd  }
0x209: {  	_, v1, vm0 =	vpop (xrf1);
	_ =	sdelay $0x5  }
0x20a: {  	[tilespmem:v0+s30+$0x0] =	vst.idx.add.s32.msk vm0, v1  }
0x20b: {  	v0 =	vld [tilespmem:s16+$0x17030];
	_ =	sdelay $0x4  }
0x20c: {  	(xrf1) =	vunique.msk.u32 $0xffff, v0;
	_ =	sdelay $0xd  }
0x20d: {  	_, v1, vm0 =	vpop (xrf1);
	_ =	sdelay $0x5  }
0x20e: {  	[tilespmem:v0+s30+$0x0] =	vst.idx.add.s32.msk vm0, v1  }
0x20f: {  	v0 =	vld [tilespmem:s16+$0x17040];
	_ =	sdelay $0x4  }
0x210: {  	(xrf1) =	vunique.msk.u32 $0xffff, v0;
	_ =	sdelay $0xd  }
0x211: {  	_, v1, vm0 =	vpop (xrf1);
	_ =	sdelay $0x5  }
0x212: {  	[tilespmem:v0+s30+$0x0] =	vst.idx.add.s32.msk vm0, v1  }
0x213: {  	v0 =	vld [tilespmem:s16+$0x17050];
	_ =	sdelay $0x4  }
0x214: {  	(xrf1) =	vunique.msk.u32 $0xffff, v0;
	_ =	sdelay $0xd  }
0x215: {  	_, v1, vm0 =	vpop (xrf1);
	_ =	sdelay $0x5  }
0x216: {  	[tilespmem:v0+s30+$0x0] =	vst.idx.add.s32.msk vm0, v1  }
0x217: {  	v0 =	vld [tilespmem:s16+$0x17060];
	_ =	sdelay $0x4  }
0x218: {  	(xrf1) =	vunique.msk.u32 $0xffff, v0;
	_ =	sdelay $0xd  }
0x219: {  	_, v1, vm0 =	vpop (xrf1);
	_ =	sdelay $0x5  }
0x21a: {  	[tilespmem:v0+s30+$0x0] =	vst.idx.add.s32.msk vm0, v1  }
0x21b: {  	v0 =	vld [tilespmem:s16+$0x17070];
	_ =	sdelay $0x4  }
0x21c: {  	(xrf1) =	vunique.msk.u32 $0xffff, v0;
	_ =	sdelay $0xd  }
0x21d: {  	_, v1, vm0 =	vpop (xrf1);
	_ =	sdelay $0x5  }
0x21e: {  	s17 =	sadd.s32 $0x17000, s16;
	[tilespmem:v0+s30+$0x0] =	vst.idx.add.s32.msk vm0, v1  }
0x21f: {  	[spmem:s3] =	stream.indirect.scatter.add.f32 [tilespmem:s6], [sflag:$0x4], $0x80, s17, s0, $0xb8;
	[tilespmem:$0x1FB80] =	vst v63  }
0x220: {  	_ =	swait.ge [sflag:s9], $0x4000  }
0x221: {  	[sflag:s9] =	ssyncset.done $0x0  }
0x222: {  	p1 =	sne.s32 s15, $0x2800;
	s17 =	sadd.s32 $0x16480, s16;
	[sflag:s9] =	ssyncadd.s32 $0xFFFFC000  }
0x223: {  	[tilespmem:s4], [sflag:$0x1] =	stream.indirect.gather [hbm4b:s1+s0], $0x80, s17, s0, $0xb8;
	[tilespmem:$0x1FB80] =	vst v63  }
.Ltmp6:
0x224: {  	_ = 	snop;
	(pc) =	sbr.rel @p1 .LBB2_3-.Ltmp6, $4  }
0x225: {  	_ =	swait.ge [sflag:s10], $0x4000  }
0x226: {  	[sflag:s10] =	ssyncset.done $0x0  }
0x227: {  	s15 =	sadd.s32 $0x400, s15;
	s16 =	sadd.s32 $0x16500, s16;
	[sflag:s10] =	ssyncadd.s32 $0xFFFFC000  }
0x228: {  	[tilespmem:s6], [sflag:$0x2] =	stream.indirect.gather [hbm4b:s1+s0], $0x80, s16, s0, $0xb8;
	[tilespmem:$0x1FB80] =	vst v63  }
0x229: {  	_ =	swait.ge [sflag:s7], $0x4000  }
0x22a: {  	[sflag:s7] =	ssyncset.done $0x0  }
0x22b: {  	[sflag:s7] =	ssyncadd.s32 $0xFFFFC000  }
0x22c: {  	v0 =	vld [tilespmem:$0x17A80];
	_ =	sdelay $0x4  }
0x22d: {  	(xrf1) =	vunique.msk.u32 $0xffff, v0;
	_ =	sdelay $0xd  }
0x22e: {  	_, v1, vm0 =	vpop (xrf1);
	_ =	sdelay $0x5  }
0x22f: {  	[tilespmem:v0+s30+$0x0] =	vst.idx.add.s32.msk vm0, v1  }
0x230: {  	v0 =	vld [tilespmem:$0x17A90];
	_ =	sdelay $0x4  }
0x231: {  	(xrf1) =	vunique.msk.u32 $0xffff, v0;
	_ =	sdelay $0xd  }
0x232: {  	_, v1, vm0 =	vpop (xrf1);
	_ =	sdelay $0x5  }
0x233: {  	[tilespmem:v0+s30+$0x0] =	vst.idx.add.s32.msk vm0, v1  }
0x234: {  	v0 =	vld [tilespmem:$0x17AA0];
	_ =	sdelay $0x4  }
0x235: {  	(xrf1) =	vunique.msk.u32 $0xffff, v0;
	_ =	sdelay $0xd  }
0x236: {  	_, v1, vm0 =	vpop (xrf1);
	_ =	sdelay $0x5  }
0x237: {  	[tilespmem:v0+s30+$0x0] =	vst.idx.add.s32.msk vm0, v1  }
0x238: {  	v0 =	vld [tilespmem:$0x17AB0];
	_ =	sdelay $0x4  }
0x239: {  	(xrf1) =	vunique.msk.u32 $0xffff, v0;
	_ =	sdelay $0xd  }
0x23a: {  	_, v1, vm0 =	vpop (xrf1);
	_ =	sdelay $0x5  }
0x23b: {  	[tilespmem:v0+s30+$0x0] =	vst.idx.add.s32.msk vm0, v1  }
0x23c: {  	v0 =	vld [tilespmem:$0x17AC0];
	_ =	sdelay $0x4  }
0x23d: {  	(xrf1) =	vunique.msk.u32 $0xffff, v0;
	_ =	sdelay $0xd  }
0x23e: {  	_, v1, vm0 =	vpop (xrf1);
	_ =	sdelay $0x5  }
0x23f: {  	[tilespmem:v0+s30+$0x0] =	vst.idx.add.s32.msk vm0, v1  }
0x240: {  	v0 =	vld [tilespmem:$0x17AD0];
	_ =	sdelay $0x4  }
0x241: {  	(xrf1) =	vunique.msk.u32 $0xffff, v0;
	_ =	sdelay $0xd  }
0x242: {  	_, v1, vm0 =	vpop (xrf1);
	_ =	sdelay $0x5  }
0x243: {  	[tilespmem:v0+s30+$0x0] =	vst.idx.add.s32.msk vm0, v1  }
0x244: {  	v0 =	vld [tilespmem:$0x17AE0];
	_ =	sdelay $0x4  }
0x245: {  	(xrf1) =	vunique.msk.u32 $0xffff, v0;
	_ =	sdelay $0xd  }
0x246: {  	_, v1, vm0 =	vpop (xrf1);
	_ =	sdelay $0x5  }
0x247: {  	[tilespmem:v0+s30+$0x0] =	vst.idx.add.s32.msk vm0, v1  }
0x248: {  	v0 =	vld [tilespmem:$0x17AF0];
	_ =	sdelay $0x4  }
0x249: {  	(xrf1) =	vunique.msk.u32 $0xffff, v0;
	_ =	sdelay $0xd  }
0x24a: {  	_, v1, vm0 =	vpop (xrf1);
	_ =	sdelay $0x5  }
0x24b: {  	[tilespmem:v0+s30+$0x0] =	vst.idx.add.s32.msk vm0, v1  }
0x24c: {  	[spmem:s3] =	stream.indirect.scatter.add.f32 [tilespmem:s4], [sflag:$0x3], $0x80, s11, s0, $0xb8;
	[tilespmem:$0x1FB80] =	vst v63  }
0x24d: {  	_ =	swait.ge [sflag:s8], $0x4000  }
0x24e: {  	[sflag:s8] =	ssyncset.done $0x0  }
0x24f: {  	[sflag:s8] =	ssyncadd.s32 $0xFFFFC000  }
0x250: {  	v63 =	vld [tilespmem:$0x17B00];
	_ =	sdelay $0x4  }
0x251: {  	(xrf1) =	vunique.msk.u32 $0xffff, v63;
	_ =	sdelay $0xd  }
0x252: {  	_, v1, vm0 =	vpop (xrf1);
	_ =	sdelay $0x5  }
0x253: {  	[tilespmem:v63+s30+$0x0] =	vst.idx.add.s32.msk vm0, v1  }
0x254: {  	v0 =	vld [tilespmem:$0x17B10];
	_ =	sdelay $0x4  }
0x255: {  	(xrf1) =	vunique.msk.u32 $0xffff, v0;
	_ =	sdelay $0xd  }
0x256: {  	_, v1, vm0 =	vpop (xrf1);
	_ =	sdelay $0x5  }
0x257: {  	[tilespmem:v0+s30+$0x0] =	vst.idx.add.s32.msk vm0, v1  }
0x258: {  	v0 =	vld [tilespmem:$0x17B20];
	_ =	sdelay $0x4  }
0x259: {  	(xrf1) =	vunique.msk.u32 $0xffff, v0;
	_ =	sdelay $0xd  }
0x25a: {  	_, v1, vm0 =	vpop (xrf1);
	_ =	sdelay $0x5  }
0x25b: {  	[tilespmem:v0+s30+$0x0] =	vst.idx.add.s32.msk vm0, v1  }
0x25c: {  	v0 =	vld [tilespmem:$0x17B30];
	_ =	sdelay $0x4  }
0x25d: {  	(xrf1) =	vunique.msk.u32 $0xffff, v0;
	_ =	sdelay $0xd  }
0x25e: {  	_, v1, vm0 =	vpop (xrf1);
	_ =	sdelay $0x5  }
0x25f: {  	[tilespmem:v0+s30+$0x0] =	vst.idx.add.s32.msk vm0, v1  }
0x260: {  	v0 =	vld [tilespmem:$0x17B40];
	_ =	sdelay $0x4  }
0x261: {  	(xrf1) =	vunique.msk.u32 $0xffff, v0;
	_ =	sdelay $0xd  }
0x262: {  	_, v1, vm0 =	vpop (xrf1);
	_ =	sdelay $0x5  }
0x263: {  	[tilespmem:v0+s30+$0x0] =	vst.idx.add.s32.msk vm0, v1  }
0x264: {  	v0 =	vld [tilespmem:$0x17B50];
	_ =	sdelay $0x4  }
0x265: {  	(xrf1) =	vunique.msk.u32 $0xffff, v0;
	_ =	sdelay $0xd  }
0x266: {  	_, v1, vm0 =	vpop (xrf1);
	_ =	sdelay $0x5  }
0x267: {  	[tilespmem:v0+s30+$0x0] =	vst.idx.add.s32.msk vm0, v1  }
0x268: {  	v0 =	vld [tilespmem:$0x17B60];
	_ =	sdelay $0x4  }
0x269: {  	(xrf1) =	vunique.msk.u32 $0xffff, v0;
	_ =	sdelay $0xd  }
0x26a: {  	_, v1, vm0 =	vpop (xrf1);
	_ =	sdelay $0x5  }
0x26b: {  	[tilespmem:v0+s30+$0x0] =	vst.idx.add.s32.msk vm0, v1  }
0x26c: {  	v0 =	vld [tilespmem:$0x17B70];
	_ =	sdelay $0x4  }
0x26d: {  	(xrf1) =	vunique.msk.u32 $0xffff, v0;
	_ =	sdelay $0xd  }
0x26e: {  	_, v1, vm0 =	vpop (xrf1);
	_ =	sdelay $0x5  }
0x26f: {  	[tilespmem:v0+s30+$0x0] =	vst.idx.add.s32.msk vm0, v1  }
0x270: {  	[spmem:s3] =	stream.indirect.scatter.add.f32 [tilespmem:s6], [sflag:$0x4], $0x80, s12, s0, $0xb8;
	[tilespmem:$0x1FB80] =	vst v63  }
0x271: {  	_ =	swait.ge [sflag:s9], $0x4000  }
0x272: {  	[sflag:s9] =	ssyncset.done $0x0  }
0x273: {  	[sflag:s9] =	ssyncadd.s32 $0xFFFFC000  }
0x274: {  	_ =	swait.ge [sflag:s10], $0x4000  }
0x275: {  	[sflag:s10] =	ssyncset.done $0x0  }
0x276: {  	s15 =	simm.s32 $0x0;
	s16 =	rddreg [dreg:$0x6];
	[sflag:s10] =	ssyncadd.s32 $0xFFFFC000  }
0x277: {  	[tilespmem:s31], [sflag:$0x5] =	stream.linear.gather [hbm4b:s16+s15], $0xC00, $0x38;
	[tilespmem:$0x1FB80] =	vst v63  }
0x278: {  	_ =	swait.ge [sflag:s29], $0xC00  }
0x279: {  	[sflag:s29] =	ssyncset.done $0x0  }
0x27a: {  	s17 =	rddreg [dreg:$0x7];
	[sflag:s29] =	ssyncadd.s32 $0xFFFFF400  }
0x27b: {  	[tilespmem:s2], [sflag:$0x5] =	stream.linear.gather [hbm4b:s17+s15], $0xC00, $0x38;
	[tilespmem:$0x1FB80] =	vst v63  }
0x27c: {  	_ =	swait.ge [sflag:s29], $0xC00  }
0x27d: {  	[sflag:s29] =	ssyncset.done $0x0  }
0x27e: {  	[sflag:s29] =	ssyncadd.s32 $0xFFFFF400  }
0x27f: {  	[tilespmem:s4], [sflag:$0x1] =	stream.indirect.gather [hbm4b:s1+s0], $0x80, s31, s0, $0xb8;
	[tilespmem:$0x1FB80] =	vst v63  }
0x280: {  	_ = 	snop  }
0x281: {  	[tilespmem:s6], [sflag:$0x2] =	stream.indirect.gather [hbm4b:s1+s0], $0x80, s5, s0, $0xb8;
	[tilespmem:$0x1FB80] =	vst v63  }
.LBB2_5:
0x282: {  	_ =	swait.ge [sflag:s7], $0x4000  }
0x283: {  	[sflag:s7] =	ssyncset.done $0x0  }
0x284: {  	s16 =	sshra.s32 s15, $0x2;
	[sflag:s7] =	ssyncadd.s32 $0xFFFFC000  }
0x285: {  	v0 =	vld [tilespmem:s16+$0x16F80];
	_ =	sdelay $0x4  }
0x286: {  	(xrf1) =	vunique.msk.u32 $0xffff, v0;
	_ =	sdelay $0xd  }
0x287: {  	_, v1, vm0 =	vpop (xrf1);
	_ =	sdelay $0x5  }
0x288: {  	[tilespmem:v0+s30+$0x0] =	vst.idx.add.s32.msk vm0, v1  }
0x289: {  	v0 =	vld [tilespmem:s16+$0x16F90];
	_ =	sdelay $0x4  }
0x28a: {  	(xrf1) =	vunique.msk.u32 $0xffff, v0;
	_ =	sdelay $0xd  }
0x28b: {  	_, v1, vm0 =	vpop (xrf1);
	_ =	sdelay $0x5  }
0x28c: {  	[tilespmem:v0+s30+$0x0] =	vst.idx.add.s32.msk vm0, v1  }
0x28d: {  	v0 =	vld [tilespmem:s16+$0x16FA0];
	_ =	sdelay $0x4  }
0x28e: {  	(xrf1) =	vunique.msk.u32 $0xffff, v0;
	_ =	sdelay $0xd  }
0x28f: {  	_, v1, vm0 =	vpop (xrf1);
	_ =	sdelay $0x5  }
0x290: {  	[tilespmem:v0+s30+$0x0] =	vst.idx.add.s32.msk vm0, v1  }
0x291: {  	v0 =	vld [tilespmem:s16+$0x16FB0];
	_ =	sdelay $0x4  }
0x292: {  	(xrf1) =	vunique.msk.u32 $0xffff, v0;
	_ =	sdelay $0xd  }
0x293: {  	_, v1, vm0 =	vpop (xrf1);
	_ =	sdelay $0x5  }
0x294: {  	[tilespmem:v0+s30+$0x0] =	vst.idx.add.s32.msk vm0, v1  }
0x295: {  	v0 =	vld [tilespmem:s16+$0x16FC0];
	_ =	sdelay $0x4  }
0x296: {  	(xrf1) =	vunique.msk.u32 $0xffff, v0;
	_ =	sdelay $0xd  }
0x297: {  	_, v1, vm0 =	vpop (xrf1);
	_ =	sdelay $0x5  }
0x298: {  	[tilespmem:v0+s30+$0x0] =	vst.idx.add.s32.msk vm0, v1  }
0x299: {  	v0 =	vld [tilespmem:s16+$0x16FD0];
	_ =	sdelay $0x4  }
0x29a: {  	(xrf1) =	vunique.msk.u32 $0xffff, v0;
	_ =	sdelay $0xd  }
0x29b: {  	_, v1, vm0 =	vpop (xrf1);
	_ =	sdelay $0x5  }
0x29c: {  	[tilespmem:v0+s30+$0x0] =	vst.idx.add.s32.msk vm0, v1  }
0x29d: {  	v0 =	vld [tilespmem:s16+$0x16FE0];
	_ =	sdelay $0x4  }
0x29e: {  	(xrf1) =	vunique.msk.u32 $0xffff, v0;
	_ =	sdelay $0xd  }
0x29f: {  	_, v1, vm0 =	vpop (xrf1);
	_ =	sdelay $0x5  }
0x2a0: {  	[tilespmem:v0+s30+$0x0] =	vst.idx.add.s32.msk vm0, v1  }
0x2a1: {  	v0 =	vld [tilespmem:s16+$0x16FF0];
	_ =	sdelay $0x4  }
0x2a2: {  	(xrf1) =	vunique.msk.u32 $0xffff, v0;
	_ =	sdelay $0xd  }
0x2a3: {  	_, v1, vm0 =	vpop (xrf1);
	_ =	sdelay $0x5  }
0x2a4: {  	s17 =	sadd.s32 $0x16F80, s16;
	[tilespmem:v0+s30+$0x0] =	vst.idx.add.s32.msk vm0, v1  }
0x2a5: {  	[spmem:s3] =	stream.indirect.scatter.add.f32 [tilespmem:s4], [sflag:$0x3], $0x80, s17, s0, $0xb8;
	[tilespmem:$0x1FB80] =	vst v63  }
0x2a6: {  	_ =	swait.ge [sflag:s8], $0x4000  }
0x2a7: {  	[sflag:s8] =	ssyncset.done $0x0  }
0x2a8: {  	[sflag:s8] =	ssyncadd.s32 $0xFFFFC000  }
0x2a9: {  	v63 =	vld [tilespmem:s16+$0x17000];
	_ =	sdelay $0x4  }
0x2aa: {  	(xrf1) =	vunique.msk.u32 $0xffff, v63;
	_ =	sdelay $0xd  }
0x2ab: {  	_, v1, vm0 =	vpop (xrf1);
	_ =	sdelay $0x5  }
0x2ac: {  	[tilespmem:v63+s30+$0x0] =	vst.idx.add.s32.msk vm0, v1  }
0x2ad: {  	v0 =	vld [tilespmem:s16+$0x17010];
	_ =	sdelay $0x4  }
0x2ae: {  	(xrf1) =	vunique.msk.u32 $0xffff, v0;
	_ =	sdelay $0xd  }
0x2af: {  	_, v1, vm0 =	vpop (xrf1);
	_ =	sdelay $0x5  }
0x2b0: {  	[tilespmem:v0+s30+$0x0] =	vst.idx.add.s32.msk vm0, v1  }
0x2b1: {  	v0 =	vld [tilespmem:s16+$0x17020];
	_ =	sdelay $0x4  }
0x2b2: {  	(xrf1) =	vunique.msk.u32 $0xffff, v0;
	_ =	sdelay $0xd  }
0x2b3: {  	_, v1, vm0 =	vpop (xrf1);
	_ =	sdelay $0x5  }
0x2b4: {  	[tilespmem:v0+s30+$0x0] =	vst.idx.add.s32.msk vm0, v1  }
0x2b5: {  	v0 =	vld [tilespmem:s16+$0x17030];
	_ =	sdelay $0x4  }
0x2b6: {  	(xrf1) =	vunique.msk.u32 $0xffff, v0;
	_ =	sdelay $0xd  }
0x2b7: {  	_, v1, vm0 =	vpop (xrf1);
	_ =	sdelay $0x5  }
0x2b8: {  	[tilespmem:v0+s30+$0x0] =	vst.idx.add.s32.msk vm0, v1  }
0x2b9: {  	v0 =	vld [tilespmem:s16+$0x17040];
	_ =	sdelay $0x4  }
0x2ba: {  	(xrf1) =	vunique.msk.u32 $0xffff, v0;
	_ =	sdelay $0xd  }
0x2bb: {  	_, v1, vm0 =	vpop (xrf1);
	_ =	sdelay $0x5  }
0x2bc: {  	[tilespmem:v0+s30+$0x0] =	vst.idx.add.s32.msk vm0, v1  }
0x2bd: {  	v0 =	vld [tilespmem:s16+$0x17050];
	_ =	sdelay $0x4  }
0x2be: {  	(xrf1) =	vunique.msk.u32 $0xffff, v0;
	_ =	sdelay $0xd  }
0x2bf: {  	_, v1, vm0 =	vpop (xrf1);
	_ =	sdelay $0x5  }
0x2c0: {  	[tilespmem:v0+s30+$0x0] =	vst.idx.add.s32.msk vm0, v1  }
0x2c1: {  	v0 =	vld [tilespmem:s16+$0x17060];
	_ =	sdelay $0x4  }
0x2c2: {  	(xrf1) =	vunique.msk.u32 $0xffff, v0;
	_ =	sdelay $0xd  }
0x2c3: {  	_, v1, vm0 =	vpop (xrf1);
	_ =	sdelay $0x5  }
0x2c4: {  	[tilespmem:v0+s30+$0x0] =	vst.idx.add.s32.msk vm0, v1  }
0x2c5: {  	v0 =	vld [tilespmem:s16+$0x17070];
	_ =	sdelay $0x4  }
0x2c6: {  	(xrf1) =	vunique.msk.u32 $0xffff, v0;
	_ =	sdelay $0xd  }
0x2c7: {  	_, v1, vm0 =	vpop (xrf1);
	_ =	sdelay $0x5  }
0x2c8: {  	s17 =	sadd.s32 $0x17000, s16;
	[tilespmem:v0+s30+$0x0] =	vst.idx.add.s32.msk vm0, v1  }
0x2c9: {  	[spmem:s3] =	stream.indirect.scatter.add.f32 [tilespmem:s6], [sflag:$0x4], $0x80, s17, s0, $0xb8;
	[tilespmem:$0x1FB80] =	vst v63  }
0x2ca: {  	_ =	swait.ge [sflag:s9], $0x4000  }
0x2cb: {  	[sflag:s9] =	ssyncset.done $0x0  }
0x2cc: {  	p1 =	sne.s32 s15, $0x2800;
	s17 =	sadd.s32 $0x16480, s16;
	[sflag:s9] =	ssyncadd.s32 $0xFFFFC000  }
0x2cd: {  	[tilespmem:s4], [sflag:$0x1] =	stream.indirect.gather [hbm4b:s1+s0], $0x80, s17, s0, $0xb8;
	[tilespmem:$0x1FB80] =	vst v63  }
.Ltmp7:
0x2ce: {  	_ = 	snop;
	(pc) =	sbr.rel @p1 .LBB2_5-.Ltmp7, $4  }
0x2cf: {  	_ =	swait.ge [sflag:s10], $0x4000  }
0x2d0: {  	[sflag:s10] =	ssyncset.done $0x0  }
0x2d1: {  	s15 =	sadd.s32 $0x400, s15;
	s16 =	sadd.s32 $0x16500, s16;
	[sflag:s10] =	ssyncadd.s32 $0xFFFFC000  }
0x2d2: {  	[tilespmem:s6], [sflag:$0x2] =	stream.indirect.gather [hbm4b:s1+s0], $0x80, s16, s0, $0xb8;
	[tilespmem:$0x1FB80] =	vst v63  }
0x2d3: {  	_ =	swait.ge [sflag:s7], $0x4000  }
0x2d4: {  	[sflag:s7] =	ssyncset.done $0x0  }
0x2d5: {  	[sflag:s7] =	ssyncadd.s32 $0xFFFFC000  }
0x2d6: {  	v0 =	vld [tilespmem:$0x17A80];
	_ =	sdelay $0x4  }
0x2d7: {  	(xrf1) =	vunique.msk.u32 $0xffff, v0;
	_ =	sdelay $0xd  }
0x2d8: {  	_, v1, vm0 =	vpop (xrf1);
	_ =	sdelay $0x5  }
0x2d9: {  	[tilespmem:v0+s30+$0x0] =	vst.idx.add.s32.msk vm0, v1  }
0x2da: {  	v0 =	vld [tilespmem:$0x17A90];
	_ =	sdelay $0x4  }
0x2db: {  	(xrf1) =	vunique.msk.u32 $0xffff, v0;
	_ =	sdelay $0xd  }
0x2dc: {  	_, v1, vm0 =	vpop (xrf1);
	_ =	sdelay $0x5  }
0x2dd: {  	[tilespmem:v0+s30+$0x0] =	vst.idx.add.s32.msk vm0, v1  }
0x2de: {  	v0 =	vld [tilespmem:$0x17AA0];
	_ =	sdelay $0x4  }
0x2df: {  	(xrf1) =	vunique.msk.u32 $0xffff, v0;
	_ =	sdelay $0xd  }
0x2e0: {  	_, v1, vm0 =	vpop (xrf1);
	_ =	sdelay $0x5  }
0x2e1: {  	[tilespmem:v0+s30+$0x0] =	vst.idx.add.s32.msk vm0, v1  }
0x2e2: {  	v0 =	vld [tilespmem:$0x17AB0];
	_ =	sdelay $0x4  }
0x2e3: {  	(xrf1) =	vunique.msk.u32 $0xffff, v0;
	_ =	sdelay $0xd  }
0x2e4: {  	_, v1, vm0 =	vpop (xrf1);
	_ =	sdelay $0x5  }
0x2e5: {  	[tilespmem:v0+s30+$0x0] =	vst.idx.add.s32.msk vm0, v1  }
0x2e6: {  	v0 =	vld [tilespmem:$0x17AC0];
	_ =	sdelay $0x4  }
0x2e7: {  	(xrf1) =	vunique.msk.u32 $0xffff, v0;
	_ =	sdelay $0xd  }
0x2e8: {  	_, v1, vm0 =	vpop (xrf1);
	_ =	sdelay $0x5  }
0x2e9: {  	[tilespmem:v0+s30+$0x0] =	vst.idx.add.s32.msk vm0, v1  }
0x2ea: {  	v0 =	vld [tilespmem:$0x17AD0];
	_ =	sdelay $0x4  }
0x2eb: {  	(xrf1) =	vunique.msk.u32 $0xffff, v0;
	_ =	sdelay $0xd  }
0x2ec: {  	_, v1, vm0 =	vpop (xrf1);
	_ =	sdelay $0x5  }
0x2ed: {  	[tilespmem:v0+s30+$0x0] =	vst.idx.add.s32.msk vm0, v1  }
0x2ee: {  	v0 =	vld [tilespmem:$0x17AE0];
	_ =	sdelay $0x4  }
0x2ef: {  	(xrf1) =	vunique.msk.u32 $0xffff, v0;
	_ =	sdelay $0xd  }
0x2f0: {  	_, v1, vm0 =	vpop (xrf1);
	_ =	sdelay $0x5  }
0x2f1: {  	[tilespmem:v0+s30+$0x0] =	vst.idx.add.s32.msk vm0, v1  }
0x2f2: {  	v0 =	vld [tilespmem:$0x17AF0];
	_ =	sdelay $0x4  }
0x2f3: {  	(xrf1) =	vunique.msk.u32 $0xffff, v0;
	_ =	sdelay $0xd  }
0x2f4: {  	_, v1, vm0 =	vpop (xrf1);
	_ =	sdelay $0x5  }
0x2f5: {  	[tilespmem:v0+s30+$0x0] =	vst.idx.add.s32.msk vm0, v1  }
0x2f6: {  	[spmem:s3] =	stream.indirect.scatter.add.f32 [tilespmem:s4], [sflag:$0x3], $0x80, s11, s0, $0xb8;
	[tilespmem:$0x1FB80] =	vst v63  }
0x2f7: {  	_ =	swait.ge [sflag:s8], $0x4000  }
0x2f8: {  	[sflag:s8] =	ssyncset.done $0x0  }
0x2f9: {  	[sflag:s8] =	ssyncadd.s32 $0xFFFFC000  }
0x2fa: {  	v63 =	vld [tilespmem:$0x17B00];
	_ =	sdelay $0x4  }
0x2fb: {  	(xrf1) =	vunique.msk.u32 $0xffff, v63;
	_ =	sdelay $0xd  }
0x2fc: {  	_, v1, vm0 =	vpop (xrf1);
	_ =	sdelay $0x5  }
0x2fd: {  	[tilespmem:v63+s30+$0x0] =	vst.idx.add.s32.msk vm0, v1  }
0x2fe: {  	v0 =	vld [tilespmem:$0x17B10];
	_ =	sdelay $0x4  }
0x2ff: {  	(xrf1) =	vunique.msk.u32 $0xffff, v0;
	_ =	sdelay $0xd  }
0x300: {  	_, v1, vm0 =	vpop (xrf1);
	_ =	sdelay $0x5  }
0x301: {  	[tilespmem:v0+s30+$0x0] =	vst.idx.add.s32.msk vm0, v1  }
0x302: {  	v0 =	vld [tilespmem:$0x17B20];
	_ =	sdelay $0x4  }
0x303: {  	(xrf1) =	vunique.msk.u32 $0xffff, v0;
	_ =	sdelay $0xd  }
0x304: {  	_, v1, vm0 =	vpop (xrf1);
	_ =	sdelay $0x5  }
0x305: {  	[tilespmem:v0+s30+$0x0] =	vst.idx.add.s32.msk vm0, v1  }
0x306: {  	v0 =	vld [tilespmem:$0x17B30];
	_ =	sdelay $0x4  }
0x307: {  	(xrf1) =	vunique.msk.u32 $0xffff, v0;
	_ =	sdelay $0xd  }
0x308: {  	_, v1, vm0 =	vpop (xrf1);
	_ =	sdelay $0x5  }
0x309: {  	[tilespmem:v0+s30+$0x0] =	vst.idx.add.s32.msk vm0, v1  }
0x30a: {  	v0 =	vld [tilespmem:$0x17B40];
	_ =	sdelay $0x4  }
0x30b: {  	(xrf1) =	vunique.msk.u32 $0xffff, v0;
	_ =	sdelay $0xd  }
0x30c: {  	_, v1, vm0 =	vpop (xrf1);
	_ =	sdelay $0x5  }
0x30d: {  	[tilespmem:v0+s30+$0x0] =	vst.idx.add.s32.msk vm0, v1  }
0x30e: {  	v0 =	vld [tilespmem:$0x17B50];
	_ =	sdelay $0x4  }
0x30f: {  	(xrf1) =	vunique.msk.u32 $0xffff, v0;
	_ =	sdelay $0xd  }
0x310: {  	_, v1, vm0 =	vpop (xrf1);
	_ =	sdelay $0x5  }
0x311: {  	[tilespmem:v0+s30+$0x0] =	vst.idx.add.s32.msk vm0, v1  }
0x312: {  	v0 =	vld [tilespmem:$0x17B60];
	_ =	sdelay $0x4  }
0x313: {  	(xrf1) =	vunique.msk.u32 $0xffff, v0;
	_ =	sdelay $0xd  }
0x314: {  	_, v1, vm0 =	vpop (xrf1);
	_ =	sdelay $0x5  }
0x315: {  	[tilespmem:v0+s30+$0x0] =	vst.idx.add.s32.msk vm0, v1  }
0x316: {  	v0 =	vld [tilespmem:$0x17B70];
	_ =	sdelay $0x4  }
0x317: {  	(xrf1) =	vunique.msk.u32 $0xffff, v0;
	_ =	sdelay $0xd  }
0x318: {  	_, v1, vm0 =	vpop (xrf1);
	_ =	sdelay $0x5  }
0x319: {  	[tilespmem:v0+s30+$0x0] =	vst.idx.add.s32.msk vm0, v1  }
0x31a: {  	[spmem:s3] =	stream.indirect.scatter.add.f32 [tilespmem:s6], [sflag:$0x4], $0x80, s12, s0, $0xb8;
	[tilespmem:$0x1FB80] =	vst v63  }
0x31b: {  	_ =	swait.ge [sflag:s9], $0x4000  }
0x31c: {  	[sflag:s9] =	ssyncset.done $0x0  }
0x31d: {  	[sflag:s9] =	ssyncadd.s32 $0xFFFFC000  }
0x31e: {  	_ =	swait.ge [sflag:s10], $0x4000  }
0x31f: {  	[sflag:s10] =	ssyncset.done $0x0  }
0x320: {  	s15 =	simm.s32 $0x0;
	s16 =	rddreg [dreg:$0x8];
	[sflag:s10] =	ssyncadd.s32 $0xFFFFC000  }
0x321: {  	[tilespmem:s31], [sflag:$0x5] =	stream.linear.gather [hbm4b:s16+s15], $0xC00, $0x38;
	[tilespmem:$0x1FB80] =	vst v63  }
0x322: {  	_ =	swait.ge [sflag:s29], $0xC00  }
0x323: {  	[sflag:s29] =	ssyncset.done $0x0  }
0x324: {  	s17 =	rddreg [dreg:$0x9];
	[sflag:s29] =	ssyncadd.s32 $0xFFFFF400  }
0x325: {  	[tilespmem:s2], [sflag:$0x5] =	stream.linear.gather [hbm4b:s17+s15], $0xC00, $0x38;
	[tilespmem:$0x1FB80] =	vst v63  }
0x326: {  	_ =	swait.ge [sflag:s29], $0xC00  }
0x327: {  	[sflag:s29] =	ssyncset.done $0x0  }
0x328: {  	[sflag:s29] =	ssyncadd.s32 $0xFFFFF400  }
0x329: {  	[tilespmem:s4], [sflag:$0x1] =	stream.indirect.gather [hbm4b:s1+s0], $0x80, s31, s0, $0xb8;
	[tilespmem:$0x1FB80] =	vst v63  }
0x32a: {  	_ = 	snop  }
0x32b: {  	[tilespmem:s6], [sflag:$0x2] =	stream.indirect.gather [hbm4b:s1+s0], $0x80, s5, s0, $0xb8;
	[tilespmem:$0x1FB80] =	vst v63  }
.LBB2_7:
0x32c: {  	_ =	swait.ge [sflag:s7], $0x4000  }
0x32d: {  	[sflag:s7] =	ssyncset.done $0x0  }
0x32e: {  	s16 =	sshra.s32 s15, $0x2;
	[sflag:s7] =	ssyncadd.s32 $0xFFFFC000  }
0x32f: {  	v0 =	vld [tilespmem:s16+$0x16F80];
	_ =	sdelay $0x4  }
0x330: {  	(xrf1) =	vunique.msk.u32 $0xffff, v0;
	_ =	sdelay $0xd  }
0x331: {  	_, v1, vm0 =	vpop (xrf1);
	_ =	sdelay $0x5  }
0x332: {  	[tilespmem:v0+s30+$0x0] =	vst.idx.add.s32.msk vm0, v1  }
0x333: {  	v0 =	vld [tilespmem:s16+$0x16F90];
	_ =	sdelay $0x4  }
0x334: {  	(xrf1) =	vunique.msk.u32 $0xffff, v0;
	_ =	sdelay $0xd  }
0x335: {  	_, v1, vm0 =	vpop (xrf1);
	_ =	sdelay $0x5  }
0x336: {  	[tilespmem:v0+s30+$0x0] =	vst.idx.add.s32.msk vm0, v1  }
0x337: {  	v0 =	vld [tilespmem:s16+$0x16FA0];
	_ =	sdelay $0x4  }
0x338: {  	(xrf1) =	vunique.msk.u32 $0xffff, v0;
	_ =	sdelay $0xd  }
0x339: {  	_, v1, vm0 =	vpop (xrf1);
	_ =	sdelay $0x5  }
0x33a: {  	[tilespmem:v0+s30+$0x0] =	vst.idx.add.s32.msk vm0, v1  }
0x33b: {  	v0 =	vld [tilespmem:s16+$0x16FB0];
	_ =	sdelay $0x4  }
0x33c: {  	(xrf1) =	vunique.msk.u32 $0xffff, v0;
	_ =	sdelay $0xd  }
0x33d: {  	_, v1, vm0 =	vpop (xrf1);
	_ =	sdelay $0x5  }
0x33e: {  	[tilespmem:v0+s30+$0x0] =	vst.idx.add.s32.msk vm0, v1  }
0x33f: {  	v0 =	vld [tilespmem:s16+$0x16FC0];
	_ =	sdelay $0x4  }
0x340: {  	(xrf1) =	vunique.msk.u32 $0xffff, v0;
	_ =	sdelay $0xd  }
0x341: {  	_, v1, vm0 =	vpop (xrf1);
	_ =	sdelay $0x5  }
0x342: {  	[tilespmem:v0+s30+$0x0] =	vst.idx.add.s32.msk vm0, v1  }
0x343: {  	v0 =	vld [tilespmem:s16+$0x16FD0];
	_ =	sdelay $0x4  }
0x344: {  	(xrf1) =	vunique.msk.u32 $0xffff, v0;
	_ =	sdelay $0xd  }
0x345: {  	_, v1, vm0 =	vpop (xrf1);
	_ =	sdelay $0x5  }
0x346: {  	[tilespmem:v0+s30+$0x0] =	vst.idx.add.s32.msk vm0, v1  }
0x347: {  	v0 =	vld [tilespmem:s16+$0x16FE0];
	_ =	sdelay $0x4  }
0x348: {  	(xrf1) =	vunique.msk.u32 $0xffff, v0;
	_ =	sdelay $0xd  }
0x349: {  	_, v1, vm0 =	vpop (xrf1);
	_ =	sdelay $0x5  }
0x34a: {  	[tilespmem:v0+s30+$0x0] =	vst.idx.add.s32.msk vm0, v1  }
0x34b: {  	v0 =	vld [tilespmem:s16+$0x16FF0];
	_ =	sdelay $0x4  }
0x34c: {  	(xrf1) =	vunique.msk.u32 $0xffff, v0;
	_ =	sdelay $0xd  }
0x34d: {  	_, v1, vm0 =	vpop (xrf1);
	_ =	sdelay $0x5  }
0x34e: {  	s17 =	sadd.s32 $0x16F80, s16;
	[tilespmem:v0+s30+$0x0] =	vst.idx.add.s32.msk vm0, v1  }
0x34f: {  	[spmem:s3] =	stream.indirect.scatter.add.f32 [tilespmem:s4], [sflag:$0x3], $0x80, s17, s0, $0xb8;
	[tilespmem:$0x1FB80] =	vst v63  }
0x350: {  	_ =	swait.ge [sflag:s8], $0x4000  }
0x351: {  	[sflag:s8] =	ssyncset.done $0x0  }
0x352: {  	[sflag:s8] =	ssyncadd.s32 $0xFFFFC000  }
0x353: {  	v63 =	vld [tilespmem:s16+$0x17000];
	_ =	sdelay $0x4  }
0x354: {  	(xrf1) =	vunique.msk.u32 $0xffff, v63;
	_ =	sdelay $0xd  }
0x355: {  	_, v1, vm0 =	vpop (xrf1);
	_ =	sdelay $0x5  }
0x356: {  	[tilespmem:v63+s30+$0x0] =	vst.idx.add.s32.msk vm0, v1  }
0x357: {  	v0 =	vld [tilespmem:s16+$0x17010];
	_ =	sdelay $0x4  }
0x358: {  	(xrf1) =	vunique.msk.u32 $0xffff, v0;
	_ =	sdelay $0xd  }
0x359: {  	_, v1, vm0 =	vpop (xrf1);
	_ =	sdelay $0x5  }
0x35a: {  	[tilespmem:v0+s30+$0x0] =	vst.idx.add.s32.msk vm0, v1  }
0x35b: {  	v0 =	vld [tilespmem:s16+$0x17020];
	_ =	sdelay $0x4  }
0x35c: {  	(xrf1) =	vunique.msk.u32 $0xffff, v0;
	_ =	sdelay $0xd  }
0x35d: {  	_, v1, vm0 =	vpop (xrf1);
	_ =	sdelay $0x5  }
0x35e: {  	[tilespmem:v0+s30+$0x0] =	vst.idx.add.s32.msk vm0, v1  }
0x35f: {  	v0 =	vld [tilespmem:s16+$0x17030];
	_ =	sdelay $0x4  }
0x360: {  	(xrf1) =	vunique.msk.u32 $0xffff, v0;
	_ =	sdelay $0xd  }
0x361: {  	_, v1, vm0 =	vpop (xrf1);
	_ =	sdelay $0x5  }
0x362: {  	[tilespmem:v0+s30+$0x0] =	vst.idx.add.s32.msk vm0, v1  }
0x363: {  	v0 =	vld [tilespmem:s16+$0x17040];
	_ =	sdelay $0x4  }
0x364: {  	(xrf1) =	vunique.msk.u32 $0xffff, v0;
	_ =	sdelay $0xd  }
0x365: {  	_, v1, vm0 =	vpop (xrf1);
	_ =	sdelay $0x5  }
0x366: {  	[tilespmem:v0+s30+$0x0] =	vst.idx.add.s32.msk vm0, v1  }
0x367: {  	v0 =	vld [tilespmem:s16+$0x17050];
	_ =	sdelay $0x4  }
0x368: {  	(xrf1) =	vunique.msk.u32 $0xffff, v0;
	_ =	sdelay $0xd  }
0x369: {  	_, v1, vm0 =	vpop (xrf1);
	_ =	sdelay $0x5  }
0x36a: {  	[tilespmem:v0+s30+$0x0] =	vst.idx.add.s32.msk vm0, v1  }
0x36b: {  	v0 =	vld [tilespmem:s16+$0x17060];
	_ =	sdelay $0x4  }
0x36c: {  	(xrf1) =	vunique.msk.u32 $0xffff, v0;
	_ =	sdelay $0xd  }
0x36d: {  	_, v1, vm0 =	vpop (xrf1);
	_ =	sdelay $0x5  }
0x36e: {  	[tilespmem:v0+s30+$0x0] =	vst.idx.add.s32.msk vm0, v1  }
0x36f: {  	v0 =	vld [tilespmem:s16+$0x17070];
	_ =	sdelay $0x4  }
0x370: {  	(xrf1) =	vunique.msk.u32 $0xffff, v0;
	_ =	sdelay $0xd  }
0x371: {  	_, v1, vm0 =	vpop (xrf1);
	_ =	sdelay $0x5  }
0x372: {  	s17 =	sadd.s32 $0x17000, s16;
	[tilespmem:v0+s30+$0x0] =	vst.idx.add.s32.msk vm0, v1  }
0x373: {  	[spmem:s3] =	stream.indirect.scatter.add.f32 [tilespmem:s6], [sflag:$0x4], $0x80, s17, s0, $0xb8;
	[tilespmem:$0x1FB80] =	vst v63  }
0x374: {  	_ =	swait.ge [sflag:s9], $0x4000  }
0x375: {  	[sflag:s9] =	ssyncset.done $0x0  }
0x376: {  	p1 =	sne.s32 s15, $0x2800;
	s17 =	sadd.s32 $0x16480, s16;
	[sflag:s9] =	ssyncadd.s32 $0xFFFFC000  }
0x377: {  	[tilespmem:s4], [sflag:$0x1] =	stream.indirect.gather [hbm4b:s1+s0], $0x80, s17, s0, $0xb8;
	[tilespmem:$0x1FB80] =	vst v63  }
.Ltmp8:
0x378: {  	_ = 	snop;
	(pc) =	sbr.rel @p1 .LBB2_7-.Ltmp8, $4  }
0x379: {  	_ =	swait.ge [sflag:s10], $0x4000  }
0x37a: {  	[sflag:s10] =	ssyncset.done $0x0  }
0x37b: {  	s15 =	sadd.s32 $0x400, s15;
	s16 =	sadd.s32 $0x16500, s16;
	[sflag:s10] =	ssyncadd.s32 $0xFFFFC000  }
0x37c: {  	[tilespmem:s6], [sflag:$0x2] =	stream.indirect.gather [hbm4b:s1+s0], $0x80, s16, s0, $0xb8;
	[tilespmem:$0x1FB80] =	vst v63  }
0x37d: {  	_ =	swait.ge [sflag:s7], $0x4000  }
0x37e: {  	[sflag:s7] =	ssyncset.done $0x0  }
0x37f: {  	[sflag:s7] =	ssyncadd.s32 $0xFFFFC000  }
0x380: {  	v0 =	vld [tilespmem:$0x17A80];
	_ =	sdelay $0x4  }
0x381: {  	(xrf1) =	vunique.msk.u32 $0xffff, v0;
	_ =	sdelay $0xd  }
0x382: {  	_, v1, vm0 =	vpop (xrf1);
	_ =	sdelay $0x5  }
0x383: {  	[tilespmem:v0+s30+$0x0] =	vst.idx.add.s32.msk vm0, v1  }
0x384: {  	v0 =	vld [tilespmem:$0x17A90];
	_ =	sdelay $0x4  }
0x385: {  	(xrf1) =	vunique.msk.u32 $0xffff, v0;
	_ =	sdelay $0xd  }
0x386: {  	_, v1, vm0 =	vpop (xrf1);
	_ =	sdelay $0x5  }
0x387: {  	[tilespmem:v0+s30+$0x0] =	vst.idx.add.s32.msk vm0, v1  }
0x388: {  	v0 =	vld [tilespmem:$0x17AA0];
	_ =	sdelay $0x4  }
0x389: {  	(xrf1) =	vunique.msk.u32 $0xffff, v0;
	_ =	sdelay $0xd  }
0x38a: {  	_, v1, vm0 =	vpop (xrf1);
	_ =	sdelay $0x5  }
0x38b: {  	[tilespmem:v0+s30+$0x0] =	vst.idx.add.s32.msk vm0, v1  }
0x38c: {  	v0 =	vld [tilespmem:$0x17AB0];
	_ =	sdelay $0x4  }
0x38d: {  	(xrf1) =	vunique.msk.u32 $0xffff, v0;
	_ =	sdelay $0xd  }
0x38e: {  	_, v1, vm0 =	vpop (xrf1);
	_ =	sdelay $0x5  }
0x38f: {  	[tilespmem:v0+s30+$0x0] =	vst.idx.add.s32.msk vm0, v1  }
0x390: {  	v0 =	vld [tilespmem:$0x17AC0];
	_ =	sdelay $0x4  }
0x391: {  	(xrf1) =	vunique.msk.u32 $0xffff, v0;
	_ =	sdelay $0xd  }
0x392: {  	_, v1, vm0 =	vpop (xrf1);
	_ =	sdelay $0x5  }
0x393: {  	[tilespmem:v0+s30+$0x0] =	vst.idx.add.s32.msk vm0, v1  }
0x394: {  	v0 =	vld [tilespmem:$0x17AD0];
	_ =	sdelay $0x4  }
0x395: {  	(xrf1) =	vunique.msk.u32 $0xffff, v0;
	_ =	sdelay $0xd  }
0x396: {  	_, v1, vm0 =	vpop (xrf1);
	_ =	sdelay $0x5  }
0x397: {  	[tilespmem:v0+s30+$0x0] =	vst.idx.add.s32.msk vm0, v1  }
0x398: {  	v0 =	vld [tilespmem:$0x17AE0];
	_ =	sdelay $0x4  }
0x399: {  	(xrf1) =	vunique.msk.u32 $0xffff, v0;
	_ =	sdelay $0xd  }
0x39a: {  	_, v1, vm0 =	vpop (xrf1);
	_ =	sdelay $0x5  }
0x39b: {  	[tilespmem:v0+s30+$0x0] =	vst.idx.add.s32.msk vm0, v1  }
0x39c: {  	v0 =	vld [tilespmem:$0x17AF0];
	_ =	sdelay $0x4  }
0x39d: {  	(xrf1) =	vunique.msk.u32 $0xffff, v0;
	_ =	sdelay $0xd  }
0x39e: {  	_, v1, vm0 =	vpop (xrf1);
	_ =	sdelay $0x5  }
0x39f: {  	[tilespmem:v0+s30+$0x0] =	vst.idx.add.s32.msk vm0, v1  }
0x3a0: {  	[spmem:s3] =	stream.indirect.scatter.add.f32 [tilespmem:s4], [sflag:$0x3], $0x80, s11, s0, $0xb8;
	[tilespmem:$0x1FB80] =	vst v63  }
0x3a1: {  	_ =	swait.ge [sflag:s8], $0x4000  }
0x3a2: {  	[sflag:s8] =	ssyncset.done $0x0  }
0x3a3: {  	[sflag:s8] =	ssyncadd.s32 $0xFFFFC000  }
0x3a4: {  	v63 =	vld [tilespmem:$0x17B00];
	_ =	sdelay $0x4  }
0x3a5: {  	(xrf1) =	vunique.msk.u32 $0xffff, v63;
	_ =	sdelay $0xd  }
0x3a6: {  	_, v1, vm0 =	vpop (xrf1);
	_ =	sdelay $0x5  }
0x3a7: {  	[tilespmem:v63+s30+$0x0] =	vst.idx.add.s32.msk vm0, v1  }
0x3a8: {  	v0 =	vld [tilespmem:$0x17B10];
	_ =	sdelay $0x4  }
0x3a9: {  	(xrf1) =	vunique.msk.u32 $0xffff, v0;
	_ =	sdelay $0xd  }
0x3aa: {  	_, v1, vm0 =	vpop (xrf1);
	_ =	sdelay $0x5  }
0x3ab: {  	[tilespmem:v0+s30+$0x0] =	vst.idx.add.s32.msk vm0, v1  }
0x3ac: {  	v0 =	vld [tilespmem:$0x17B20];
	_ =	sdelay $0x4  }
0x3ad: {  	(xrf1) =	vunique.msk.u32 $0xffff, v0;
	_ =	sdelay $0xd  }
0x3ae: {  	_, v1, vm0 =	vpop (xrf1);
	_ =	sdelay $0x5  }
0x3af: {  	[tilespmem:v0+s30+$0x0] =	vst.idx.add.s32.msk vm0, v1  }
0x3b0: {  	v0 =	vld [tilespmem:$0x17B30];
	_ =	sdelay $0x4  }
0x3b1: {  	(xrf1) =	vunique.msk.u32 $0xffff, v0;
	_ =	sdelay $0xd  }
0x3b2: {  	_, v1, vm0 =	vpop (xrf1);
	_ =	sdelay $0x5  }
0x3b3: {  	[tilespmem:v0+s30+$0x0] =	vst.idx.add.s32.msk vm0, v1  }
0x3b4: {  	v0 =	vld [tilespmem:$0x17B40];
	_ =	sdelay $0x4  }
0x3b5: {  	(xrf1) =	vunique.msk.u32 $0xffff, v0;
	_ =	sdelay $0xd  }
0x3b6: {  	_, v1, vm0 =	vpop (xrf1);
	_ =	sdelay $0x5  }
0x3b7: {  	[tilespmem:v0+s30+$0x0] =	vst.idx.add.s32.msk vm0, v1  }
0x3b8: {  	v0 =	vld [tilespmem:$0x17B50];
	_ =	sdelay $0x4  }
0x3b9: {  	(xrf1) =	vunique.msk.u32 $0xffff, v0;
	_ =	sdelay $0xd  }
0x3ba: {  	_, v1, vm0 =	vpop (xrf1);
	_ =	sdelay $0x5  }
0x3bb: {  	[tilespmem:v0+s30+$0x0] =	vst.idx.add.s32.msk vm0, v1  }
0x3bc: {  	v0 =	vld [tilespmem:$0x17B60];
	_ =	sdelay $0x4  }
0x3bd: {  	(xrf1) =	vunique.msk.u32 $0xffff, v0;
	_ =	sdelay $0xd  }
0x3be: {  	_, v1, vm0 =	vpop (xrf1);
	_ =	sdelay $0x5  }
0x3bf: {  	[tilespmem:v0+s30+$0x0] =	vst.idx.add.s32.msk vm0, v1  }
0x3c0: {  	v0 =	vld [tilespmem:$0x17B70];
	_ =	sdelay $0x4  }
0x3c1: {  	(xrf1) =	vunique.msk.u32 $0xffff, v0;
	_ =	sdelay $0xd  }
0x3c2: {  	_, v1, vm0 =	vpop (xrf1);
	_ =	sdelay $0x5  }
0x3c3: {  	[tilespmem:v0+s30+$0x0] =	vst.idx.add.s32.msk vm0, v1  }
0x3c4: {  	[spmem:s3] =	stream.indirect.scatter.add.f32 [tilespmem:s6], [sflag:$0x4], $0x80, s12, s0, $0xb8;
	[tilespmem:$0x1FB80] =	vst v63  }
0x3c5: {  	_ =	swait.ge [sflag:s9], $0x4000  }
0x3c6: {  	[sflag:s9] =	ssyncset.done $0x0  }
0x3c7: {  	[sflag:s9] =	ssyncadd.s32 $0xFFFFC000  }
0x3c8: {  	_ =	swait.ge [sflag:s10], $0x4000  }
0x3c9: {  	[sflag:s10] =	ssyncset.done $0x0  }
0x3ca: {  	s15 =	simm.s32 $0x0;
	s16 =	rddreg [dreg:$0xa];
	[sflag:s10] =	ssyncadd.s32 $0xFFFFC000  }
0x3cb: {  	[tilespmem:s31], [sflag:$0x5] =	stream.linear.gather [hbm4b:s16+s15], $0xC00, $0x38;
	[tilespmem:$0x1FB80] =	vst v63  }
0x3cc: {  	_ =	swait.ge [sflag:s29], $0xC00  }
0x3cd: {  	[sflag:s29] =	ssyncset.done $0x0  }
0x3ce: {  	s17 =	rddreg [dreg:$0xb];
	[sflag:s29] =	ssyncadd.s32 $0xFFFFF400  }
0x3cf: {  	[tilespmem:s2], [sflag:$0x5] =	stream.linear.gather [hbm4b:s17+s15], $0xC00, $0x38;
	[tilespmem:$0x1FB80] =	vst v63  }
0x3d0: {  	_ =	swait.ge [sflag:s29], $0xC00  }
0x3d1: {  	[sflag:s29] =	ssyncset.done $0x0  }
0x3d2: {  	[sflag:s29] =	ssyncadd.s32 $0xFFFFF400  }
0x3d3: {  	[tilespmem:s4], [sflag:$0x1] =	stream.indirect.gather [hbm4b:s1+s0], $0x80, s31, s0, $0xb8;
	[tilespmem:$0x1FB80] =	vst v63  }
0x3d4: {  	_ = 	snop  }
0x3d5: {  	[tilespmem:s6], [sflag:$0x2] =	stream.indirect.gather [hbm4b:s1+s0], $0x80, s5, s0, $0xb8;
	[tilespmem:$0x1FB80] =	vst v63  }
.LBB2_9:
0x3d6: {  	_ =	swait.ge [sflag:s7], $0x4000  }
0x3d7: {  	[sflag:s7] =	ssyncset.done $0x0  }
0x3d8: {  	s16 =	sshra.s32 s15, $0x2;
	[sflag:s7] =	ssyncadd.s32 $0xFFFFC000  }
0x3d9: {  	v0 =	vld [tilespmem:s16+$0x16F80];
	_ =	sdelay $0x4  }
0x3da: {  	(xrf1) =	vunique.msk.u32 $0xffff, v0;
	_ =	sdelay $0xd  }
0x3db: {  	_, v1, vm0 =	vpop (xrf1);
	_ =	sdelay $0x5  }
0x3dc: {  	[tilespmem:v0+s30+$0x0] =	vst.idx.add.s32.msk vm0, v1  }
0x3dd: {  	v0 =	vld [tilespmem:s16+$0x16F90];
	_ =	sdelay $0x4  }
0x3de: {  	(xrf1) =	vunique.msk.u32 $0xffff, v0;
	_ =	sdelay $0xd  }
0x3df: {  	_, v1, vm0 =	vpop (xrf1);
	_ =	sdelay $0x5  }
0x3e0: {  	[tilespmem:v0+s30+$0x0] =	vst.idx.add.s32.msk vm0, v1  }
0x3e1: {  	v0 =	vld [tilespmem:s16+$0x16FA0];
	_ =	sdelay $0x4  }
0x3e2: {  	(xrf1) =	vunique.msk.u32 $0xffff, v0;
	_ =	sdelay $0xd  }
0x3e3: {  	_, v1, vm0 =	vpop (xrf1);
	_ =	sdelay $0x5  }
0x3e4: {  	[tilespmem:v0+s30+$0x0] =	vst.idx.add.s32.msk vm0, v1  }
0x3e5: {  	v0 =	vld [tilespmem:s16+$0x16FB0];
	_ =	sdelay $0x4  }
0x3e6: {  	(xrf1) =	vunique.msk.u32 $0xffff, v0;
	_ =	sdelay $0xd  }
0x3e7: {  	_, v1, vm0 =	vpop (xrf1);
	_ =	sdelay $0x5  }
0x3e8: {  	[tilespmem:v0+s30+$0x0] =	vst.idx.add.s32.msk vm0, v1  }
0x3e9: {  	v0 =	vld [tilespmem:s16+$0x16FC0];
	_ =	sdelay $0x4  }
0x3ea: {  	(xrf1) =	vunique.msk.u32 $0xffff, v0;
	_ =	sdelay $0xd  }
0x3eb: {  	_, v1, vm0 =	vpop (xrf1);
	_ =	sdelay $0x5  }
0x3ec: {  	[tilespmem:v0+s30+$0x0] =	vst.idx.add.s32.msk vm0, v1  }
0x3ed: {  	v0 =	vld [tilespmem:s16+$0x16FD0];
	_ =	sdelay $0x4  }
0x3ee: {  	(xrf1) =	vunique.msk.u32 $0xffff, v0;
	_ =	sdelay $0xd  }
0x3ef: {  	_, v1, vm0 =	vpop (xrf1);
	_ =	sdelay $0x5  }
0x3f0: {  	[tilespmem:v0+s30+$0x0] =	vst.idx.add.s32.msk vm0, v1  }
0x3f1: {  	v0 =	vld [tilespmem:s16+$0x16FE0];
	_ =	sdelay $0x4  }
0x3f2: {  	(xrf1) =	vunique.msk.u32 $0xffff, v0;
	_ =	sdelay $0xd  }
0x3f3: {  	_, v1, vm0 =	vpop (xrf1);
	_ =	sdelay $0x5  }
0x3f4: {  	[tilespmem:v0+s30+$0x0] =	vst.idx.add.s32.msk vm0, v1  }
0x3f5: {  	v0 =	vld [tilespmem:s16+$0x16FF0];
	_ =	sdelay $0x4  }
0x3f6: {  	(xrf1) =	vunique.msk.u32 $0xffff, v0;
	_ =	sdelay $0xd  }
0x3f7: {  	_, v1, vm0 =	vpop (xrf1);
	_ =	sdelay $0x5  }
0x3f8: {  	s17 =	sadd.s32 $0x16F80, s16;
	[tilespmem:v0+s30+$0x0] =	vst.idx.add.s32.msk vm0, v1  }
0x3f9: {  	[spmem:s3] =	stream.indirect.scatter.add.f32 [tilespmem:s4], [sflag:$0x3], $0x80, s17, s0, $0xb8;
	[tilespmem:$0x1FB80] =	vst v63  }
0x3fa: {  	_ =	swait.ge [sflag:s8], $0x4000  }
0x3fb: {  	[sflag:s8] =	ssyncset.done $0x0  }
0x3fc: {  	[sflag:s8] =	ssyncadd.s32 $0xFFFFC000  }
0x3fd: {  	v63 =	vld [tilespmem:s16+$0x17000];
	_ =	sdelay $0x4  }
0x3fe: {  	(xrf1) =	vunique.msk.u32 $0xffff, v63;
	_ =	sdelay $0xd  }
0x3ff: {  	_, v1, vm0 =	vpop (xrf1);
	_ =	sdelay $0x5  }
0x400: {  	[tilespmem:v63+s30+$0x0] =	vst.idx.add.s32.msk vm0, v1  }
0x401: {  	v0 =	vld [tilespmem:s16+$0x17010];
	_ =	sdelay $0x4  }
0x402: {  	(xrf1) =	vunique.msk.u32 $0xffff, v0;
	_ =	sdelay $0xd  }
0x403: {  	_, v1, vm0 =	vpop (xrf1);
	_ =	sdelay $0x5  }
0x404: {  	[tilespmem:v0+s30+$0x0] =	vst.idx.add.s32.msk vm0, v1  }
0x405: {  	v0 =	vld [tilespmem:s16+$0x17020];
	_ =	sdelay $0x4  }
0x406: {  	(xrf1) =	vunique.msk.u32 $0xffff, v0;
	_ =	sdelay $0xd  }
0x407: {  	_, v1, vm0 =	vpop (xrf1);
	_ =	sdelay $0x5  }
0x408: {  	[tilespmem:v0+s30+$0x0] =	vst.idx.add.s32.msk vm0, v1  }
0x409: {  	v0 =	vld [tilespmem:s16+$0x17030];
	_ =	sdelay $0x4  }
0x40a: {  	(xrf1) =	vunique.msk.u32 $0xffff, v0;
	_ =	sdelay $0xd  }
0x40b: {  	_, v1, vm0 =	vpop (xrf1);
	_ =	sdelay $0x5  }
0x40c: {  	[tilespmem:v0+s30+$0x0] =	vst.idx.add.s32.msk vm0, v1  }
0x40d: {  	v0 =	vld [tilespmem:s16+$0x17040];
	_ =	sdelay $0x4  }
0x40e: {  	(xrf1) =	vunique.msk.u32 $0xffff, v0;
	_ =	sdelay $0xd  }
0x40f: {  	_, v1, vm0 =	vpop (xrf1);
	_ =	sdelay $0x5  }
0x410: {  	[tilespmem:v0+s30+$0x0] =	vst.idx.add.s32.msk vm0, v1  }
0x411: {  	v0 =	vld [tilespmem:s16+$0x17050];
	_ =	sdelay $0x4  }
0x412: {  	(xrf1) =	vunique.msk.u32 $0xffff, v0;
	_ =	sdelay $0xd  }
0x413: {  	_, v1, vm0 =	vpop (xrf1);
	_ =	sdelay $0x5  }
0x414: {  	[tilespmem:v0+s30+$0x0] =	vst.idx.add.s32.msk vm0, v1  }
0x415: {  	v0 =	vld [tilespmem:s16+$0x17060];
	_ =	sdelay $0x4  }
0x416: {  	(xrf1) =	vunique.msk.u32 $0xffff, v0;
	_ =	sdelay $0xd  }
0x417: {  	_, v1, vm0 =	vpop (xrf1);
	_ =	sdelay $0x5  }
0x418: {  	[tilespmem:v0+s30+$0x0] =	vst.idx.add.s32.msk vm0, v1  }
0x419: {  	v0 =	vld [tilespmem:s16+$0x17070];
	_ =	sdelay $0x4  }
0x41a: {  	(xrf1) =	vunique.msk.u32 $0xffff, v0;
	_ =	sdelay $0xd  }
0x41b: {  	_, v1, vm0 =	vpop (xrf1);
	_ =	sdelay $0x5  }
0x41c: {  	s17 =	sadd.s32 $0x17000, s16;
	[tilespmem:v0+s30+$0x0] =	vst.idx.add.s32.msk vm0, v1  }
0x41d: {  	[spmem:s3] =	stream.indirect.scatter.add.f32 [tilespmem:s6], [sflag:$0x4], $0x80, s17, s0, $0xb8;
	[tilespmem:$0x1FB80] =	vst v63  }
0x41e: {  	_ =	swait.ge [sflag:s9], $0x4000  }
0x41f: {  	[sflag:s9] =	ssyncset.done $0x0  }
0x420: {  	p1 =	sne.s32 s15, $0x2800;
	s17 =	sadd.s32 $0x16480, s16;
	[sflag:s9] =	ssyncadd.s32 $0xFFFFC000  }
0x421: {  	[tilespmem:s4], [sflag:$0x1] =	stream.indirect.gather [hbm4b:s1+s0], $0x80, s17, s0, $0xb8;
	[tilespmem:$0x1FB80] =	vst v63  }
.Ltmp9:
0x422: {  	_ = 	snop;
	(pc) =	sbr.rel @p1 .LBB2_9-.Ltmp9, $4  }
0x423: {  	_ =	swait.ge [sflag:s10], $0x4000  }
0x424: {  	[sflag:s10] =	ssyncset.done $0x0  }
0x425: {  	s15 =	sadd.s32 $0x400, s15;
	s16 =	sadd.s32 $0x16500, s16;
	[sflag:s10] =	ssyncadd.s32 $0xFFFFC000  }
0x426: {  	[tilespmem:s6], [sflag:$0x2] =	stream.indirect.gather [hbm4b:s1+s0], $0x80, s16, s0, $0xb8;
	[tilespmem:$0x1FB80] =	vst v63  }
0x427: {  	_ =	swait.ge [sflag:s7], $0x4000  }
0x428: {  	[sflag:s7] =	ssyncset.done $0x0  }
0x429: {  	[sflag:s7] =	ssyncadd.s32 $0xFFFFC000  }
0x42a: {  	v0 =	vld [tilespmem:$0x17A80];
	_ =	sdelay $0x4  }
0x42b: {  	(xrf1) =	vunique.msk.u32 $0xffff, v0;
	_ =	sdelay $0xd  }
0x42c: {  	_, v1, vm0 =	vpop (xrf1);
	_ =	sdelay $0x5  }
0x42d: {  	[tilespmem:v0+s30+$0x0] =	vst.idx.add.s32.msk vm0, v1  }
0x42e: {  	v0 =	vld [tilespmem:$0x17A90];
	_ =	sdelay $0x4  }
0x42f: {  	(xrf1) =	vunique.msk.u32 $0xffff, v0;
	_ =	sdelay $0xd  }
0x430: {  	_, v1, vm0 =	vpop (xrf1);
	_ =	sdelay $0x5  }
0x431: {  	[tilespmem:v0+s30+$0x0] =	vst.idx.add.s32.msk vm0, v1  }
0x432: {  	v0 =	vld [tilespmem:$0x17AA0];
	_ =	sdelay $0x4  }
0x433: {  	(xrf1) =	vunique.msk.u32 $0xffff, v0;
	_ =	sdelay $0xd  }
0x434: {  	_, v1, vm0 =	vpop (xrf1);
	_ =	sdelay $0x5  }
0x435: {  	[tilespmem:v0+s30+$0x0] =	vst.idx.add.s32.msk vm0, v1  }
0x436: {  	v0 =	vld [tilespmem:$0x17AB0];
	_ =	sdelay $0x4  }
0x437: {  	(xrf1) =	vunique.msk.u32 $0xffff, v0;
	_ =	sdelay $0xd  }
0x438: {  	_, v1, vm0 =	vpop (xrf1);
	_ =	sdelay $0x5  }
0x439: {  	[tilespmem:v0+s30+$0x0] =	vst.idx.add.s32.msk vm0, v1  }
0x43a: {  	v0 =	vld [tilespmem:$0x17AC0];
	_ =	sdelay $0x4  }
0x43b: {  	(xrf1) =	vunique.msk.u32 $0xffff, v0;
	_ =	sdelay $0xd  }
0x43c: {  	_, v1, vm0 =	vpop (xrf1);
	_ =	sdelay $0x5  }
0x43d: {  	[tilespmem:v0+s30+$0x0] =	vst.idx.add.s32.msk vm0, v1  }
0x43e: {  	v0 =	vld [tilespmem:$0x17AD0];
	_ =	sdelay $0x4  }
0x43f: {  	(xrf1) =	vunique.msk.u32 $0xffff, v0;
	_ =	sdelay $0xd  }
0x440: {  	_, v1, vm0 =	vpop (xrf1);
	_ =	sdelay $0x5  }
0x441: {  	[tilespmem:v0+s30+$0x0] =	vst.idx.add.s32.msk vm0, v1  }
0x442: {  	v0 =	vld [tilespmem:$0x17AE0];
	_ =	sdelay $0x4  }
0x443: {  	(xrf1) =	vunique.msk.u32 $0xffff, v0;
	_ =	sdelay $0xd  }
0x444: {  	_, v1, vm0 =	vpop (xrf1);
	_ =	sdelay $0x5  }
0x445: {  	[tilespmem:v0+s30+$0x0] =	vst.idx.add.s32.msk vm0, v1  }
0x446: {  	v0 =	vld [tilespmem:$0x17AF0];
	_ =	sdelay $0x4  }
0x447: {  	(xrf1) =	vunique.msk.u32 $0xffff, v0;
	_ =	sdelay $0xd  }
0x448: {  	_, v1, vm0 =	vpop (xrf1);
	_ =	sdelay $0x5  }
0x449: {  	[tilespmem:v0+s30+$0x0] =	vst.idx.add.s32.msk vm0, v1  }
0x44a: {  	[spmem:s3] =	stream.indirect.scatter.add.f32 [tilespmem:s4], [sflag:$0x3], $0x80, s11, s0, $0xb8;
	[tilespmem:$0x1FB80] =	vst v63  }
0x44b: {  	_ =	swait.ge [sflag:s8], $0x4000  }
0x44c: {  	[sflag:s8] =	ssyncset.done $0x0  }
0x44d: {  	[sflag:s8] =	ssyncadd.s32 $0xFFFFC000  }
0x44e: {  	v63 =	vld [tilespmem:$0x17B00];
	_ =	sdelay $0x4  }
0x44f: {  	(xrf1) =	vunique.msk.u32 $0xffff, v63;
	_ =	sdelay $0xd  }
0x450: {  	_, v1, vm0 =	vpop (xrf1);
	_ =	sdelay $0x5  }
0x451: {  	[tilespmem:v63+s30+$0x0] =	vst.idx.add.s32.msk vm0, v1  }
0x452: {  	v0 =	vld [tilespmem:$0x17B10];
	_ =	sdelay $0x4  }
0x453: {  	(xrf1) =	vunique.msk.u32 $0xffff, v0;
	_ =	sdelay $0xd  }
0x454: {  	_, v1, vm0 =	vpop (xrf1);
	_ =	sdelay $0x5  }
0x455: {  	[tilespmem:v0+s30+$0x0] =	vst.idx.add.s32.msk vm0, v1  }
0x456: {  	v0 =	vld [tilespmem:$0x17B20];
	_ =	sdelay $0x4  }
0x457: {  	(xrf1) =	vunique.msk.u32 $0xffff, v0;
	_ =	sdelay $0xd  }
0x458: {  	_, v1, vm0 =	vpop (xrf1);
	_ =	sdelay $0x5  }
0x459: {  	[tilespmem:v0+s30+$0x0] =	vst.idx.add.s32.msk vm0, v1  }
0x45a: {  	v0 =	vld [tilespmem:$0x17B30];
	_ =	sdelay $0x4  }
0x45b: {  	(xrf1) =	vunique.msk.u32 $0xffff, v0;
	_ =	sdelay $0xd  }
0x45c: {  	_, v1, vm0 =	vpop (xrf1);
	_ =	sdelay $0x5  }
0x45d: {  	[tilespmem:v0+s30+$0x0] =	vst.idx.add.s32.msk vm0, v1  }
0x45e: {  	v0 =	vld [tilespmem:$0x17B40];
	_ =	sdelay $0x4  }
0x45f: {  	(xrf1) =	vunique.msk.u32 $0xffff, v0;
	_ =	sdelay $0xd  }
0x460: {  	_, v1, vm0 =	vpop (xrf1);
	_ =	sdelay $0x5  }
0x461: {  	[tilespmem:v0+s30+$0x0] =	vst.idx.add.s32.msk vm0, v1  }
0x462: {  	v0 =	vld [tilespmem:$0x17B50];
	_ =	sdelay $0x4  }
0x463: {  	(xrf1) =	vunique.msk.u32 $0xffff, v0;
	_ =	sdelay $0xd  }
0x464: {  	_, v1, vm0 =	vpop (xrf1);
	_ =	sdelay $0x5  }
0x465: {  	[tilespmem:v0+s30+$0x0] =	vst.idx.add.s32.msk vm0, v1  }
0x466: {  	v0 =	vld [tilespmem:$0x17B60];
	_ =	sdelay $0x4  }
0x467: {  	(xrf1) =	vunique.msk.u32 $0xffff, v0;
	_ =	sdelay $0xd  }
0x468: {  	_, v1, vm0 =	vpop (xrf1);
	_ =	sdelay $0x5  }
0x469: {  	[tilespmem:v0+s30+$0x0] =	vst.idx.add.s32.msk vm0, v1  }
0x46a: {  	v0 =	vld [tilespmem:$0x17B70];
	_ =	sdelay $0x4  }
0x46b: {  	(xrf1) =	vunique.msk.u32 $0xffff, v0;
	_ =	sdelay $0xd  }
0x46c: {  	_, v1, vm0 =	vpop (xrf1);
	_ =	sdelay $0x5  }
0x46d: {  	[tilespmem:v0+s30+$0x0] =	vst.idx.add.s32.msk vm0, v1  }
0x46e: {  	[spmem:s3] =	stream.indirect.scatter.add.f32 [tilespmem:s6], [sflag:$0x4], $0x80, s12, s0, $0xb8;
	[tilespmem:$0x1FB80] =	vst v63  }
0x46f: {  	_ =	swait.ge [sflag:s9], $0x4000  }
0x470: {  	[sflag:s9] =	ssyncset.done $0x0  }
0x471: {  	[sflag:s9] =	ssyncadd.s32 $0xFFFFC000  }
0x472: {  	_ =	swait.ge [sflag:s10], $0x4000  }
0x473: {  	[sflag:s10] =	ssyncset.done $0x0  }
0x474: {  	s15 =	simm.s32 $0x0;
	s16 =	rddreg [dreg:$0xc];
	[sflag:s10] =	ssyncadd.s32 $0xFFFFC000  }
0x475: {  	[tilespmem:s31], [sflag:$0x5] =	stream.linear.gather [hbm4b:s16+s15], $0xC00, $0x38;
	[tilespmem:$0x1FB80] =	vst v63  }
0x476: {  	_ =	swait.ge [sflag:s29], $0xC00  }
0x477: {  	[sflag:s29] =	ssyncset.done $0x0  }
0x478: {  	s17 =	rddreg [dreg:$0xd];
	[sflag:s29] =	ssyncadd.s32 $0xFFFFF400  }
0x479: {  	[tilespmem:s2], [sflag:$0x5] =	stream.linear.gather [hbm4b:s17+s15], $0xC00, $0x38;
	[tilespmem:$0x1FB80] =	vst v63  }
0x47a: {  	_ =	swait.ge [sflag:s29], $0xC00  }
0x47b: {  	[sflag:s29] =	ssyncset.done $0x0  }
0x47c: {  	[sflag:s29] =	ssyncadd.s32 $0xFFFFF400  }
0x47d: {  	[tilespmem:s4], [sflag:$0x1] =	stream.indirect.gather [hbm4b:s1+s0], $0x80, s31, s0, $0xb8;
	[tilespmem:$0x1FB80] =	vst v63  }
0x47e: {  	_ = 	snop  }
0x47f: {  	[tilespmem:s6], [sflag:$0x2] =	stream.indirect.gather [hbm4b:s1+s0], $0x80, s5, s0, $0xb8;
	[tilespmem:$0x1FB80] =	vst v63  }
.LBB2_11:
0x480: {  	_ =	swait.ge [sflag:s7], $0x4000  }
0x481: {  	[sflag:s7] =	ssyncset.done $0x0  }
0x482: {  	s16 =	sshra.s32 s15, $0x2;
	[sflag:s7] =	ssyncadd.s32 $0xFFFFC000  }
0x483: {  	v0 =	vld [tilespmem:s16+$0x16F80];
	_ =	sdelay $0x4  }
0x484: {  	(xrf1) =	vunique.msk.u32 $0xffff, v0;
	_ =	sdelay $0xd  }
0x485: {  	_, v1, vm0 =	vpop (xrf1);
	_ =	sdelay $0x5  }
0x486: {  	[tilespmem:v0+s30+$0x0] =	vst.idx.add.s32.msk vm0, v1  }
0x487: {  	v0 =	vld [tilespmem:s16+$0x16F90];
	_ =	sdelay $0x4  }
0x488: {  	(xrf1) =	vunique.msk.u32 $0xffff, v0;
	_ =	sdelay $0xd  }
0x489: {  	_, v1, vm0 =	vpop (xrf1);
	_ =	sdelay $0x5  }
0x48a: {  	[tilespmem:v0+s30+$0x0] =	vst.idx.add.s32.msk vm0, v1  }
0x48b: {  	v0 =	vld [tilespmem:s16+$0x16FA0];
	_ =	sdelay $0x4  }
0x48c: {  	(xrf1) =	vunique.msk.u32 $0xffff, v0;
	_ =	sdelay $0xd  }
0x48d: {  	_, v1, vm0 =	vpop (xrf1);
	_ =	sdelay $0x5  }
0x48e: {  	[tilespmem:v0+s30+$0x0] =	vst.idx.add.s32.msk vm0, v1  }
0x48f: {  	v0 =	vld [tilespmem:s16+$0x16FB0];
	_ =	sdelay $0x4  }
0x490: {  	(xrf1) =	vunique.msk.u32 $0xffff, v0;
	_ =	sdelay $0xd  }
0x491: {  	_, v1, vm0 =	vpop (xrf1);
	_ =	sdelay $0x5  }
0x492: {  	[tilespmem:v0+s30+$0x0] =	vst.idx.add.s32.msk vm0, v1  }
0x493: {  	v0 =	vld [tilespmem:s16+$0x16FC0];
	_ =	sdelay $0x4  }
0x494: {  	(xrf1) =	vunique.msk.u32 $0xffff, v0;
	_ =	sdelay $0xd  }
0x495: {  	_, v1, vm0 =	vpop (xrf1);
	_ =	sdelay $0x5  }
0x496: {  	[tilespmem:v0+s30+$0x0] =	vst.idx.add.s32.msk vm0, v1  }
0x497: {  	v0 =	vld [tilespmem:s16+$0x16FD0];
	_ =	sdelay $0x4  }
0x498: {  	(xrf1) =	vunique.msk.u32 $0xffff, v0;
	_ =	sdelay $0xd  }
0x499: {  	_, v1, vm0 =	vpop (xrf1);
	_ =	sdelay $0x5  }
0x49a: {  	[tilespmem:v0+s30+$0x0] =	vst.idx.add.s32.msk vm0, v1  }
0x49b: {  	v0 =	vld [tilespmem:s16+$0x16FE0];
	_ =	sdelay $0x4  }
0x49c: {  	(xrf1) =	vunique.msk.u32 $0xffff, v0;
	_ =	sdelay $0xd  }
0x49d: {  	_, v1, vm0 =	vpop (xrf1);
	_ =	sdelay $0x5  }
0x49e: {  	[tilespmem:v0+s30+$0x0] =	vst.idx.add.s32.msk vm0, v1  }
0x49f: {  	v0 =	vld [tilespmem:s16+$0x16FF0];
	_ =	sdelay $0x4  }
0x4a0: {  	(xrf1) =	vunique.msk.u32 $0xffff, v0;
	_ =	sdelay $0xd  }
0x4a1: {  	_, v1, vm0 =	vpop (xrf1);
	_ =	sdelay $0x5  }
0x4a2: {  	s17 =	sadd.s32 $0x16F80, s16;
	[tilespmem:v0+s30+$0x0] =	vst.idx.add.s32.msk vm0, v1  }
0x4a3: {  	[spmem:s3] =	stream.indirect.scatter.add.f32 [tilespmem:s4], [sflag:$0x3], $0x80, s17, s0, $0xb8;
	[tilespmem:$0x1FB80] =	vst v63  }
0x4a4: {  	_ =	swait.ge [sflag:s8], $0x4000  }
0x4a5: {  	[sflag:s8] =	ssyncset.done $0x0  }
0x4a6: {  	[sflag:s8] =	ssyncadd.s32 $0xFFFFC000  }
0x4a7: {  	v63 =	vld [tilespmem:s16+$0x17000];
	_ =	sdelay $0x4  }
0x4a8: {  	(xrf1) =	vunique.msk.u32 $0xffff, v63;
	_ =	sdelay $0xd  }
0x4a9: {  	_, v1, vm0 =	vpop (xrf1);
	_ =	sdelay $0x5  }
0x4aa: {  	[tilespmem:v63+s30+$0x0] =	vst.idx.add.s32.msk vm0, v1  }
0x4ab: {  	v0 =	vld [tilespmem:s16+$0x17010];
	_ =	sdelay $0x4  }
0x4ac: {  	(xrf1) =	vunique.msk.u32 $0xffff, v0;
	_ =	sdelay $0xd  }
0x4ad: {  	_, v1, vm0 =	vpop (xrf1);
	_ =	sdelay $0x5  }
0x4ae: {  	[tilespmem:v0+s30+$0x0] =	vst.idx.add.s32.msk vm0, v1  }
0x4af: {  	v0 =	vld [tilespmem:s16+$0x17020];
	_ =	sdelay $0x4  }
0x4b0: {  	(xrf1) =	vunique.msk.u32 $0xffff, v0;
	_ =	sdelay $0xd  }
0x4b1: {  	_, v1, vm0 =	vpop (xrf1);
	_ =	sdelay $0x5  }
0x4b2: {  	[tilespmem:v0+s30+$0x0] =	vst.idx.add.s32.msk vm0, v1  }
0x4b3: {  	v0 =	vld [tilespmem:s16+$0x17030];
	_ =	sdelay $0x4  }
0x4b4: {  	(xrf1) =	vunique.msk.u32 $0xffff, v0;
	_ =	sdelay $0xd  }
0x4b5: {  	_, v1, vm0 =	vpop (xrf1);
	_ =	sdelay $0x5  }
0x4b6: {  	[tilespmem:v0+s30+$0x0] =	vst.idx.add.s32.msk vm0, v1  }
0x4b7: {  	v0 =	vld [tilespmem:s16+$0x17040];
	_ =	sdelay $0x4  }
0x4b8: {  	(xrf1) =	vunique.msk.u32 $0xffff, v0;
	_ =	sdelay $0xd  }
0x4b9: {  	_, v1, vm0 =	vpop (xrf1);
	_ =	sdelay $0x5  }
0x4ba: {  	[tilespmem:v0+s30+$0x0] =	vst.idx.add.s32.msk vm0, v1  }
0x4bb: {  	v0 =	vld [tilespmem:s16+$0x17050];
	_ =	sdelay $0x4  }
0x4bc: {  	(xrf1) =	vunique.msk.u32 $0xffff, v0;
	_ =	sdelay $0xd  }
0x4bd: {  	_, v1, vm0 =	vpop (xrf1);
	_ =	sdelay $0x5  }
0x4be: {  	[tilespmem:v0+s30+$0x0] =	vst.idx.add.s32.msk vm0, v1  }
0x4bf: {  	v0 =	vld [tilespmem:s16+$0x17060];
	_ =	sdelay $0x4  }
0x4c0: {  	(xrf1) =	vunique.msk.u32 $0xffff, v0;
	_ =	sdelay $0xd  }
0x4c1: {  	_, v1, vm0 =	vpop (xrf1);
	_ =	sdelay $0x5  }
0x4c2: {  	[tilespmem:v0+s30+$0x0] =	vst.idx.add.s32.msk vm0, v1  }
0x4c3: {  	v0 =	vld [tilespmem:s16+$0x17070];
	_ =	sdelay $0x4  }
0x4c4: {  	(xrf1) =	vunique.msk.u32 $0xffff, v0;
	_ =	sdelay $0xd  }
0x4c5: {  	_, v1, vm0 =	vpop (xrf1);
	_ =	sdelay $0x5  }
0x4c6: {  	s17 =	sadd.s32 $0x17000, s16;
	[tilespmem:v0+s30+$0x0] =	vst.idx.add.s32.msk vm0, v1  }
0x4c7: {  	[spmem:s3] =	stream.indirect.scatter.add.f32 [tilespmem:s6], [sflag:$0x4], $0x80, s17, s0, $0xb8;
	[tilespmem:$0x1FB80] =	vst v63  }
0x4c8: {  	_ =	swait.ge [sflag:s9], $0x4000  }
0x4c9: {  	[sflag:s9] =	ssyncset.done $0x0  }
0x4ca: {  	p1 =	sne.s32 s15, $0x2800;
	s17 =	sadd.s32 $0x16480, s16;
	[sflag:s9] =	ssyncadd.s32 $0xFFFFC000  }
0x4cb: {  	[tilespmem:s4], [sflag:$0x1] =	stream.indirect.gather [hbm4b:s1+s0], $0x80, s17, s0, $0xb8;
	[tilespmem:$0x1FB80] =	vst v63  }
.Ltmp10:
0x4cc: {  	_ = 	snop;
	(pc) =	sbr.rel @p1 .LBB2_11-.Ltmp10, $4  }
0x4cd: {  	_ =	swait.ge [sflag:s10], $0x4000  }
0x4ce: {  	[sflag:s10] =	ssyncset.done $0x0  }
0x4cf: {  	s15 =	sadd.s32 $0x400, s15;
	s16 =	sadd.s32 $0x16500, s16;
	[sflag:s10] =	ssyncadd.s32 $0xFFFFC000  }
0x4d0: {  	[tilespmem:s6], [sflag:$0x2] =	stream.indirect.gather [hbm4b:s1+s0], $0x80, s16, s0, $0xb8;
	[tilespmem:$0x1FB80] =	vst v63  }
0x4d1: {  	_ =	swait.ge [sflag:s7], $0x4000  }
0x4d2: {  	[sflag:s7] =	ssyncset.done $0x0  }
0x4d3: {  	[sflag:s7] =	ssyncadd.s32 $0xFFFFC000  }
0x4d4: {  	v0 =	vld [tilespmem:$0x17A80];
	_ =	sdelay $0x4  }
0x4d5: {  	(xrf1) =	vunique.msk.u32 $0xffff, v0;
	_ =	sdelay $0xd  }
0x4d6: {  	_, v1, vm0 =	vpop (xrf1);
	_ =	sdelay $0x5  }
0x4d7: {  	[tilespmem:v0+s30+$0x0] =	vst.idx.add.s32.msk vm0, v1  }
0x4d8: {  	v0 =	vld [tilespmem:$0x17A90];
	_ =	sdelay $0x4  }
0x4d9: {  	(xrf1) =	vunique.msk.u32 $0xffff, v0;
	_ =	sdelay $0xd  }
0x4da: {  	_, v1, vm0 =	vpop (xrf1);
	_ =	sdelay $0x5  }
0x4db: {  	[tilespmem:v0+s30+$0x0] =	vst.idx.add.s32.msk vm0, v1  }
0x4dc: {  	v0 =	vld [tilespmem:$0x17AA0];
	_ =	sdelay $0x4  }
0x4dd: {  	(xrf1) =	vunique.msk.u32 $0xffff, v0;
	_ =	sdelay $0xd  }
0x4de: {  	_, v1, vm0 =	vpop (xrf1);
	_ =	sdelay $0x5  }
0x4df: {  	[tilespmem:v0+s30+$0x0] =	vst.idx.add.s32.msk vm0, v1  }
0x4e0: {  	v0 =	vld [tilespmem:$0x17AB0];
	_ =	sdelay $0x4  }
0x4e1: {  	(xrf1) =	vunique.msk.u32 $0xffff, v0;
	_ =	sdelay $0xd  }
0x4e2: {  	_, v1, vm0 =	vpop (xrf1);
	_ =	sdelay $0x5  }
0x4e3: {  	[tilespmem:v0+s30+$0x0] =	vst.idx.add.s32.msk vm0, v1  }
0x4e4: {  	v0 =	vld [tilespmem:$0x17AC0];
	_ =	sdelay $0x4  }
0x4e5: {  	(xrf1) =	vunique.msk.u32 $0xffff, v0;
	_ =	sdelay $0xd  }
0x4e6: {  	_, v1, vm0 =	vpop (xrf1);
	_ =	sdelay $0x5  }
0x4e7: {  	[tilespmem:v0+s30+$0x0] =	vst.idx.add.s32.msk vm0, v1  }
0x4e8: {  	v0 =	vld [tilespmem:$0x17AD0];
	_ =	sdelay $0x4  }
0x4e9: {  	(xrf1) =	vunique.msk.u32 $0xffff, v0;
	_ =	sdelay $0xd  }
0x4ea: {  	_, v1, vm0 =	vpop (xrf1);
	_ =	sdelay $0x5  }
0x4eb: {  	[tilespmem:v0+s30+$0x0] =	vst.idx.add.s32.msk vm0, v1  }
0x4ec: {  	v0 =	vld [tilespmem:$0x17AE0];
	_ =	sdelay $0x4  }
0x4ed: {  	(xrf1) =	vunique.msk.u32 $0xffff, v0;
	_ =	sdelay $0xd  }
0x4ee: {  	_, v1, vm0 =	vpop (xrf1);
	_ =	sdelay $0x5  }
0x4ef: {  	[tilespmem:v0+s30+$0x0] =	vst.idx.add.s32.msk vm0, v1  }
0x4f0: {  	v0 =	vld [tilespmem:$0x17AF0];
	_ =	sdelay $0x4  }
0x4f1: {  	(xrf1) =	vunique.msk.u32 $0xffff, v0;
	_ =	sdelay $0xd  }
0x4f2: {  	_, v1, vm0 =	vpop (xrf1);
	_ =	sdelay $0x5  }
0x4f3: {  	[tilespmem:v0+s30+$0x0] =	vst.idx.add.s32.msk vm0, v1  }
0x4f4: {  	[spmem:s3] =	stream.indirect.scatter.add.f32 [tilespmem:s4], [sflag:$0x3], $0x80, s11, s0, $0xb8;
	[tilespmem:$0x1FB80] =	vst v63  }
0x4f5: {  	_ =	swait.ge [sflag:s8], $0x4000  }
0x4f6: {  	[sflag:s8] =	ssyncset.done $0x0  }
0x4f7: {  	[sflag:s8] =	ssyncadd.s32 $0xFFFFC000  }
0x4f8: {  	v63 =	vld [tilespmem:$0x17B00];
	_ =	sdelay $0x4  }
0x4f9: {  	(xrf1) =	vunique.msk.u32 $0xffff, v63;
	_ =	sdelay $0xd  }
0x4fa: {  	_, v1, vm0 =	vpop (xrf1);
	_ =	sdelay $0x5  }
0x4fb: {  	[tilespmem:v63+s30+$0x0] =	vst.idx.add.s32.msk vm0, v1  }
0x4fc: {  	v0 =	vld [tilespmem:$0x17B10];
	_ =	sdelay $0x4  }
0x4fd: {  	(xrf1) =	vunique.msk.u32 $0xffff, v0;
	_ =	sdelay $0xd  }
0x4fe: {  	_, v1, vm0 =	vpop (xrf1);
	_ =	sdelay $0x5  }
0x4ff: {  	[tilespmem:v0+s30+$0x0] =	vst.idx.add.s32.msk vm0, v1  }
0x500: {  	v0 =	vld [tilespmem:$0x17B20];
	_ =	sdelay $0x4  }
0x501: {  	(xrf1) =	vunique.msk.u32 $0xffff, v0;
	_ =	sdelay $0xd  }
0x502: {  	_, v1, vm0 =	vpop (xrf1);
	_ =	sdelay $0x5  }
0x503: {  	[tilespmem:v0+s30+$0x0] =	vst.idx.add.s32.msk vm0, v1  }
0x504: {  	v0 =	vld [tilespmem:$0x17B30];
	_ =	sdelay $0x4  }
0x505: {  	(xrf1) =	vunique.msk.u32 $0xffff, v0;
	_ =	sdelay $0xd  }
0x506: {  	_, v1, vm0 =	vpop (xrf1);
	_ =	sdelay $0x5  }
0x507: {  	[tilespmem:v0+s30+$0x0] =	vst.idx.add.s32.msk vm0, v1  }
0x508: {  	v0 =	vld [tilespmem:$0x17B40];
	_ =	sdelay $0x4  }
0x509: {  	(xrf1) =	vunique.msk.u32 $0xffff, v0;
	_ =	sdelay $0xd  }
0x50a: {  	_, v1, vm0 =	vpop (xrf1);
	_ =	sdelay $0x5  }
0x50b: {  	[tilespmem:v0+s30+$0x0] =	vst.idx.add.s32.msk vm0, v1  }
0x50c: {  	v0 =	vld [tilespmem:$0x17B50];
	_ =	sdelay $0x4  }
0x50d: {  	(xrf1) =	vunique.msk.u32 $0xffff, v0;
	_ =	sdelay $0xd  }
0x50e: {  	_, v1, vm0 =	vpop (xrf1);
	_ =	sdelay $0x5  }
0x50f: {  	[tilespmem:v0+s30+$0x0] =	vst.idx.add.s32.msk vm0, v1  }
0x510: {  	v0 =	vld [tilespmem:$0x17B60];
	_ =	sdelay $0x4  }
0x511: {  	(xrf1) =	vunique.msk.u32 $0xffff, v0;
	_ =	sdelay $0xd  }
0x512: {  	_, v1, vm0 =	vpop (xrf1);
	_ =	sdelay $0x5  }
0x513: {  	[tilespmem:v0+s30+$0x0] =	vst.idx.add.s32.msk vm0, v1  }
0x514: {  	v0 =	vld [tilespmem:$0x17B70];
	_ =	sdelay $0x4  }
0x515: {  	(xrf1) =	vunique.msk.u32 $0xffff, v0;
	_ =	sdelay $0xd  }
0x516: {  	_, v1, vm0 =	vpop (xrf1);
	_ =	sdelay $0x5  }
0x517: {  	[tilespmem:v0+s30+$0x0] =	vst.idx.add.s32.msk vm0, v1  }
0x518: {  	[spmem:s3] =	stream.indirect.scatter.add.f32 [tilespmem:s6], [sflag:$0x4], $0x80, s12, s0, $0xb8;
	[tilespmem:$0x1FB80] =	vst v63  }
0x519: {  	_ =	swait.ge [sflag:s9], $0x4000  }
0x51a: {  	[sflag:s9] =	ssyncset.done $0x0  }
0x51b: {  	[sflag:s9] =	ssyncadd.s32 $0xFFFFC000  }
0x51c: {  	_ =	swait.ge [sflag:s10], $0x4000  }
0x51d: {  	[sflag:s10] =	ssyncset.done $0x0  }
0x51e: {  	s15 =	simm.s32 $0x0;
	s16 =	rddreg [dreg:$0xe];
	[sflag:s10] =	ssyncadd.s32 $0xFFFFC000  }
0x51f: {  	[tilespmem:s31], [sflag:$0x5] =	stream.linear.gather [hbm4b:s16+s15], $0xC00, $0x38;
	[tilespmem:$0x1FB80] =	vst v63  }
0x520: {  	_ =	swait.ge [sflag:s29], $0xC00  }
0x521: {  	[sflag:s29] =	ssyncset.done $0x0  }
0x522: {  	s17 =	rddreg [dreg:$0xf];
	[sflag:s29] =	ssyncadd.s32 $0xFFFFF400  }
0x523: {  	[tilespmem:s2], [sflag:$0x5] =	stream.linear.gather [hbm4b:s17+s15], $0xC00, $0x38;
	[tilespmem:$0x1FB80] =	vst v63  }
0x524: {  	_ =	swait.ge [sflag:s29], $0xC00  }
0x525: {  	[sflag:s29] =	ssyncset.done $0x0  }
0x526: {  	[sflag:s29] =	ssyncadd.s32 $0xFFFFF400  }
0x527: {  	[tilespmem:s4], [sflag:$0x1] =	stream.indirect.gather [hbm4b:s1+s0], $0x80, s31, s0, $0xb8;
	[tilespmem:$0x1FB80] =	vst v63  }
0x528: {  	_ = 	snop  }
0x529: {  	[tilespmem:s6], [sflag:$0x2] =	stream.indirect.gather [hbm4b:s1+s0], $0x80, s5, s0, $0xb8;
	[tilespmem:$0x1FB80] =	vst v63  }
.LBB2_13:
0x52a: {  	_ =	swait.ge [sflag:s7], $0x4000  }
0x52b: {  	[sflag:s7] =	ssyncset.done $0x0  }
0x52c: {  	s16 =	sshra.s32 s15, $0x2;
	[sflag:s7] =	ssyncadd.s32 $0xFFFFC000  }
0x52d: {  	v0 =	vld [tilespmem:s16+$0x16F80];
	_ =	sdelay $0x4  }
0x52e: {  	(xrf1) =	vunique.msk.u32 $0xffff, v0;
	_ =	sdelay $0xd  }
0x52f: {  	_, v1, vm0 =	vpop (xrf1);
	_ =	sdelay $0x5  }
0x530: {  	[tilespmem:v0+s30+$0x0] =	vst.idx.add.s32.msk vm0, v1  }
0x531: {  	v0 =	vld [tilespmem:s16+$0x16F90];
	_ =	sdelay $0x4  }
0x532: {  	(xrf1) =	vunique.msk.u32 $0xffff, v0;
	_ =	sdelay $0xd  }
0x533: {  	_, v1, vm0 =	vpop (xrf1);
	_ =	sdelay $0x5  }
0x534: {  	[tilespmem:v0+s30+$0x0] =	vst.idx.add.s32.msk vm0, v1  }
0x535: {  	v0 =	vld [tilespmem:s16+$0x16FA0];
	_ =	sdelay $0x4  }
0x536: {  	(xrf1) =	vunique.msk.u32 $0xffff, v0;
	_ =	sdelay $0xd  }
0x537: {  	_, v1, vm0 =	vpop (xrf1);
	_ =	sdelay $0x5  }
0x538: {  	[tilespmem:v0+s30+$0x0] =	vst.idx.add.s32.msk vm0, v1  }
0x539: {  	v0 =	vld [tilespmem:s16+$0x16FB0];
	_ =	sdelay $0x4  }
0x53a: {  	(xrf1) =	vunique.msk.u32 $0xffff, v0;
	_ =	sdelay $0xd  }
0x53b: {  	_, v1, vm0 =	vpop (xrf1);
	_ =	sdelay $0x5  }
0x53c: {  	[tilespmem:v0+s30+$0x0] =	vst.idx.add.s32.msk vm0, v1  }
0x53d: {  	v0 =	vld [tilespmem:s16+$0x16FC0];
	_ =	sdelay $0x4  }
0x53e: {  	(xrf1) =	vunique.msk.u32 $0xffff, v0;
	_ =	sdelay $0xd  }
0x53f: {  	_, v1, vm0 =	vpop (xrf1);
	_ =	sdelay $0x5  }
0x540: {  	[tilespmem:v0+s30+$0x0] =	vst.idx.add.s32.msk vm0, v1  }
0x541: {  	v0 =	vld [tilespmem:s16+$0x16FD0];
	_ =	sdelay $0x4  }
0x542: {  	(xrf1) =	vunique.msk.u32 $0xffff, v0;
	_ =	sdelay $0xd  }
0x543: {  	_, v1, vm0 =	vpop (xrf1);
	_ =	sdelay $0x5  }
0x544: {  	[tilespmem:v0+s30+$0x0] =	vst.idx.add.s32.msk vm0, v1  }
0x545: {  	v0 =	vld [tilespmem:s16+$0x16FE0];
	_ =	sdelay $0x4  }
0x546: {  	(xrf1) =	vunique.msk.u32 $0xffff, v0;
	_ =	sdelay $0xd  }
0x547: {  	_, v1, vm0 =	vpop (xrf1);
	_ =	sdelay $0x5  }
0x548: {  	[tilespmem:v0+s30+$0x0] =	vst.idx.add.s32.msk vm0, v1  }
0x549: {  	v0 =	vld [tilespmem:s16+$0x16FF0];
	_ =	sdelay $0x4  }
0x54a: {  	(xrf1) =	vunique.msk.u32 $0xffff, v0;
	_ =	sdelay $0xd  }
0x54b: {  	_, v1, vm0 =	vpop (xrf1);
	_ =	sdelay $0x5  }
0x54c: {  	s17 =	sadd.s32 $0x16F80, s16;
	[tilespmem:v0+s30+$0x0] =	vst.idx.add.s32.msk vm0, v1  }
0x54d: {  	[spmem:s3] =	stream.indirect.scatter.add.f32 [tilespmem:s4], [sflag:$0x3], $0x80, s17, s0, $0xb8;
	[tilespmem:$0x1FB80] =	vst v63  }
0x54e: {  	_ =	swait.ge [sflag:s8], $0x4000  }
0x54f: {  	[sflag:s8] =	ssyncset.done $0x0  }
0x550: {  	[sflag:s8] =	ssyncadd.s32 $0xFFFFC000  }
0x551: {  	v63 =	vld [tilespmem:s16+$0x17000];
	_ =	sdelay $0x4  }
0x552: {  	(xrf1) =	vunique.msk.u32 $0xffff, v63;
	_ =	sdelay $0xd  }
0x553: {  	_, v1, vm0 =	vpop (xrf1);
	_ =	sdelay $0x5  }
0x554: {  	[tilespmem:v63+s30+$0x0] =	vst.idx.add.s32.msk vm0, v1  }
0x555: {  	v0 =	vld [tilespmem:s16+$0x17010];
	_ =	sdelay $0x4  }
0x556: {  	(xrf1) =	vunique.msk.u32 $0xffff, v0;
	_ =	sdelay $0xd  }
0x557: {  	_, v1, vm0 =	vpop (xrf1);
	_ =	sdelay $0x5  }
0x558: {  	[tilespmem:v0+s30+$0x0] =	vst.idx.add.s32.msk vm0, v1  }
0x559: {  	v0 =	vld [tilespmem:s16+$0x17020];
	_ =	sdelay $0x4  }
0x55a: {  	(xrf1) =	vunique.msk.u32 $0xffff, v0;
	_ =	sdelay $0xd  }
0x55b: {  	_, v1, vm0 =	vpop (xrf1);
	_ =	sdelay $0x5  }
0x55c: {  	[tilespmem:v0+s30+$0x0] =	vst.idx.add.s32.msk vm0, v1  }
0x55d: {  	v0 =	vld [tilespmem:s16+$0x17030];
	_ =	sdelay $0x4  }
0x55e: {  	(xrf1) =	vunique.msk.u32 $0xffff, v0;
	_ =	sdelay $0xd  }
0x55f: {  	_, v1, vm0 =	vpop (xrf1);
	_ =	sdelay $0x5  }
0x560: {  	[tilespmem:v0+s30+$0x0] =	vst.idx.add.s32.msk vm0, v1  }
0x561: {  	v0 =	vld [tilespmem:s16+$0x17040];
	_ =	sdelay $0x4  }
0x562: {  	(xrf1) =	vunique.msk.u32 $0xffff, v0;
	_ =	sdelay $0xd  }
0x563: {  	_, v1, vm0 =	vpop (xrf1);
	_ =	sdelay $0x5  }
0x564: {  	[tilespmem:v0+s30+$0x0] =	vst.idx.add.s32.msk vm0, v1  }
0x565: {  	v0 =	vld [tilespmem:s16+$0x17050];
	_ =	sdelay $0x4  }
0x566: {  	(xrf1) =	vunique.msk.u32 $0xffff, v0;
	_ =	sdelay $0xd  }
0x567: {  	_, v1, vm0 =	vpop (xrf1);
	_ =	sdelay $0x5  }
0x568: {  	[tilespmem:v0+s30+$0x0] =	vst.idx.add.s32.msk vm0, v1  }
0x569: {  	v0 =	vld [tilespmem:s16+$0x17060];
	_ =	sdelay $0x4  }
0x56a: {  	(xrf1) =	vunique.msk.u32 $0xffff, v0;
	_ =	sdelay $0xd  }
0x56b: {  	_, v1, vm0 =	vpop (xrf1);
	_ =	sdelay $0x5  }
0x56c: {  	[tilespmem:v0+s30+$0x0] =	vst.idx.add.s32.msk vm0, v1  }
0x56d: {  	v0 =	vld [tilespmem:s16+$0x17070];
	_ =	sdelay $0x4  }
0x56e: {  	(xrf1) =	vunique.msk.u32 $0xffff, v0;
	_ =	sdelay $0xd  }
0x56f: {  	_, v1, vm0 =	vpop (xrf1);
	_ =	sdelay $0x5  }
0x570: {  	s17 =	sadd.s32 $0x17000, s16;
	[tilespmem:v0+s30+$0x0] =	vst.idx.add.s32.msk vm0, v1  }
0x571: {  	[spmem:s3] =	stream.indirect.scatter.add.f32 [tilespmem:s6], [sflag:$0x4], $0x80, s17, s0, $0xb8;
	[tilespmem:$0x1FB80] =	vst v63  }
0x572: {  	_ =	swait.ge [sflag:s9], $0x4000  }
0x573: {  	[sflag:s9] =	ssyncset.done $0x0  }
0x574: {  	p1 =	sne.s32 s15, $0x2800;
	s17 =	sadd.s32 $0x16480, s16;
	[sflag:s9] =	ssyncadd.s32 $0xFFFFC000  }
0x575: {  	[tilespmem:s4], [sflag:$0x1] =	stream.indirect.gather [hbm4b:s1+s0], $0x80, s17, s0, $0xb8;
	[tilespmem:$0x1FB80] =	vst v63  }
.Ltmp11:
0x576: {  	_ = 	snop;
	(pc) =	sbr.rel @p1 .LBB2_13-.Ltmp11, $4  }
0x577: {  	_ =	swait.ge [sflag:s10], $0x4000  }
0x578: {  	[sflag:s10] =	ssyncset.done $0x0  }
0x579: {  	s15 =	sadd.s32 $0x400, s15;
	s16 =	sadd.s32 $0x16500, s16;
	[sflag:s10] =	ssyncadd.s32 $0xFFFFC000  }
0x57a: {  	[tilespmem:s6], [sflag:$0x2] =	stream.indirect.gather [hbm4b:s1+s0], $0x80, s16, s0, $0xb8;
	[tilespmem:$0x1FB80] =	vst v63  }
.Ltmp12:
0x57b: {  	_ = 	snop;
	(pc) =	sbr.rel .LBB2_14-.Ltmp12, $1  }
0x57c: {  	_ =	sdelay $0x3  }
.LBB2_21:
0x57d: {  	_ =	sfence.sel $0x180000  }
0x57e: {  	[bflag:$0x0] =	sbarrier.arrive $0xFFFF  }
0x57f: {  	_ =	strace $0x90000047  }
0x580: {  	s0 =	stileid.u32;
	[bflag:$0x2] =	sbarrier.arrive $0xFFFF  }
0x581: {  	p0 =	sne.s32 s0, $0x0;
	s0 =	rddreg [dreg:$0x3]  }
0x582: {  	s0 =	sadd.s32 @!p0 $0x100000, s0  }
0x583: {  	[sflag:s0] =	ssyncadd.tile.s32 @!p0 $0x1;
	_ =	shalt  }
.Lfunc_end2:
_tile_overlayer_lowered:
.L_overlay_start_2:
0x584: {  	(tag) =	ssettag $0x2  }
0x585: {  	s0 =	rddreg [dreg:$0x0];
	s2 =	stileid.u32  }
0x586: {  	s1 =	rddreg [dreg:$0x1];
	p0 =	sne.s32 s2, $0x0  }
0x587: {  	s3 =	rddreg [dreg:$0x2];
	[bflag:$0x3] =	sbarrier.arrive $0xFFFF;
	s2 =	simm.s32 @!p0 $0x1C05  }
0x588: {  	[timem:s3], [sflag:s2] =	dma.local @!p0 [hbm:s0], s1  }
0x589: {  	s0 =	simm.s32 @!p0 $0x5  }
0x58a: {  	_ =	swait.ge @!p0 [sflag:s0], s1  }
0x58b: {  	s1 =	ssub.s32 @!p0 $0x0, s1;
	[sflag:s0] =	ssyncset.done @!p0 $0x0  }
0x58c: {  	[sflag:s0] =	ssyncadd.s32 @!p0 s1  }
0x58d: {  	[bflag:$0x3] =	sbarrier.arrive $0xFFFF  }
0x58e: {  	_ =	shalt  }

</sc_bundles>
